<compile_context>
chip_gen: v7x
topology: tpu7x:2x2x1
jax: 0.10.2.dev20260603
libtpu: 0.0.44.dev20260713+nightly
codegen_flags: <defaults>
</compile_context>

<pallas_src>
import functools

import jax
import jax.numpy as jnp
from jax import lax
from jax.experimental import pallas as pl
from jax.experimental.pallas import tpu as pltpu
from jax.experimental.pallas import tpu_sc as plsc

N = 10000
E = 320000
D = 128
NCLS = 40
NCLS_PAD = 64

NC = 2
NS = 16
NW = NC * NS
CH = 128
CPW = 80
NCHUNK = NW * CPW
EPAD = NCHUNK * CH
NP = 10240
RPT = NP // NS
DUMMY = 10100
DW = 128
IB = 16

CHA = 64
NBUF = 4
CPTA = EPAD // (NW * CHA)
NCHUNKA = NW * CPTA
NBLK = CPTA // IB


def _zero_fill(buf, ncols, value=0.0):
  v = jnp.full((16,), value, dtype=jnp.float32)

  def row(i, carry):
    for g in range(ncols // 16):
      buf[i, pl.ds(g * 16, 16)] = v
    return carry

  lax.fori_loop(0, buf.shape[0], row, 0)


def _deg_body(dst_hbm, out_hbm, acc_sh, dst_v, ones_v):
  c = lax.axis_index("c")
  s = lax.axis_index("s")
  wid = s * NC + c

  pltpu.sync_copy(dst_hbm.at[pl.ds(wid * CPW, CPW)], dst_v)
  _zero_fill(ones_v, DW, 0.0)
  for k in range(RPT // CH):
    pltpu.sync_copy(ones_v, acc_sh.at[pl.ds(s * RPT + k * CH, CH)])
  _zero_fill(ones_v, DW, 1.0)
  plsc.subcore_barrier()

  def body(j, carry):
    pltpu.sync_copy(ones_v, acc_sh.at[dst_v.at[j]], add=True)
    return carry

  lax.fori_loop(0, CPW, body, 0)
  plsc.subcore_barrier()
  for k in range(RPT // CH):
    r = s * RPT + k * CH
    pltpu.sync_copy(acc_sh.at[pl.ds(r, CH)], out_hbm.at[c].at[pl.ds(r, CH)])


def _agg_body(hp_hbm, src_hbm, dst_hbm, out_hbm,
              acc_sh, src_v, dst_v, bufs, sems):
  c = lax.axis_index("c")
  s = lax.axis_index("s")
  wid = s * NC + c

  _zero_fill(bufs[0], D, 0.0)
  for k in range(RPT // CHA):
    pltpu.sync_copy(bufs[0], acc_sh.at[pl.ds(s * RPT + k * CHA, CHA)])
  plsc.subcore_barrier()

  def blk_body(bi, carry):
    base = wid * CPTA + bi * IB
    pltpu.sync_copy(src_hbm.at[pl.ds(base, IB)], src_v)
    pltpu.sync_copy(dst_hbm.at[pl.ds(base, IB)], dst_v)
    descs = [
        pltpu.async_copy(hp_hbm.at[src_v.at[j]], bufs[j], sems[j])
        for j in range(NBUF - 1)
    ] + [None]
    for j in range(IB):
      b = j % NBUF
      descs[b].wait()
      if j + NBUF - 1 < IB:
        bn = (j + NBUF - 1) % NBUF
        descs[bn] = pltpu.async_copy(
            hp_hbm.at[src_v.at[j + NBUF - 1]], bufs[bn], sems[bn])
      pltpu.sync_copy(bufs[b], acc_sh.at[dst_v.at[j]], add=True)
    return carry

  lax.fori_loop(0, NBLK, blk_body, 0)
  plsc.subcore_barrier()
  for k in range(RPT // CH):
    r = s * RPT + k * CH
    pltpu.sync_copy(acc_sh.at[pl.ds(r, CH)], out_hbm.at[c].at[pl.ds(r, CH)])


@functools.cache
def _sc_kernels():
  mesh = plsc.VectorSubcoreMesh(
      core_axis_name="c", subcore_axis_name="s", num_cores=NC, num_subcores=NS
  )
  deg_kernel = pl.kernel(
      _deg_body,
      out_type=jax.ShapeDtypeStruct((NC, NP, DW), jnp.float32),
      mesh=mesh,
      scratch_types=[
          pltpu.VMEM_SHARED((NP, DW), jnp.float32),
          pltpu.VMEM((CPW, CH), jnp.int32),
          pltpu.VMEM((CH, DW), jnp.float32),
      ],
  )
  agg_kernel = pl.kernel(
      _agg_body,
      out_type=jax.ShapeDtypeStruct((NC, NP, D), jnp.float32),
      mesh=mesh,
      scratch_types=[
          pltpu.VMEM_SHARED((NP, D), jnp.float32),
          pltpu.VMEM((IB, CHA), jnp.int32),
          pltpu.VMEM((IB, CHA), jnp.int32),
          [pltpu.VMEM((CHA, D), jnp.float32) for _ in range(NBUF)],
          [pltpu.SemaphoreType.DMA for _ in range(NBUF)],
      ],
  )
  return deg_kernel, agg_kernel



_RB = 512
_GRID = NP // _RB


def _dinv_of(deg_ref):
  deg = deg_ref[0, :, 0:1] + deg_ref[1, :, 0:1] + 1.0
  return lax.rsqrt(deg)


def _tc_mm_body(x_ref, w1_ref, out_ref):
  out_ref[...] = jnp.dot(
      x_ref[...], w1_ref[...], preferred_element_type=jnp.float32)


def _tc_scale_body(h_ref, deg_ref, out_ref):
  out_ref[...] = h_ref[...] * _dinv_of(deg_ref)


def _tc2_body(acc_ref, hp_ref, deg_ref, w2_ref, b1_ref, out_ref):
  dinv = _dinv_of(deg_ref)
  agg = acc_ref[0] + acc_ref[1] + hp_ref[...]
  z = jnp.maximum(agg * dinv + b1_ref[...], 0.0)
  h = jnp.dot(z, w2_ref[...], preferred_element_type=jnp.float32)
  out_ref[...] = h * dinv


def _tc3_body(acc_ref, hp_ref, deg_ref, b2_ref, lw_ref, lb_ref, out_ref):
  dinv = _dinv_of(deg_ref)
  agg = acc_ref[0] + acc_ref[1] + hp_ref[...]
  z = jnp.maximum(agg * dinv + b2_ref[...], 0.0)
  logits = jnp.dot(z, lw_ref[...], preferred_element_type=jnp.float32)
  logits = logits + lb_ref[...]
  m = jnp.max(logits, axis=1, keepdims=True)
  e = jnp.exp(logits - m)
  lse = jnp.log(jnp.sum(e, axis=1, keepdims=True)) + m
  out_ref[...] = (logits - lse)[:, :NCLS]


def _row_spec():
  return pl.BlockSpec((_RB, D), lambda i: (i, 0))


def _acc_spec():
  return pl.BlockSpec((NC, _RB, D), lambda i: (0, i, 0))


def _deg_spec():
  return pl.BlockSpec((NC, _RB, DW), lambda i: (0, i, 0))


def _full(shape):
  return pl.BlockSpec(shape, lambda i: tuple(0 for _ in shape))


_tc_mm = pl.pallas_call(
    _tc_mm_body,
    grid=(_GRID,),
    in_specs=[_row_spec(), _full((D, D))],
    out_specs=_row_spec(),
    out_shape=jax.ShapeDtypeStruct((NP, D), jnp.float32),
)

_tc_scale = pl.pallas_call(
    _tc_scale_body,
    grid=(_GRID,),
    in_specs=[_row_spec(), _deg_spec()],
    out_specs=_row_spec(),
    out_shape=jax.ShapeDtypeStruct((NP, D), jnp.float32),
)

_tc2 = pl.pallas_call(
    _tc2_body,
    grid=(_GRID,),
    in_specs=[_acc_spec(), _row_spec(), _deg_spec(), _full((D, D)),
              _full((1, D))],
    out_specs=_row_spec(),
    out_shape=jax.ShapeDtypeStruct((NP, D), jnp.float32),
)

_tc3 = pl.pallas_call(
    _tc3_body,
    grid=(_GRID,),
    in_specs=[_acc_spec(), _row_spec(), _deg_spec(), _full((1, D)),
              _full((D, NCLS_PAD)), _full((1, NCLS_PAD))],
    out_specs=pl.BlockSpec((_RB, NCLS), lambda i: (i, 0)),
    out_shape=jax.ShapeDtypeStruct((N, NCLS), jnp.float32),
)


@jax.jit
def kernel(x, edge_index, W1, b1, W2, b2, lin_W, lin_b):
  x_pad = jnp.concatenate(
      [x, jnp.zeros((NP - N, D), dtype=x.dtype)], axis=0)
  pad = N + (jnp.arange(EPAD - E, dtype=jnp.int32) % (NP - N))
  src_flat = jnp.concatenate([edge_index[0], pad])
  dst_flat = jnp.concatenate([edge_index[1], pad])
  src2da = src_flat.reshape(NCHUNKA, CHA)
  dst2da = dst_flat.reshape(NCHUNKA, CHA)
  dst2d = dst_flat.reshape(NCHUNK, CH)
  b1r = b1.reshape(1, D)
  b2r = b2.reshape(1, D)
  lw = jnp.concatenate(
      [lin_W, jnp.zeros((D, NCLS_PAD - NCLS), dtype=lin_W.dtype)], axis=1)
  lb = jnp.concatenate(
      [lin_b, jnp.full((NCLS_PAD - NCLS,), -1e30, dtype=lin_b.dtype)]
  ).reshape(1, NCLS_PAD)

  deg_kernel, agg_kernel = _sc_kernels()
  deg2 = deg_kernel(dst2d)
  h1 = _tc_mm(x_pad, W1)
  hp1 = _tc_scale(h1, deg2)
  acc1 = agg_kernel(hp1, src2da, dst2da)
  hp2 = _tc2(acc1, hp1, deg2, W2, b1r)
  acc2 = agg_kernel(hp2, src2da, dst2da)
  return _tc3(acc2, hp2, deg2, b2r, lw, lb)

# --- scband reference (transcript-rebuilt; emitter-appended) ---
"""Pipeline reference for scband-gc-network-80126909874311 (READ-ONLY COPY).

The authoritative reference and input builder live on the scoring server;
editing this copy changes nothing except your own understanding.
"""

import jax, jax.numpy as jnp
import numpy as np

N = 10000
E = 320000
D_FEAT = 128
HIDDEN = 128
N_CLASSES = 40


def setup_inputs(seed: int = 0) -> dict:
    key = jax.random.key(seed)
    ks = jax.random.split(key, 9)
    x = jax.random.normal(ks[0], (N, D_FEAT), dtype=jnp.float32)
    edge_index = jax.random.randint(ks[1], (2, E), 0, N, dtype=jnp.int32)
    s1 = 1.0 / np.sqrt(D_FEAT)
    s2 = 1.0 / np.sqrt(HIDDEN)
    W1 = jax.random.uniform(ks[2], (D_FEAT, HIDDEN), dtype=jnp.float32, minval=-s1, maxval=s1)
    b1 = jnp.zeros((HIDDEN,), dtype=jnp.float32)
    W2 = jax.random.uniform(ks[3], (HIDDEN, HIDDEN), dtype=jnp.float32, minval=-s2, maxval=s2)
    b2 = jnp.zeros((HIDDEN,), dtype=jnp.float32)
    lin_W = jax.random.uniform(ks[4], (HIDDEN, N_CLASSES), dtype=jnp.float32, minval=-s2, maxval=s2)
    lin_b = jnp.zeros((N_CLASSES,), dtype=jnp.float32)
    return {"x": x, "edge_index": edge_index, "W1": W1, "b1": b1, "W2": W2, "b2": b2, "lin_W": lin_W, "lin_b": lin_b}


def gcn_conv(x, edge_index, W, b):
    # GCNConv: out = D^{-1/2} (A + I) D^{-1/2} X W + b
    n = x.shape[0]
    loops = jnp.arange(n, dtype=edge_index.dtype)
    src = jnp.concatenate([edge_index[0], loops])
    dst = jnp.concatenate([edge_index[1], loops])
    deg = jax.ops.segment_sum(jnp.ones_like(src, dtype=x.dtype), dst, num_segments=n)
    dinv = jnp.where(deg > 0, 1.0 / jnp.sqrt(deg), 0.0)
    norm = dinv[src] * dinv[dst]
    h = x @ W
    msg = h[src] * norm[:, None]
    out = jax.ops.segment_sum(msg, dst, num_segments=n)
    return out + b


def reference(x, edge_index, W1, b1, W2, b2, lin_W, lin_b):
    # eval mode: dropout is identity
    h = jax.nn.relu(gcn_conv(x, edge_index, W1, b1))
    h = jax.nn.relu(gcn_conv(h, edge_index, W2, b2))
    out = h @ lin_W + lin_b
    return jax.nn.log_softmax(out, axis=1)

if __name__ == "__main__":
    import jax
    _d = setup_inputs()
    print(jax.jit(kernel)(*tuple(_d.values())))

</pallas_src>

<mosaic_0001>
#map = affine_map<(d0, d1) -> (0, 0)>
#map1 = affine_map<(d0, d1) -> (0, 0, 0)>
module attributes {stable_mosaic.version = 14 : i64} {
  func.func @_agg_body(%arg0: i32, %arg1: i32, %arg2: memref<10240x128xf32, #tpu.memory_space<hbm>>, %arg3: memref<5120x64xi32, #tpu.memory_space<hbm>>, %arg4: memref<5120x64xi32, #tpu.memory_space<hbm>>, %arg5: memref<2x10240x128xf32, #tpu.memory_space<hbm>>, %arg6: memref<10240x128xf32, #tpu.memory_space<vmem_shared>>, %arg7: memref<16x64xi32, #tpu.memory_space<vmem>>, %arg8: memref<16x64xi32, #tpu.memory_space<vmem>>, %arg9: memref<64x128xf32, #tpu.memory_space<vmem>>, %arg10: memref<64x128xf32, #tpu.memory_space<vmem>>, %arg11: memref<64x128xf32, #tpu.memory_space<vmem>>, %arg12: memref<64x128xf32, #tpu.memory_space<vmem>>, %arg13: memref<!tpu.dma_semaphore, #tpu.memory_space<semaphore_mem>>, %arg14: memref<!tpu.dma_semaphore, #tpu.memory_space<semaphore_mem>>, %arg15: memref<!tpu.dma_semaphore, #tpu.memory_space<semaphore_mem>>, %arg16: memref<!tpu.dma_semaphore, #tpu.memory_space<semaphore_mem>>) attributes {dimension_semantics = [#tpu.dimension_semantics<core_parallel>, #tpu.dimension_semantics<subcore_parallel>], iteration_bounds = array<i64: 2, 16>, scalar_prefetch = 0 : i64, scratch_operands = 11 : i64, tpu.core_type = #tpu.core_type<sc_vector_subcore>, window_params = [{transform_indices = #map}, {transform_indices = #map}, {transform_indices = #map}, {transform_indices = #map1}]} {
    %mul3A = arith.constant 2 : i32
    %mul3A_0 = arith.muli %arg1, %mul3A : i32
    %add3A = arith.addi %mul3A_0, %arg0 : i32
    %broadcast_in_dim3A = arith.constant 0.000000e+00 : f32
    %broadcast_in_dim3A_1 = vector.broadcast %broadcast_in_dim3A : f32 to vector<16xf32>
    %scan3A = arith.constant 0 : i32
    %scan3A_2 = arith.constant 0 : i32
    %scan3A_3 = arith.constant 64 : i32
    %scan3A_4 = arith.addi %scan3A_2, %scan3A_3 : i32
    %scan3A_5 = arith.constant 1 : i32
    scf.for %scan3A_74 = %scan3A_2 to %scan3A_4 step %scan3A_5  : i32 {
      %swap3A = arith.index_cast %scan3A_74 : i32 to index
      %swap3A_75 = arith.constant 0 : index
      %swap3A_76 = tpu.vector_load %arg9[%swap3A, %swap3A_75] {strides = array<i32>} : memref<64x128xf32, #tpu.memory_space<vmem>>, vector<1x16xf32>,
      %swap3A_77 = vector.shape_cast %swap3A_76 : vector<1x16xf32> to vector<16xf32>
      %swap3A_78 = vector.shape_cast %broadcast_in_dim3A_1 : vector<16xf32> to vector<1x16xf32>
      tpu.vector_store %arg9[%swap3A, %swap3A_75], %swap3A_78 {strides = array<i32>} : memref<64x128xf32, #tpu.memory_space<vmem>>, vector<1x16xf32>,
      %swap3A_79 = arith.index_cast %scan3A_74 : i32 to index
      %swap3A_80 = arith.constant 16 : index
      %swap3A_81 = tpu.vector_load %arg9[%swap3A_79, %swap3A_80] {strides = array<i32>} : memref<64x128xf32, #tpu.memory_space<vmem>>, vector<1x16xf32>,
      %swap3A_82 = vector.shape_cast %swap3A_81 : vector<1x16xf32> to vector<16xf32>
      %swap3A_83 = vector.shape_cast %broadcast_in_dim3A_1 : vector<16xf32> to vector<1x16xf32>
      tpu.vector_store %arg9[%swap3A_79, %swap3A_80], %swap3A_83 {strides = array<i32>} : memref<64x128xf32, #tpu.memory_space<vmem>>, vector<1x16xf32>,
      %swap3A_84 = arith.index_cast %scan3A_74 : i32 to index
      %swap3A_85 = arith.constant 32 : index
      %swap3A_86 = tpu.vector_load %arg9[%swap3A_84, %swap3A_85] {strides = array<i32>} : memref<64x128xf32, #tpu.memory_space<vmem>>, vector<1x16xf32>,
      %swap3A_87 = vector.shape_cast %swap3A_86 : vector<1x16xf32> to vector<16xf32>
      %swap3A_88 = vector.shape_cast %broadcast_in_dim3A_1 : vector<16xf32> to vector<1x16xf32>
      tpu.vector_store %arg9[%swap3A_84, %swap3A_85], %swap3A_88 {strides = array<i32>} : memref<64x128xf32, #tpu.memory_space<vmem>>, vector<1x16xf32>,
      %swap3A_89 = arith.index_cast %scan3A_74 : i32 to index
      %swap3A_90 = arith.constant 48 : index
      %swap3A_91 = tpu.vector_load %arg9[%swap3A_89, %swap3A_90] {strides = array<i32>} : memref<64x128xf32, #tpu.memory_space<vmem>>, vector<1x16xf32>,
      %swap3A_92 = vector.shape_cast %swap3A_91 : vector<1x16xf32> to vector<16xf32>
      %swap3A_93 = vector.shape_cast %broadcast_in_dim3A_1 : vector<16xf32> to vector<1x16xf32>
      tpu.vector_store %arg9[%swap3A_89, %swap3A_90], %swap3A_93 {strides = array<i32>} : memref<64x128xf32, #tpu.memory_space<vmem>>, vector<1x16xf32>,
      %swap3A_94 = arith.index_cast %scan3A_74 : i32 to index
      %swap3A_95 = arith.constant 64 : index
      %swap3A_96 = tpu.vector_load %arg9[%swap3A_94, %swap3A_95] {strides = array<i32>} : memref<64x128xf32, #tpu.memory_space<vmem>>, vector<1x16xf32>,
      %swap3A_97 = vector.shape_cast %swap3A_96 : vector<1x16xf32> to vector<16xf32>
      %swap3A_98 = vector.shape_cast %broadcast_in_dim3A_1 : vector<16xf32> to vector<1x16xf32>
      tpu.vector_store %arg9[%swap3A_94, %swap3A_95], %swap3A_98 {strides = array<i32>} : memref<64x128xf32, #tpu.memory_space<vmem>>, vector<1x16xf32>,
      %swap3A_99 = arith.index_cast %scan3A_74 : i32 to index
      %swap3A_100 = arith.constant 80 : index
      %swap3A_101 = tpu.vector_load %arg9[%swap3A_99, %swap3A_100] {strides = array<i32>} : memref<64x128xf32, #tpu.memory_space<vmem>>, vector<1x16xf32>,
      %swap3A_102 = vector.shape_cast %swap3A_101 : vector<1x16xf32> to vector<16xf32>
      %swap3A_103 = vector.shape_cast %broadcast_in_dim3A_1 : vector<16xf32> to vector<1x16xf32>
      tpu.vector_store %arg9[%swap3A_99, %swap3A_100], %swap3A_103 {strides = array<i32>} : memref<64x128xf32, #tpu.memory_space<vmem>>, vector<1x16xf32>,
      %swap3A_104 = arith.index_cast %scan3A_74 : i32 to index
      %swap3A_105 = arith.constant 96 : index
      %swap3A_106 = tpu.vector_load %arg9[%swap3A_104, %swap3A_105] {strides = array<i32>} : memref<64x128xf32, #tpu.memory_space<vmem>>, vector<1x16xf32>,
      %swap3A_107 = vector.shape_cast %swap3A_106 : vector<1x16xf32> to vector<16xf32>
      %swap3A_108 = vector.shape_cast %broadcast_in_dim3A_1 : vector<16xf32> to vector<1x16xf32>
      tpu.vector_store %arg9[%swap3A_104, %swap3A_105], %swap3A_108 {strides = array<i32>} : memref<64x128xf32, #tpu.memory_space<vmem>>, vector<1x16xf32>,
      %swap3A_109 = arith.index_cast %scan3A_74 : i32 to index
      %swap3A_110 = arith.constant 112 : index
      %swap3A_111 = tpu.vector_load %arg9[%swap3A_109, %swap3A_110] {strides = array<i32>} : memref<64x128xf32, #tpu.memory_space<vmem>>, vector<1x16xf32>,
      %swap3A_112 = vector.shape_cast %swap3A_111 : vector<1x16xf32> to vector<16xf32>
      %swap3A_113 = vector.shape_cast %broadcast_in_dim3A_1 : vector<16xf32> to vector<1x16xf32>
      tpu.vector_store %arg9[%swap3A_109, %swap3A_110], %swap3A_113 {strides = array<i32>} : memref<64x128xf32, #tpu.memory_space<vmem>>, vector<1x16xf32>,
    }
    %scan3A_6 = arith.constant 64 : i32
    %mul3A_7 = arith.constant 640 : i32
    %mul3A_8 = arith.muli %arg1, %mul3A_7 : i32
    %add3A_9 = arith.constant 0 : i32
    %add3A_10 = arith.addi %mul3A_8, %add3A_9 : i32
    "tpu.region"() ({
      %run_scoped3A = tpu.sem_alloc : memref<!tpu.dma_semaphore, #tpu.memory_space<semaphore_mem>>
      %dma_start3A = arith.constant 0 : i32
      %dma_start3A_74 = tpu.memref_slice %arg6[%add3A_10, %dma_start3A] : memref<10240x128xf32, #tpu.memory_space<vmem_shared>> -> memref<64x128xf32, #tpu.memory_space<vmem_shared>>
      %dma_start3A_75 = arith.constant 0 : i32
      %dma_start3A_76 = tpu.memref_slice %arg6[%add3A_10, %dma_start3A_75] : memref<10240x128xf32, #tpu.memory_space<vmem_shared>> -> memref<64x128xf32, #tpu.memory_space<vmem_shared>>
      tpu.enqueue_dma source(%arg9 : memref<64x128xf32, #tpu.memory_space<vmem>>) target(%dma_start3A_76 : memref<64x128xf32, #tpu.memory_space<vmem_shared>>) target_semaphore(%run_scoped3A : memref<!tpu.dma_semaphore, #tpu.memory_space<semaphore_mem>>)
      %dma_wait3A = arith.constant 0 : i32
      %dma_wait3A_77 = tpu.memref_slice %arg6[%add3A_10, %dma_wait3A] : memref<10240x128xf32, #tpu.memory_space<vmem_shared>> -> memref<64x128xf32, #tpu.memory_space<vmem_shared>>
      %dma_wait3A_78 = arith.constant 0 : i32
      %dma_wait3A_79 = tpu.memref_slice %arg6[%add3A_10, %dma_wait3A_78] : memref<10240x128xf32, #tpu.memory_space<vmem_shared>> -> memref<64x128xf32, #tpu.memory_space<vmem_shared>>
      tpu.wait_dma2 semaphore(%run_scoped3A : memref<!tpu.dma_semaphore, #tpu.memory_space<semaphore_mem>>) src(%arg9 : memref<64x128xf32, #tpu.memory_space<vmem>>) dst(%dma_wait3A_79 : memref<64x128xf32, #tpu.memory_space<vmem_shared>>)
      tpu.yield
    }) : () -> ()
    %mul3A_11 = arith.constant 640 : i32
    %mul3A_12 = arith.muli %arg1, %mul3A_11 : i32
    %add3A_13 = arith.constant 64 : i32
    %add3A_14 = arith.addi %mul3A_12, %add3A_13 : i32
    "tpu.region"() ({
      %run_scoped3A = tpu.sem_alloc : memref<!tpu.dma_semaphore, #tpu.memory_space<semaphore_mem>>
      %dma_start3A = arith.constant 0 : i32
      %dma_start3A_74 = tpu.memref_slice %arg6[%add3A_14, %dma_start3A] : memref<10240x128xf32, #tpu.memory_space<vmem_shared>> -> memref<64x128xf32, #tpu.memory_space<vmem_shared>>
      %dma_start3A_75 = arith.constant 0 : i32
      %dma_start3A_76 = tpu.memref_slice %arg6[%add3A_14, %dma_start3A_75] : memref<10240x128xf32, #tpu.memory_space<vmem_shared>> -> memref<64x128xf32, #tpu.memory_space<vmem_shared>>
      tpu.enqueue_dma source(%arg9 : memref<64x128xf32, #tpu.memory_space<vmem>>) target(%dma_start3A_76 : memref<64x128xf32, #tpu.memory_space<vmem_shared>>) target_semaphore(%run_scoped3A : memref<!tpu.dma_semaphore, #tpu.memory_space<semaphore_mem>>)
      %dma_wait3A = arith.constant 0 : i32
      %dma_wait3A_77 = tpu.memref_slice %arg6[%add3A_14, %dma_wait3A] : memref<10240x128xf32, #tpu.memory_space<vmem_shared>> -> memref<64x128xf32, #tpu.memory_space<vmem_shared>>
      %dma_wait3A_78 = arith.constant 0 : i32
      %dma_wait3A_79 = tpu.memref_slice %arg6[%add3A_14, %dma_wait3A_78] : memref<10240x128xf32, #tpu.memory_space<vmem_shared>> -> memref<64x128xf32, #tpu.memory_space<vmem_shared>>
      tpu.wait_dma2 semaphore(%run_scoped3A : memref<!tpu.dma_semaphore, #tpu.memory_space<semaphore_mem>>) src(%arg9 : memref<64x128xf32, #tpu.memory_space<vmem>>) dst(%dma_wait3A_79 : memref<64x128xf32, #tpu.memory_space<vmem_shared>>)
      tpu.yield
    }) : () -> ()
    %mul3A_15 = arith.constant 640 : i32
    %mul3A_16 = arith.muli %arg1, %mul3A_15 : i32
    %add3A_17 = arith.constant 128 : i32
    %add3A_18 = arith.addi %mul3A_16, %add3A_17 : i32
    "tpu.region"() ({
      %run_scoped3A = tpu.sem_alloc : memref<!tpu.dma_semaphore, #tpu.memory_space<semaphore_mem>>
      %dma_start3A = arith.constant 0 : i32
      %dma_start3A_74 = tpu.memref_slice %arg6[%add3A_18, %dma_start3A] : memref<10240x128xf32, #tpu.memory_space<vmem_shared>> -> memref<64x128xf32, #tpu.memory_space<vmem_shared>>
      %dma_start3A_75 = arith.constant 0 : i32
      %dma_start3A_76 = tpu.memref_slice %arg6[%add3A_18, %dma_start3A_75] : memref<10240x128xf32, #tpu.memory_space<vmem_shared>> -> memref<64x128xf32, #tpu.memory_space<vmem_shared>>
      tpu.enqueue_dma source(%arg9 : memref<64x128xf32, #tpu.memory_space<vmem>>) target(%dma_start3A_76 : memref<64x128xf32, #tpu.memory_space<vmem_shared>>) target_semaphore(%run_scoped3A : memref<!tpu.dma_semaphore, #tpu.memory_space<semaphore_mem>>)
      %dma_wait3A = arith.constant 0 : i32
      %dma_wait3A_77 = tpu.memref_slice %arg6[%add3A_18, %dma_wait3A] : memref<10240x128xf32, #tpu.memory_space<vmem_shared>> -> memref<64x128xf32, #tpu.memory_space<vmem_shared>>
      %dma_wait3A_78 = arith.constant 0 : i32
      %dma_wait3A_79 = tpu.memref_slice %arg6[%add3A_18, %dma_wait3A_78] : memref<10240x128xf32, #tpu.memory_space<vmem_shared>> -> memref<64x128xf32, #tpu.memory_space<vmem_shared>>
      tpu.wait_dma2 semaphore(%run_scoped3A : memref<!tpu.dma_semaphore, #tpu.memory_space<semaphore_mem>>) src(%arg9 : memref<64x128xf32, #tpu.memory_space<vmem>>) dst(%dma_wait3A_79 : memref<64x128xf32, #tpu.memory_space<vmem_shared>>)
      tpu.yield
    }) : () -> ()
    %mul3A_19 = arith.constant 640 : i32
    %mul3A_20 = arith.muli %arg1, %mul3A_19 : i32
    %add3A_21 = arith.constant 192 : i32
    %add3A_22 = arith.addi %mul3A_20, %add3A_21 : i32
    "tpu.region"() ({
      %run_scoped3A = tpu.sem_alloc : memref<!tpu.dma_semaphore, #tpu.memory_space<semaphore_mem>>
      %dma_start3A = arith.constant 0 : i32
      %dma_start3A_74 = tpu.memref_slice %arg6[%add3A_22, %dma_start3A] : memref<10240x128xf32, #tpu.memory_space<vmem_shared>> -> memref<64x128xf32, #tpu.memory_space<vmem_shared>>
      %dma_start3A_75 = arith.constant 0 : i32
      %dma_start3A_76 = tpu.memref_slice %arg6[%add3A_22, %dma_start3A_75] : memref<10240x128xf32, #tpu.memory_space<vmem_shared>> -> memref<64x128xf32, #tpu.memory_space<vmem_shared>>
      tpu.enqueue_dma source(%arg9 : memref<64x128xf32, #tpu.memory_space<vmem>>) target(%dma_start3A_76 : memref<64x128xf32, #tpu.memory_space<vmem_shared>>) target_semaphore(%run_scoped3A : memref<!tpu.dma_semaphore, #tpu.memory_space<semaphore_mem>>)
      %dma_wait3A = arith.constant 0 : i32
      %dma_wait3A_77 = tpu.memref_slice %arg6[%add3A_22, %dma_wait3A] : memref<10240x128xf32, #tpu.memory_space<vmem_shared>> -> memref<64x128xf32, #tpu.memory_space<vmem_shared>>
      %dma_wait3A_78 = arith.constant 0 : i32
      %dma_wait3A_79 = tpu.memref_slice %arg6[%add3A_22, %dma_wait3A_78] : memref<10240x128xf32, #tpu.memory_space<vmem_shared>> -> memref<64x128xf32, #tpu.memory_space<vmem_shared>>
      tpu.wait_dma2 semaphore(%run_scoped3A : memref<!tpu.dma_semaphore, #tpu.memory_space<semaphore_mem>>) src(%arg9 : memref<64x128xf32, #tpu.memory_space<vmem>>) dst(%dma_wait3A_79 : memref<64x128xf32, #tpu.memory_space<vmem_shared>>)
      tpu.yield
    }) : () -> ()
    %mul3A_23 = arith.constant 640 : i32
    %mul3A_24 = arith.muli %arg1, %mul3A_23 : i32
    %add3A_25 = arith.constant 256 : i32
    %add3A_26 = arith.addi %mul3A_24, %add3A_25 : i32
    "tpu.region"() ({
      %run_scoped3A = tpu.sem_alloc : memref<!tpu.dma_semaphore, #tpu.memory_space<semaphore_mem>>
      %dma_start3A = arith.constant 0 : i32
      %dma_start3A_74 = tpu.memref_slice %arg6[%add3A_26, %dma_start3A] : memref<10240x128xf32, #tpu.memory_space<vmem_shared>> -> memref<64x128xf32, #tpu.memory_space<vmem_shared>>
      %dma_start3A_75 = arith.constant 0 : i32
      %dma_start3A_76 = tpu.memref_slice %arg6[%add3A_26, %dma_start3A_75] : memref<10240x128xf32, #tpu.memory_space<vmem_shared>> -> memref<64x128xf32, #tpu.memory_space<vmem_shared>>
      tpu.enqueue_dma source(%arg9 : memref<64x128xf32, #tpu.memory_space<vmem>>) target(%dma_start3A_76 : memref<64x128xf32, #tpu.memory_space<vmem_shared>>) target_semaphore(%run_scoped3A : memref<!tpu.dma_semaphore, #tpu.memory_space<semaphore_mem>>)
      %dma_wait3A = arith.constant 0 : i32
      %dma_wait3A_77 = tpu.memref_slice %arg6[%add3A_26, %dma_wait3A] : memref<10240x128xf32, #tpu.memory_space<vmem_shared>> -> memref<64x128xf32, #tpu.memory_space<vmem_shared>>
      %dma_wait3A_78 = arith.constant 0 : i32
      %dma_wait3A_79 = tpu.memref_slice %arg6[%add3A_26, %dma_wait3A_78] : memref<10240x128xf32, #tpu.memory_space<vmem_shared>> -> memref<64x128xf32, #tpu.memory_space<vmem_shared>>
      tpu.wait_dma2 semaphore(%run_scoped3A : memref<!tpu.dma_semaphore, #tpu.memory_space<semaphore_mem>>) src(%arg9 : memref<64x128xf32, #tpu.memory_space<vmem>>) dst(%dma_wait3A_79 : memref<64x128xf32, #tpu.memory_space<vmem_shared>>)
      tpu.yield
    }) : () -> ()
    %mul3A_27 = arith.constant 640 : i32
    %mul3A_28 = arith.muli %arg1, %mul3A_27 : i32
    %add3A_29 = arith.constant 320 : i32
    %add3A_30 = arith.addi %mul3A_28, %add3A_29 : i32
    "tpu.region"() ({
      %run_scoped3A = tpu.sem_alloc : memref<!tpu.dma_semaphore, #tpu.memory_space<semaphore_mem>>
      %dma_start3A = arith.constant 0 : i32
      %dma_start3A_74 = tpu.memref_slice %arg6[%add3A_30, %dma_start3A] : memref<10240x128xf32, #tpu.memory_space<vmem_shared>> -> memref<64x128xf32, #tpu.memory_space<vmem_shared>>
      %dma_start3A_75 = arith.constant 0 : i32
      %dma_start3A_76 = tpu.memref_slice %arg6[%add3A_30, %dma_start3A_75] : memref<10240x128xf32, #tpu.memory_space<vmem_shared>> -> memref<64x128xf32, #tpu.memory_space<vmem_shared>>
      tpu.enqueue_dma source(%arg9 : memref<64x128xf32, #tpu.memory_space<vmem>>) target(%dma_start3A_76 : memref<64x128xf32, #tpu.memory_space<vmem_shared>>) target_semaphore(%run_scoped3A : memref<!tpu.dma_semaphore, #tpu.memory_space<semaphore_mem>>)
      %dma_wait3A = arith.constant 0 : i32
      %dma_wait3A_77 = tpu.memref_slice %arg6[%add3A_30, %dma_wait3A] : memref<10240x128xf32, #tpu.memory_space<vmem_shared>> -> memref<64x128xf32, #tpu.memory_space<vmem_shared>>
      %dma_wait3A_78 = arith.constant 0 : i32
      %dma_wait3A_79 = tpu.memref_slice %arg6[%add3A_30, %dma_wait3A_78] : memref<10240x128xf32, #tpu.memory_space<vmem_shared>> -> memref<64x128xf32, #tpu.memory_space<vmem_shared>>
      tpu.wait_dma2 semaphore(%run_scoped3A : memref<!tpu.dma_semaphore, #tpu.memory_space<semaphore_mem>>) src(%arg9 : memref<64x128xf32, #tpu.memory_space<vmem>>) dst(%dma_wait3A_79 : memref<64x128xf32, #tpu.memory_space<vmem_shared>>)
      tpu.yield
    }) : () -> ()
    %mul3A_31 = arith.constant 640 : i32
    %mul3A_32 = arith.muli %arg1, %mul3A_31 : i32
    %add3A_33 = arith.constant 384 : i32
    %add3A_34 = arith.addi %mul3A_32, %add3A_33 : i32
    "tpu.region"() ({
      %run_scoped3A = tpu.sem_alloc : memref<!tpu.dma_semaphore, #tpu.memory_space<semaphore_mem>>
      %dma_start3A = arith.constant 0 : i32
      %dma_start3A_74 = tpu.memref_slice %arg6[%add3A_34, %dma_start3A] : memref<10240x128xf32, #tpu.memory_space<vmem_shared>> -> memref<64x128xf32, #tpu.memory_space<vmem_shared>>
      %dma_start3A_75 = arith.constant 0 : i32
      %dma_start3A_76 = tpu.memref_slice %arg6[%add3A_34, %dma_start3A_75] : memref<10240x128xf32, #tpu.memory_space<vmem_shared>> -> memref<64x128xf32, #tpu.memory_space<vmem_shared>>
      tpu.enqueue_dma source(%arg9 : memref<64x128xf32, #tpu.memory_space<vmem>>) target(%dma_start3A_76 : memref<64x128xf32, #tpu.memory_space<vmem_shared>>) target_semaphore(%run_scoped3A : memref<!tpu.dma_semaphore, #tpu.memory_space<semaphore_mem>>)
      %dma_wait3A = arith.constant 0 : i32
      %dma_wait3A_77 = tpu.memref_slice %arg6[%add3A_34, %dma_wait3A] : memref<10240x128xf32, #tpu.memory_space<vmem_shared>> -> memref<64x128xf32, #tpu.memory_space<vmem_shared>>
      %dma_wait3A_78 = arith.constant 0 : i32
      %dma_wait3A_79 = tpu.memref_slice %arg6[%add3A_34, %dma_wait3A_78] : memref<10240x128xf32, #tpu.memory_space<vmem_shared>> -> memref<64x128xf32, #tpu.memory_space<vmem_shared>>
      tpu.wait_dma2 semaphore(%run_scoped3A : memref<!tpu.dma_semaphore, #tpu.memory_space<semaphore_mem>>) src(%arg9 : memref<64x128xf32, #tpu.memory_space<vmem>>) dst(%dma_wait3A_79 : memref<64x128xf32, #tpu.memory_space<vmem_shared>>)
      tpu.yield
    }) : () -> ()
    %mul3A_35 = arith.constant 640 : i32
    %mul3A_36 = arith.muli %arg1, %mul3A_35 : i32
    %add3A_37 = arith.constant 448 : i32
    %add3A_38 = arith.addi %mul3A_36, %add3A_37 : i32
    "tpu.region"() ({
      %run_scoped3A = tpu.sem_alloc : memref<!tpu.dma_semaphore, #tpu.memory_space<semaphore_mem>>
      %dma_start3A = arith.constant 0 : i32
      %dma_start3A_74 = tpu.memref_slice %arg6[%add3A_38, %dma_start3A] : memref<10240x128xf32, #tpu.memory_space<vmem_shared>> -> memref<64x128xf32, #tpu.memory_space<vmem_shared>>
      %dma_start3A_75 = arith.constant 0 : i32
      %dma_start3A_76 = tpu.memref_slice %arg6[%add3A_38, %dma_start3A_75] : memref<10240x128xf32, #tpu.memory_space<vmem_shared>> -> memref<64x128xf32, #tpu.memory_space<vmem_shared>>
      tpu.enqueue_dma source(%arg9 : memref<64x128xf32, #tpu.memory_space<vmem>>) target(%dma_start3A_76 : memref<64x128xf32, #tpu.memory_space<vmem_shared>>) target_semaphore(%run_scoped3A : memref<!tpu.dma_semaphore, #tpu.memory_space<semaphore_mem>>)
      %dma_wait3A = arith.constant 0 : i32
      %dma_wait3A_77 = tpu.memref_slice %arg6[%add3A_38, %dma_wait3A] : memref<10240x128xf32, #tpu.memory_space<vmem_shared>> -> memref<64x128xf32, #tpu.memory_space<vmem_shared>>
      %dma_wait3A_78 = arith.constant 0 : i32
      %dma_wait3A_79 = tpu.memref_slice %arg6[%add3A_38, %dma_wait3A_78] : memref<10240x128xf32, #tpu.memory_space<vmem_shared>> -> memref<64x128xf32, #tpu.memory_space<vmem_shared>>
      tpu.wait_dma2 semaphore(%run_scoped3A : memref<!tpu.dma_semaphore, #tpu.memory_space<semaphore_mem>>) src(%arg9 : memref<64x128xf32, #tpu.memory_space<vmem>>) dst(%dma_wait3A_79 : memref<64x128xf32, #tpu.memory_space<vmem_shared>>)
      tpu.yield
    }) : () -> ()
    %mul3A_39 = arith.constant 640 : i32
    %mul3A_40 = arith.muli %arg1, %mul3A_39 : i32
    %add3A_41 = arith.constant 512 : i32
    %add3A_42 = arith.addi %mul3A_40, %add3A_41 : i32
    "tpu.region"() ({
      %run_scoped3A = tpu.sem_alloc : memref<!tpu.dma_semaphore, #tpu.memory_space<semaphore_mem>>
      %dma_start3A = arith.constant 0 : i32
      %dma_start3A_74 = tpu.memref_slice %arg6[%add3A_42, %dma_start3A] : memref<10240x128xf32, #tpu.memory_space<vmem_shared>> -> memref<64x128xf32, #tpu.memory_space<vmem_shared>>
      %dma_start3A_75 = arith.constant 0 : i32
      %dma_start3A_76 = tpu.memref_slice %arg6[%add3A_42, %dma_start3A_75] : memref<10240x128xf32, #tpu.memory_space<vmem_shared>> -> memref<64x128xf32, #tpu.memory_space<vmem_shared>>
      tpu.enqueue_dma source(%arg9 : memref<64x128xf32, #tpu.memory_space<vmem>>) target(%dma_start3A_76 : memref<64x128xf32, #tpu.memory_space<vmem_shared>>) target_semaphore(%run_scoped3A : memref<!tpu.dma_semaphore, #tpu.memory_space<semaphore_mem>>)
      %dma_wait3A = arith.constant 0 : i32
      %dma_wait3A_77 = tpu.memref_slice %arg6[%add3A_42, %dma_wait3A] : memref<10240x128xf32, #tpu.memory_space<vmem_shared>> -> memref<64x128xf32, #tpu.memory_space<vmem_shared>>
      %dma_wait3A_78 = arith.constant 0 : i32
      %dma_wait3A_79 = tpu.memref_slice %arg6[%add3A_42, %dma_wait3A_78] : memref<10240x128xf32, #tpu.memory_space<vmem_shared>> -> memref<64x128xf32, #tpu.memory_space<vmem_shared>>
      tpu.wait_dma2 semaphore(%run_scoped3A : memref<!tpu.dma_semaphore, #tpu.memory_space<semaphore_mem>>) src(%arg9 : memref<64x128xf32, #tpu.memory_space<vmem>>) dst(%dma_wait3A_79 : memref<64x128xf32, #tpu.memory_space<vmem_shared>>)
      tpu.yield
    }) : () -> ()
    %mul3A_43 = arith.constant 640 : i32
    %mul3A_44 = arith.muli %arg1, %mul3A_43 : i32
    %add3A_45 = arith.constant 576 : i32
    %add3A_46 = arith.addi %mul3A_44, %add3A_45 : i32
    "tpu.region"() ({
      %run_scoped3A = tpu.sem_alloc : memref<!tpu.dma_semaphore, #tpu.memory_space<semaphore_mem>>
      %dma_start3A = arith.constant 0 : i32
      %dma_start3A_74 = tpu.memref_slice %arg6[%add3A_46, %dma_start3A] : memref<10240x128xf32, #tpu.memory_space<vmem_shared>> -> memref<64x128xf32, #tpu.memory_space<vmem_shared>>
      %dma_start3A_75 = arith.constant 0 : i32
      %dma_start3A_76 = tpu.memref_slice %arg6[%add3A_46, %dma_start3A_75] : memref<10240x128xf32, #tpu.memory_space<vmem_shared>> -> memref<64x128xf32, #tpu.memory_space<vmem_shared>>
      tpu.enqueue_dma source(%arg9 : memref<64x128xf32, #tpu.memory_space<vmem>>) target(%dma_start3A_76 : memref<64x128xf32, #tpu.memory_space<vmem_shared>>) target_semaphore(%run_scoped3A : memref<!tpu.dma_semaphore, #tpu.memory_space<semaphore_mem>>)
      %dma_wait3A = arith.constant 0 : i32
      %dma_wait3A_77 = tpu.memref_slice %arg6[%add3A_46, %dma_wait3A] : memref<10240x128xf32, #tpu.memory_space<vmem_shared>> -> memref<64x128xf32, #tpu.memory_space<vmem_shared>>
      %dma_wait3A_78 = arith.constant 0 : i32
      %dma_wait3A_79 = tpu.memref_slice %arg6[%add3A_46, %dma_wait3A_78] : memref<10240x128xf32, #tpu.memory_space<vmem_shared>> -> memref<64x128xf32, #tpu.memory_space<vmem_shared>>
      tpu.wait_dma2 semaphore(%run_scoped3A : memref<!tpu.dma_semaphore, #tpu.memory_space<semaphore_mem>>) src(%arg9 : memref<64x128xf32, #tpu.memory_space<vmem>>) dst(%dma_wait3A_79 : memref<64x128xf32, #tpu.memory_space<vmem_shared>>)
      tpu.yield
    }) : () -> ()
    %barrier3A = arith.constant 0 : index
    tpu.barrier barrier_id(%barrier3A)
    %scan3A_47 = arith.constant 0 : i32
    %scan3A_48 = arith.constant 0 : i32
    %scan3A_49 = arith.constant 10 : i32
    %scan3A_50 = arith.addi %scan3A_48, %scan3A_49 : i32
    %scan3A_51 = arith.constant 1 : i32
    scf.for %scan3A_74 = %scan3A_48 to %scan3A_50 step %scan3A_51  : i32 {
      %mul3A_75 = arith.constant 160 : i32
      %mul3A_76 = arith.muli %add3A, %mul3A_75 : i32
      %mul3A_77 = arith.constant 16 : i32
      %mul3A_78 = arith.muli %scan3A_74, %mul3A_77 : i32
      %add3A_79 = arith.addi %mul3A_76, %mul3A_78 : i32
      "tpu.region"() ({
        %run_scoped3A_317 = tpu.sem_alloc : memref<!tpu.dma_semaphore, #tpu.memory_space<semaphore_mem>>
        %dma_start3A_318 = arith.constant 0 : i32
        %dma_start3A_319 = tpu.memref_slice %arg3[%add3A_79, %dma_start3A_318] : memref<5120x64xi32, #tpu.memory_space<hbm>> -> memref<16x64xi32, #tpu.memory_space<hbm>>
        %dma_start3A_320 = arith.constant 0 : i32
        %dma_start3A_321 = tpu.memref_slice %arg3[%add3A_79, %dma_start3A_320] : memref<5120x64xi32, #tpu.memory_space<hbm>> -> memref<16x64xi32, #tpu.memory_space<hbm>>
        tpu.enqueue_dma source(%dma_start3A_321 : memref<16x64xi32, #tpu.memory_space<hbm>>) target(%arg7 : memref<16x64xi32, #tpu.memory_space<vmem>>) target_semaphore(%run_scoped3A_317 : memref<!tpu.dma_semaphore, #tpu.memory_space<semaphore_mem>>)
        %dma_wait3A_322 = arith.constant 0 : i32
        %dma_wait3A_323 = tpu.memref_slice %arg3[%add3A_79, %dma_wait3A_322] : memref<5120x64xi32, #tpu.memory_space<hbm>> -> memref<16x64xi32, #tpu.memory_space<hbm>>
        %dma_wait3A_324 = arith.constant 0 : i32
        %dma_wait3A_325 = tpu.memref_slice %arg3[%add3A_79, %dma_wait3A_324] : memref<5120x64xi32, #tpu.memory_space<hbm>> -> memref<16x64xi32, #tpu.memory_space<hbm>>
        tpu.wait_dma2 semaphore(%run_scoped3A_317 : memref<!tpu.dma_semaphore, #tpu.memory_space<semaphore_mem>>) src(%dma_wait3A_325 : memref<16x64xi32, #tpu.memory_space<hbm>>) dst(%arg7 : memref<16x64xi32, #tpu.memory_space<vmem>>)
        tpu.yield
      }) : () -> ()
      "tpu.region"() ({
        %run_scoped3A_317 = tpu.sem_alloc : memref<!tpu.dma_semaphore, #tpu.memory_space<semaphore_mem>>
        %dma_start3A_318 = arith.constant 0 : i32
        %dma_start3A_319 = tpu.memref_slice %arg4[%add3A_79, %dma_start3A_318] : memref<5120x64xi32, #tpu.memory_space<hbm>> -> memref<16x64xi32, #tpu.memory_space<hbm>>
        %dma_start3A_320 = arith.constant 0 : i32
        %dma_start3A_321 = tpu.memref_slice %arg4[%add3A_79, %dma_start3A_320] : memref<5120x64xi32, #tpu.memory_space<hbm>> -> memref<16x64xi32, #tpu.memory_space<hbm>>
        tpu.enqueue_dma source(%dma_start3A_321 : memref<16x64xi32, #tpu.memory_space<hbm>>) target(%arg8 : memref<16x64xi32, #tpu.memory_space<vmem>>) target_semaphore(%run_scoped3A_317 : memref<!tpu.dma_semaphore, #tpu.memory_space<semaphore_mem>>)
        %dma_wait3A_322 = arith.constant 0 : i32
        %dma_wait3A_323 = tpu.memref_slice %arg4[%add3A_79, %dma_wait3A_322] : memref<5120x64xi32, #tpu.memory_space<hbm>> -> memref<16x64xi32, #tpu.memory_space<hbm>>
        %dma_wait3A_324 = arith.constant 0 : i32
        %dma_wait3A_325 = tpu.memref_slice %arg4[%add3A_79, %dma_wait3A_324] : memref<5120x64xi32, #tpu.memory_space<hbm>> -> memref<16x64xi32, #tpu.memory_space<hbm>>
        tpu.wait_dma2 semaphore(%run_scoped3A_317 : memref<!tpu.dma_semaphore, #tpu.memory_space<semaphore_mem>>) src(%dma_wait3A_325 : memref<16x64xi32, #tpu.memory_space<hbm>>) dst(%arg8 : memref<16x64xi32, #tpu.memory_space<vmem>>)
        tpu.yield
      }) : () -> ()
      %dma_start3A = arith.constant 0 : i32
      %dma_start3A_80 = arith.constant 0 : i32
      %dma_start3A_81 = tpu.memref_slice %arg7[%dma_start3A, %dma_start3A_80] : memref<16x64xi32, #tpu.memory_space<vmem>> -> memref<1x64xi32, #tpu.memory_space<vmem>>
      %dma_start3A_82 = tpu.memref_squeeze %dma_start3A_81 : memref<1x64xi32, #tpu.memory_space<vmem>> -> memref<64xi32, #tpu.memory_space<vmem>>
      %dma_start3A_83 = arith.constant 0 : i32
      %dma_start3A_84 = arith.constant 0 : i32
      %dma_start3A_85 = tpu.memref_slice %arg2[%dma_start3A_83, %dma_start3A_84] : memref<10240x128xf32, #tpu.memory_space<hbm>> -> memref<10240x128xf32, #tpu.memory_space<hbm>>
      tpu.enqueue_indirect_dma source(%dma_start3A_85 : memref<10240x128xf32, #tpu.memory_space<hbm>>) target(%arg9 : memref<64x128xf32, #tpu.memory_space<vmem>>) offsets(%dma_start3A_82 : memref<64xi32, #tpu.memory_space<vmem>>) semaphore(%arg13 : memref<!tpu.dma_semaphore, #tpu.memory_space<semaphore_mem>>)
      %dma_start3A_86 = arith.constant 1 : i32
      %dma_start3A_87 = arith.constant 0 : i32
      %dma_start3A_88 = tpu.memref_slice %arg7[%dma_start3A_86, %dma_start3A_87] : memref<16x64xi32, #tpu.memory_space<vmem>> -> memref<1x64xi32, #tpu.memory_space<vmem>>
      %dma_start3A_89 = tpu.memref_squeeze %dma_start3A_88 : memref<1x64xi32, #tpu.memory_space<vmem>> -> memref<64xi32, #tpu.memory_space<vmem>>
      %dma_start3A_90 = arith.constant 0 : i32
      %dma_start3A_91 = arith.constant 0 : i32
      %dma_start3A_92 = tpu.memref_slice %arg2[%dma_start3A_90, %dma_start3A_91] : memref<10240x128xf32, #tpu.memory_space<hbm>> -> memref<10240x128xf32, #tpu.memory_space<hbm>>
      tpu.enqueue_indirect_dma source(%dma_start3A_92 : memref<10240x128xf32, #tpu.memory_space<hbm>>) target(%arg10 : memref<64x128xf32, #tpu.memory_space<vmem>>) offsets(%dma_start3A_89 : memref<64xi32, #tpu.memory_space<vmem>>) semaphore(%arg14 : memref<!tpu.dma_semaphore, #tpu.memory_space<semaphore_mem>>)
      %dma_start3A_93 = arith.constant 2 : i32
      %dma_start3A_94 = arith.constant 0 : i32
      %dma_start3A_95 = tpu.memref_slice %arg7[%dma_start3A_93, %dma_start3A_94] : memref<16x64xi32, #tpu.memory_space<vmem>> -> memref<1x64xi32, #tpu.memory_space<vmem>>
      %dma_start3A_96 = tpu.memref_squeeze %dma_start3A_95 : memref<1x64xi32, #tpu.memory_space<vmem>> -> memref<64xi32, #tpu.memory_space<vmem>>
      %dma_start3A_97 = arith.constant 0 : i32
      %dma_start3A_98 = arith.constant 0 : i32
      %dma_start3A_99 = tpu.memref_slice %arg2[%dma_start3A_97, %dma_start3A_98] : memref<10240x128xf32, #tpu.memory_space<hbm>> -> memref<10240x128xf32, #tpu.memory_space<hbm>>
      tpu.enqueue_indirect_dma source(%dma_start3A_99 : memref<10240x128xf32, #tpu.memory_space<hbm>>) target(%arg11 : memref<64x128xf32, #tpu.memory_space<vmem>>) offsets(%dma_start3A_96 : memref<64xi32, #tpu.memory_space<vmem>>) semaphore(%arg15 : memref<!tpu.dma_semaphore, #tpu.memory_space<semaphore_mem>>)
      %dma_wait3A = arith.constant 0 : i32
      %dma_wait3A_100 = arith.constant 0 : i32
      %dma_wait3A_101 = tpu.memref_slice %arg7[%dma_wait3A, %dma_wait3A_100] : memref<16x64xi32, #tpu.memory_space<vmem>> -> memref<1x64xi32, #tpu.memory_space<vmem>>
      %dma_wait3A_102 = tpu.memref_squeeze %dma_wait3A_101 : memref<1x64xi32, #tpu.memory_space<vmem>> -> memref<64xi32, #tpu.memory_space<vmem>>
      %dma_wait3A_103 = arith.constant 0 : i32
      %dma_wait3A_104 = arith.constant 0 : i32
      %dma_wait3A_105 = tpu.memref_slice %arg2[%dma_wait3A_103, %dma_wait3A_104] : memref<10240x128xf32, #tpu.memory_space<hbm>> -> memref<10240x128xf32, #tpu.memory_space<hbm>>
      tpu.wait_indirect_dma semaphore(%arg13 : memref<!tpu.dma_semaphore, #tpu.memory_space<semaphore_mem>>) src(%dma_wait3A_105 : memref<10240x128xf32, #tpu.memory_space<hbm>>) dst(%arg9 : memref<64x128xf32, #tpu.memory_space<vmem>>)
      %dma_start3A_106 = arith.constant 3 : i32
      %dma_start3A_107 = arith.constant 0 : i32
      %dma_start3A_108 = tpu.memref_slice %arg7[%dma_start3A_106, %dma_start3A_107] : memref<16x64xi32, #tpu.memory_space<vmem>> -> memref<1x64xi32, #tpu.memory_space<vmem>>
      %dma_start3A_109 = tpu.memref_squeeze %dma_start3A_108 : memref<1x64xi32, #tpu.memory_space<vmem>> -> memref<64xi32, #tpu.memory_space<vmem>>
      %dma_start3A_110 = arith.constant 0 : i32
      %dma_start3A_111 = arith.constant 0 : i32
      %dma_start3A_112 = tpu.memref_slice %arg2[%dma_start3A_110, %dma_start3A_111] : memref<10240x128xf32, #tpu.memory_space<hbm>> -> memref<10240x128xf32, #tpu.memory_space<hbm>>
      tpu.enqueue_indirect_dma source(%dma_start3A_112 : memref<10240x128xf32, #tpu.memory_space<hbm>>) target(%arg12 : memref<64x128xf32, #tpu.memory_space<vmem>>) offsets(%dma_start3A_109 : memref<64xi32, #tpu.memory_space<vmem>>) semaphore(%arg16 : memref<!tpu.dma_semaphore, #tpu.memory_space<semaphore_mem>>)
      %run_scoped3A = arith.constant 0 : i32
      "tpu.region"() ({
        %run_scoped3A_317 = tpu.sem_alloc : memref<!tpu.dma_semaphore, #tpu.memory_space<semaphore_mem>>
        %dma_start3A_318 = arith.constant 0 : i32
        %dma_start3A_319 = tpu.memref_slice %arg8[%run_scoped3A, %dma_start3A_318] : memref<16x64xi32, #tpu.memory_space<vmem>> -> memref<1x64xi32, #tpu.memory_space<vmem>>
        %dma_start3A_320 = tpu.memref_squeeze %dma_start3A_319 : memref<1x64xi32, #tpu.memory_space<vmem>> -> memref<64xi32, #tpu.memory_space<vmem>>
        %dma_start3A_321 = arith.constant 0 : i32
        %dma_start3A_322 = arith.constant 0 : i32
        %dma_start3A_323 = tpu.memref_slice %arg6[%dma_start3A_321, %dma_start3A_322] : memref<10240x128xf32, #tpu.memory_space<vmem_shared>> -> memref<10240x128xf32, #tpu.memory_space<vmem_shared>>
        tpu.enqueue_indirect_dma source(%arg9 : memref<64x128xf32, #tpu.memory_space<vmem>>) target(%dma_start3A_323 : memref<10240x128xf32, #tpu.memory_space<vmem_shared>>) offsets(%dma_start3A_320 : memref<64xi32, #tpu.memory_space<vmem>>) semaphore(%run_scoped3A_317 : memref<!tpu.dma_semaphore, #tpu.memory_space<semaphore_mem>>) {add = true}
        %dma_wait3A_324 = arith.constant 0 : i32
        %dma_wait3A_325 = tpu.memref_slice %arg8[%run_scoped3A, %dma_wait3A_324] : memref<16x64xi32, #tpu.memory_space<vmem>> -> memref<1x64xi32, #tpu.memory_space<vmem>>
        %dma_wait3A_326 = tpu.memref_squeeze %dma_wait3A_325 : memref<1x64xi32, #tpu.memory_space<vmem>> -> memref<64xi32, #tpu.memory_space<vmem>>
        %dma_wait3A_327 = arith.constant 0 : i32
        %dma_wait3A_328 = arith.constant 0 : i32
        %dma_wait3A_329 = tpu.memref_slice %arg6[%dma_wait3A_327, %dma_wait3A_328] : memref<10240x128xf32, #tpu.memory_space<vmem_shared>> -> memref<10240x128xf32, #tpu.memory_space<vmem_shared>>
        tpu.wait_indirect_dma semaphore(%run_scoped3A_317 : memref<!tpu.dma_semaphore, #tpu.memory_space<semaphore_mem>>) src(%arg9 : memref<64x128xf32, #tpu.memory_space<vmem>>) dst(%dma_wait3A_329 : memref<10240x128xf32, #tpu.memory_space<vmem_shared>>)
        tpu.yield
      }) : () -> ()
      %dma_wait3A_113 = arith.constant 1 : i32
      %dma_wait3A_114 = arith.constant 0 : i32
      %dma_wait3A_115 = tpu.memref_slice %arg7[%dma_wait3A_113, %dma_wait3A_114] : memref<16x64xi32, #tpu.memory_space<vmem>> -> memref<1x64xi32, #tpu.memory_space<vmem>>
      %dma_wait3A_116 = tpu.memref_squeeze %dma_wait3A_115 : memref<1x64xi32, #tpu.memory_space<vmem>> -> memref<64xi32, #tpu.memory_space<vmem>>
      %dma_wait3A_117 = arith.constant 0 : i32
      %dma_wait3A_118 = arith.constant 0 : i32
      %dma_wait3A_119 = tpu.memref_slice %arg2[%dma_wait3A_117, %dma_wait3A_118] : memref<10240x128xf32, #tpu.memory_space<hbm>> -> memref<10240x128xf32, #tpu.memory_space<hbm>>
      tpu.wait_indirect_dma semaphore(%arg14 : memref<!tpu.dma_semaphore, #tpu.memory_space<semaphore_mem>>) src(%dma_wait3A_119 : memref<10240x128xf32, #tpu.memory_space<hbm>>) dst(%arg10 : memref<64x128xf32, #tpu.memory_space<vmem>>)
      %dma_start3A_120 = arith.constant 4 : i32
      %dma_start3A_121 = arith.constant 0 : i32
      %dma_start3A_122 = tpu.memref_slice %arg7[%dma_start3A_120, %dma_start3A_121] : memref<16x64xi32, #tpu.memory_space<vmem>> -> memref<1x64xi32, #tpu.memory_space<vmem>>
      %dma_start3A_123 = tpu.memref_squeeze %dma_start3A_122 : memref<1x64xi32, #tpu.memory_space<vmem>> -> memref<64xi32, #tpu.memory_space<vmem>>
      %dma_start3A_124 = arith.constant 0 : i32
      %dma_start3A_125 = arith.constant 0 : i32
      %dma_start3A_126 = tpu.memref_slice %arg2[%dma_start3A_124, %dma_start3A_125] : memref<10240x128xf32, #tpu.memory_space<hbm>> -> memref<10240x128xf32, #tpu.memory_space<hbm>>
      tpu.enqueue_indirect_dma source(%dma_start3A_126 : memref<10240x128xf32, #tpu.memory_space<hbm>>) target(%arg9 : memref<64x128xf32, #tpu.memory_space<vmem>>) offsets(%dma_start3A_123 : memref<64xi32, #tpu.memory_space<vmem>>) semaphore(%arg13 : memref<!tpu.dma_semaphore, #tpu.memory_space<semaphore_mem>>)
      %run_scoped3A_127 = arith.constant 1 : i32
      "tpu.region"() ({
        %run_scoped3A_317 = tpu.sem_alloc : memref<!tpu.dma_semaphore, #tpu.memory_space<semaphore_mem>>
        %dma_start3A_318 = arith.constant 0 : i32
        %dma_start3A_319 = tpu.memref_slice %arg8[%run_scoped3A_127, %dma_start3A_318] : memref<16x64xi32, #tpu.memory_space<vmem>> -> memref<1x64xi32, #tpu.memory_space<vmem>>
        %dma_start3A_320 = tpu.memref_squeeze %dma_start3A_319 : memref<1x64xi32, #tpu.memory_space<vmem>> -> memref<64xi32, #tpu.memory_space<vmem>>
        %dma_start3A_321 = arith.constant 0 : i32
        %dma_start3A_322 = arith.constant 0 : i32
        %dma_start3A_323 = tpu.memref_slice %arg6[%dma_start3A_321, %dma_start3A_322] : memref<10240x128xf32, #tpu.memory_space<vmem_shared>> -> memref<10240x128xf32, #tpu.memory_space<vmem_shared>>
        tpu.enqueue_indirect_dma source(%arg10 : memref<64x128xf32, #tpu.memory_space<vmem>>) target(%dma_start3A_323 : memref<10240x128xf32, #tpu.memory_space<vmem_shared>>) offsets(%dma_start3A_320 : memref<64xi32, #tpu.memory_space<vmem>>) semaphore(%run_scoped3A_317 : memref<!tpu.dma_semaphore, #tpu.memory_space<semaphore_mem>>) {add = true}
        %dma_wait3A_324 = arith.constant 0 : i32
        %dma_wait3A_325 = tpu.memref_slice %arg8[%run_scoped3A_127, %dma_wait3A_324] : memref<16x64xi32, #tpu.memory_space<vmem>> -> memref<1x64xi32, #tpu.memory_space<vmem>>
        %dma_wait3A_326 = tpu.memref_squeeze %dma_wait3A_325 : memref<1x64xi32, #tpu.memory_space<vmem>> -> memref<64xi32, #tpu.memory_space<vmem>>
        %dma_wait3A_327 = arith.constant 0 : i32
        %dma_wait3A_328 = arith.constant 0 : i32
        %dma_wait3A_329 = tpu.memref_slice %arg6[%dma_wait3A_327, %dma_wait3A_328] : memref<10240x128xf32, #tpu.memory_space<vmem_shared>> -> memref<10240x128xf32, #tpu.memory_space<vmem_shared>>
        tpu.wait_indirect_dma semaphore(%run_scoped3A_317 : memref<!tpu.dma_semaphore, #tpu.memory_space<semaphore_mem>>) src(%arg10 : memref<64x128xf32, #tpu.memory_space<vmem>>) dst(%dma_wait3A_329 : memref<10240x128xf32, #tpu.memory_space<vmem_shared>>)
        tpu.yield
      }) : () -> ()
      %dma_wait3A_128 = arith.constant 2 : i32
      %dma_wait3A_129 = arith.constant 0 : i32
      %dma_wait3A_130 = tpu.memref_slice %arg7[%dma_wait3A_128, %dma_wait3A_129] : memref<16x64xi32, #tpu.memory_space<vmem>> -> memref<1x64xi32, #tpu.memory_space<vmem>>
      %dma_wait3A_131 = tpu.memref_squeeze %dma_wait3A_130 : memref<1x64xi32, #tpu.memory_space<vmem>> -> memref<64xi32, #tpu.memory_space<vmem>>
      %dma_wait3A_132 = arith.constant 0 : i32
      %dma_wait3A_133 = arith.constant 0 : i32
      %dma_wait3A_134 = tpu.memref_slice %arg2[%dma_wait3A_132, %dma_wait3A_133] : memref<10240x128xf32, #tpu.memory_space<hbm>> -> memref<10240x128xf32, #tpu.memory_space<hbm>>
      tpu.wait_indirect_dma semaphore(%arg15 : memref<!tpu.dma_semaphore, #tpu.memory_space<semaphore_mem>>) src(%dma_wait3A_134 : memref<10240x128xf32, #tpu.memory_space<hbm>>) dst(%arg11 : memref<64x128xf32, #tpu.memory_space<vmem>>)
      %dma_start3A_135 = arith.constant 5 : i32
      %dma_start3A_136 = arith.constant 0 : i32
      %dma_start3A_137 = tpu.memref_slice %arg7[%dma_start3A_135, %dma_start3A_136] : memref<16x64xi32, #tpu.memory_space<vmem>> -> memref<1x64xi32, #tpu.memory_space<vmem>>
      %dma_start3A_138 = tpu.memref_squeeze %dma_start3A_137 : memref<1x64xi32, #tpu.memory_space<vmem>> -> memref<64xi32, #tpu.memory_space<vmem>>
      %dma_start3A_139 = arith.constant 0 : i32
      %dma_start3A_140 = arith.constant 0 : i32
      %dma_start3A_141 = tpu.memref_slice %arg2[%dma_start3A_139, %dma_start3A_140] : memref<10240x128xf32, #tpu.memory_space<hbm>> -> memref<10240x128xf32, #tpu.memory_space<hbm>>
      tpu.enqueue_indirect_dma source(%dma_start3A_141 : memref<10240x128xf32, #tpu.memory_space<hbm>>) target(%arg10 : memref<64x128xf32, #tpu.memory_space<vmem>>) offsets(%dma_start3A_138 : memref<64xi32, #tpu.memory_space<vmem>>) semaphore(%arg14 : memref<!tpu.dma_semaphore, #tpu.memory_space<semaphore_mem>>)
      %run_scoped3A_142 = arith.constant 2 : i32
      "tpu.region"() ({
        %run_scoped3A_317 = tpu.sem_alloc : memref<!tpu.dma_semaphore, #tpu.memory_space<semaphore_mem>>
        %dma_start3A_318 = arith.constant 0 : i32
        %dma_start3A_319 = tpu.memref_slice %arg8[%run_scoped3A_142, %dma_start3A_318] : memref<16x64xi32, #tpu.memory_space<vmem>> -> memref<1x64xi32, #tpu.memory_space<vmem>>
        %dma_start3A_320 = tpu.memref_squeeze %dma_start3A_319 : memref<1x64xi32, #tpu.memory_space<vmem>> -> memref<64xi32, #tpu.memory_space<vmem>>
        %dma_start3A_321 = arith.constant 0 : i32
        %dma_start3A_322 = arith.constant 0 : i32
        %dma_start3A_323 = tpu.memref_slice %arg6[%dma_start3A_321, %dma_start3A_322] : memref<10240x128xf32, #tpu.memory_space<vmem_shared>> -> memref<10240x128xf32, #tpu.memory_space<vmem_shared>>
        tpu.enqueue_indirect_dma source(%arg11 : memref<64x128xf32, #tpu.memory_space<vmem>>) target(%dma_start3A_323 : memref<10240x128xf32, #tpu.memory_space<vmem_shared>>) offsets(%dma_start3A_320 : memref<64xi32, #tpu.memory_space<vmem>>) semaphore(%run_scoped3A_317 : memref<!tpu.dma_semaphore, #tpu.memory_space<semaphore_mem>>) {add = true}
        %dma_wait3A_324 = arith.constant 0 : i32
        %dma_wait3A_325 = tpu.memref_slice %arg8[%run_scoped3A_142, %dma_wait3A_324] : memref<16x64xi32, #tpu.memory_space<vmem>> -> memref<1x64xi32, #tpu.memory_space<vmem>>
        %dma_wait3A_326 = tpu.memref_squeeze %dma_wait3A_325 : memref<1x64xi32, #tpu.memory_space<vmem>> -> memref<64xi32, #tpu.memory_space<vmem>>
        %dma_wait3A_327 = arith.constant 0 : i32
        %dma_wait3A_328 = arith.constant 0 : i32
        %dma_wait3A_329 = tpu.memref_slice %arg6[%dma_wait3A_327, %dma_wait3A_328] : memref<10240x128xf32, #tpu.memory_space<vmem_shared>> -> memref<10240x128xf32, #tpu.memory_space<vmem_shared>>
        tpu.wait_indirect_dma semaphore(%run_scoped3A_317 : memref<!tpu.dma_semaphore, #tpu.memory_space<semaphore_mem>>) src(%arg11 : memref<64x128xf32, #tpu.memory_space<vmem>>) dst(%dma_wait3A_329 : memref<10240x128xf32, #tpu.memory_space<vmem_shared>>)
        tpu.yield
      }) : () -> ()
      %dma_wait3A_143 = arith.constant 3 : i32
      %dma_wait3A_144 = arith.constant 0 : i32
      %dma_wait3A_145 = tpu.memref_slice %arg7[%dma_wait3A_143, %dma_wait3A_144] : memref<16x64xi32, #tpu.memory_space<vmem>> -> memref<1x64xi32, #tpu.memory_space<vmem>>
      %dma_wait3A_146 = tpu.memref_squeeze %dma_wait3A_145 : memref<1x64xi32, #tpu.memory_space<vmem>> -> memref<64xi32, #tpu.memory_space<vmem>>
      %dma_wait3A_147 = arith.constant 0 : i32
      %dma_wait3A_148 = arith.constant 0 : i32
      %dma_wait3A_149 = tpu.memref_slice %arg2[%dma_wait3A_147, %dma_wait3A_148] : memref<10240x128xf32, #tpu.memory_space<hbm>> -> memref<10240x128xf32, #tpu.memory_space<hbm>>
      tpu.wait_indirect_dma semaphore(%arg16 : memref<!tpu.dma_semaphore, #tpu.memory_space<semaphore_mem>>) src(%dma_wait3A_149 : memref<10240x128xf32, #tpu.memory_space<hbm>>) dst(%arg12 : memref<64x128xf32, #tpu.memory_space<vmem>>)
      %dma_start3A_150 = arith.constant 6 : i32
      %dma_start3A_151 = arith.constant 0 : i32
      %dma_start3A_152 = tpu.memref_slice %arg7[%dma_start3A_150, %dma_start3A_151] : memref<16x64xi32, #tpu.memory_space<vmem>> -> memref<1x64xi32, #tpu.memory_space<vmem>>
      %dma_start3A_153 = tpu.memref_squeeze %dma_start3A_152 : memref<1x64xi32, #tpu.memory_space<vmem>> -> memref<64xi32, #tpu.memory_space<vmem>>
      %dma_start3A_154 = arith.constant 0 : i32
      %dma_start3A_155 = arith.constant 0 : i32
      %dma_start3A_156 = tpu.memref_slice %arg2[%dma_start3A_154, %dma_start3A_155] : memref<10240x128xf32, #tpu.memory_space<hbm>> -> memref<10240x128xf32, #tpu.memory_space<hbm>>
      tpu.enqueue_indirect_dma source(%dma_start3A_156 : memref<10240x128xf32, #tpu.memory_space<hbm>>) target(%arg11 : memref<64x128xf32, #tpu.memory_space<vmem>>) offsets(%dma_start3A_153 : memref<64xi32, #tpu.memory_space<vmem>>) semaphore(%arg15 : memref<!tpu.dma_semaphore, #tpu.memory_space<semaphore_mem>>)
      %run_scoped3A_157 = arith.constant 3 : i32
      "tpu.region"() ({
        %run_scoped3A_317 = tpu.sem_alloc : memref<!tpu.dma_semaphore, #tpu.memory_space<semaphore_mem>>
        %dma_start3A_318 = arith.constant 0 : i32
        %dma_start3A_319 = tpu.memref_slice %arg8[%run_scoped3A_157, %dma_start3A_318] : memref<16x64xi32, #tpu.memory_space<vmem>> -> memref<1x64xi32, #tpu.memory_space<vmem>>
        %dma_start3A_320 = tpu.memref_squeeze %dma_start3A_319 : memref<1x64xi32, #tpu.memory_space<vmem>> -> memref<64xi32, #tpu.memory_space<vmem>>
        %dma_start3A_321 = arith.constant 0 : i32
        %dma_start3A_322 = arith.constant 0 : i32
        %dma_start3A_323 = tpu.memref_slice %arg6[%dma_start3A_321, %dma_start3A_322] : memref<10240x128xf32, #tpu.memory_space<vmem_shared>> -> memref<10240x128xf32, #tpu.memory_space<vmem_shared>>
        tpu.enqueue_indirect_dma source(%arg12 : memref<64x128xf32, #tpu.memory_space<vmem>>) target(%dma_start3A_323 : memref<10240x128xf32, #tpu.memory_space<vmem_shared>>) offsets(%dma_start3A_320 : memref<64xi32, #tpu.memory_space<vmem>>) semaphore(%run_scoped3A_317 : memref<!tpu.dma_semaphore, #tpu.memory_space<semaphore_mem>>) {add = true}
        %dma_wait3A_324 = arith.constant 0 : i32
        %dma_wait3A_325 = tpu.memref_slice %arg8[%run_scoped3A_157, %dma_wait3A_324] : memref<16x64xi32, #tpu.memory_space<vmem>> -> memref<1x64xi32, #tpu.memory_space<vmem>>
        %dma_wait3A_326 = tpu.memref_squeeze %dma_wait3A_325 : memref<1x64xi32, #tpu.memory_space<vmem>> -> memref<64xi32, #tpu.memory_space<vmem>>
        %dma_wait3A_327 = arith.constant 0 : i32
        %dma_wait3A_328 = arith.constant 0 : i32
        %dma_wait3A_329 = tpu.memref_slice %arg6[%dma_wait3A_327, %dma_wait3A_328] : memref<10240x128xf32, #tpu.memory_space<vmem_shared>> -> memref<10240x128xf32, #tpu.memory_space<vmem_shared>>
        tpu.wait_indirect_dma semaphore(%run_scoped3A_317 : memref<!tpu.dma_semaphore, #tpu.memory_space<semaphore_mem>>) src(%arg12 : memref<64x128xf32, #tpu.memory_space<vmem>>) dst(%dma_wait3A_329 : memref<10240x128xf32, #tpu.memory_space<vmem_shared>>)
        tpu.yield
      }) : () -> ()
      %dma_wait3A_158 = arith.constant 4 : i32
      %dma_wait3A_159 = arith.constant 0 : i32
      %dma_wait3A_160 = tpu.memref_slice %arg7[%dma_wait3A_158, %dma_wait3A_159] : memref<16x64xi32, #tpu.memory_space<vmem>> -> memref<1x64xi32, #tpu.memory_space<vmem>>
      %dma_wait3A_161 = tpu.memref_squeeze %dma_wait3A_160 : memref<1x64xi32, #tpu.memory_space<vmem>> -> memref<64xi32, #tpu.memory_space<vmem>>
      %dma_wait3A_162 = arith.constant 0 : i32
      %dma_wait3A_163 = arith.constant 0 : i32
      %dma_wait3A_164 = tpu.memref_slice %arg2[%dma_wait3A_162, %dma_wait3A_163] : memref<10240x128xf32, #tpu.memory_space<hbm>> -> memref<10240x128xf32, #tpu.memory_space<hbm>>
      tpu.wait_indirect_dma semaphore(%arg13 : memref<!tpu.dma_semaphore, #tpu.memory_space<semaphore_mem>>) src(%dma_wait3A_164 : memref<10240x128xf32, #tpu.memory_space<hbm>>) dst(%arg9 : memref<64x128xf32, #tpu.memory_space<vmem>>)
      %dma_start3A_165 = arith.constant 7 : i32
      %dma_start3A_166 = arith.constant 0 : i32
      %dma_start3A_167 = tpu.memref_slice %arg7[%dma_start3A_165, %dma_start3A_166] : memref<16x64xi32, #tpu.memory_space<vmem>> -> memref<1x64xi32, #tpu.memory_space<vmem>>
      %dma_start3A_168 = tpu.memref_squeeze %dma_start3A_167 : memref<1x64xi32, #tpu.memory_space<vmem>> -> memref<64xi32, #tpu.memory_space<vmem>>
      %dma_start3A_169 = arith.constant 0 : i32
      %dma_start3A_170 = arith.constant 0 : i32
      %dma_start3A_171 = tpu.memref_slice %arg2[%dma_start3A_169, %dma_start3A_170] : memref<10240x128xf32, #tpu.memory_space<hbm>> -> memref<10240x128xf32, #tpu.memory_space<hbm>>
      tpu.enqueue_indirect_dma source(%dma_start3A_171 : memref<10240x128xf32, #tpu.memory_space<hbm>>) target(%arg12 : memref<64x128xf32, #tpu.memory_space<vmem>>) offsets(%dma_start3A_168 : memref<64xi32, #tpu.memory_space<vmem>>) semaphore(%arg16 : memref<!tpu.dma_semaphore, #tpu.memory_space<semaphore_mem>>)
      %run_scoped3A_172 = arith.constant 4 : i32
      "tpu.region"() ({
        %run_scoped3A_317 = tpu.sem_alloc : memref<!tpu.dma_semaphore, #tpu.memory_space<semaphore_mem>>
        %dma_start3A_318 = arith.constant 0 : i32
        %dma_start3A_319 = tpu.memref_slice %arg8[%run_scoped3A_172, %dma_start3A_318] : memref<16x64xi32, #tpu.memory_space<vmem>> -> memref<1x64xi32, #tpu.memory_space<vmem>>
        %dma_start3A_320 = tpu.memref_squeeze %dma_start3A_319 : memref<1x64xi32, #tpu.memory_space<vmem>> -> memref<64xi32, #tpu.memory_space<vmem>>
        %dma_start3A_321 = arith.constant 0 : i32
        %dma_start3A_322 = arith.constant 0 : i32
        %dma_start3A_323 = tpu.memref_slice %arg6[%dma_start3A_321, %dma_start3A_322] : memref<10240x128xf32, #tpu.memory_space<vmem_shared>> -> memref<10240x128xf32, #tpu.memory_space<vmem_shared>>
        tpu.enqueue_indirect_dma source(%arg9 : memref<64x128xf32, #tpu.memory_space<vmem>>) target(%dma_start3A_323 : memref<10240x128xf32, #tpu.memory_space<vmem_shared>>) offsets(%dma_start3A_320 : memref<64xi32, #tpu.memory_space<vmem>>) semaphore(%run_scoped3A_317 : memref<!tpu.dma_semaphore, #tpu.memory_space<semaphore_mem>>) {add = true}
        %dma_wait3A_324 = arith.constant 0 : i32
        %dma_wait3A_325 = tpu.memref_slice %arg8[%run_scoped3A_172, %dma_wait3A_324] : memref<16x64xi32, #tpu.memory_space<vmem>> -> memref<1x64xi32, #tpu.memory_space<vmem>>
        %dma_wait3A_326 = tpu.memref_squeeze %dma_wait3A_325 : memref<1x64xi32, #tpu.memory_space<vmem>> -> memref<64xi32, #tpu.memory_space<vmem>>
        %dma_wait3A_327 = arith.constant 0 : i32
        %dma_wait3A_328 = arith.constant 0 : i32
        %dma_wait3A_329 = tpu.memref_slice %arg6[%dma_wait3A_327, %dma_wait3A_328] : memref<10240x128xf32, #tpu.memory_space<vmem_shared>> -> memref<10240x128xf32, #tpu.memory_space<vmem_shared>>
        tpu.wait_indirect_dma semaphore(%run_scoped3A_317 : memref<!tpu.dma_semaphore, #tpu.memory_space<semaphore_mem>>) src(%arg9 : memref<64x128xf32, #tpu.memory_space<vmem>>) dst(%dma_wait3A_329 : memref<10240x128xf32, #tpu.memory_space<vmem_shared>>)
        tpu.yield
      }) : () -> ()
      %dma_wait3A_173 = arith.constant 5 : i32
      %dma_wait3A_174 = arith.constant 0 : i32
      %dma_wait3A_175 = tpu.memref_slice %arg7[%dma_wait3A_173, %dma_wait3A_174] : memref<16x64xi32, #tpu.memory_space<vmem>> -> memref<1x64xi32, #tpu.memory_space<vmem>>
      %dma_wait3A_176 = tpu.memref_squeeze %dma_wait3A_175 : memref<1x64xi32, #tpu.memory_space<vmem>> -> memref<64xi32, #tpu.memory_space<vmem>>
      %dma_wait3A_177 = arith.constant 0 : i32
      %dma_wait3A_178 = arith.constant 0 : i32
      %dma_wait3A_179 = tpu.memref_slice %arg2[%dma_wait3A_177, %dma_wait3A_178] : memref<10240x128xf32, #tpu.memory_space<hbm>> -> memref<10240x128xf32, #tpu.memory_space<hbm>>
      tpu.wait_indirect_dma semaphore(%arg14 : memref<!tpu.dma_semaphore, #tpu.memory_space<semaphore_mem>>) src(%dma_wait3A_179 : memref<10240x128xf32, #tpu.memory_space<hbm>>) dst(%arg10 : memref<64x128xf32, #tpu.memory_space<vmem>>)
      %dma_start3A_180 = arith.constant 8 : i32
      %dma_start3A_181 = arith.constant 0 : i32
      %dma_start3A_182 = tpu.memref_slice %arg7[%dma_start3A_180, %dma_start3A_181] : memref<16x64xi32, #tpu.memory_space<vmem>> -> memref<1x64xi32, #tpu.memory_space<vmem>>
      %dma_start3A_183 = tpu.memref_squeeze %dma_start3A_182 : memref<1x64xi32, #tpu.memory_space<vmem>> -> memref<64xi32, #tpu.memory_space<vmem>>
      %dma_start3A_184 = arith.constant 0 : i32
      %dma_start3A_185 = arith.constant 0 : i32
      %dma_start3A_186 = tpu.memref_slice %arg2[%dma_start3A_184, %dma_start3A_185] : memref<10240x128xf32, #tpu.memory_space<hbm>> -> memref<10240x128xf32, #tpu.memory_space<hbm>>
      tpu.enqueue_indirect_dma source(%dma_start3A_186 : memref<10240x128xf32, #tpu.memory_space<hbm>>) target(%arg9 : memref<64x128xf32, #tpu.memory_space<vmem>>) offsets(%dma_start3A_183 : memref<64xi32, #tpu.memory_space<vmem>>) semaphore(%arg13 : memref<!tpu.dma_semaphore, #tpu.memory_space<semaphore_mem>>)
      %run_scoped3A_187 = arith.constant 5 : i32
      "tpu.region"() ({
        %run_scoped3A_317 = tpu.sem_alloc : memref<!tpu.dma_semaphore, #tpu.memory_space<semaphore_mem>>
        %dma_start3A_318 = arith.constant 0 : i32
        %dma_start3A_319 = tpu.memref_slice %arg8[%run_scoped3A_187, %dma_start3A_318] : memref<16x64xi32, #tpu.memory_space<vmem>> -> memref<1x64xi32, #tpu.memory_space<vmem>>
        %dma_start3A_320 = tpu.memref_squeeze %dma_start3A_319 : memref<1x64xi32, #tpu.memory_space<vmem>> -> memref<64xi32, #tpu.memory_space<vmem>>
        %dma_start3A_321 = arith.constant 0 : i32
        %dma_start3A_322 = arith.constant 0 : i32
        %dma_start3A_323 = tpu.memref_slice %arg6[%dma_start3A_321, %dma_start3A_322] : memref<10240x128xf32, #tpu.memory_space<vmem_shared>> -> memref<10240x128xf32, #tpu.memory_space<vmem_shared>>
        tpu.enqueue_indirect_dma source(%arg10 : memref<64x128xf32, #tpu.memory_space<vmem>>) target(%dma_start3A_323 : memref<10240x128xf32, #tpu.memory_space<vmem_shared>>) offsets(%dma_start3A_320 : memref<64xi32, #tpu.memory_space<vmem>>) semaphore(%run_scoped3A_317 : memref<!tpu.dma_semaphore, #tpu.memory_space<semaphore_mem>>) {add = true}
        %dma_wait3A_324 = arith.constant 0 : i32
        %dma_wait3A_325 = tpu.memref_slice %arg8[%run_scoped3A_187, %dma_wait3A_324] : memref<16x64xi32, #tpu.memory_space<vmem>> -> memref<1x64xi32, #tpu.memory_space<vmem>>
        %dma_wait3A_326 = tpu.memref_squeeze %dma_wait3A_325 : memref<1x64xi32, #tpu.memory_space<vmem>> -> memref<64xi32, #tpu.memory_space<vmem>>
        %dma_wait3A_327 = arith.constant 0 : i32
        %dma_wait3A_328 = arith.constant 0 : i32
        %dma_wait3A_329 = tpu.memref_slice %arg6[%dma_wait3A_327, %dma_wait3A_328] : memref<10240x128xf32, #tpu.memory_space<vmem_shared>> -> memref<10240x128xf32, #tpu.memory_space<vmem_shared>>
        tpu.wait_indirect_dma semaphore(%run_scoped3A_317 : memref<!tpu.dma_semaphore, #tpu.memory_space<semaphore_mem>>) src(%arg10 : memref<64x128xf32, #tpu.memory_space<vmem>>) dst(%dma_wait3A_329 : memref<10240x128xf32, #tpu.memory_space<vmem_shared>>)
        tpu.yield
      }) : () -> ()
      %dma_wait3A_188 = arith.constant 6 : i32
      %dma_wait3A_189 = arith.constant 0 : i32
      %dma_wait3A_190 = tpu.memref_slice %arg7[%dma_wait3A_188, %dma_wait3A_189] : memref<16x64xi32, #tpu.memory_space<vmem>> -> memref<1x64xi32, #tpu.memory_space<vmem>>
      %dma_wait3A_191 = tpu.memref_squeeze %dma_wait3A_190 : memref<1x64xi32, #tpu.memory_space<vmem>> -> memref<64xi32, #tpu.memory_space<vmem>>
      %dma_wait3A_192 = arith.constant 0 : i32
      %dma_wait3A_193 = arith.constant 0 : i32
      %dma_wait3A_194 = tpu.memref_slice %arg2[%dma_wait3A_192, %dma_wait3A_193] : memref<10240x128xf32, #tpu.memory_space<hbm>> -> memref<10240x128xf32, #tpu.memory_space<hbm>>
      tpu.wait_indirect_dma semaphore(%arg15 : memref<!tpu.dma_semaphore, #tpu.memory_space<semaphore_mem>>) src(%dma_wait3A_194 : memref<10240x128xf32, #tpu.memory_space<hbm>>) dst(%arg11 : memref<64x128xf32, #tpu.memory_space<vmem>>)
      %dma_start3A_195 = arith.constant 9 : i32
      %dma_start3A_196 = arith.constant 0 : i32
      %dma_start3A_197 = tpu.memref_slice %arg7[%dma_start3A_195, %dma_start3A_196] : memref<16x64xi32, #tpu.memory_space<vmem>> -> memref<1x64xi32, #tpu.memory_space<vmem>>
      %dma_start3A_198 = tpu.memref_squeeze %dma_start3A_197 : memref<1x64xi32, #tpu.memory_space<vmem>> -> memref<64xi32, #tpu.memory_space<vmem>>
      %dma_start3A_199 = arith.constant 0 : i32
      %dma_start3A_200 = arith.constant 0 : i32
      %dma_start3A_201 = tpu.memref_slice %arg2[%dma_start3A_199, %dma_start3A_200] : memref<10240x128xf32, #tpu.memory_space<hbm>> -> memref<10240x128xf32, #tpu.memory_space<hbm>>
      tpu.enqueue_indirect_dma source(%dma_start3A_201 : memref<10240x128xf32, #tpu.memory_space<hbm>>) target(%arg10 : memref<64x128xf32, #tpu.memory_space<vmem>>) offsets(%dma_start3A_198 : memref<64xi32, #tpu.memory_space<vmem>>) semaphore(%arg14 : memref<!tpu.dma_semaphore, #tpu.memory_space<semaphore_mem>>)
      %run_scoped3A_202 = arith.constant 6 : i32
      "tpu.region"() ({
        %run_scoped3A_317 = tpu.sem_alloc : memref<!tpu.dma_semaphore, #tpu.memory_space<semaphore_mem>>
        %dma_start3A_318 = arith.constant 0 : i32
        %dma_start3A_319 = tpu.memref_slice %arg8[%run_scoped3A_202, %dma_start3A_318] : memref<16x64xi32, #tpu.memory_space<vmem>> -> memref<1x64xi32, #tpu.memory_space<vmem>>
        %dma_start3A_320 = tpu.memref_squeeze %dma_start3A_319 : memref<1x64xi32, #tpu.memory_space<vmem>> -> memref<64xi32, #tpu.memory_space<vmem>>
        %dma_start3A_321 = arith.constant 0 : i32
        %dma_start3A_322 = arith.constant 0 : i32
        %dma_start3A_323 = tpu.memref_slice %arg6[%dma_start3A_321, %dma_start3A_322] : memref<10240x128xf32, #tpu.memory_space<vmem_shared>> -> memref<10240x128xf32, #tpu.memory_space<vmem_shared>>
        tpu.enqueue_indirect_dma source(%arg11 : memref<64x128xf32, #tpu.memory_space<vmem>>) target(%dma_start3A_323 : memref<10240x128xf32, #tpu.memory_space<vmem_shared>>) offsets(%dma_start3A_320 : memref<64xi32, #tpu.memory_space<vmem>>) semaphore(%run_scoped3A_317 : memref<!tpu.dma_semaphore, #tpu.memory_space<semaphore_mem>>) {add = true}
        %dma_wait3A_324 = arith.constant 0 : i32
        %dma_wait3A_325 = tpu.memref_slice %arg8[%run_scoped3A_202, %dma_wait3A_324] : memref<16x64xi32, #tpu.memory_space<vmem>> -> memref<1x64xi32, #tpu.memory_space<vmem>>
        %dma_wait3A_326 = tpu.memref_squeeze %dma_wait3A_325 : memref<1x64xi32, #tpu.memory_space<vmem>> -> memref<64xi32, #tpu.memory_space<vmem>>
        %dma_wait3A_327 = arith.constant 0 : i32
        %dma_wait3A_328 = arith.constant 0 : i32
        %dma_wait3A_329 = tpu.memref_slice %arg6[%dma_wait3A_327, %dma_wait3A_328] : memref<10240x128xf32, #tpu.memory_space<vmem_shared>> -> memref<10240x128xf32, #tpu.memory_space<vmem_shared>>
        tpu.wait_indirect_dma semaphore(%run_scoped3A_317 : memref<!tpu.dma_semaphore, #tpu.memory_space<semaphore_mem>>) src(%arg11 : memref<64x128xf32, #tpu.memory_space<vmem>>) dst(%dma_wait3A_329 : memref<10240x128xf32, #tpu.memory_space<vmem_shared>>)
        tpu.yield
      }) : () -> ()
      %dma_wait3A_203 = arith.constant 7 : i32
      %dma_wait3A_204 = arith.constant 0 : i32
      %dma_wait3A_205 = tpu.memref_slice %arg7[%dma_wait3A_203, %dma_wait3A_204] : memref<16x64xi32, #tpu.memory_space<vmem>> -> memref<1x64xi32, #tpu.memory_space<vmem>>
      %dma_wait3A_206 = tpu.memref_squeeze %dma_wait3A_205 : memref<1x64xi32, #tpu.memory_space<vmem>> -> memref<64xi32, #tpu.memory_space<vmem>>
      %dma_wait3A_207 = arith.constant 0 : i32
      %dma_wait3A_208 = arith.constant 0 : i32
      %dma_wait3A_209 = tpu.memref_slice %arg2[%dma_wait3A_207, %dma_wait3A_208] : memref<10240x128xf32, #tpu.memory_space<hbm>> -> memref<10240x128xf32, #tpu.memory_space<hbm>>
      tpu.wait_indirect_dma semaphore(%arg16 : memref<!tpu.dma_semaphore, #tpu.memory_space<semaphore_mem>>) src(%dma_wait3A_209 : memref<10240x128xf32, #tpu.memory_space<hbm>>) dst(%arg12 : memref<64x128xf32, #tpu.memory_space<vmem>>)
      %dma_start3A_210 = arith.constant 10 : i32
      %dma_start3A_211 = arith.constant 0 : i32
      %dma_start3A_212 = tpu.memref_slice %arg7[%dma_start3A_210, %dma_start3A_211] : memref<16x64xi32, #tpu.memory_space<vmem>> -> memref<1x64xi32, #tpu.memory_space<vmem>>
      %dma_start3A_213 = tpu.memref_squeeze %dma_start3A_212 : memref<1x64xi32, #tpu.memory_space<vmem>> -> memref<64xi32, #tpu.memory_space<vmem>>
      %dma_start3A_214 = arith.constant 0 : i32
      %dma_start3A_215 = arith.constant 0 : i32
      %dma_start3A_216 = tpu.memref_slice %arg2[%dma_start3A_214, %dma_start3A_215] : memref<10240x128xf32, #tpu.memory_space<hbm>> -> memref<10240x128xf32, #tpu.memory_space<hbm>>
      tpu.enqueue_indirect_dma source(%dma_start3A_216 : memref<10240x128xf32, #tpu.memory_space<hbm>>) target(%arg11 : memref<64x128xf32, #tpu.memory_space<vmem>>) offsets(%dma_start3A_213 : memref<64xi32, #tpu.memory_space<vmem>>) semaphore(%arg15 : memref<!tpu.dma_semaphore, #tpu.memory_space<semaphore_mem>>)
      %run_scoped3A_217 = arith.constant 7 : i32
      "tpu.region"() ({
        %run_scoped3A_317 = tpu.sem_alloc : memref<!tpu.dma_semaphore, #tpu.memory_space<semaphore_mem>>
        %dma_start3A_318 = arith.constant 0 : i32
        %dma_start3A_319 = tpu.memref_slice %arg8[%run_scoped3A_217, %dma_start3A_318] : memref<16x64xi32, #tpu.memory_space<vmem>> -> memref<1x64xi32, #tpu.memory_space<vmem>>
        %dma_start3A_320 = tpu.memref_squeeze %dma_start3A_319 : memref<1x64xi32, #tpu.memory_space<vmem>> -> memref<64xi32, #tpu.memory_space<vmem>>
        %dma_start3A_321 = arith.constant 0 : i32
        %dma_start3A_322 = arith.constant 0 : i32
        %dma_start3A_323 = tpu.memref_slice %arg6[%dma_start3A_321, %dma_start3A_322] : memref<10240x128xf32, #tpu.memory_space<vmem_shared>> -> memref<10240x128xf32, #tpu.memory_space<vmem_shared>>
        tpu.enqueue_indirect_dma source(%arg12 : memref<64x128xf32, #tpu.memory_space<vmem>>) target(%dma_start3A_323 : memref<10240x128xf32, #tpu.memory_space<vmem_shared>>) offsets(%dma_start3A_320 : memref<64xi32, #tpu.memory_space<vmem>>) semaphore(%run_scoped3A_317 : memref<!tpu.dma_semaphore, #tpu.memory_space<semaphore_mem>>) {add = true}
        %dma_wait3A_324 = arith.constant 0 : i32
        %dma_wait3A_325 = tpu.memref_slice %arg8[%run_scoped3A_217, %dma_wait3A_324] : memref<16x64xi32, #tpu.memory_space<vmem>> -> memref<1x64xi32, #tpu.memory_space<vmem>>
        %dma_wait3A_326 = tpu.memref_squeeze %dma_wait3A_325 : memref<1x64xi32, #tpu.memory_space<vmem>> -> memref<64xi32, #tpu.memory_space<vmem>>
        %dma_wait3A_327 = arith.constant 0 : i32
        %dma_wait3A_328 = arith.constant 0 : i32
        %dma_wait3A_329 = tpu.memref_slice %arg6[%dma_wait3A_327, %dma_wait3A_328] : memref<10240x128xf32, #tpu.memory_space<vmem_shared>> -> memref<10240x128xf32, #tpu.memory_space<vmem_shared>>
        tpu.wait_indirect_dma semaphore(%run_scoped3A_317 : memref<!tpu.dma_semaphore, #tpu.memory_space<semaphore_mem>>) src(%arg12 : memref<64x128xf32, #tpu.memory_space<vmem>>) dst(%dma_wait3A_329 : memref<10240x128xf32, #tpu.memory_space<vmem_shared>>)
        tpu.yield
      }) : () -> ()
      %dma_wait3A_218 = arith.constant 8 : i32
      %dma_wait3A_219 = arith.constant 0 : i32
      %dma_wait3A_220 = tpu.memref_slice %arg7[%dma_wait3A_218, %dma_wait3A_219] : memref<16x64xi32, #tpu.memory_space<vmem>> -> memref<1x64xi32, #tpu.memory_space<vmem>>
      %dma_wait3A_221 = tpu.memref_squeeze %dma_wait3A_220 : memref<1x64xi32, #tpu.memory_space<vmem>> -> memref<64xi32, #tpu.memory_space<vmem>>
      %dma_wait3A_222 = arith.constant 0 : i32
      %dma_wait3A_223 = arith.constant 0 : i32
      %dma_wait3A_224 = tpu.memref_slice %arg2[%dma_wait3A_222, %dma_wait3A_223] : memref<10240x128xf32, #tpu.memory_space<hbm>> -> memref<10240x128xf32, #tpu.memory_space<hbm>>
      tpu.wait_indirect_dma semaphore(%arg13 : memref<!tpu.dma_semaphore, #tpu.memory_space<semaphore_mem>>) src(%dma_wait3A_224 : memref<10240x128xf32, #tpu.memory_space<hbm>>) dst(%arg9 : memref<64x128xf32, #tpu.memory_space<vmem>>)
      %dma_start3A_225 = arith.constant 11 : i32
      %dma_start3A_226 = arith.constant 0 : i32
      %dma_start3A_227 = tpu.memref_slice %arg7[%dma_start3A_225, %dma_start3A_226] : memref<16x64xi32, #tpu.memory_space<vmem>> -> memref<1x64xi32, #tpu.memory_space<vmem>>
      %dma_start3A_228 = tpu.memref_squeeze %dma_start3A_227 : memref<1x64xi32, #tpu.memory_space<vmem>> -> memref<64xi32, #tpu.memory_space<vmem>>
      %dma_start3A_229 = arith.constant 0 : i32
      %dma_start3A_230 = arith.constant 0 : i32
      %dma_start3A_231 = tpu.memref_slice %arg2[%dma_start3A_229, %dma_start3A_230] : memref<10240x128xf32, #tpu.memory_space<hbm>> -> memref<10240x128xf32, #tpu.memory_space<hbm>>
      tpu.enqueue_indirect_dma source(%dma_start3A_231 : memref<10240x128xf32, #tpu.memory_space<hbm>>) target(%arg12 : memref<64x128xf32, #tpu.memory_space<vmem>>) offsets(%dma_start3A_228 : memref<64xi32, #tpu.memory_space<vmem>>) semaphore(%arg16 : memref<!tpu.dma_semaphore, #tpu.memory_space<semaphore_mem>>)
      %run_scoped3A_232 = arith.constant 8 : i32
      "tpu.region"() ({
        %run_scoped3A_317 = tpu.sem_alloc : memref<!tpu.dma_semaphore, #tpu.memory_space<semaphore_mem>>
        %dma_start3A_318 = arith.constant 0 : i32
        %dma_start3A_319 = tpu.memref_slice %arg8[%run_scoped3A_232, %dma_start3A_318] : memref<16x64xi32, #tpu.memory_space<vmem>> -> memref<1x64xi32, #tpu.memory_space<vmem>>
        %dma_start3A_320 = tpu.memref_squeeze %dma_start3A_319 : memref<1x64xi32, #tpu.memory_space<vmem>> -> memref<64xi32, #tpu.memory_space<vmem>>
        %dma_start3A_321 = arith.constant 0 : i32
        %dma_start3A_322 = arith.constant 0 : i32
        %dma_start3A_323 = tpu.memref_slice %arg6[%dma_start3A_321, %dma_start3A_322] : memref<10240x128xf32, #tpu.memory_space<vmem_shared>> -> memref<10240x128xf32, #tpu.memory_space<vmem_shared>>
        tpu.enqueue_indirect_dma source(%arg9 : memref<64x128xf32, #tpu.memory_space<vmem>>) target(%dma_start3A_323 : memref<10240x128xf32, #tpu.memory_space<vmem_shared>>) offsets(%dma_start3A_320 : memref<64xi32, #tpu.memory_space<vmem>>) semaphore(%run_scoped3A_317 : memref<!tpu.dma_semaphore, #tpu.memory_space<semaphore_mem>>) {add = true}
        %dma_wait3A_324 = arith.constant 0 : i32
        %dma_wait3A_325 = tpu.memref_slice %arg8[%run_scoped3A_232, %dma_wait3A_324] : memref<16x64xi32, #tpu.memory_space<vmem>> -> memref<1x64xi32, #tpu.memory_space<vmem>>
        %dma_wait3A_326 = tpu.memref_squeeze %dma_wait3A_325 : memref<1x64xi32, #tpu.memory_space<vmem>> -> memref<64xi32, #tpu.memory_space<vmem>>
        %dma_wait3A_327 = arith.constant 0 : i32
        %dma_wait3A_328 = arith.constant 0 : i32
        %dma_wait3A_329 = tpu.memref_slice %arg6[%dma_wait3A_327, %dma_wait3A_328] : memref<10240x128xf32, #tpu.memory_space<vmem_shared>> -> memref<10240x128xf32, #tpu.memory_space<vmem_shared>>
        tpu.wait_indirect_dma semaphore(%run_scoped3A_317 : memref<!tpu.dma_semaphore, #tpu.memory_space<semaphore_mem>>) src(%arg9 : memref<64x128xf32, #tpu.memory_space<vmem>>) dst(%dma_wait3A_329 : memref<10240x128xf32, #tpu.memory_space<vmem_shared>>)
        tpu.yield
      }) : () -> ()
      %dma_wait3A_233 = arith.constant 9 : i32
      %dma_wait3A_234 = arith.constant 0 : i32
      %dma_wait3A_235 = tpu.memref_slice %arg7[%dma_wait3A_233, %dma_wait3A_234] : memref<16x64xi32, #tpu.memory_space<vmem>> -> memref<1x64xi32, #tpu.memory_space<vmem>>
      %dma_wait3A_236 = tpu.memref_squeeze %dma_wait3A_235 : memref<1x64xi32, #tpu.memory_space<vmem>> -> memref<64xi32, #tpu.memory_space<vmem>>
      %dma_wait3A_237 = arith.constant 0 : i32
      %dma_wait3A_238 = arith.constant 0 : i32
      %dma_wait3A_239 = tpu.memref_slice %arg2[%dma_wait3A_237, %dma_wait3A_238] : memref<10240x128xf32, #tpu.memory_space<hbm>> -> memref<10240x128xf32, #tpu.memory_space<hbm>>
      tpu.wait_indirect_dma semaphore(%arg14 : memref<!tpu.dma_semaphore, #tpu.memory_space<semaphore_mem>>) src(%dma_wait3A_239 : memref<10240x128xf32, #tpu.memory_space<hbm>>) dst(%arg10 : memref<64x128xf32, #tpu.memory_space<vmem>>)
      %dma_start3A_240 = arith.constant 12 : i32
      %dma_start3A_241 = arith.constant 0 : i32
      %dma_start3A_242 = tpu.memref_slice %arg7[%dma_start3A_240, %dma_start3A_241] : memref<16x64xi32, #tpu.memory_space<vmem>> -> memref<1x64xi32, #tpu.memory_space<vmem>>
      %dma_start3A_243 = tpu.memref_squeeze %dma_start3A_242 : memref<1x64xi32, #tpu.memory_space<vmem>> -> memref<64xi32, #tpu.memory_space<vmem>>
      %dma_start3A_244 = arith.constant 0 : i32
      %dma_start3A_245 = arith.constant 0 : i32
      %dma_start3A_246 = tpu.memref_slice %arg2[%dma_start3A_244, %dma_start3A_245] : memref<10240x128xf32, #tpu.memory_space<hbm>> -> memref<10240x128xf32, #tpu.memory_space<hbm>>
      tpu.enqueue_indirect_dma source(%dma_start3A_246 : memref<10240x128xf32, #tpu.memory_space<hbm>>) target(%arg9 : memref<64x128xf32, #tpu.memory_space<vmem>>) offsets(%dma_start3A_243 : memref<64xi32, #tpu.memory_space<vmem>>) semaphore(%arg13 : memref<!tpu.dma_semaphore, #tpu.memory_space<semaphore_mem>>)
      %run_scoped3A_247 = arith.constant 9 : i32
      "tpu.region"() ({
        %run_scoped3A_317 = tpu.sem_alloc : memref<!tpu.dma_semaphore, #tpu.memory_space<semaphore_mem>>
        %dma_start3A_318 = arith.constant 0 : i32
        %dma_start3A_319 = tpu.memref_slice %arg8[%run_scoped3A_247, %dma_start3A_318] : memref<16x64xi32, #tpu.memory_space<vmem>> -> memref<1x64xi32, #tpu.memory_space<vmem>>
        %dma_start3A_320 = tpu.memref_squeeze %dma_start3A_319 : memref<1x64xi32, #tpu.memory_space<vmem>> -> memref<64xi32, #tpu.memory_space<vmem>>
        %dma_start3A_321 = arith.constant 0 : i32
        %dma_start3A_322 = arith.constant 0 : i32
        %dma_start3A_323 = tpu.memref_slice %arg6[%dma_start3A_321, %dma_start3A_322] : memref<10240x128xf32, #tpu.memory_space<vmem_shared>> -> memref<10240x128xf32, #tpu.memory_space<vmem_shared>>
        tpu.enqueue_indirect_dma source(%arg10 : memref<64x128xf32, #tpu.memory_space<vmem>>) target(%dma_start3A_323 : memref<10240x128xf32, #tpu.memory_space<vmem_shared>>) offsets(%dma_start3A_320 : memref<64xi32, #tpu.memory_space<vmem>>) semaphore(%run_scoped3A_317 : memref<!tpu.dma_semaphore, #tpu.memory_space<semaphore_mem>>) {add = true}
        %dma_wait3A_324 = arith.constant 0 : i32
        %dma_wait3A_325 = tpu.memref_slice %arg8[%run_scoped3A_247, %dma_wait3A_324] : memref<16x64xi32, #tpu.memory_space<vmem>> -> memref<1x64xi32, #tpu.memory_space<vmem>>
        %dma_wait3A_326 = tpu.memref_squeeze %dma_wait3A_325 : memref<1x64xi32, #tpu.memory_space<vmem>> -> memref<64xi32, #tpu.memory_space<vmem>>
        %dma_wait3A_327 = arith.constant 0 : i32
        %dma_wait3A_328 = arith.constant 0 : i32
        %dma_wait3A_329 = tpu.memref_slice %arg6[%dma_wait3A_327, %dma_wait3A_328] : memref<10240x128xf32, #tpu.memory_space<vmem_shared>> -> memref<10240x128xf32, #tpu.memory_space<vmem_shared>>
        tpu.wait_indirect_dma semaphore(%run_scoped3A_317 : memref<!tpu.dma_semaphore, #tpu.memory_space<semaphore_mem>>) src(%arg10 : memref<64x128xf32, #tpu.memory_space<vmem>>) dst(%dma_wait3A_329 : memref<10240x128xf32, #tpu.memory_space<vmem_shared>>)
        tpu.yield
      }) : () -> ()
      %dma_wait3A_248 = arith.constant 10 : i32
      %dma_wait3A_249 = arith.constant 0 : i32
      %dma_wait3A_250 = tpu.memref_slice %arg7[%dma_wait3A_248, %dma_wait3A_249] : memref<16x64xi32, #tpu.memory_space<vmem>> -> memref<1x64xi32, #tpu.memory_space<vmem>>
      %dma_wait3A_251 = tpu.memref_squeeze %dma_wait3A_250 : memref<1x64xi32, #tpu.memory_space<vmem>> -> memref<64xi32, #tpu.memory_space<vmem>>
      %dma_wait3A_252 = arith.constant 0 : i32
      %dma_wait3A_253 = arith.constant 0 : i32
      %dma_wait3A_254 = tpu.memref_slice %arg2[%dma_wait3A_252, %dma_wait3A_253] : memref<10240x128xf32, #tpu.memory_space<hbm>> -> memref<10240x128xf32, #tpu.memory_space<hbm>>
      tpu.wait_indirect_dma semaphore(%arg15 : memref<!tpu.dma_semaphore, #tpu.memory_space<semaphore_mem>>) src(%dma_wait3A_254 : memref<10240x128xf32, #tpu.memory_space<hbm>>) dst(%arg11 : memref<64x128xf32, #tpu.memory_space<vmem>>)
      %dma_start3A_255 = arith.constant 13 : i32
      %dma_start3A_256 = arith.constant 0 : i32
      %dma_start3A_257 = tpu.memref_slice %arg7[%dma_start3A_255, %dma_start3A_256] : memref<16x64xi32, #tpu.memory_space<vmem>> -> memref<1x64xi32, #tpu.memory_space<vmem>>
      %dma_start3A_258 = tpu.memref_squeeze %dma_start3A_257 : memref<1x64xi32, #tpu.memory_space<vmem>> -> memref<64xi32, #tpu.memory_space<vmem>>
      %dma_start3A_259 = arith.constant 0 : i32
      %dma_start3A_260 = arith.constant 0 : i32
      %dma_start3A_261 = tpu.memref_slice %arg2[%dma_start3A_259, %dma_start3A_260] : memref<10240x128xf32, #tpu.memory_space<hbm>> -> memref<10240x128xf32, #tpu.memory_space<hbm>>
      tpu.enqueue_indirect_dma source(%dma_start3A_261 : memref<10240x128xf32, #tpu.memory_space<hbm>>) target(%arg10 : memref<64x128xf32, #tpu.memory_space<vmem>>) offsets(%dma_start3A_258 : memref<64xi32, #tpu.memory_space<vmem>>) semaphore(%arg14 : memref<!tpu.dma_semaphore, #tpu.memory_space<semaphore_mem>>)
      %run_scoped3A_262 = arith.constant 10 : i32
      "tpu.region"() ({
        %run_scoped3A_317 = tpu.sem_alloc : memref<!tpu.dma_semaphore, #tpu.memory_space<semaphore_mem>>
        %dma_start3A_318 = arith.constant 0 : i32
        %dma_start3A_319 = tpu.memref_slice %arg8[%run_scoped3A_262, %dma_start3A_318] : memref<16x64xi32, #tpu.memory_space<vmem>> -> memref<1x64xi32, #tpu.memory_space<vmem>>
        %dma_start3A_320 = tpu.memref_squeeze %dma_start3A_319 : memref<1x64xi32, #tpu.memory_space<vmem>> -> memref<64xi32, #tpu.memory_space<vmem>>
        %dma_start3A_321 = arith.constant 0 : i32
        %dma_start3A_322 = arith.constant 0 : i32
        %dma_start3A_323 = tpu.memref_slice %arg6[%dma_start3A_321, %dma_start3A_322] : memref<10240x128xf32, #tpu.memory_space<vmem_shared>> -> memref<10240x128xf32, #tpu.memory_space<vmem_shared>>
        tpu.enqueue_indirect_dma source(%arg11 : memref<64x128xf32, #tpu.memory_space<vmem>>) target(%dma_start3A_323 : memref<10240x128xf32, #tpu.memory_space<vmem_shared>>) offsets(%dma_start3A_320 : memref<64xi32, #tpu.memory_space<vmem>>) semaphore(%run_scoped3A_317 : memref<!tpu.dma_semaphore, #tpu.memory_space<semaphore_mem>>) {add = true}
        %dma_wait3A_324 = arith.constant 0 : i32
        %dma_wait3A_325 = tpu.memref_slice %arg8[%run_scoped3A_262, %dma_wait3A_324] : memref<16x64xi32, #tpu.memory_space<vmem>> -> memref<1x64xi32, #tpu.memory_space<vmem>>
        %dma_wait3A_326 = tpu.memref_squeeze %dma_wait3A_325 : memref<1x64xi32, #tpu.memory_space<vmem>> -> memref<64xi32, #tpu.memory_space<vmem>>
        %dma_wait3A_327 = arith.constant 0 : i32
        %dma_wait3A_328 = arith.constant 0 : i32
        %dma_wait3A_329 = tpu.memref_slice %arg6[%dma_wait3A_327, %dma_wait3A_328] : memref<10240x128xf32, #tpu.memory_space<vmem_shared>> -> memref<10240x128xf32, #tpu.memory_space<vmem_shared>>
        tpu.wait_indirect_dma semaphore(%run_scoped3A_317 : memref<!tpu.dma_semaphore, #tpu.memory_space<semaphore_mem>>) src(%arg11 : memref<64x128xf32, #tpu.memory_space<vmem>>) dst(%dma_wait3A_329 : memref<10240x128xf32, #tpu.memory_space<vmem_shared>>)
        tpu.yield
      }) : () -> ()
      %dma_wait3A_263 = arith.constant 11 : i32
      %dma_wait3A_264 = arith.constant 0 : i32
      %dma_wait3A_265 = tpu.memref_slice %arg7[%dma_wait3A_263, %dma_wait3A_264] : memref<16x64xi32, #tpu.memory_space<vmem>> -> memref<1x64xi32, #tpu.memory_space<vmem>>
      %dma_wait3A_266 = tpu.memref_squeeze %dma_wait3A_265 : memref<1x64xi32, #tpu.memory_space<vmem>> -> memref<64xi32, #tpu.memory_space<vmem>>
      %dma_wait3A_267 = arith.constant 0 : i32
      %dma_wait3A_268 = arith.constant 0 : i32
      %dma_wait3A_269 = tpu.memref_slice %arg2[%dma_wait3A_267, %dma_wait3A_268] : memref<10240x128xf32, #tpu.memory_space<hbm>> -> memref<10240x128xf32, #tpu.memory_space<hbm>>
      tpu.wait_indirect_dma semaphore(%arg16 : memref<!tpu.dma_semaphore, #tpu.memory_space<semaphore_mem>>) src(%dma_wait3A_269 : memref<10240x128xf32, #tpu.memory_space<hbm>>) dst(%arg12 : memref<64x128xf32, #tpu.memory_space<vmem>>)
      %dma_start3A_270 = arith.constant 14 : i32
      %dma_start3A_271 = arith.constant 0 : i32
      %dma_start3A_272 = tpu.memref_slice %arg7[%dma_start3A_270, %dma_start3A_271] : memref<16x64xi32, #tpu.memory_space<vmem>> -> memref<1x64xi32, #tpu.memory_space<vmem>>
      %dma_start3A_273 = tpu.memref_squeeze %dma_start3A_272 : memref<1x64xi32, #tpu.memory_space<vmem>> -> memref<64xi32, #tpu.memory_space<vmem>>
      %dma_start3A_274 = arith.constant 0 : i32
      %dma_start3A_275 = arith.constant 0 : i32
      %dma_start3A_276 = tpu.memref_slice %arg2[%dma_start3A_274, %dma_start3A_275] : memref<10240x128xf32, #tpu.memory_space<hbm>> -> memref<10240x128xf32, #tpu.memory_space<hbm>>
      tpu.enqueue_indirect_dma source(%dma_start3A_276 : memref<10240x128xf32, #tpu.memory_space<hbm>>) target(%arg11 : memref<64x128xf32, #tpu.memory_space<vmem>>) offsets(%dma_start3A_273 : memref<64xi32, #tpu.memory_space<vmem>>) semaphore(%arg15 : memref<!tpu.dma_semaphore, #tpu.memory_space<semaphore_mem>>)
      %run_scoped3A_277 = arith.constant 11 : i32
      "tpu.region"() ({
        %run_scoped3A_317 = tpu.sem_alloc : memref<!tpu.dma_semaphore, #tpu.memory_space<semaphore_mem>>
        %dma_start3A_318 = arith.constant 0 : i32
        %dma_start3A_319 = tpu.memref_slice %arg8[%run_scoped3A_277, %dma_start3A_318] : memref<16x64xi32, #tpu.memory_space<vmem>> -> memref<1x64xi32, #tpu.memory_space<vmem>>
        %dma_start3A_320 = tpu.memref_squeeze %dma_start3A_319 : memref<1x64xi32, #tpu.memory_space<vmem>> -> memref<64xi32, #tpu.memory_space<vmem>>
        %dma_start3A_321 = arith.constant 0 : i32
        %dma_start3A_322 = arith.constant 0 : i32
        %dma_start3A_323 = tpu.memref_slice %arg6[%dma_start3A_321, %dma_start3A_322] : memref<10240x128xf32, #tpu.memory_space<vmem_shared>> -> memref<10240x128xf32, #tpu.memory_space<vmem_shared>>
        tpu.enqueue_indirect_dma source(%arg12 : memref<64x128xf32, #tpu.memory_space<vmem>>) target(%dma_start3A_323 : memref<10240x128xf32, #tpu.memory_space<vmem_shared>>) offsets(%dma_start3A_320 : memref<64xi32, #tpu.memory_space<vmem>>) semaphore(%run_scoped3A_317 : memref<!tpu.dma_semaphore, #tpu.memory_space<semaphore_mem>>) {add = true}
        %dma_wait3A_324 = arith.constant 0 : i32
        %dma_wait3A_325 = tpu.memref_slice %arg8[%run_scoped3A_277, %dma_wait3A_324] : memref<16x64xi32, #tpu.memory_space<vmem>> -> memref<1x64xi32, #tpu.memory_space<vmem>>
        %dma_wait3A_326 = tpu.memref_squeeze %dma_wait3A_325 : memref<1x64xi32, #tpu.memory_space<vmem>> -> memref<64xi32, #tpu.memory_space<vmem>>
        %dma_wait3A_327 = arith.constant 0 : i32
        %dma_wait3A_328 = arith.constant 0 : i32
        %dma_wait3A_329 = tpu.memref_slice %arg6[%dma_wait3A_327, %dma_wait3A_328] : memref<10240x128xf32, #tpu.memory_space<vmem_shared>> -> memref<10240x128xf32, #tpu.memory_space<vmem_shared>>
        tpu.wait_indirect_dma semaphore(%run_scoped3A_317 : memref<!tpu.dma_semaphore, #tpu.memory_space<semaphore_mem>>) src(%arg12 : memref<64x128xf32, #tpu.memory_space<vmem>>) dst(%dma_wait3A_329 : memref<10240x128xf32, #tpu.memory_space<vmem_shared>>)
        tpu.yield
      }) : () -> ()
      %dma_wait3A_278 = arith.constant 12 : i32
      %dma_wait3A_279 = arith.constant 0 : i32
      %dma_wait3A_280 = tpu.memref_slice %arg7[%dma_wait3A_278, %dma_wait3A_279] : memref<16x64xi32, #tpu.memory_space<vmem>> -> memref<1x64xi32, #tpu.memory_space<vmem>>
      %dma_wait3A_281 = tpu.memref_squeeze %dma_wait3A_280 : memref<1x64xi32, #tpu.memory_space<vmem>> -> memref<64xi32, #tpu.memory_space<vmem>>
      %dma_wait3A_282 = arith.constant 0 : i32
      %dma_wait3A_283 = arith.constant 0 : i32
      %dma_wait3A_284 = tpu.memref_slice %arg2[%dma_wait3A_282, %dma_wait3A_283] : memref<10240x128xf32, #tpu.memory_space<hbm>> -> memref<10240x128xf32, #tpu.memory_space<hbm>>
      tpu.wait_indirect_dma semaphore(%arg13 : memref<!tpu.dma_semaphore, #tpu.memory_space<semaphore_mem>>) src(%dma_wait3A_284 : memref<10240x128xf32, #tpu.memory_space<hbm>>) dst(%arg9 : memref<64x128xf32, #tpu.memory_space<vmem>>)
      %dma_start3A_285 = arith.constant 15 : i32
      %dma_start3A_286 = arith.constant 0 : i32
      %dma_start3A_287 = tpu.memref_slice %arg7[%dma_start3A_285, %dma_start3A_286] : memref<16x64xi32, #tpu.memory_space<vmem>> -> memref<1x64xi32, #tpu.memory_space<vmem>>
      %dma_start3A_288 = tpu.memref_squeeze %dma_start3A_287 : memref<1x64xi32, #tpu.memory_space<vmem>> -> memref<64xi32, #tpu.memory_space<vmem>>
      %dma_start3A_289 = arith.constant 0 : i32
      %dma_start3A_290 = arith.constant 0 : i32
      %dma_start3A_291 = tpu.memref_slice %arg2[%dma_start3A_289, %dma_start3A_290] : memref<10240x128xf32, #tpu.memory_space<hbm>> -> memref<10240x128xf32, #tpu.memory_space<hbm>>
      tpu.enqueue_indirect_dma source(%dma_start3A_291 : memref<10240x128xf32, #tpu.memory_space<hbm>>) target(%arg12 : memref<64x128xf32, #tpu.memory_space<vmem>>) offsets(%dma_start3A_288 : memref<64xi32, #tpu.memory_space<vmem>>) semaphore(%arg16 : memref<!tpu.dma_semaphore, #tpu.memory_space<semaphore_mem>>)
      %run_scoped3A_292 = arith.constant 12 : i32
      "tpu.region"() ({
        %run_scoped3A_317 = tpu.sem_alloc : memref<!tpu.dma_semaphore, #tpu.memory_space<semaphore_mem>>
        %dma_start3A_318 = arith.constant 0 : i32
        %dma_start3A_319 = tpu.memref_slice %arg8[%run_scoped3A_292, %dma_start3A_318] : memref<16x64xi32, #tpu.memory_space<vmem>> -> memref<1x64xi32, #tpu.memory_space<vmem>>
        %dma_start3A_320 = tpu.memref_squeeze %dma_start3A_319 : memref<1x64xi32, #tpu.memory_space<vmem>> -> memref<64xi32, #tpu.memory_space<vmem>>
        %dma_start3A_321 = arith.constant 0 : i32
        %dma_start3A_322 = arith.constant 0 : i32
        %dma_start3A_323 = tpu.memref_slice %arg6[%dma_start3A_321, %dma_start3A_322] : memref<10240x128xf32, #tpu.memory_space<vmem_shared>> -> memref<10240x128xf32, #tpu.memory_space<vmem_shared>>
        tpu.enqueue_indirect_dma source(%arg9 : memref<64x128xf32, #tpu.memory_space<vmem>>) target(%dma_start3A_323 : memref<10240x128xf32, #tpu.memory_space<vmem_shared>>) offsets(%dma_start3A_320 : memref<64xi32, #tpu.memory_space<vmem>>) semaphore(%run_scoped3A_317 : memref<!tpu.dma_semaphore, #tpu.memory_space<semaphore_mem>>) {add = true}
        %dma_wait3A_324 = arith.constant 0 : i32
        %dma_wait3A_325 = tpu.memref_slice %arg8[%run_scoped3A_292, %dma_wait3A_324] : memref<16x64xi32, #tpu.memory_space<vmem>> -> memref<1x64xi32, #tpu.memory_space<vmem>>
        %dma_wait3A_326 = tpu.memref_squeeze %dma_wait3A_325 : memref<1x64xi32, #tpu.memory_space<vmem>> -> memref<64xi32, #tpu.memory_space<vmem>>
        %dma_wait3A_327 = arith.constant 0 : i32
        %dma_wait3A_328 = arith.constant 0 : i32
        %dma_wait3A_329 = tpu.memref_slice %arg6[%dma_wait3A_327, %dma_wait3A_328] : memref<10240x128xf32, #tpu.memory_space<vmem_shared>> -> memref<10240x128xf32, #tpu.memory_space<vmem_shared>>
        tpu.wait_indirect_dma semaphore(%run_scoped3A_317 : memref<!tpu.dma_semaphore, #tpu.memory_space<semaphore_mem>>) src(%arg9 : memref<64x128xf32, #tpu.memory_space<vmem>>) dst(%dma_wait3A_329 : memref<10240x128xf32, #tpu.memory_space<vmem_shared>>)
        tpu.yield
      }) : () -> ()
      %dma_wait3A_293 = arith.constant 13 : i32
      %dma_wait3A_294 = arith.constant 0 : i32
      %dma_wait3A_295 = tpu.memref_slice %arg7[%dma_wait3A_293, %dma_wait3A_294] : memref<16x64xi32, #tpu.memory_space<vmem>> -> memref<1x64xi32, #tpu.memory_space<vmem>>
      %dma_wait3A_296 = tpu.memref_squeeze %dma_wait3A_295 : memref<1x64xi32, #tpu.memory_space<vmem>> -> memref<64xi32, #tpu.memory_space<vmem>>
      %dma_wait3A_297 = arith.constant 0 : i32
      %dma_wait3A_298 = arith.constant 0 : i32
      %dma_wait3A_299 = tpu.memref_slice %arg2[%dma_wait3A_297, %dma_wait3A_298] : memref<10240x128xf32, #tpu.memory_space<hbm>> -> memref<10240x128xf32, #tpu.memory_space<hbm>>
      tpu.wait_indirect_dma semaphore(%arg14 : memref<!tpu.dma_semaphore, #tpu.memory_space<semaphore_mem>>) src(%dma_wait3A_299 : memref<10240x128xf32, #tpu.memory_space<hbm>>) dst(%arg10 : memref<64x128xf32, #tpu.memory_space<vmem>>)
      %run_scoped3A_300 = arith.constant 13 : i32
      "tpu.region"() ({
        %run_scoped3A_317 = tpu.sem_alloc : memref<!tpu.dma_semaphore, #tpu.memory_space<semaphore_mem>>
        %dma_start3A_318 = arith.constant 0 : i32
        %dma_start3A_319 = tpu.memref_slice %arg8[%run_scoped3A_300, %dma_start3A_318] : memref<16x64xi32, #tpu.memory_space<vmem>> -> memref<1x64xi32, #tpu.memory_space<vmem>>
        %dma_start3A_320 = tpu.memref_squeeze %dma_start3A_319 : memref<1x64xi32, #tpu.memory_space<vmem>> -> memref<64xi32, #tpu.memory_space<vmem>>
        %dma_start3A_321 = arith.constant 0 : i32
        %dma_start3A_322 = arith.constant 0 : i32
        %dma_start3A_323 = tpu.memref_slice %arg6[%dma_start3A_321, %dma_start3A_322] : memref<10240x128xf32, #tpu.memory_space<vmem_shared>> -> memref<10240x128xf32, #tpu.memory_space<vmem_shared>>
        tpu.enqueue_indirect_dma source(%arg10 : memref<64x128xf32, #tpu.memory_space<vmem>>) target(%dma_start3A_323 : memref<10240x128xf32, #tpu.memory_space<vmem_shared>>) offsets(%dma_start3A_320 : memref<64xi32, #tpu.memory_space<vmem>>) semaphore(%run_scoped3A_317 : memref<!tpu.dma_semaphore, #tpu.memory_space<semaphore_mem>>) {add = true}
        %dma_wait3A_324 = arith.constant 0 : i32
        %dma_wait3A_325 = tpu.memref_slice %arg8[%run_scoped3A_300, %dma_wait3A_324] : memref<16x64xi32, #tpu.memory_space<vmem>> -> memref<1x64xi32, #tpu.memory_space<vmem>>
        %dma_wait3A_326 = tpu.memref_squeeze %dma_wait3A_325 : memref<1x64xi32, #tpu.memory_space<vmem>> -> memref<64xi32, #tpu.memory_space<vmem>>
        %dma_wait3A_327 = arith.constant 0 : i32
        %dma_wait3A_328 = arith.constant 0 : i32
        %dma_wait3A_329 = tpu.memref_slice %arg6[%dma_wait3A_327, %dma_wait3A_328] : memref<10240x128xf32, #tpu.memory_space<vmem_shared>> -> memref<10240x128xf32, #tpu.memory_space<vmem_shared>>
        tpu.wait_indirect_dma semaphore(%run_scoped3A_317 : memref<!tpu.dma_semaphore, #tpu.memory_space<semaphore_mem>>) src(%arg10 : memref<64x128xf32, #tpu.memory_space<vmem>>) dst(%dma_wait3A_329 : memref<10240x128xf32, #tpu.memory_space<vmem_shared>>)
        tpu.yield
      }) : () -> ()
      %dma_wait3A_301 = arith.constant 14 : i32
      %dma_wait3A_302 = arith.constant 0 : i32
      %dma_wait3A_303 = tpu.memref_slice %arg7[%dma_wait3A_301, %dma_wait3A_302] : memref<16x64xi32, #tpu.memory_space<vmem>> -> memref<1x64xi32, #tpu.memory_space<vmem>>
      %dma_wait3A_304 = tpu.memref_squeeze %dma_wait3A_303 : memref<1x64xi32, #tpu.memory_space<vmem>> -> memref<64xi32, #tpu.memory_space<vmem>>
      %dma_wait3A_305 = arith.constant 0 : i32
      %dma_wait3A_306 = arith.constant 0 : i32
      %dma_wait3A_307 = tpu.memref_slice %arg2[%dma_wait3A_305, %dma_wait3A_306] : memref<10240x128xf32, #tpu.memory_space<hbm>> -> memref<10240x128xf32, #tpu.memory_space<hbm>>
      tpu.wait_indirect_dma semaphore(%arg15 : memref<!tpu.dma_semaphore, #tpu.memory_space<semaphore_mem>>) src(%dma_wait3A_307 : memref<10240x128xf32, #tpu.memory_space<hbm>>) dst(%arg11 : memref<64x128xf32, #tpu.memory_space<vmem>>)
      %run_scoped3A_308 = arith.constant 14 : i32
      "tpu.region"() ({
        %run_scoped3A_317 = tpu.sem_alloc : memref<!tpu.dma_semaphore, #tpu.memory_space<semaphore_mem>>
        %dma_start3A_318 = arith.constant 0 : i32
        %dma_start3A_319 = tpu.memref_slice %arg8[%run_scoped3A_308, %dma_start3A_318] : memref<16x64xi32, #tpu.memory_space<vmem>> -> memref<1x64xi32, #tpu.memory_space<vmem>>
        %dma_start3A_320 = tpu.memref_squeeze %dma_start3A_319 : memref<1x64xi32, #tpu.memory_space<vmem>> -> memref<64xi32, #tpu.memory_space<vmem>>
        %dma_start3A_321 = arith.constant 0 : i32
        %dma_start3A_322 = arith.constant 0 : i32
        %dma_start3A_323 = tpu.memref_slice %arg6[%dma_start3A_321, %dma_start3A_322] : memref<10240x128xf32, #tpu.memory_space<vmem_shared>> -> memref<10240x128xf32, #tpu.memory_space<vmem_shared>>
        tpu.enqueue_indirect_dma source(%arg11 : memref<64x128xf32, #tpu.memory_space<vmem>>) target(%dma_start3A_323 : memref<10240x128xf32, #tpu.memory_space<vmem_shared>>) offsets(%dma_start3A_320 : memref<64xi32, #tpu.memory_space<vmem>>) semaphore(%run_scoped3A_317 : memref<!tpu.dma_semaphore, #tpu.memory_space<semaphore_mem>>) {add = true}
        %dma_wait3A_324 = arith.constant 0 : i32
        %dma_wait3A_325 = tpu.memref_slice %arg8[%run_scoped3A_308, %dma_wait3A_324] : memref<16x64xi32, #tpu.memory_space<vmem>> -> memref<1x64xi32, #tpu.memory_space<vmem>>
        %dma_wait3A_326 = tpu.memref_squeeze %dma_wait3A_325 : memref<1x64xi32, #tpu.memory_space<vmem>> -> memref<64xi32, #tpu.memory_space<vmem>>
        %dma_wait3A_327 = arith.constant 0 : i32
        %dma_wait3A_328 = arith.constant 0 : i32
        %dma_wait3A_329 = tpu.memref_slice %arg6[%dma_wait3A_327, %dma_wait3A_328] : memref<10240x128xf32, #tpu.memory_space<vmem_shared>> -> memref<10240x128xf32, #tpu.memory_space<vmem_shared>>
        tpu.wait_indirect_dma semaphore(%run_scoped3A_317 : memref<!tpu.dma_semaphore, #tpu.memory_space<semaphore_mem>>) src(%arg11 : memref<64x128xf32, #tpu.memory_space<vmem>>) dst(%dma_wait3A_329 : memref<10240x128xf32, #tpu.memory_space<vmem_shared>>)
        tpu.yield
      }) : () -> ()
      %dma_wait3A_309 = arith.constant 15 : i32
      %dma_wait3A_310 = arith.constant 0 : i32
      %dma_wait3A_311 = tpu.memref_slice %arg7[%dma_wait3A_309, %dma_wait3A_310] : memref<16x64xi32, #tpu.memory_space<vmem>> -> memref<1x64xi32, #tpu.memory_space<vmem>>
      %dma_wait3A_312 = tpu.memref_squeeze %dma_wait3A_311 : memref<1x64xi32, #tpu.memory_space<vmem>> -> memref<64xi32, #tpu.memory_space<vmem>>
      %dma_wait3A_313 = arith.constant 0 : i32
      %dma_wait3A_314 = arith.constant 0 : i32
      %dma_wait3A_315 = tpu.memref_slice %arg2[%dma_wait3A_313, %dma_wait3A_314] : memref<10240x128xf32, #tpu.memory_space<hbm>> -> memref<10240x128xf32, #tpu.memory_space<hbm>>
      tpu.wait_indirect_dma semaphore(%arg16 : memref<!tpu.dma_semaphore, #tpu.memory_space<semaphore_mem>>) src(%dma_wait3A_315 : memref<10240x128xf32, #tpu.memory_space<hbm>>) dst(%arg12 : memref<64x128xf32, #tpu.memory_space<vmem>>)
      %run_scoped3A_316 = arith.constant 15 : i32
      "tpu.region"() ({
        %run_scoped3A_317 = tpu.sem_alloc : memref<!tpu.dma_semaphore, #tpu.memory_space<semaphore_mem>>
        %dma_start3A_318 = arith.constant 0 : i32
        %dma_start3A_319 = tpu.memref_slice %arg8[%run_scoped3A_316, %dma_start3A_318] : memref<16x64xi32, #tpu.memory_space<vmem>> -> memref<1x64xi32, #tpu.memory_space<vmem>>
        %dma_start3A_320 = tpu.memref_squeeze %dma_start3A_319 : memref<1x64xi32, #tpu.memory_space<vmem>> -> memref<64xi32, #tpu.memory_space<vmem>>
        %dma_start3A_321 = arith.constant 0 : i32
        %dma_start3A_322 = arith.constant 0 : i32
        %dma_start3A_323 = tpu.memref_slice %arg6[%dma_start3A_321, %dma_start3A_322] : memref<10240x128xf32, #tpu.memory_space<vmem_shared>> -> memref<10240x128xf32, #tpu.memory_space<vmem_shared>>
        tpu.enqueue_indirect_dma source(%arg12 : memref<64x128xf32, #tpu.memory_space<vmem>>) target(%dma_start3A_323 : memref<10240x128xf32, #tpu.memory_space<vmem_shared>>) offsets(%dma_start3A_320 : memref<64xi32, #tpu.memory_space<vmem>>) semaphore(%run_scoped3A_317 : memref<!tpu.dma_semaphore, #tpu.memory_space<semaphore_mem>>) {add = true}
        %dma_wait3A_324 = arith.constant 0 : i32
        %dma_wait3A_325 = tpu.memref_slice %arg8[%run_scoped3A_316, %dma_wait3A_324] : memref<16x64xi32, #tpu.memory_space<vmem>> -> memref<1x64xi32, #tpu.memory_space<vmem>>
        %dma_wait3A_326 = tpu.memref_squeeze %dma_wait3A_325 : memref<1x64xi32, #tpu.memory_space<vmem>> -> memref<64xi32, #tpu.memory_space<vmem>>
        %dma_wait3A_327 = arith.constant 0 : i32
        %dma_wait3A_328 = arith.constant 0 : i32
        %dma_wait3A_329 = tpu.memref_slice %arg6[%dma_wait3A_327, %dma_wait3A_328] : memref<10240x128xf32, #tpu.memory_space<vmem_shared>> -> memref<10240x128xf32, #tpu.memory_space<vmem_shared>>
        tpu.wait_indirect_dma semaphore(%run_scoped3A_317 : memref<!tpu.dma_semaphore, #tpu.memory_space<semaphore_mem>>) src(%arg12 : memref<64x128xf32, #tpu.memory_space<vmem>>) dst(%dma_wait3A_329 : memref<10240x128xf32, #tpu.memory_space<vmem_shared>>)
        tpu.yield
      }) : () -> ()
    }
    %scan3A_52 = arith.constant 10 : i32
    %barrier3A_53 = arith.constant 0 : index
    tpu.barrier barrier_id(%barrier3A_53)
    %mul3A_54 = arith.constant 640 : i32
    %mul3A_55 = arith.muli %arg1, %mul3A_54 : i32
    %add3A_56 = arith.constant 0 : i32
    %add3A_57 = arith.addi %mul3A_55, %add3A_56 : i32
    "tpu.region"() ({
      %run_scoped3A = tpu.sem_alloc : memref<!tpu.dma_semaphore, #tpu.memory_space<semaphore_mem>>
      %dma_start3A = arith.constant 0 : i32
      %dma_start3A_74 = arith.constant 0 : i32
      %dma_start3A_75 = tpu.memref_slice %arg5[%arg0, %dma_start3A, %dma_start3A_74] : memref<2x10240x128xf32, #tpu.memory_space<hbm>> -> memref<1x10240x128xf32, #tpu.memory_space<hbm>>
      %dma_start3A_76 = tpu.memref_squeeze %dma_start3A_75 : memref<1x10240x128xf32, #tpu.memory_space<hbm>> -> memref<10240x128xf32, #tpu.memory_space<hbm>>
      %dma_start3A_77 = arith.constant 0 : i32
      %dma_start3A_78 = tpu.memref_slice %dma_start3A_76[%add3A_57, %dma_start3A_77] : memref<10240x128xf32, #tpu.memory_space<hbm>> -> memref<128x128xf32, #tpu.memory_space<hbm>>
      %dma_start3A_79 = arith.constant 0 : i32
      %dma_start3A_80 = tpu.memref_slice %arg6[%add3A_57, %dma_start3A_79] : memref<10240x128xf32, #tpu.memory_space<vmem_shared>> -> memref<128x128xf32, #tpu.memory_space<vmem_shared>>
      tpu.enqueue_dma source(%dma_start3A_80 : memref<128x128xf32, #tpu.memory_space<vmem_shared>>) target(%dma_start3A_78 : memref<128x128xf32, #tpu.memory_space<hbm>>) target_semaphore(%run_scoped3A : memref<!tpu.dma_semaphore, #tpu.memory_space<semaphore_mem>>)
      %dma_wait3A = arith.constant 0 : i32
      %dma_wait3A_81 = arith.constant 0 : i32
      %dma_wait3A_82 = tpu.memref_slice %arg5[%arg0, %dma_wait3A, %dma_wait3A_81] : memref<2x10240x128xf32, #tpu.memory_space<hbm>> -> memref<1x10240x128xf32, #tpu.memory_space<hbm>>
      %dma_wait3A_83 = tpu.memref_squeeze %dma_wait3A_82 : memref<1x10240x128xf32, #tpu.memory_space<hbm>> -> memref<10240x128xf32, #tpu.memory_space<hbm>>
      %dma_wait3A_84 = arith.constant 0 : i32
      %dma_wait3A_85 = tpu.memref_slice %dma_wait3A_83[%add3A_57, %dma_wait3A_84] : memref<10240x128xf32, #tpu.memory_space<hbm>> -> memref<128x128xf32, #tpu.memory_space<hbm>>
      %dma_wait3A_86 = arith.constant 0 : i32
      %dma_wait3A_87 = tpu.memref_slice %arg6[%add3A_57, %dma_wait3A_86] : memref<10240x128xf32, #tpu.memory_space<vmem_shared>> -> memref<128x128xf32, #tpu.memory_space<vmem_shared>>
      tpu.wait_dma2 semaphore(%run_scoped3A : memref<!tpu.dma_semaphore, #tpu.memory_space<semaphore_mem>>) src(%dma_wait3A_87 : memref<128x128xf32, #tpu.memory_space<vmem_shared>>) dst(%dma_wait3A_85 : memref<128x128xf32, #tpu.memory_space<hbm>>)
      tpu.yield
    }) : () -> ()
    %mul3A_58 = arith.constant 640 : i32
    %mul3A_59 = arith.muli %arg1, %mul3A_58 : i32
    %add3A_60 = arith.constant 128 : i32
    %add3A_61 = arith.addi %mul3A_59, %add3A_60 : i32
    "tpu.region"() ({
      %run_scoped3A = tpu.sem_alloc : memref<!tpu.dma_semaphore, #tpu.memory_space<semaphore_mem>>
      %dma_start3A = arith.constant 0 : i32
      %dma_start3A_74 = arith.constant 0 : i32
      %dma_start3A_75 = tpu.memref_slice %arg5[%arg0, %dma_start3A, %dma_start3A_74] : memref<2x10240x128xf32, #tpu.memory_space<hbm>> -> memref<1x10240x128xf32, #tpu.memory_space<hbm>>
      %dma_start3A_76 = tpu.memref_squeeze %dma_start3A_75 : memref<1x10240x128xf32, #tpu.memory_space<hbm>> -> memref<10240x128xf32, #tpu.memory_space<hbm>>
      %dma_start3A_77 = arith.constant 0 : i32
      %dma_start3A_78 = tpu.memref_slice %dma_start3A_76[%add3A_61, %dma_start3A_77] : memref<10240x128xf32, #tpu.memory_space<hbm>> -> memref<128x128xf32, #tpu.memory_space<hbm>>
      %dma_start3A_79 = arith.constant 0 : i32
      %dma_start3A_80 = tpu.memref_slice %arg6[%add3A_61, %dma_start3A_79] : memref<10240x128xf32, #tpu.memory_space<vmem_shared>> -> memref<128x128xf32, #tpu.memory_space<vmem_shared>>
      tpu.enqueue_dma source(%dma_start3A_80 : memref<128x128xf32, #tpu.memory_space<vmem_shared>>) target(%dma_start3A_78 : memref<128x128xf32, #tpu.memory_space<hbm>>) target_semaphore(%run_scoped3A : memref<!tpu.dma_semaphore, #tpu.memory_space<semaphore_mem>>)
      %dma_wait3A = arith.constant 0 : i32
      %dma_wait3A_81 = arith.constant 0 : i32
      %dma_wait3A_82 = tpu.memref_slice %arg5[%arg0, %dma_wait3A, %dma_wait3A_81] : memref<2x10240x128xf32, #tpu.memory_space<hbm>> -> memref<1x10240x128xf32, #tpu.memory_space<hbm>>
      %dma_wait3A_83 = tpu.memref_squeeze %dma_wait3A_82 : memref<1x10240x128xf32, #tpu.memory_space<hbm>> -> memref<10240x128xf32, #tpu.memory_space<hbm>>
      %dma_wait3A_84 = arith.constant 0 : i32
      %dma_wait3A_85 = tpu.memref_slice %dma_wait3A_83[%add3A_61, %dma_wait3A_84] : memref<10240x128xf32, #tpu.memory_space<hbm>> -> memref<128x128xf32, #tpu.memory_space<hbm>>
      %dma_wait3A_86 = arith.constant 0 : i32
      %dma_wait3A_87 = tpu.memref_slice %arg6[%add3A_61, %dma_wait3A_86] : memref<10240x128xf32, #tpu.memory_space<vmem_shared>> -> memref<128x128xf32, #tpu.memory_space<vmem_shared>>
      tpu.wait_dma2 semaphore(%run_scoped3A : memref<!tpu.dma_semaphore, #tpu.memory_space<semaphore_mem>>) src(%dma_wait3A_87 : memref<128x128xf32, #tpu.memory_space<vmem_shared>>) dst(%dma_wait3A_85 : memref<128x128xf32, #tpu.memory_space<hbm>>)
      tpu.yield
    }) : () -> ()
    %mul3A_62 = arith.constant 640 : i32
    %mul3A_63 = arith.muli %arg1, %mul3A_62 : i32
    %add3A_64 = arith.constant 256 : i32
    %add3A_65 = arith.addi %mul3A_63, %add3A_64 : i32
    "tpu.region"() ({
      %run_scoped3A = tpu.sem_alloc : memref<!tpu.dma_semaphore, #tpu.memory_space<semaphore_mem>>
      %dma_start3A = arith.constant 0 : i32
      %dma_start3A_74 = arith.constant 0 : i32
      %dma_start3A_75 = tpu.memref_slice %arg5[%arg0, %dma_start3A, %dma_start3A_74] : memref<2x10240x128xf32, #tpu.memory_space<hbm>> -> memref<1x10240x128xf32, #tpu.memory_space<hbm>>
      %dma_start3A_76 = tpu.memref_squeeze %dma_start3A_75 : memref<1x10240x128xf32, #tpu.memory_space<hbm>> -> memref<10240x128xf32, #tpu.memory_space<hbm>>
      %dma_start3A_77 = arith.constant 0 : i32
      %dma_start3A_78 = tpu.memref_slice %dma_start3A_76[%add3A_65, %dma_start3A_77] : memref<10240x128xf32, #tpu.memory_space<hbm>> -> memref<128x128xf32, #tpu.memory_space<hbm>>
      %dma_start3A_79 = arith.constant 0 : i32
      %dma_start3A_80 = tpu.memref_slice %arg6[%add3A_65, %dma_start3A_79] : memref<10240x128xf32, #tpu.memory_space<vmem_shared>> -> memref<128x128xf32, #tpu.memory_space<vmem_shared>>
      tpu.enqueue_dma source(%dma_start3A_80 : memref<128x128xf32, #tpu.memory_space<vmem_shared>>) target(%dma_start3A_78 : memref<128x128xf32, #tpu.memory_space<hbm>>) target_semaphore(%run_scoped3A : memref<!tpu.dma_semaphore, #tpu.memory_space<semaphore_mem>>)
      %dma_wait3A = arith.constant 0 : i32
      %dma_wait3A_81 = arith.constant 0 : i32
      %dma_wait3A_82 = tpu.memref_slice %arg5[%arg0, %dma_wait3A, %dma_wait3A_81] : memref<2x10240x128xf32, #tpu.memory_space<hbm>> -> memref<1x10240x128xf32, #tpu.memory_space<hbm>>
      %dma_wait3A_83 = tpu.memref_squeeze %dma_wait3A_82 : memref<1x10240x128xf32, #tpu.memory_space<hbm>> -> memref<10240x128xf32, #tpu.memory_space<hbm>>
      %dma_wait3A_84 = arith.constant 0 : i32
      %dma_wait3A_85 = tpu.memref_slice %dma_wait3A_83[%add3A_65, %dma_wait3A_84] : memref<10240x128xf32, #tpu.memory_space<hbm>> -> memref<128x128xf32, #tpu.memory_space<hbm>>
      %dma_wait3A_86 = arith.constant 0 : i32
      %dma_wait3A_87 = tpu.memref_slice %arg6[%add3A_65, %dma_wait3A_86] : memref<10240x128xf32, #tpu.memory_space<vmem_shared>> -> memref<128x128xf32, #tpu.memory_space<vmem_shared>>
      tpu.wait_dma2 semaphore(%run_scoped3A : memref<!tpu.dma_semaphore, #tpu.memory_space<semaphore_mem>>) src(%dma_wait3A_87 : memref<128x128xf32, #tpu.memory_space<vmem_shared>>) dst(%dma_wait3A_85 : memref<128x128xf32, #tpu.memory_space<hbm>>)
      tpu.yield
    }) : () -> ()
    %mul3A_66 = arith.constant 640 : i32
    %mul3A_67 = arith.muli %arg1, %mul3A_66 : i32
    %add3A_68 = arith.constant 384 : i32
    %add3A_69 = arith.addi %mul3A_67, %add3A_68 : i32
    "tpu.region"() ({
      %run_scoped3A = tpu.sem_alloc : memref<!tpu.dma_semaphore, #tpu.memory_space<semaphore_mem>>
      %dma_start3A = arith.constant 0 : i32
      %dma_start3A_74 = arith.constant 0 : i32
      %dma_start3A_75 = tpu.memref_slice %arg5[%arg0, %dma_start3A, %dma_start3A_74] : memref<2x10240x128xf32, #tpu.memory_space<hbm>> -> memref<1x10240x128xf32, #tpu.memory_space<hbm>>
      %dma_start3A_76 = tpu.memref_squeeze %dma_start3A_75 : memref<1x10240x128xf32, #tpu.memory_space<hbm>> -> memref<10240x128xf32, #tpu.memory_space<hbm>>
      %dma_start3A_77 = arith.constant 0 : i32
      %dma_start3A_78 = tpu.memref_slice %dma_start3A_76[%add3A_69, %dma_start3A_77] : memref<10240x128xf32, #tpu.memory_space<hbm>> -> memref<128x128xf32, #tpu.memory_space<hbm>>
      %dma_start3A_79 = arith.constant 0 : i32
      %dma_start3A_80 = tpu.memref_slice %arg6[%add3A_69, %dma_start3A_79] : memref<10240x128xf32, #tpu.memory_space<vmem_shared>> -> memref<128x128xf32, #tpu.memory_space<vmem_shared>>
      tpu.enqueue_dma source(%dma_start3A_80 : memref<128x128xf32, #tpu.memory_space<vmem_shared>>) target(%dma_start3A_78 : memref<128x128xf32, #tpu.memory_space<hbm>>) target_semaphore(%run_scoped3A : memref<!tpu.dma_semaphore, #tpu.memory_space<semaphore_mem>>)
      %dma_wait3A = arith.constant 0 : i32
      %dma_wait3A_81 = arith.constant 0 : i32
      %dma_wait3A_82 = tpu.memref_slice %arg5[%arg0, %dma_wait3A, %dma_wait3A_81] : memref<2x10240x128xf32, #tpu.memory_space<hbm>> -> memref<1x10240x128xf32, #tpu.memory_space<hbm>>
      %dma_wait3A_83 = tpu.memref_squeeze %dma_wait3A_82 : memref<1x10240x128xf32, #tpu.memory_space<hbm>> -> memref<10240x128xf32, #tpu.memory_space<hbm>>
      %dma_wait3A_84 = arith.constant 0 : i32
      %dma_wait3A_85 = tpu.memref_slice %dma_wait3A_83[%add3A_69, %dma_wait3A_84] : memref<10240x128xf32, #tpu.memory_space<hbm>> -> memref<128x128xf32, #tpu.memory_space<hbm>>
      %dma_wait3A_86 = arith.constant 0 : i32
      %dma_wait3A_87 = tpu.memref_slice %arg6[%add3A_69, %dma_wait3A_86] : memref<10240x128xf32, #tpu.memory_space<vmem_shared>> -> memref<128x128xf32, #tpu.memory_space<vmem_shared>>
      tpu.wait_dma2 semaphore(%run_scoped3A : memref<!tpu.dma_semaphore, #tpu.memory_space<semaphore_mem>>) src(%dma_wait3A_87 : memref<128x128xf32, #tpu.memory_space<vmem_shared>>) dst(%dma_wait3A_85 : memref<128x128xf32, #tpu.memory_space<hbm>>)
      tpu.yield
    }) : () -> ()
    %mul3A_70 = arith.constant 640 : i32
    %mul3A_71 = arith.muli %arg1, %mul3A_70 : i32
    %add3A_72 = arith.constant 512 : i32
    %add3A_73 = arith.addi %mul3A_71, %add3A_72 : i32
    "tpu.region"() ({
      %run_scoped3A = tpu.sem_alloc : memref<!tpu.dma_semaphore, #tpu.memory_space<semaphore_mem>>
      %dma_start3A = arith.constant 0 : i32
      %dma_start3A_74 = arith.constant 0 : i32
      %dma_start3A_75 = tpu.memref_slice %arg5[%arg0, %dma_start3A, %dma_start3A_74] : memref<2x10240x128xf32, #tpu.memory_space<hbm>> -> memref<1x10240x128xf32, #tpu.memory_space<hbm>>
      %dma_start3A_76 = tpu.memref_squeeze %dma_start3A_75 : memref<1x10240x128xf32, #tpu.memory_space<hbm>> -> memref<10240x128xf32, #tpu.memory_space<hbm>>
      %dma_start3A_77 = arith.constant 0 : i32
      %dma_start3A_78 = tpu.memref_slice %dma_start3A_76[%add3A_73, %dma_start3A_77] : memref<10240x128xf32, #tpu.memory_space<hbm>> -> memref<128x128xf32, #tpu.memory_space<hbm>>
      %dma_start3A_79 = arith.constant 0 : i32
      %dma_start3A_80 = tpu.memref_slice %arg6[%add3A_73, %dma_start3A_79] : memref<10240x128xf32, #tpu.memory_space<vmem_shared>> -> memref<128x128xf32, #tpu.memory_space<vmem_shared>>
      tpu.enqueue_dma source(%dma_start3A_80 : memref<128x128xf32, #tpu.memory_space<vmem_shared>>) target(%dma_start3A_78 : memref<128x128xf32, #tpu.memory_space<hbm>>) target_semaphore(%run_scoped3A : memref<!tpu.dma_semaphore, #tpu.memory_space<semaphore_mem>>)
      %dma_wait3A = arith.constant 0 : i32
      %dma_wait3A_81 = arith.constant 0 : i32
      %dma_wait3A_82 = tpu.memref_slice %arg5[%arg0, %dma_wait3A, %dma_wait3A_81] : memref<2x10240x128xf32, #tpu.memory_space<hbm>> -> memref<1x10240x128xf32, #tpu.memory_space<hbm>>
      %dma_wait3A_83 = tpu.memref_squeeze %dma_wait3A_82 : memref<1x10240x128xf32, #tpu.memory_space<hbm>> -> memref<10240x128xf32, #tpu.memory_space<hbm>>
      %dma_wait3A_84 = arith.constant 0 : i32
      %dma_wait3A_85 = tpu.memref_slice %dma_wait3A_83[%add3A_73, %dma_wait3A_84] : memref<10240x128xf32, #tpu.memory_space<hbm>> -> memref<128x128xf32, #tpu.memory_space<hbm>>
      %dma_wait3A_86 = arith.constant 0 : i32
      %dma_wait3A_87 = tpu.memref_slice %arg6[%add3A_73, %dma_wait3A_86] : memref<10240x128xf32, #tpu.memory_space<vmem_shared>> -> memref<128x128xf32, #tpu.memory_space<vmem_shared>>
      tpu.wait_dma2 semaphore(%run_scoped3A : memref<!tpu.dma_semaphore, #tpu.memory_space<semaphore_mem>>) src(%dma_wait3A_87 : memref<128x128xf32, #tpu.memory_space<vmem_shared>>) dst(%dma_wait3A_85 : memref<128x128xf32, #tpu.memory_space<hbm>>)
      tpu.yield
    }) : () -> ()
    return
  }
}

#map = affine_map<(d0, d1) -> (0, 0)>
#map1 = affine_map<(d0, d1) -> (0, 0, 0)>
module attributes {stable_mosaic.version = 14 : i64} {
  func.func @_deg_body(%arg0: i32, %arg1: i32, %arg2: memref<2560x128xi32, #tpu.memory_space<hbm>>, %arg3: memref<2x10240x128xf32, #tpu.memory_space<hbm>>, %arg4: memref<10240x128xf32, #tpu.memory_space<vmem_shared>>, %arg5: memref<80x128xi32, #tpu.memory_space<vmem>>, %arg6: memref<128x128xf32, #tpu.memory_space<vmem>>) attributes {dimension_semantics = [#tpu.dimension_semantics<core_parallel>, #tpu.dimension_semantics<subcore_parallel>], iteration_bounds = array<i64: 2, 16>, scalar_prefetch = 0 : i64, scratch_operands = 3 : i64, tpu.core_type = #tpu.core_type<sc_vector_subcore>, window_params = [{transform_indices = #map}, {transform_indices = #map1}]} {
    %mul3A = arith.constant 2 : i32
    %mul3A_0 = arith.muli %arg1, %mul3A : i32
    %add3A = arith.addi %mul3A_0, %arg0 : i32
    %mul3A_1 = arith.constant 80 : i32
    %mul3A_2 = arith.muli %add3A, %mul3A_1 : i32
    "tpu.region"() ({
      %run_scoped3A = tpu.sem_alloc : memref<!tpu.dma_semaphore, #tpu.memory_space<semaphore_mem>>
      %dma_start3A = arith.constant 0 : i32
      %dma_start3A_64 = tpu.memref_slice %arg2[%mul3A_2, %dma_start3A] : memref<2560x128xi32, #tpu.memory_space<hbm>> -> memref<80x128xi32, #tpu.memory_space<hbm>>
      %dma_start3A_65 = arith.constant 0 : i32
      %dma_start3A_66 = tpu.memref_slice %arg2[%mul3A_2, %dma_start3A_65] : memref<2560x128xi32, #tpu.memory_space<hbm>> -> memref<80x128xi32, #tpu.memory_space<hbm>>
      tpu.enqueue_dma source(%dma_start3A_66 : memref<80x128xi32, #tpu.memory_space<hbm>>) target(%arg5 : memref<80x128xi32, #tpu.memory_space<vmem>>) target_semaphore(%run_scoped3A : memref<!tpu.dma_semaphore, #tpu.memory_space<semaphore_mem>>)
      %dma_wait3A = arith.constant 0 : i32
      %dma_wait3A_67 = tpu.memref_slice %arg2[%mul3A_2, %dma_wait3A] : memref<2560x128xi32, #tpu.memory_space<hbm>> -> memref<80x128xi32, #tpu.memory_space<hbm>>
      %dma_wait3A_68 = arith.constant 0 : i32
      %dma_wait3A_69 = tpu.memref_slice %arg2[%mul3A_2, %dma_wait3A_68] : memref<2560x128xi32, #tpu.memory_space<hbm>> -> memref<80x128xi32, #tpu.memory_space<hbm>>
      tpu.wait_dma2 semaphore(%run_scoped3A : memref<!tpu.dma_semaphore, #tpu.memory_space<semaphore_mem>>) src(%dma_wait3A_69 : memref<80x128xi32, #tpu.memory_space<hbm>>) dst(%arg5 : memref<80x128xi32, #tpu.memory_space<vmem>>)
      tpu.yield
    }) : () -> ()
    %broadcast_in_dim3A = arith.constant 0.000000e+00 : f32
    %broadcast_in_dim3A_3 = vector.broadcast %broadcast_in_dim3A : f32 to vector<16xf32>
    %scan3A = arith.constant 0 : i32
    %scan3A_4 = arith.constant 0 : i32
    %scan3A_5 = arith.constant 128 : i32
    %scan3A_6 = arith.addi %scan3A_4, %scan3A_5 : i32
    %scan3A_7 = arith.constant 1 : i32
    scf.for %scan3A_64 = %scan3A_4 to %scan3A_6 step %scan3A_7  : i32 {
      %swap3A = arith.index_cast %scan3A_64 : i32 to index
      %swap3A_65 = arith.constant 0 : index
      %swap3A_66 = tpu.vector_load %arg6[%swap3A, %swap3A_65] {strides = array<i32>} : memref<128x128xf32, #tpu.memory_space<vmem>>, vector<1x16xf32>,
      %swap3A_67 = vector.shape_cast %swap3A_66 : vector<1x16xf32> to vector<16xf32>
      %swap3A_68 = vector.shape_cast %broadcast_in_dim3A_3 : vector<16xf32> to vector<1x16xf32>
      tpu.vector_store %arg6[%swap3A, %swap3A_65], %swap3A_68 {strides = array<i32>} : memref<128x128xf32, #tpu.memory_space<vmem>>, vector<1x16xf32>,
      %swap3A_69 = arith.index_cast %scan3A_64 : i32 to index
      %swap3A_70 = arith.constant 16 : index
      %swap3A_71 = tpu.vector_load %arg6[%swap3A_69, %swap3A_70] {strides = array<i32>} : memref<128x128xf32, #tpu.memory_space<vmem>>, vector<1x16xf32>,
      %swap3A_72 = vector.shape_cast %swap3A_71 : vector<1x16xf32> to vector<16xf32>
      %swap3A_73 = vector.shape_cast %broadcast_in_dim3A_3 : vector<16xf32> to vector<1x16xf32>
      tpu.vector_store %arg6[%swap3A_69, %swap3A_70], %swap3A_73 {strides = array<i32>} : memref<128x128xf32, #tpu.memory_space<vmem>>, vector<1x16xf32>,
      %swap3A_74 = arith.index_cast %scan3A_64 : i32 to index
      %swap3A_75 = arith.constant 32 : index
      %swap3A_76 = tpu.vector_load %arg6[%swap3A_74, %swap3A_75] {strides = array<i32>} : memref<128x128xf32, #tpu.memory_space<vmem>>, vector<1x16xf32>,
      %swap3A_77 = vector.shape_cast %swap3A_76 : vector<1x16xf32> to vector<16xf32>
      %swap3A_78 = vector.shape_cast %broadcast_in_dim3A_3 : vector<16xf32> to vector<1x16xf32>
      tpu.vector_store %arg6[%swap3A_74, %swap3A_75], %swap3A_78 {strides = array<i32>} : memref<128x128xf32, #tpu.memory_space<vmem>>, vector<1x16xf32>,
      %swap3A_79 = arith.index_cast %scan3A_64 : i32 to index
      %swap3A_80 = arith.constant 48 : index
      %swap3A_81 = tpu.vector_load %arg6[%swap3A_79, %swap3A_80] {strides = array<i32>} : memref<128x128xf32, #tpu.memory_space<vmem>>, vector<1x16xf32>,
      %swap3A_82 = vector.shape_cast %swap3A_81 : vector<1x16xf32> to vector<16xf32>
      %swap3A_83 = vector.shape_cast %broadcast_in_dim3A_3 : vector<16xf32> to vector<1x16xf32>
      tpu.vector_store %arg6[%swap3A_79, %swap3A_80], %swap3A_83 {strides = array<i32>} : memref<128x128xf32, #tpu.memory_space<vmem>>, vector<1x16xf32>,
      %swap3A_84 = arith.index_cast %scan3A_64 : i32 to index
      %swap3A_85 = arith.constant 64 : index
      %swap3A_86 = tpu.vector_load %arg6[%swap3A_84, %swap3A_85] {strides = array<i32>} : memref<128x128xf32, #tpu.memory_space<vmem>>, vector<1x16xf32>,
      %swap3A_87 = vector.shape_cast %swap3A_86 : vector<1x16xf32> to vector<16xf32>
      %swap3A_88 = vector.shape_cast %broadcast_in_dim3A_3 : vector<16xf32> to vector<1x16xf32>
      tpu.vector_store %arg6[%swap3A_84, %swap3A_85], %swap3A_88 {strides = array<i32>} : memref<128x128xf32, #tpu.memory_space<vmem>>, vector<1x16xf32>,
      %swap3A_89 = arith.index_cast %scan3A_64 : i32 to index
      %swap3A_90 = arith.constant 80 : index
      %swap3A_91 = tpu.vector_load %arg6[%swap3A_89, %swap3A_90] {strides = array<i32>} : memref<128x128xf32, #tpu.memory_space<vmem>>, vector<1x16xf32>,
      %swap3A_92 = vector.shape_cast %swap3A_91 : vector<1x16xf32> to vector<16xf32>
      %swap3A_93 = vector.shape_cast %broadcast_in_dim3A_3 : vector<16xf32> to vector<1x16xf32>
      tpu.vector_store %arg6[%swap3A_89, %swap3A_90], %swap3A_93 {strides = array<i32>} : memref<128x128xf32, #tpu.memory_space<vmem>>, vector<1x16xf32>,
      %swap3A_94 = arith.index_cast %scan3A_64 : i32 to index
      %swap3A_95 = arith.constant 96 : index
      %swap3A_96 = tpu.vector_load %arg6[%swap3A_94, %swap3A_95] {strides = array<i32>} : memref<128x128xf32, #tpu.memory_space<vmem>>, vector<1x16xf32>,
      %swap3A_97 = vector.shape_cast %swap3A_96 : vector<1x16xf32> to vector<16xf32>
      %swap3A_98 = vector.shape_cast %broadcast_in_dim3A_3 : vector<16xf32> to vector<1x16xf32>
      tpu.vector_store %arg6[%swap3A_94, %swap3A_95], %swap3A_98 {strides = array<i32>} : memref<128x128xf32, #tpu.memory_space<vmem>>, vector<1x16xf32>,
      %swap3A_99 = arith.index_cast %scan3A_64 : i32 to index
      %swap3A_100 = arith.constant 112 : index
      %swap3A_101 = tpu.vector_load %arg6[%swap3A_99, %swap3A_100] {strides = array<i32>} : memref<128x128xf32, #tpu.memory_space<vmem>>, vector<1x16xf32>,
      %swap3A_102 = vector.shape_cast %swap3A_101 : vector<1x16xf32> to vector<16xf32>
      %swap3A_103 = vector.shape_cast %broadcast_in_dim3A_3 : vector<16xf32> to vector<1x16xf32>
      tpu.vector_store %arg6[%swap3A_99, %swap3A_100], %swap3A_103 {strides = array<i32>} : memref<128x128xf32, #tpu.memory_space<vmem>>, vector<1x16xf32>,
    }
    %scan3A_8 = arith.constant 128 : i32
    %mul3A_9 = arith.constant 640 : i32
    %mul3A_10 = arith.muli %arg1, %mul3A_9 : i32
    %add3A_11 = arith.constant 0 : i32
    %add3A_12 = arith.addi %mul3A_10, %add3A_11 : i32
    "tpu.region"() ({
      %run_scoped3A = tpu.sem_alloc : memref<!tpu.dma_semaphore, #tpu.memory_space<semaphore_mem>>
      %dma_start3A = arith.constant 0 : i32
      %dma_start3A_64 = tpu.memref_slice %arg4[%add3A_12, %dma_start3A] : memref<10240x128xf32, #tpu.memory_space<vmem_shared>> -> memref<128x128xf32, #tpu.memory_space<vmem_shared>>
      %dma_start3A_65 = arith.constant 0 : i32
      %dma_start3A_66 = tpu.memref_slice %arg4[%add3A_12, %dma_start3A_65] : memref<10240x128xf32, #tpu.memory_space<vmem_shared>> -> memref<128x128xf32, #tpu.memory_space<vmem_shared>>
      tpu.enqueue_dma source(%arg6 : memref<128x128xf32, #tpu.memory_space<vmem>>) target(%dma_start3A_66 : memref<128x128xf32, #tpu.memory_space<vmem_shared>>) target_semaphore(%run_scoped3A : memref<!tpu.dma_semaphore, #tpu.memory_space<semaphore_mem>>)
      %dma_wait3A = arith.constant 0 : i32
      %dma_wait3A_67 = tpu.memref_slice %arg4[%add3A_12, %dma_wait3A] : memref<10240x128xf32, #tpu.memory_space<vmem_shared>> -> memref<128x128xf32, #tpu.memory_space<vmem_shared>>
      %dma_wait3A_68 = arith.constant 0 : i32
      %dma_wait3A_69 = tpu.memref_slice %arg4[%add3A_12, %dma_wait3A_68] : memref<10240x128xf32, #tpu.memory_space<vmem_shared>> -> memref<128x128xf32, #tpu.memory_space<vmem_shared>>
      tpu.wait_dma2 semaphore(%run_scoped3A : memref<!tpu.dma_semaphore, #tpu.memory_space<semaphore_mem>>) src(%arg6 : memref<128x128xf32, #tpu.memory_space<vmem>>) dst(%dma_wait3A_69 : memref<128x128xf32, #tpu.memory_space<vmem_shared>>)
      tpu.yield
    }) : () -> ()
    %mul3A_13 = arith.constant 640 : i32
    %mul3A_14 = arith.muli %arg1, %mul3A_13 : i32
    %add3A_15 = arith.constant 128 : i32
    %add3A_16 = arith.addi %mul3A_14, %add3A_15 : i32
    "tpu.region"() ({
      %run_scoped3A = tpu.sem_alloc : memref<!tpu.dma_semaphore, #tpu.memory_space<semaphore_mem>>
      %dma_start3A = arith.constant 0 : i32
      %dma_start3A_64 = tpu.memref_slice %arg4[%add3A_16, %dma_start3A] : memref<10240x128xf32, #tpu.memory_space<vmem_shared>> -> memref<128x128xf32, #tpu.memory_space<vmem_shared>>
      %dma_start3A_65 = arith.constant 0 : i32
      %dma_start3A_66 = tpu.memref_slice %arg4[%add3A_16, %dma_start3A_65] : memref<10240x128xf32, #tpu.memory_space<vmem_shared>> -> memref<128x128xf32, #tpu.memory_space<vmem_shared>>
      tpu.enqueue_dma source(%arg6 : memref<128x128xf32, #tpu.memory_space<vmem>>) target(%dma_start3A_66 : memref<128x128xf32, #tpu.memory_space<vmem_shared>>) target_semaphore(%run_scoped3A : memref<!tpu.dma_semaphore, #tpu.memory_space<semaphore_mem>>)
      %dma_wait3A = arith.constant 0 : i32
      %dma_wait3A_67 = tpu.memref_slice %arg4[%add3A_16, %dma_wait3A] : memref<10240x128xf32, #tpu.memory_space<vmem_shared>> -> memref<128x128xf32, #tpu.memory_space<vmem_shared>>
      %dma_wait3A_68 = arith.constant 0 : i32
      %dma_wait3A_69 = tpu.memref_slice %arg4[%add3A_16, %dma_wait3A_68] : memref<10240x128xf32, #tpu.memory_space<vmem_shared>> -> memref<128x128xf32, #tpu.memory_space<vmem_shared>>
      tpu.wait_dma2 semaphore(%run_scoped3A : memref<!tpu.dma_semaphore, #tpu.memory_space<semaphore_mem>>) src(%arg6 : memref<128x128xf32, #tpu.memory_space<vmem>>) dst(%dma_wait3A_69 : memref<128x128xf32, #tpu.memory_space<vmem_shared>>)
      tpu.yield
    }) : () -> ()
    %mul3A_17 = arith.constant 640 : i32
    %mul3A_18 = arith.muli %arg1, %mul3A_17 : i32
    %add3A_19 = arith.constant 256 : i32
    %add3A_20 = arith.addi %mul3A_18, %add3A_19 : i32
    "tpu.region"() ({
      %run_scoped3A = tpu.sem_alloc : memref<!tpu.dma_semaphore, #tpu.memory_space<semaphore_mem>>
      %dma_start3A = arith.constant 0 : i32
      %dma_start3A_64 = tpu.memref_slice %arg4[%add3A_20, %dma_start3A] : memref<10240x128xf32, #tpu.memory_space<vmem_shared>> -> memref<128x128xf32, #tpu.memory_space<vmem_shared>>
      %dma_start3A_65 = arith.constant 0 : i32
      %dma_start3A_66 = tpu.memref_slice %arg4[%add3A_20, %dma_start3A_65] : memref<10240x128xf32, #tpu.memory_space<vmem_shared>> -> memref<128x128xf32, #tpu.memory_space<vmem_shared>>
      tpu.enqueue_dma source(%arg6 : memref<128x128xf32, #tpu.memory_space<vmem>>) target(%dma_start3A_66 : memref<128x128xf32, #tpu.memory_space<vmem_shared>>) target_semaphore(%run_scoped3A : memref<!tpu.dma_semaphore, #tpu.memory_space<semaphore_mem>>)
      %dma_wait3A = arith.constant 0 : i32
      %dma_wait3A_67 = tpu.memref_slice %arg4[%add3A_20, %dma_wait3A] : memref<10240x128xf32, #tpu.memory_space<vmem_shared>> -> memref<128x128xf32, #tpu.memory_space<vmem_shared>>
      %dma_wait3A_68 = arith.constant 0 : i32
      %dma_wait3A_69 = tpu.memref_slice %arg4[%add3A_20, %dma_wait3A_68] : memref<10240x128xf32, #tpu.memory_space<vmem_shared>> -> memref<128x128xf32, #tpu.memory_space<vmem_shared>>
      tpu.wait_dma2 semaphore(%run_scoped3A : memref<!tpu.dma_semaphore, #tpu.memory_space<semaphore_mem>>) src(%arg6 : memref<128x128xf32, #tpu.memory_space<vmem>>) dst(%dma_wait3A_69 : memref<128x128xf32, #tpu.memory_space<vmem_shared>>)
      tpu.yield
    }) : () -> ()
    %mul3A_21 = arith.constant 640 : i32
    %mul3A_22 = arith.muli %arg1, %mul3A_21 : i32
    %add3A_23 = arith.constant 384 : i32
    %add3A_24 = arith.addi %mul3A_22, %add3A_23 : i32
    "tpu.region"() ({
      %run_scoped3A = tpu.sem_alloc : memref<!tpu.dma_semaphore, #tpu.memory_space<semaphore_mem>>
      %dma_start3A = arith.constant 0 : i32
      %dma_start3A_64 = tpu.memref_slice %arg4[%add3A_24, %dma_start3A] : memref<10240x128xf32, #tpu.memory_space<vmem_shared>> -> memref<128x128xf32, #tpu.memory_space<vmem_shared>>
      %dma_start3A_65 = arith.constant 0 : i32
      %dma_start3A_66 = tpu.memref_slice %arg4[%add3A_24, %dma_start3A_65] : memref<10240x128xf32, #tpu.memory_space<vmem_shared>> -> memref<128x128xf32, #tpu.memory_space<vmem_shared>>
      tpu.enqueue_dma source(%arg6 : memref<128x128xf32, #tpu.memory_space<vmem>>) target(%dma_start3A_66 : memref<128x128xf32, #tpu.memory_space<vmem_shared>>) target_semaphore(%run_scoped3A : memref<!tpu.dma_semaphore, #tpu.memory_space<semaphore_mem>>)
      %dma_wait3A = arith.constant 0 : i32
      %dma_wait3A_67 = tpu.memref_slice %arg4[%add3A_24, %dma_wait3A] : memref<10240x128xf32, #tpu.memory_space<vmem_shared>> -> memref<128x128xf32, #tpu.memory_space<vmem_shared>>
      %dma_wait3A_68 = arith.constant 0 : i32
      %dma_wait3A_69 = tpu.memref_slice %arg4[%add3A_24, %dma_wait3A_68] : memref<10240x128xf32, #tpu.memory_space<vmem_shared>> -> memref<128x128xf32, #tpu.memory_space<vmem_shared>>
      tpu.wait_dma2 semaphore(%run_scoped3A : memref<!tpu.dma_semaphore, #tpu.memory_space<semaphore_mem>>) src(%arg6 : memref<128x128xf32, #tpu.memory_space<vmem>>) dst(%dma_wait3A_69 : memref<128x128xf32, #tpu.memory_space<vmem_shared>>)
      tpu.yield
    }) : () -> ()
    %mul3A_25 = arith.constant 640 : i32
    %mul3A_26 = arith.muli %arg1, %mul3A_25 : i32
    %add3A_27 = arith.constant 512 : i32
    %add3A_28 = arith.addi %mul3A_26, %add3A_27 : i32
    "tpu.region"() ({
      %run_scoped3A = tpu.sem_alloc : memref<!tpu.dma_semaphore, #tpu.memory_space<semaphore_mem>>
      %dma_start3A = arith.constant 0 : i32
      %dma_start3A_64 = tpu.memref_slice %arg4[%add3A_28, %dma_start3A] : memref<10240x128xf32, #tpu.memory_space<vmem_shared>> -> memref<128x128xf32, #tpu.memory_space<vmem_shared>>
      %dma_start3A_65 = arith.constant 0 : i32
      %dma_start3A_66 = tpu.memref_slice %arg4[%add3A_28, %dma_start3A_65] : memref<10240x128xf32, #tpu.memory_space<vmem_shared>> -> memref<128x128xf32, #tpu.memory_space<vmem_shared>>
      tpu.enqueue_dma source(%arg6 : memref<128x128xf32, #tpu.memory_space<vmem>>) target(%dma_start3A_66 : memref<128x128xf32, #tpu.memory_space<vmem_shared>>) target_semaphore(%run_scoped3A : memref<!tpu.dma_semaphore, #tpu.memory_space<semaphore_mem>>)
      %dma_wait3A = arith.constant 0 : i32
      %dma_wait3A_67 = tpu.memref_slice %arg4[%add3A_28, %dma_wait3A] : memref<10240x128xf32, #tpu.memory_space<vmem_shared>> -> memref<128x128xf32, #tpu.memory_space<vmem_shared>>
      %dma_wait3A_68 = arith.constant 0 : i32
      %dma_wait3A_69 = tpu.memref_slice %arg4[%add3A_28, %dma_wait3A_68] : memref<10240x128xf32, #tpu.memory_space<vmem_shared>> -> memref<128x128xf32, #tpu.memory_space<vmem_shared>>
      tpu.wait_dma2 semaphore(%run_scoped3A : memref<!tpu.dma_semaphore, #tpu.memory_space<semaphore_mem>>) src(%arg6 : memref<128x128xf32, #tpu.memory_space<vmem>>) dst(%dma_wait3A_69 : memref<128x128xf32, #tpu.memory_space<vmem_shared>>)
      tpu.yield
    }) : () -> ()
    %broadcast_in_dim3A_29 = arith.constant 1.000000e+00 : f32
    %broadcast_in_dim3A_30 = vector.broadcast %broadcast_in_dim3A_29 : f32 to vector<16xf32>
    %scan3A_31 = arith.constant 0 : i32
    %scan3A_32 = arith.constant 0 : i32
    %scan3A_33 = arith.constant 128 : i32
    %scan3A_34 = arith.addi %scan3A_32, %scan3A_33 : i32
    %scan3A_35 = arith.constant 1 : i32
    scf.for %scan3A_64 = %scan3A_32 to %scan3A_34 step %scan3A_35  : i32 {
      %swap3A = arith.index_cast %scan3A_64 : i32 to index
      %swap3A_65 = arith.constant 0 : index
      %swap3A_66 = tpu.vector_load %arg6[%swap3A, %swap3A_65] {strides = array<i32>} : memref<128x128xf32, #tpu.memory_space<vmem>>, vector<1x16xf32>,
      %swap3A_67 = vector.shape_cast %swap3A_66 : vector<1x16xf32> to vector<16xf32>
      %swap3A_68 = vector.shape_cast %broadcast_in_dim3A_30 : vector<16xf32> to vector<1x16xf32>
      tpu.vector_store %arg6[%swap3A, %swap3A_65], %swap3A_68 {strides = array<i32>} : memref<128x128xf32, #tpu.memory_space<vmem>>, vector<1x16xf32>,
      %swap3A_69 = arith.index_cast %scan3A_64 : i32 to index
      %swap3A_70 = arith.constant 16 : index
      %swap3A_71 = tpu.vector_load %arg6[%swap3A_69, %swap3A_70] {strides = array<i32>} : memref<128x128xf32, #tpu.memory_space<vmem>>, vector<1x16xf32>,
      %swap3A_72 = vector.shape_cast %swap3A_71 : vector<1x16xf32> to vector<16xf32>
      %swap3A_73 = vector.shape_cast %broadcast_in_dim3A_30 : vector<16xf32> to vector<1x16xf32>
      tpu.vector_store %arg6[%swap3A_69, %swap3A_70], %swap3A_73 {strides = array<i32>} : memref<128x128xf32, #tpu.memory_space<vmem>>, vector<1x16xf32>,
      %swap3A_74 = arith.index_cast %scan3A_64 : i32 to index
      %swap3A_75 = arith.constant 32 : index
      %swap3A_76 = tpu.vector_load %arg6[%swap3A_74, %swap3A_75] {strides = array<i32>} : memref<128x128xf32, #tpu.memory_space<vmem>>, vector<1x16xf32>,
      %swap3A_77 = vector.shape_cast %swap3A_76 : vector<1x16xf32> to vector<16xf32>
      %swap3A_78 = vector.shape_cast %broadcast_in_dim3A_30 : vector<16xf32> to vector<1x16xf32>
      tpu.vector_store %arg6[%swap3A_74, %swap3A_75], %swap3A_78 {strides = array<i32>} : memref<128x128xf32, #tpu.memory_space<vmem>>, vector<1x16xf32>,
      %swap3A_79 = arith.index_cast %scan3A_64 : i32 to index
      %swap3A_80 = arith.constant 48 : index
      %swap3A_81 = tpu.vector_load %arg6[%swap3A_79, %swap3A_80] {strides = array<i32>} : memref<128x128xf32, #tpu.memory_space<vmem>>, vector<1x16xf32>,
      %swap3A_82 = vector.shape_cast %swap3A_81 : vector<1x16xf32> to vector<16xf32>
      %swap3A_83 = vector.shape_cast %broadcast_in_dim3A_30 : vector<16xf32> to vector<1x16xf32>
      tpu.vector_store %arg6[%swap3A_79, %swap3A_80], %swap3A_83 {strides = array<i32>} : memref<128x128xf32, #tpu.memory_space<vmem>>, vector<1x16xf32>,
      %swap3A_84 = arith.index_cast %scan3A_64 : i32 to index
      %swap3A_85 = arith.constant 64 : index
      %swap3A_86 = tpu.vector_load %arg6[%swap3A_84, %swap3A_85] {strides = array<i32>} : memref<128x128xf32, #tpu.memory_space<vmem>>, vector<1x16xf32>,
      %swap3A_87 = vector.shape_cast %swap3A_86 : vector<1x16xf32> to vector<16xf32>
      %swap3A_88 = vector.shape_cast %broadcast_in_dim3A_30 : vector<16xf32> to vector<1x16xf32>
      tpu.vector_store %arg6[%swap3A_84, %swap3A_85], %swap3A_88 {strides = array<i32>} : memref<128x128xf32, #tpu.memory_space<vmem>>, vector<1x16xf32>,
      %swap3A_89 = arith.index_cast %scan3A_64 : i32 to index
      %swap3A_90 = arith.constant 80 : index
      %swap3A_91 = tpu.vector_load %arg6[%swap3A_89, %swap3A_90] {strides = array<i32>} : memref<128x128xf32, #tpu.memory_space<vmem>>, vector<1x16xf32>,
      %swap3A_92 = vector.shape_cast %swap3A_91 : vector<1x16xf32> to vector<16xf32>
      %swap3A_93 = vector.shape_cast %broadcast_in_dim3A_30 : vector<16xf32> to vector<1x16xf32>
      tpu.vector_store %arg6[%swap3A_89, %swap3A_90], %swap3A_93 {strides = array<i32>} : memref<128x128xf32, #tpu.memory_space<vmem>>, vector<1x16xf32>,
      %swap3A_94 = arith.index_cast %scan3A_64 : i32 to index
      %swap3A_95 = arith.constant 96 : index
      %swap3A_96 = tpu.vector_load %arg6[%swap3A_94, %swap3A_95] {strides = array<i32>} : memref<128x128xf32, #tpu.memory_space<vmem>>, vector<1x16xf32>,
      %swap3A_97 = vector.shape_cast %swap3A_96 : vector<1x16xf32> to vector<16xf32>
      %swap3A_98 = vector.shape_cast %broadcast_in_dim3A_30 : vector<16xf32> to vector<1x16xf32>
      tpu.vector_store %arg6[%swap3A_94, %swap3A_95], %swap3A_98 {strides = array<i32>} : memref<128x128xf32, #tpu.memory_space<vmem>>, vector<1x16xf32>,
      %swap3A_99 = arith.index_cast %scan3A_64 : i32 to index
      %swap3A_100 = arith.constant 112 : index
      %swap3A_101 = tpu.vector_load %arg6[%swap3A_99, %swap3A_100] {strides = array<i32>} : memref<128x128xf32, #tpu.memory_space<vmem>>, vector<1x16xf32>,
      %swap3A_102 = vector.shape_cast %swap3A_101 : vector<1x16xf32> to vector<16xf32>
      %swap3A_103 = vector.shape_cast %broadcast_in_dim3A_30 : vector<16xf32> to vector<1x16xf32>
      tpu.vector_store %arg6[%swap3A_99, %swap3A_100], %swap3A_103 {strides = array<i32>} : memref<128x128xf32, #tpu.memory_space<vmem>>, vector<1x16xf32>,
    }
    %scan3A_36 = arith.constant 128 : i32
    %barrier3A = arith.constant 0 : index
    tpu.barrier barrier_id(%barrier3A)
    %scan3A_37 = arith.constant 0 : i32
    %scan3A_38 = arith.constant 0 : i32
    %scan3A_39 = arith.constant 80 : i32
    %scan3A_40 = arith.addi %scan3A_38, %scan3A_39 : i32
    %scan3A_41 = arith.constant 1 : i32
    scf.for %scan3A_64 = %scan3A_38 to %scan3A_40 step %scan3A_41  : i32 {
      "tpu.region"() ({
        %run_scoped3A = tpu.sem_alloc : memref<!tpu.dma_semaphore, #tpu.memory_space<semaphore_mem>>
        %dma_start3A = arith.constant 0 : i32
        %dma_start3A_65 = tpu.memref_slice %arg5[%scan3A_64, %dma_start3A] : memref<80x128xi32, #tpu.memory_space<vmem>> -> memref<1x128xi32, #tpu.memory_space<vmem>>
        %dma_start3A_66 = tpu.memref_squeeze %dma_start3A_65 : memref<1x128xi32, #tpu.memory_space<vmem>> -> memref<128xi32, #tpu.memory_space<vmem>>
        %dma_start3A_67 = arith.constant 0 : i32
        %dma_start3A_68 = arith.constant 0 : i32
        %dma_start3A_69 = tpu.memref_slice %arg4[%dma_start3A_67, %dma_start3A_68] : memref<10240x128xf32, #tpu.memory_space<vmem_shared>> -> memref<10240x128xf32, #tpu.memory_space<vmem_shared>>
        tpu.enqueue_indirect_dma source(%arg6 : memref<128x128xf32, #tpu.memory_space<vmem>>) target(%dma_start3A_69 : memref<10240x128xf32, #tpu.memory_space<vmem_shared>>) offsets(%dma_start3A_66 : memref<128xi32, #tpu.memory_space<vmem>>) semaphore(%run_scoped3A : memref<!tpu.dma_semaphore, #tpu.memory_space<semaphore_mem>>) {add = true}
        %dma_wait3A = arith.constant 0 : i32
        %dma_wait3A_70 = tpu.memref_slice %arg5[%scan3A_64, %dma_wait3A] : memref<80x128xi32, #tpu.memory_space<vmem>> -> memref<1x128xi32, #tpu.memory_space<vmem>>
        %dma_wait3A_71 = tpu.memref_squeeze %dma_wait3A_70 : memref<1x128xi32, #tpu.memory_space<vmem>> -> memref<128xi32, #tpu.memory_space<vmem>>
        %dma_wait3A_72 = arith.constant 0 : i32
        %dma_wait3A_73 = arith.constant 0 : i32
        %dma_wait3A_74 = tpu.memref_slice %arg4[%dma_wait3A_72, %dma_wait3A_73] : memref<10240x128xf32, #tpu.memory_space<vmem_shared>> -> memref<10240x128xf32, #tpu.memory_space<vmem_shared>>
        tpu.wait_indirect_dma semaphore(%run_scoped3A : memref<!tpu.dma_semaphore, #tpu.memory_space<semaphore_mem>>) src(%arg6 : memref<128x128xf32, #tpu.memory_space<vmem>>) dst(%dma_wait3A_74 : memref<10240x128xf32, #tpu.memory_space<vmem_shared>>)
        tpu.yield
      }) : () -> ()
    }
    %scan3A_42 = arith.constant 80 : i32
    %barrier3A_43 = arith.constant 0 : index
    tpu.barrier barrier_id(%barrier3A_43)
    %mul3A_44 = arith.constant 640 : i32
    %mul3A_45 = arith.muli %arg1, %mul3A_44 : i32
    %add3A_46 = arith.constant 0 : i32
    %add3A_47 = arith.addi %mul3A_45, %add3A_46 : i32
    "tpu.region"() ({
      %run_scoped3A = tpu.sem_alloc : memref<!tpu.dma_semaphore, #tpu.memory_space<semaphore_mem>>
      %dma_start3A = arith.constant 0 : i32
      %dma_start3A_64 = arith.constant 0 : i32
      %dma_start3A_65 = tpu.memref_slice %arg3[%arg0, %dma_start3A, %dma_start3A_64] : memref<2x10240x128xf32, #tpu.memory_space<hbm>> -> memref<1x10240x128xf32, #tpu.memory_space<hbm>>
      %dma_start3A_66 = tpu.memref_squeeze %dma_start3A_65 : memref<1x10240x128xf32, #tpu.memory_space<hbm>> -> memref<10240x128xf32, #tpu.memory_space<hbm>>
      %dma_start3A_67 = arith.constant 0 : i32
      %dma_start3A_68 = tpu.memref_slice %dma_start3A_66[%add3A_47, %dma_start3A_67] : memref<10240x128xf32, #tpu.memory_space<hbm>> -> memref<128x128xf32, #tpu.memory_space<hbm>>
      %dma_start3A_69 = arith.constant 0 : i32
      %dma_start3A_70 = tpu.memref_slice %arg4[%add3A_47, %dma_start3A_69] : memref<10240x128xf32, #tpu.memory_space<vmem_shared>> -> memref<128x128xf32, #tpu.memory_space<vmem_shared>>
      tpu.enqueue_dma source(%dma_start3A_70 : memref<128x128xf32, #tpu.memory_space<vmem_shared>>) target(%dma_start3A_68 : memref<128x128xf32, #tpu.memory_space<hbm>>) target_semaphore(%run_scoped3A : memref<!tpu.dma_semaphore, #tpu.memory_space<semaphore_mem>>)
      %dma_wait3A = arith.constant 0 : i32
      %dma_wait3A_71 = arith.constant 0 : i32
      %dma_wait3A_72 = tpu.memref_slice %arg3[%arg0, %dma_wait3A, %dma_wait3A_71] : memref<2x10240x128xf32, #tpu.memory_space<hbm>> -> memref<1x10240x128xf32, #tpu.memory_space<hbm>>
      %dma_wait3A_73 = tpu.memref_squeeze %dma_wait3A_72 : memref<1x10240x128xf32, #tpu.memory_space<hbm>> -> memref<10240x128xf32, #tpu.memory_space<hbm>>
      %dma_wait3A_74 = arith.constant 0 : i32
      %dma_wait3A_75 = tpu.memref_slice %dma_wait3A_73[%add3A_47, %dma_wait3A_74] : memref<10240x128xf32, #tpu.memory_space<hbm>> -> memref<128x128xf32, #tpu.memory_space<hbm>>
      %dma_wait3A_76 = arith.constant 0 : i32
      %dma_wait3A_77 = tpu.memref_slice %arg4[%add3A_47, %dma_wait3A_76] : memref<10240x128xf32, #tpu.memory_space<vmem_shared>> -> memref<128x128xf32, #tpu.memory_space<vmem_shared>>
      tpu.wait_dma2 semaphore(%run_scoped3A : memref<!tpu.dma_semaphore, #tpu.memory_space<semaphore_mem>>) src(%dma_wait3A_77 : memref<128x128xf32, #tpu.memory_space<vmem_shared>>) dst(%dma_wait3A_75 : memref<128x128xf32, #tpu.memory_space<hbm>>)
      tpu.yield
    }) : () -> ()
    %mul3A_48 = arith.constant 640 : i32
    %mul3A_49 = arith.muli %arg1, %mul3A_48 : i32
    %add3A_50 = arith.constant 128 : i32
    %add3A_51 = arith.addi %mul3A_49, %add3A_50 : i32
    "tpu.region"() ({
      %run_scoped3A = tpu.sem_alloc : memref<!tpu.dma_semaphore, #tpu.memory_space<semaphore_mem>>
      %dma_start3A = arith.constant 0 : i32
      %dma_start3A_64 = arith.constant 0 : i32
      %dma_start3A_65 = tpu.memref_slice %arg3[%arg0, %dma_start3A, %dma_start3A_64] : memref<2x10240x128xf32, #tpu.memory_space<hbm>> -> memref<1x10240x128xf32, #tpu.memory_space<hbm>>
      %dma_start3A_66 = tpu.memref_squeeze %dma_start3A_65 : memref<1x10240x128xf32, #tpu.memory_space<hbm>> -> memref<10240x128xf32, #tpu.memory_space<hbm>>
      %dma_start3A_67 = arith.constant 0 : i32
      %dma_start3A_68 = tpu.memref_slice %dma_start3A_66[%add3A_51, %dma_start3A_67] : memref<10240x128xf32, #tpu.memory_space<hbm>> -> memref<128x128xf32, #tpu.memory_space<hbm>>
      %dma_start3A_69 = arith.constant 0 : i32
      %dma_start3A_70 = tpu.memref_slice %arg4[%add3A_51, %dma_start3A_69] : memref<10240x128xf32, #tpu.memory_space<vmem_shared>> -> memref<128x128xf32, #tpu.memory_space<vmem_shared>>
      tpu.enqueue_dma source(%dma_start3A_70 : memref<128x128xf32, #tpu.memory_space<vmem_shared>>) target(%dma_start3A_68 : memref<128x128xf32, #tpu.memory_space<hbm>>) target_semaphore(%run_scoped3A : memref<!tpu.dma_semaphore, #tpu.memory_space<semaphore_mem>>)
      %dma_wait3A = arith.constant 0 : i32
      %dma_wait3A_71 = arith.constant 0 : i32
      %dma_wait3A_72 = tpu.memref_slice %arg3[%arg0, %dma_wait3A, %dma_wait3A_71] : memref<2x10240x128xf32, #tpu.memory_space<hbm>> -> memref<1x10240x128xf32, #tpu.memory_space<hbm>>
      %dma_wait3A_73 = tpu.memref_squeeze %dma_wait3A_72 : memref<1x10240x128xf32, #tpu.memory_space<hbm>> -> memref<10240x128xf32, #tpu.memory_space<hbm>>
      %dma_wait3A_74 = arith.constant 0 : i32
      %dma_wait3A_75 = tpu.memref_slice %dma_wait3A_73[%add3A_51, %dma_wait3A_74] : memref<10240x128xf32, #tpu.memory_space<hbm>> -> memref<128x128xf32, #tpu.memory_space<hbm>>
      %dma_wait3A_76 = arith.constant 0 : i32
      %dma_wait3A_77 = tpu.memref_slice %arg4[%add3A_51, %dma_wait3A_76] : memref<10240x128xf32, #tpu.memory_space<vmem_shared>> -> memref<128x128xf32, #tpu.memory_space<vmem_shared>>
      tpu.wait_dma2 semaphore(%run_scoped3A : memref<!tpu.dma_semaphore, #tpu.memory_space<semaphore_mem>>) src(%dma_wait3A_77 : memref<128x128xf32, #tpu.memory_space<vmem_shared>>) dst(%dma_wait3A_75 : memref<128x128xf32, #tpu.memory_space<hbm>>)
      tpu.yield
    }) : () -> ()
    %mul3A_52 = arith.constant 640 : i32
    %mul3A_53 = arith.muli %arg1, %mul3A_52 : i32
    %add3A_54 = arith.constant 256 : i32
    %add3A_55 = arith.addi %mul3A_53, %add3A_54 : i32
    "tpu.region"() ({
      %run_scoped3A = tpu.sem_alloc : memref<!tpu.dma_semaphore, #tpu.memory_space<semaphore_mem>>
      %dma_start3A = arith.constant 0 : i32
      %dma_start3A_64 = arith.constant 0 : i32
      %dma_start3A_65 = tpu.memref_slice %arg3[%arg0, %dma_start3A, %dma_start3A_64] : memref<2x10240x128xf32, #tpu.memory_space<hbm>> -> memref<1x10240x128xf32, #tpu.memory_space<hbm>>
      %dma_start3A_66 = tpu.memref_squeeze %dma_start3A_65 : memref<1x10240x128xf32, #tpu.memory_space<hbm>> -> memref<10240x128xf32, #tpu.memory_space<hbm>>
      %dma_start3A_67 = arith.constant 0 : i32
      %dma_start3A_68 = tpu.memref_slice %dma_start3A_66[%add3A_55, %dma_start3A_67] : memref<10240x128xf32, #tpu.memory_space<hbm>> -> memref<128x128xf32, #tpu.memory_space<hbm>>
      %dma_start3A_69 = arith.constant 0 : i32
      %dma_start3A_70 = tpu.memref_slice %arg4[%add3A_55, %dma_start3A_69] : memref<10240x128xf32, #tpu.memory_space<vmem_shared>> -> memref<128x128xf32, #tpu.memory_space<vmem_shared>>
      tpu.enqueue_dma source(%dma_start3A_70 : memref<128x128xf32, #tpu.memory_space<vmem_shared>>) target(%dma_start3A_68 : memref<128x128xf32, #tpu.memory_space<hbm>>) target_semaphore(%run_scoped3A : memref<!tpu.dma_semaphore, #tpu.memory_space<semaphore_mem>>)
      %dma_wait3A = arith.constant 0 : i32
      %dma_wait3A_71 = arith.constant 0 : i32
      %dma_wait3A_72 = tpu.memref_slice %arg3[%arg0, %dma_wait3A, %dma_wait3A_71] : memref<2x10240x128xf32, #tpu.memory_space<hbm>> -> memref<1x10240x128xf32, #tpu.memory_space<hbm>>
      %dma_wait3A_73 = tpu.memref_squeeze %dma_wait3A_72 : memref<1x10240x128xf32, #tpu.memory_space<hbm>> -> memref<10240x128xf32, #tpu.memory_space<hbm>>
      %dma_wait3A_74 = arith.constant 0 : i32
      %dma_wait3A_75 = tpu.memref_slice %dma_wait3A_73[%add3A_55, %dma_wait3A_74] : memref<10240x128xf32, #tpu.memory_space<hbm>> -> memref<128x128xf32, #tpu.memory_space<hbm>>
      %dma_wait3A_76 = arith.constant 0 : i32
      %dma_wait3A_77 = tpu.memref_slice %arg4[%add3A_55, %dma_wait3A_76] : memref<10240x128xf32, #tpu.memory_space<vmem_shared>> -> memref<128x128xf32, #tpu.memory_space<vmem_shared>>
      tpu.wait_dma2 semaphore(%run_scoped3A : memref<!tpu.dma_semaphore, #tpu.memory_space<semaphore_mem>>) src(%dma_wait3A_77 : memref<128x128xf32, #tpu.memory_space<vmem_shared>>) dst(%dma_wait3A_75 : memref<128x128xf32, #tpu.memory_space<hbm>>)
      tpu.yield
    }) : () -> ()
    %mul3A_56 = arith.constant 640 : i32
    %mul3A_57 = arith.muli %arg1, %mul3A_56 : i32
    %add3A_58 = arith.constant 384 : i32
    %add3A_59 = arith.addi %mul3A_57, %add3A_58 : i32
    "tpu.region"() ({
      %run_scoped3A = tpu.sem_alloc : memref<!tpu.dma_semaphore, #tpu.memory_space<semaphore_mem>>
      %dma_start3A = arith.constant 0 : i32
      %dma_start3A_64 = arith.constant 0 : i32
      %dma_start3A_65 = tpu.memref_slice %arg3[%arg0, %dma_start3A, %dma_start3A_64] : memref<2x10240x128xf32, #tpu.memory_space<hbm>> -> memref<1x10240x128xf32, #tpu.memory_space<hbm>>
      %dma_start3A_66 = tpu.memref_squeeze %dma_start3A_65 : memref<1x10240x128xf32, #tpu.memory_space<hbm>> -> memref<10240x128xf32, #tpu.memory_space<hbm>>
      %dma_start3A_67 = arith.constant 0 : i32
      %dma_start3A_68 = tpu.memref_slice %dma_start3A_66[%add3A_59, %dma_start3A_67] : memref<10240x128xf32, #tpu.memory_space<hbm>> -> memref<128x128xf32, #tpu.memory_space<hbm>>
      %dma_start3A_69 = arith.constant 0 : i32
      %dma_start3A_70 = tpu.memref_slice %arg4[%add3A_59, %dma_start3A_69] : memref<10240x128xf32, #tpu.memory_space<vmem_shared>> -> memref<128x128xf32, #tpu.memory_space<vmem_shared>>
      tpu.enqueue_dma source(%dma_start3A_70 : memref<128x128xf32, #tpu.memory_space<vmem_shared>>) target(%dma_start3A_68 : memref<128x128xf32, #tpu.memory_space<hbm>>) target_semaphore(%run_scoped3A : memref<!tpu.dma_semaphore, #tpu.memory_space<semaphore_mem>>)
      %dma_wait3A = arith.constant 0 : i32
      %dma_wait3A_71 = arith.constant 0 : i32
      %dma_wait3A_72 = tpu.memref_slice %arg3[%arg0, %dma_wait3A, %dma_wait3A_71] : memref<2x10240x128xf32, #tpu.memory_space<hbm>> -> memref<1x10240x128xf32, #tpu.memory_space<hbm>>
      %dma_wait3A_73 = tpu.memref_squeeze %dma_wait3A_72 : memref<1x10240x128xf32, #tpu.memory_space<hbm>> -> memref<10240x128xf32, #tpu.memory_space<hbm>>
      %dma_wait3A_74 = arith.constant 0 : i32
      %dma_wait3A_75 = tpu.memref_slice %dma_wait3A_73[%add3A_59, %dma_wait3A_74] : memref<10240x128xf32, #tpu.memory_space<hbm>> -> memref<128x128xf32, #tpu.memory_space<hbm>>
      %dma_wait3A_76 = arith.constant 0 : i32
      %dma_wait3A_77 = tpu.memref_slice %arg4[%add3A_59, %dma_wait3A_76] : memref<10240x128xf32, #tpu.memory_space<vmem_shared>> -> memref<128x128xf32, #tpu.memory_space<vmem_shared>>
      tpu.wait_dma2 semaphore(%run_scoped3A : memref<!tpu.dma_semaphore, #tpu.memory_space<semaphore_mem>>) src(%dma_wait3A_77 : memref<128x128xf32, #tpu.memory_space<vmem_shared>>) dst(%dma_wait3A_75 : memref<128x128xf32, #tpu.memory_space<hbm>>)
      tpu.yield
    }) : () -> ()
    %mul3A_60 = arith.constant 640 : i32
    %mul3A_61 = arith.muli %arg1, %mul3A_60 : i32
    %add3A_62 = arith.constant 512 : i32
    %add3A_63 = arith.addi %mul3A_61, %add3A_62 : i32
    "tpu.region"() ({
      %run_scoped3A = tpu.sem_alloc : memref<!tpu.dma_semaphore, #tpu.memory_space<semaphore_mem>>
      %dma_start3A = arith.constant 0 : i32
      %dma_start3A_64 = arith.constant 0 : i32
      %dma_start3A_65 = tpu.memref_slice %arg3[%arg0, %dma_start3A, %dma_start3A_64] : memref<2x10240x128xf32, #tpu.memory_space<hbm>> -> memref<1x10240x128xf32, #tpu.memory_space<hbm>>
      %dma_start3A_66 = tpu.memref_squeeze %dma_start3A_65 : memref<1x10240x128xf32, #tpu.memory_space<hbm>> -> memref<10240x128xf32, #tpu.memory_space<hbm>>
      %dma_start3A_67 = arith.constant 0 : i32
      %dma_start3A_68 = tpu.memref_slice %dma_start3A_66[%add3A_63, %dma_start3A_67] : memref<10240x128xf32, #tpu.memory_space<hbm>> -> memref<128x128xf32, #tpu.memory_space<hbm>>
      %dma_start3A_69 = arith.constant 0 : i32
      %dma_start3A_70 = tpu.memref_slice %arg4[%add3A_63, %dma_start3A_69] : memref<10240x128xf32, #tpu.memory_space<vmem_shared>> -> memref<128x128xf32, #tpu.memory_space<vmem_shared>>
      tpu.enqueue_dma source(%dma_start3A_70 : memref<128x128xf32, #tpu.memory_space<vmem_shared>>) target(%dma_start3A_68 : memref<128x128xf32, #tpu.memory_space<hbm>>) target_semaphore(%run_scoped3A : memref<!tpu.dma_semaphore, #tpu.memory_space<semaphore_mem>>)
      %dma_wait3A = arith.constant 0 : i32
      %dma_wait3A_71 = arith.constant 0 : i32
      %dma_wait3A_72 = tpu.memref_slice %arg3[%arg0, %dma_wait3A, %dma_wait3A_71] : memref<2x10240x128xf32, #tpu.memory_space<hbm>> -> memref<1x10240x128xf32, #tpu.memory_space<hbm>>
      %dma_wait3A_73 = tpu.memref_squeeze %dma_wait3A_72 : memref<1x10240x128xf32, #tpu.memory_space<hbm>> -> memref<10240x128xf32, #tpu.memory_space<hbm>>
      %dma_wait3A_74 = arith.constant 0 : i32
      %dma_wait3A_75 = tpu.memref_slice %dma_wait3A_73[%add3A_63, %dma_wait3A_74] : memref<10240x128xf32, #tpu.memory_space<hbm>> -> memref<128x128xf32, #tpu.memory_space<hbm>>
      %dma_wait3A_76 = arith.constant 0 : i32
      %dma_wait3A_77 = tpu.memref_slice %arg4[%add3A_63, %dma_wait3A_76] : memref<10240x128xf32, #tpu.memory_space<vmem_shared>> -> memref<128x128xf32, #tpu.memory_space<vmem_shared>>
      tpu.wait_dma2 semaphore(%run_scoped3A : memref<!tpu.dma_semaphore, #tpu.memory_space<semaphore_mem>>) src(%dma_wait3A_77 : memref<128x128xf32, #tpu.memory_space<vmem_shared>>) dst(%dma_wait3A_75 : memref<128x128xf32, #tpu.memory_space<hbm>>)
      tpu.yield
    }) : () -> ()
    return
  }
}

#map = affine_map<(d0, d1) -> (0, 0)>
#map1 = affine_map<(d0, d1) -> (0, 0, 0)>
module attributes {stable_mosaic.version = 14 : i64} {
  func.func @_agg_body(%arg0: i32, %arg1: i32, %arg2: memref<10240x128xf32, #tpu.memory_space<hbm>>, %arg3: memref<5120x64xi32, #tpu.memory_space<hbm>>, %arg4: memref<5120x64xi32, #tpu.memory_space<hbm>>, %arg5: memref<2x10240x128xf32, #tpu.memory_space<hbm>>, %arg6: memref<10240x128xf32, #tpu.memory_space<vmem_shared>>, %arg7: memref<16x64xi32, #tpu.memory_space<vmem>>, %arg8: memref<16x64xi32, #tpu.memory_space<vmem>>, %arg9: memref<64x128xf32, #tpu.memory_space<vmem>>, %arg10: memref<64x128xf32, #tpu.memory_space<vmem>>, %arg11: memref<64x128xf32, #tpu.memory_space<vmem>>, %arg12: memref<64x128xf32, #tpu.memory_space<vmem>>, %arg13: memref<!tpu.dma_semaphore, #tpu.memory_space<semaphore_mem>>, %arg14: memref<!tpu.dma_semaphore, #tpu.memory_space<semaphore_mem>>, %arg15: memref<!tpu.dma_semaphore, #tpu.memory_space<semaphore_mem>>, %arg16: memref<!tpu.dma_semaphore, #tpu.memory_space<semaphore_mem>>) attributes {dimension_semantics = [#tpu.dimension_semantics<core_parallel>, #tpu.dimension_semantics<subcore_parallel>], iteration_bounds = array<i64: 2, 16>, scalar_prefetch = 0 : i64, scratch_operands = 11 : i64, tpu.core_type = #tpu.core_type<sc_vector_subcore>, window_params = [{transform_indices = #map}, {transform_indices = #map}, {transform_indices = #map}, {transform_indices = #map1}]} {
    %mul3A = arith.constant 2 : i32
    %mul3A_0 = arith.muli %arg1, %mul3A : i32
    %add3A = arith.addi %mul3A_0, %arg0 : i32
    %broadcast_in_dim3A = arith.constant 0.000000e+00 : f32
    %broadcast_in_dim3A_1 = vector.broadcast %broadcast_in_dim3A : f32 to vector<16xf32>
    %scan3A = arith.constant 0 : i32
    %scan3A_2 = arith.constant 0 : i32
    %scan3A_3 = arith.constant 64 : i32
    %scan3A_4 = arith.addi %scan3A_2, %scan3A_3 : i32
    %scan3A_5 = arith.constant 1 : i32
    scf.for %scan3A_74 = %scan3A_2 to %scan3A_4 step %scan3A_5  : i32 {
      %swap3A = arith.index_cast %scan3A_74 : i32 to index
      %swap3A_75 = arith.constant 0 : index
      %swap3A_76 = tpu.vector_load %arg9[%swap3A, %swap3A_75] {strides = array<i32>} : memref<64x128xf32, #tpu.memory_space<vmem>>, vector<1x16xf32>,
      %swap3A_77 = vector.shape_cast %swap3A_76 : vector<1x16xf32> to vector<16xf32>
      %swap3A_78 = vector.shape_cast %broadcast_in_dim3A_1 : vector<16xf32> to vector<1x16xf32>
      tpu.vector_store %arg9[%swap3A, %swap3A_75], %swap3A_78 {strides = array<i32>} : memref<64x128xf32, #tpu.memory_space<vmem>>, vector<1x16xf32>,
      %swap3A_79 = arith.index_cast %scan3A_74 : i32 to index
      %swap3A_80 = arith.constant 16 : index
      %swap3A_81 = tpu.vector_load %arg9[%swap3A_79, %swap3A_80] {strides = array<i32>} : memref<64x128xf32, #tpu.memory_space<vmem>>, vector<1x16xf32>,
      %swap3A_82 = vector.shape_cast %swap3A_81 : vector<1x16xf32> to vector<16xf32>
      %swap3A_83 = vector.shape_cast %broadcast_in_dim3A_1 : vector<16xf32> to vector<1x16xf32>
      tpu.vector_store %arg9[%swap3A_79, %swap3A_80], %swap3A_83 {strides = array<i32>} : memref<64x128xf32, #tpu.memory_space<vmem>>, vector<1x16xf32>,
      %swap3A_84 = arith.index_cast %scan3A_74 : i32 to index
      %swap3A_85 = arith.constant 32 : index
      %swap3A_86 = tpu.vector_load %arg9[%swap3A_84, %swap3A_85] {strides = array<i32>} : memref<64x128xf32, #tpu.memory_space<vmem>>, vector<1x16xf32>,
      %swap3A_87 = vector.shape_cast %swap3A_86 : vector<1x16xf32> to vector<16xf32>
      %swap3A_88 = vector.shape_cast %broadcast_in_dim3A_1 : vector<16xf32> to vector<1x16xf32>
      tpu.vector_store %arg9[%swap3A_84, %swap3A_85], %swap3A_88 {strides = array<i32>} : memref<64x128xf32, #tpu.memory_space<vmem>>, vector<1x16xf32>,
      %swap3A_89 = arith.index_cast %scan3A_74 : i32 to index
      %swap3A_90 = arith.constant 48 : index
      %swap3A_91 = tpu.vector_load %arg9[%swap3A_89, %swap3A_90] {strides = array<i32>} : memref<64x128xf32, #tpu.memory_space<vmem>>, vector<1x16xf32>,
      %swap3A_92 = vector.shape_cast %swap3A_91 : vector<1x16xf32> to vector<16xf32>
      %swap3A_93 = vector.shape_cast %broadcast_in_dim3A_1 : vector<16xf32> to vector<1x16xf32>
      tpu.vector_store %arg9[%swap3A_89, %swap3A_90], %swap3A_93 {strides = array<i32>} : memref<64x128xf32, #tpu.memory_space<vmem>>, vector<1x16xf32>,
      %swap3A_94 = arith.index_cast %scan3A_74 : i32 to index
      %swap3A_95 = arith.constant 64 : index
      %swap3A_96 = tpu.vector_load %arg9[%swap3A_94, %swap3A_95] {strides = array<i32>} : memref<64x128xf32, #tpu.memory_space<vmem>>, vector<1x16xf32>,
      %swap3A_97 = vector.shape_cast %swap3A_96 : vector<1x16xf32> to vector<16xf32>
      %swap3A_98 = vector.shape_cast %broadcast_in_dim3A_1 : vector<16xf32> to vector<1x16xf32>
      tpu.vector_store %arg9[%swap3A_94, %swap3A_95], %swap3A_98 {strides = array<i32>} : memref<64x128xf32, #tpu.memory_space<vmem>>, vector<1x16xf32>,
      %swap3A_99 = arith.index_cast %scan3A_74 : i32 to index
      %swap3A_100 = arith.constant 80 : index
      %swap3A_101 = tpu.vector_load %arg9[%swap3A_99, %swap3A_100] {strides = array<i32>} : memref<64x128xf32, #tpu.memory_space<vmem>>, vector<1x16xf32>,
      %swap3A_102 = vector.shape_cast %swap3A_101 : vector<1x16xf32> to vector<16xf32>
      %swap3A_103 = vector.shape_cast %broadcast_in_dim3A_1 : vector<16xf32> to vector<1x16xf32>
      tpu.vector_store %arg9[%swap3A_99, %swap3A_100], %swap3A_103 {strides = array<i32>} : memref<64x128xf32, #tpu.memory_space<vmem>>, vector<1x16xf32>,
      %swap3A_104 = arith.index_cast %scan3A_74 : i32 to index
      %swap3A_105 = arith.constant 96 : index
      %swap3A_106 = tpu.vector_load %arg9[%swap3A_104, %swap3A_105] {strides = array<i32>} : memref<64x128xf32, #tpu.memory_space<vmem>>, vector<1x16xf32>,
      %swap3A_107 = vector.shape_cast %swap3A_106 : vector<1x16xf32> to vector<16xf32>
      %swap3A_108 = vector.shape_cast %broadcast_in_dim3A_1 : vector<16xf32> to vector<1x16xf32>
      tpu.vector_store %arg9[%swap3A_104, %swap3A_105], %swap3A_108 {strides = array<i32>} : memref<64x128xf32, #tpu.memory_space<vmem>>, vector<1x16xf32>,
      %swap3A_109 = arith.index_cast %scan3A_74 : i32 to index
      %swap3A_110 = arith.constant 112 : index
      %swap3A_111 = tpu.vector_load %arg9[%swap3A_109, %swap3A_110] {strides = array<i32>} : memref<64x128xf32, #tpu.memory_space<vmem>>, vector<1x16xf32>,
      %swap3A_112 = vector.shape_cast %swap3A_111 : vector<1x16xf32> to vector<16xf32>
      %swap3A_113 = vector.shape_cast %broadcast_in_dim3A_1 : vector<16xf32> to vector<1x16xf32>
      tpu.vector_store %arg9[%swap3A_109, %swap3A_110], %swap3A_113 {strides = array<i32>} : memref<64x128xf32, #tpu.memory_space<vmem>>, vector<1x16xf32>,
    }
    %scan3A_6 = arith.constant 64 : i32
    %mul3A_7 = arith.constant 640 : i32
    %mul3A_8 = arith.muli %arg1, %mul3A_7 : i32
    %add3A_9 = arith.constant 0 : i32
    %add3A_10 = arith.addi %mul3A_8, %add3A_9 : i32
    "tpu.region"() ({
      %run_scoped3A = tpu.sem_alloc : memref<!tpu.dma_semaphore, #tpu.memory_space<semaphore_mem>>
      %dma_start3A = arith.constant 0 : i32
      %dma_start3A_74 = tpu.memref_slice %arg6[%add3A_10, %dma_start3A] : memref<10240x128xf32, #tpu.memory_space<vmem_shared>> -> memref<64x128xf32, #tpu.memory_space<vmem_shared>>
      %dma_start3A_75 = arith.constant 0 : i32
      %dma_start3A_76 = tpu.memref_slice %arg6[%add3A_10, %dma_start3A_75] : memref<10240x128xf32, #tpu.memory_space<vmem_shared>> -> memref<64x128xf32, #tpu.memory_space<vmem_shared>>
      tpu.enqueue_dma source(%arg9 : memref<64x128xf32, #tpu.memory_space<vmem>>) target(%dma_start3A_76 : memref<64x128xf32, #tpu.memory_space<vmem_shared>>) target_semaphore(%run_scoped3A : memref<!tpu.dma_semaphore, #tpu.memory_space<semaphore_mem>>)
      %dma_wait3A = arith.constant 0 : i32
      %dma_wait3A_77 = tpu.memref_slice %arg6[%add3A_10, %dma_wait3A] : memref<10240x128xf32, #tpu.memory_space<vmem_shared>> -> memref<64x128xf32, #tpu.memory_space<vmem_shared>>
      %dma_wait3A_78 = arith.constant 0 : i32
      %dma_wait3A_79 = tpu.memref_slice %arg6[%add3A_10, %dma_wait3A_78] : memref<10240x128xf32, #tpu.memory_space<vmem_shared>> -> memref<64x128xf32, #tpu.memory_space<vmem_shared>>
      tpu.wait_dma2 semaphore(%run_scoped3A : memref<!tpu.dma_semaphore, #tpu.memory_space<semaphore_mem>>) src(%arg9 : memref<64x128xf32, #tpu.memory_space<vmem>>) dst(%dma_wait3A_79 : memref<64x128xf32, #tpu.memory_space<vmem_shared>>)
      tpu.yield
    }) : () -> ()
    %mul3A_11 = arith.constant 640 : i32
    %mul3A_12 = arith.muli %arg1, %mul3A_11 : i32
    %add3A_13 = arith.constant 64 : i32
    %add3A_14 = arith.addi %mul3A_12, %add3A_13 : i32
    "tpu.region"() ({
      %run_scoped3A = tpu.sem_alloc : memref<!tpu.dma_semaphore, #tpu.memory_space<semaphore_mem>>
      %dma_start3A = arith.constant 0 : i32
      %dma_start3A_74 = tpu.memref_slice %arg6[%add3A_14, %dma_start3A] : memref<10240x128xf32, #tpu.memory_space<vmem_shared>> -> memref<64x128xf32, #tpu.memory_space<vmem_shared>>
      %dma_start3A_75 = arith.constant 0 : i32
      %dma_start3A_76 = tpu.memref_slice %arg6[%add3A_14, %dma_start3A_75] : memref<10240x128xf32, #tpu.memory_space<vmem_shared>> -> memref<64x128xf32, #tpu.memory_space<vmem_shared>>
      tpu.enqueue_dma source(%arg9 : memref<64x128xf32, #tpu.memory_space<vmem>>) target(%dma_start3A_76 : memref<64x128xf32, #tpu.memory_space<vmem_shared>>) target_semaphore(%run_scoped3A : memref<!tpu.dma_semaphore, #tpu.memory_space<semaphore_mem>>)
      %dma_wait3A = arith.constant 0 : i32
      %dma_wait3A_77 = tpu.memref_slice %arg6[%add3A_14, %dma_wait3A] : memref<10240x128xf32, #tpu.memory_space<vmem_shared>> -> memref<64x128xf32, #tpu.memory_space<vmem_shared>>
      %dma_wait3A_78 = arith.constant 0 : i32
      %dma_wait3A_79 = tpu.memref_slice %arg6[%add3A_14, %dma_wait3A_78] : memref<10240x128xf32, #tpu.memory_space<vmem_shared>> -> memref<64x128xf32, #tpu.memory_space<vmem_shared>>
      tpu.wait_dma2 semaphore(%run_scoped3A : memref<!tpu.dma_semaphore, #tpu.memory_space<semaphore_mem>>) src(%arg9 : memref<64x128xf32, #tpu.memory_space<vmem>>) dst(%dma_wait3A_79 : memref<64x128xf32, #tpu.memory_space<vmem_shared>>)
      tpu.yield
    }) : () -> ()
    %mul3A_15 = arith.constant 640 : i32
    %mul3A_16 = arith.muli %arg1, %mul3A_15 : i32
    %add3A_17 = arith.constant 128 : i32
    %add3A_18 = arith.addi %mul3A_16, %add3A_17 : i32
    "tpu.region"() ({
      %run_scoped3A = tpu.sem_alloc : memref<!tpu.dma_semaphore, #tpu.memory_space<semaphore_mem>>
      %dma_start3A = arith.constant 0 : i32
      %dma_start3A_74 = tpu.memref_slice %arg6[%add3A_18, %dma_start3A] : memref<10240x128xf32, #tpu.memory_space<vmem_shared>> -> memref<64x128xf32, #tpu.memory_space<vmem_shared>>
      %dma_start3A_75 = arith.constant 0 : i32
      %dma_start3A_76 = tpu.memref_slice %arg6[%add3A_18, %dma_start3A_75] : memref<10240x128xf32, #tpu.memory_space<vmem_shared>> -> memref<64x128xf32, #tpu.memory_space<vmem_shared>>
      tpu.enqueue_dma source(%arg9 : memref<64x128xf32, #tpu.memory_space<vmem>>) target(%dma_start3A_76 : memref<64x128xf32, #tpu.memory_space<vmem_shared>>) target_semaphore(%run_scoped3A : memref<!tpu.dma_semaphore, #tpu.memory_space<semaphore_mem>>)
      %dma_wait3A = arith.constant 0 : i32
      %dma_wait3A_77 = tpu.memref_slice %arg6[%add3A_18, %dma_wait3A] : memref<10240x128xf32, #tpu.memory_space<vmem_shared>> -> memref<64x128xf32, #tpu.memory_space<vmem_shared>>
      %dma_wait3A_78 = arith.constant 0 : i32
      %dma_wait3A_79 = tpu.memref_slice %arg6[%add3A_18, %dma_wait3A_78] : memref<10240x128xf32, #tpu.memory_space<vmem_shared>> -> memref<64x128xf32, #tpu.memory_space<vmem_shared>>
      tpu.wait_dma2 semaphore(%run_scoped3A : memref<!tpu.dma_semaphore, #tpu.memory_space<semaphore_mem>>) src(%arg9 : memref<64x128xf32, #tpu.memory_space<vmem>>) dst(%dma_wait3A_79 : memref<64x128xf32, #tpu.memory_space<vmem_shared>>)
      tpu.yield
    }) : () -> ()
    %mul3A_19 = arith.constant 640 : i32
    %mul3A_20 = arith.muli %arg1, %mul3A_19 : i32
    %add3A_21 = arith.constant 192 : i32
    %add3A_22 = arith.addi %mul3A_20, %add3A_21 : i32
    "tpu.region"() ({
      %run_scoped3A = tpu.sem_alloc : memref<!tpu.dma_semaphore, #tpu.memory_space<semaphore_mem>>
      %dma_start3A = arith.constant 0 : i32
      %dma_start3A_74 = tpu.memref_slice %arg6[%add3A_22, %dma_start3A] : memref<10240x128xf32, #tpu.memory_space<vmem_shared>> -> memref<64x128xf32, #tpu.memory_space<vmem_shared>>
      %dma_start3A_75 = arith.constant 0 : i32
      %dma_start3A_76 = tpu.memref_slice %arg6[%add3A_22, %dma_start3A_75] : memref<10240x128xf32, #tpu.memory_space<vmem_shared>> -> memref<64x128xf32, #tpu.memory_space<vmem_shared>>
      tpu.enqueue_dma source(%arg9 : memref<64x128xf32, #tpu.memory_space<vmem>>) target(%dma_start3A_76 : memref<64x128xf32, #tpu.memory_space<vmem_shared>>) target_semaphore(%run_scoped3A : memref<!tpu.dma_semaphore, #tpu.memory_space<semaphore_mem>>)
      %dma_wait3A = arith.constant 0 : i32
      %dma_wait3A_77 = tpu.memref_slice %arg6[%add3A_22, %dma_wait3A] : memref<10240x128xf32, #tpu.memory_space<vmem_shared>> -> memref<64x128xf32, #tpu.memory_space<vmem_shared>>
      %dma_wait3A_78 = arith.constant 0 : i32
      %dma_wait3A_79 = tpu.memref_slice %arg6[%add3A_22, %dma_wait3A_78] : memref<10240x128xf32, #tpu.memory_space<vmem_shared>> -> memref<64x128xf32, #tpu.memory_space<vmem_shared>>
      tpu.wait_dma2 semaphore(%run_scoped3A : memref<!tpu.dma_semaphore, #tpu.memory_space<semaphore_mem>>) src(%arg9 : memref<64x128xf32, #tpu.memory_space<vmem>>) dst(%dma_wait3A_79 : memref<64x128xf32, #tpu.memory_space<vmem_shared>>)
      tpu.yield
    }) : () -> ()
    %mul3A_23 = arith.constant 640 : i32
    %mul3A_24 = arith.muli %arg1, %mul3A_23 : i32
    %add3A_25 = arith.constant 256 : i32
    %add3A_26 = arith.addi %mul3A_24, %add3A_25 : i32
    "tpu.region"() ({
      %run_scoped3A = tpu.sem_alloc : memref<!tpu.dma_semaphore, #tpu.memory_space<semaphore_mem>>
      %dma_start3A = arith.constant 0 : i32
      %dma_start3A_74 = tpu.memref_slice %arg6[%add3A_26, %dma_start3A] : memref<10240x128xf32, #tpu.memory_space<vmem_shared>> -> memref<64x128xf32, #tpu.memory_space<vmem_shared>>
      %dma_start3A_75 = arith.constant 0 : i32
      %dma_start3A_76 = tpu.memref_slice %arg6[%add3A_26, %dma_start3A_75] : memref<10240x128xf32, #tpu.memory_space<vmem_shared>> -> memref<64x128xf32, #tpu.memory_space<vmem_shared>>
      tpu.enqueue_dma source(%arg9 : memref<64x128xf32, #tpu.memory_space<vmem>>) target(%dma_start3A_76 : memref<64x128xf32, #tpu.memory_space<vmem_shared>>) target_semaphore(%run_scoped3A : memref<!tpu.dma_semaphore, #tpu.memory_space<semaphore_mem>>)
      %dma_wait3A = arith.constant 0 : i32
      %dma_wait3A_77 = tpu.memref_slice %arg6[%add3A_26, %dma_wait3A] : memref<10240x128xf32, #tpu.memory_space<vmem_shared>> -> memref<64x128xf32, #tpu.memory_space<vmem_shared>>
      %dma_wait3A_78 = arith.constant 0 : i32
      %dma_wait3A_79 = tpu.memref_slice %arg6[%add3A_26, %dma_wait3A_78] : memref<10240x128xf32, #tpu.memory_space<vmem_shared>> -> memref<64x128xf32, #tpu.memory_space<vmem_shared>>
      tpu.wait_dma2 semaphore(%run_scoped3A : memref<!tpu.dma_semaphore, #tpu.memory_space<semaphore_mem>>) src(%arg9 : memref<64x128xf32, #tpu.memory_space<vmem>>) dst(%dma_wait3A_79 : memref<64x128xf32, #tpu.memory_space<vmem_shared>>)
      tpu.yield
    }) : () -> ()
    %mul3A_27 = arith.constant 640 : i32
    %mul3A_28 = arith.muli %arg1, %mul3A_27 : i32
    %add3A_29 = arith.constant 320 : i32
    %add3A_30 = arith.addi %mul3A_28, %add3A_29 : i32
    "tpu.region"() ({
      %run_scoped3A = tpu.sem_alloc : memref<!tpu.dma_semaphore, #tpu.memory_space<semaphore_mem>>
      %dma_start3A = arith.constant 0 : i32
      %dma_start3A_74 = tpu.memref_slice %arg6[%add3A_30, %dma_start3A] : memref<10240x128xf32, #tpu.memory_space<vmem_shared>> -> memref<64x128xf32, #tpu.memory_space<vmem_shared>>
      %dma_start3A_75 = arith.constant 0 : i32
      %dma_start3A_76 = tpu.memref_slice %arg6[%add3A_30, %dma_start3A_75] : memref<10240x128xf32, #tpu.memory_space<vmem_shared>> -> memref<64x128xf32, #tpu.memory_space<vmem_shared>>
      tpu.enqueue_dma source(%arg9 : memref<64x128xf32, #tpu.memory_space<vmem>>) target(%dma_start3A_76 : memref<64x128xf32, #tpu.memory_space<vmem_shared>>) target_semaphore(%run_scoped3A : memref<!tpu.dma_semaphore, #tpu.memory_space<semaphore_mem>>)
      %dma_wait3A = arith.constant 0 : i32
      %dma_wait3A_77 = tpu.memref_slice %arg6[%add3A_30, %dma_wait3A] : memref<10240x128xf32, #tpu.memory_space<vmem_shared>> -> memref<64x128xf32, #tpu.memory_space<vmem_shared>>
      %dma_wait3A_78 = arith.constant 0 : i32
      %dma_wait3A_79 = tpu.memref_slice %arg6[%add3A_30, %dma_wait3A_78] : memref<10240x128xf32, #tpu.memory_space<vmem_shared>> -> memref<64x128xf32, #tpu.memory_space<vmem_shared>>
      tpu.wait_dma2 semaphore(%run_scoped3A : memref<!tpu.dma_semaphore, #tpu.memory_space<semaphore_mem>>) src(%arg9 : memref<64x128xf32, #tpu.memory_space<vmem>>) dst(%dma_wait3A_79 : memref<64x128xf32, #tpu.memory_space<vmem_shared>>)
      tpu.yield
    }) : () -> ()
    %mul3A_31 = arith.constant 640 : i32
    %mul3A_32 = arith.muli %arg1, %mul3A_31 : i32
    %add3A_33 = arith.constant 384 : i32
    %add3A_34 = arith.addi %mul3A_32, %add3A_33 : i32
    "tpu.region"() ({
      %run_scoped3A = tpu.sem_alloc : memref<!tpu.dma_semaphore, #tpu.memory_space<semaphore_mem>>
      %dma_start3A = arith.constant 0 : i32
      %dma_start3A_74 = tpu.memref_slice %arg6[%add3A_34, %dma_start3A] : memref<10240x128xf32, #tpu.memory_space<vmem_shared>> -> memref<64x128xf32, #tpu.memory_space<vmem_shared>>
      %dma_start3A_75 = arith.constant 0 : i32
      %dma_start3A_76 = tpu.memref_slice %arg6[%add3A_34, %dma_start3A_75] : memref<10240x128xf32, #tpu.memory_space<vmem_shared>> -> memref<64x128xf32, #tpu.memory_space<vmem_shared>>
      tpu.enqueue_dma source(%arg9 : memref<64x128xf32, #tpu.memory_space<vmem>>) target(%dma_start3A_76 : memref<64x128xf32, #tpu.memory_space<vmem_shared>>) target_semaphore(%run_scoped3A : memref<!tpu.dma_semaphore, #tpu.memory_space<semaphore_mem>>)
      %dma_wait3A = arith.constant 0 : i32
      %dma_wait3A_77 = tpu.memref_slice %arg6[%add3A_34, %dma_wait3A] : memref<10240x128xf32, #tpu.memory_space<vmem_shared>> -> memref<64x128xf32, #tpu.memory_space<vmem_shared>>
      %dma_wait3A_78 = arith.constant 0 : i32
      %dma_wait3A_79 = tpu.memref_slice %arg6[%add3A_34, %dma_wait3A_78] : memref<10240x128xf32, #tpu.memory_space<vmem_shared>> -> memref<64x128xf32, #tpu.memory_space<vmem_shared>>
      tpu.wait_dma2 semaphore(%run_scoped3A : memref<!tpu.dma_semaphore, #tpu.memory_space<semaphore_mem>>) src(%arg9 : memref<64x128xf32, #tpu.memory_space<vmem>>) dst(%dma_wait3A_79 : memref<64x128xf32, #tpu.memory_space<vmem_shared>>)
      tpu.yield
    }) : () -> ()
    %mul3A_35 = arith.constant 640 : i32
    %mul3A_36 = arith.muli %arg1, %mul3A_35 : i32
    %add3A_37 = arith.constant 448 : i32
    %add3A_38 = arith.addi %mul3A_36, %add3A_37 : i32
    "tpu.region"() ({
      %run_scoped3A = tpu.sem_alloc : memref<!tpu.dma_semaphore, #tpu.memory_space<semaphore_mem>>
      %dma_start3A = arith.constant 0 : i32
      %dma_start3A_74 = tpu.memref_slice %arg6[%add3A_38, %dma_start3A] : memref<10240x128xf32, #tpu.memory_space<vmem_shared>> -> memref<64x128xf32, #tpu.memory_space<vmem_shared>>
      %dma_start3A_75 = arith.constant 0 : i32
      %dma_start3A_76 = tpu.memref_slice %arg6[%add3A_38, %dma_start3A_75] : memref<10240x128xf32, #tpu.memory_space<vmem_shared>> -> memref<64x128xf32, #tpu.memory_space<vmem_shared>>
      tpu.enqueue_dma source(%arg9 : memref<64x128xf32, #tpu.memory_space<vmem>>) target(%dma_start3A_76 : memref<64x128xf32, #tpu.memory_space<vmem_shared>>) target_semaphore(%run_scoped3A : memref<!tpu.dma_semaphore, #tpu.memory_space<semaphore_mem>>)
      %dma_wait3A = arith.constant 0 : i32
      %dma_wait3A_77 = tpu.memref_slice %arg6[%add3A_38, %dma_wait3A] : memref<10240x128xf32, #tpu.memory_space<vmem_shared>> -> memref<64x128xf32, #tpu.memory_space<vmem_shared>>
      %dma_wait3A_78 = arith.constant 0 : i32
      %dma_wait3A_79 = tpu.memref_slice %arg6[%add3A_38, %dma_wait3A_78] : memref<10240x128xf32, #tpu.memory_space<vmem_shared>> -> memref<64x128xf32, #tpu.memory_space<vmem_shared>>
      tpu.wait_dma2 semaphore(%run_scoped3A : memref<!tpu.dma_semaphore, #tpu.memory_space<semaphore_mem>>) src(%arg9 : memref<64x128xf32, #tpu.memory_space<vmem>>) dst(%dma_wait3A_79 : memref<64x128xf32, #tpu.memory_space<vmem_shared>>)
      tpu.yield
    }) : () -> ()
    %mul3A_39 = arith.constant 640 : i32
    %mul3A_40 = arith.muli %arg1, %mul3A_39 : i32
    %add3A_41 = arith.constant 512 : i32
    %add3A_42 = arith.addi %mul3A_40, %add3A_41 : i32
    "tpu.region"() ({
      %run_scoped3A = tpu.sem_alloc : memref<!tpu.dma_semaphore, #tpu.memory_space<semaphore_mem>>
      %dma_start3A = arith.constant 0 : i32
      %dma_start3A_74 = tpu.memref_slice %arg6[%add3A_42, %dma_start3A] : memref<10240x128xf32, #tpu.memory_space<vmem_shared>> -> memref<64x128xf32, #tpu.memory_space<vmem_shared>>
      %dma_start3A_75 = arith.constant 0 : i32
      %dma_start3A_76 = tpu.memref_slice %arg6[%add3A_42, %dma_start3A_75] : memref<10240x128xf32, #tpu.memory_space<vmem_shared>> -> memref<64x128xf32, #tpu.memory_space<vmem_shared>>
      tpu.enqueue_dma source(%arg9 : memref<64x128xf32, #tpu.memory_space<vmem>>) target(%dma_start3A_76 : memref<64x128xf32, #tpu.memory_space<vmem_shared>>) target_semaphore(%run_scoped3A : memref<!tpu.dma_semaphore, #tpu.memory_space<semaphore_mem>>)
      %dma_wait3A = arith.constant 0 : i32
      %dma_wait3A_77 = tpu.memref_slice %arg6[%add3A_42, %dma_wait3A] : memref<10240x128xf32, #tpu.memory_space<vmem_shared>> -> memref<64x128xf32, #tpu.memory_space<vmem_shared>>
      %dma_wait3A_78 = arith.constant 0 : i32
      %dma_wait3A_79 = tpu.memref_slice %arg6[%add3A_42, %dma_wait3A_78] : memref<10240x128xf32, #tpu.memory_space<vmem_shared>> -> memref<64x128xf32, #tpu.memory_space<vmem_shared>>
      tpu.wait_dma2 semaphore(%run_scoped3A : memref<!tpu.dma_semaphore, #tpu.memory_space<semaphore_mem>>) src(%arg9 : memref<64x128xf32, #tpu.memory_space<vmem>>) dst(%dma_wait3A_79 : memref<64x128xf32, #tpu.memory_space<vmem_shared>>)
      tpu.yield
    }) : () -> ()
    %mul3A_43 = arith.constant 640 : i32
    %mul3A_44 = arith.muli %arg1, %mul3A_43 : i32
    %add3A_45 = arith.constant 576 : i32
    %add3A_46 = arith.addi %mul3A_44, %add3A_45 : i32
    "tpu.region"() ({
      %run_scoped3A = tpu.sem_alloc : memref<!tpu.dma_semaphore, #tpu.memory_space<semaphore_mem>>
      %dma_start3A = arith.constant 0 : i32
      %dma_start3A_74 = tpu.memref_slice %arg6[%add3A_46, %dma_start3A] : memref<10240x128xf32, #tpu.memory_space<vmem_shared>> -> memref<64x128xf32, #tpu.memory_space<vmem_shared>>
      %dma_start3A_75 = arith.constant 0 : i32
      %dma_start3A_76 = tpu.memref_slice %arg6[%add3A_46, %dma_start3A_75] : memref<10240x128xf32, #tpu.memory_space<vmem_shared>> -> memref<64x128xf32, #tpu.memory_space<vmem_shared>>
      tpu.enqueue_dma source(%arg9 : memref<64x128xf32, #tpu.memory_space<vmem>>) target(%dma_start3A_76 : memref<64x128xf32, #tpu.memory_space<vmem_shared>>) target_semaphore(%run_scoped3A : memref<!tpu.dma_semaphore, #tpu.memory_space<semaphore_mem>>)
      %dma_wait3A = arith.constant 0 : i32
      %dma_wait3A_77 = tpu.memref_slice %arg6[%add3A_46, %dma_wait3A] : memref<10240x128xf32, #tpu.memory_space<vmem_shared>> -> memref<64x128xf32, #tpu.memory_space<vmem_shared>>
      %dma_wait3A_78 = arith.constant 0 : i32
      %dma_wait3A_79 = tpu.memref_slice %arg6[%add3A_46, %dma_wait3A_78] : memref<10240x128xf32, #tpu.memory_space<vmem_shared>> -> memref<64x128xf32, #tpu.memory_space<vmem_shared>>
      tpu.wait_dma2 semaphore(%run_scoped3A : memref<!tpu.dma_semaphore, #tpu.memory_space<semaphore_mem>>) src(%arg9 : memref<64x128xf32, #tpu.memory_space<vmem>>) dst(%dma_wait3A_79 : memref<64x128xf32, #tpu.memory_space<vmem_shared>>)
      tpu.yield
    }) : () -> ()
    %barrier3A = arith.constant 0 : index
    tpu.barrier barrier_id(%barrier3A)
    %scan3A_47 = arith.constant 0 : i32
    %scan3A_48 = arith.constant 0 : i32
    %scan3A_49 = arith.constant 10 : i32
    %scan3A_50 = arith.addi %scan3A_48, %scan3A_49 : i32
    %scan3A_51 = arith.constant 1 : i32
    scf.for %scan3A_74 = %scan3A_48 to %scan3A_50 step %scan3A_51  : i32 {
      %mul3A_75 = arith.constant 160 : i32
      %mul3A_76 = arith.muli %add3A, %mul3A_75 : i32
      %mul3A_77 = arith.constant 16 : i32
      %mul3A_78 = arith.muli %scan3A_74, %mul3A_77 : i32
      %add3A_79 = arith.addi %mul3A_76, %mul3A_78 : i32
      "tpu.region"() ({
        %run_scoped3A_317 = tpu.sem_alloc : memref<!tpu.dma_semaphore, #tpu.memory_space<semaphore_mem>>
        %dma_start3A_318 = arith.constant 0 : i32
        %dma_start3A_319 = tpu.memref_slice %arg3[%add3A_79, %dma_start3A_318] : memref<5120x64xi32, #tpu.memory_space<hbm>> -> memref<16x64xi32, #tpu.memory_space<hbm>>
        %dma_start3A_320 = arith.constant 0 : i32
        %dma_start3A_321 = tpu.memref_slice %arg3[%add3A_79, %dma_start3A_320] : memref<5120x64xi32, #tpu.memory_space<hbm>> -> memref<16x64xi32, #tpu.memory_space<hbm>>
        tpu.enqueue_dma source(%dma_start3A_321 : memref<16x64xi32, #tpu.memory_space<hbm>>) target(%arg7 : memref<16x64xi32, #tpu.memory_space<vmem>>) target_semaphore(%run_scoped3A_317 : memref<!tpu.dma_semaphore, #tpu.memory_space<semaphore_mem>>)
        %dma_wait3A_322 = arith.constant 0 : i32
        %dma_wait3A_323 = tpu.memref_slice %arg3[%add3A_79, %dma_wait3A_322] : memref<5120x64xi32, #tpu.memory_space<hbm>> -> memref<16x64xi32, #tpu.memory_space<hbm>>
        %dma_wait3A_324 = arith.constant 0 : i32
        %dma_wait3A_325 = tpu.memref_slice %arg3[%add3A_79, %dma_wait3A_324] : memref<5120x64xi32, #tpu.memory_space<hbm>> -> memref<16x64xi32, #tpu.memory_space<hbm>>
        tpu.wait_dma2 semaphore(%run_scoped3A_317 : memref<!tpu.dma_semaphore, #tpu.memory_space<semaphore_mem>>) src(%dma_wait3A_325 : memref<16x64xi32, #tpu.memory_space<hbm>>) dst(%arg7 : memref<16x64xi32, #tpu.memory_space<vmem>>)
        tpu.yield
      }) : () -> ()
      "tpu.region"() ({
        %run_scoped3A_317 = tpu.sem_alloc : memref<!tpu.dma_semaphore, #tpu.memory_space<semaphore_mem>>
        %dma_start3A_318 = arith.constant 0 : i32
        %dma_start3A_319 = tpu.memref_slice %arg4[%add3A_79, %dma_start3A_318] : memref<5120x64xi32, #tpu.memory_space<hbm>> -> memref<16x64xi32, #tpu.memory_space<hbm>>
        %dma_start3A_320 = arith.constant 0 : i32
        %dma_start3A_321 = tpu.memref_slice %arg4[%add3A_79, %dma_start3A_320] : memref<5120x64xi32, #tpu.memory_space<hbm>> -> memref<16x64xi32, #tpu.memory_space<hbm>>
        tpu.enqueue_dma source(%dma_start3A_321 : memref<16x64xi32, #tpu.memory_space<hbm>>) target(%arg8 : memref<16x64xi32, #tpu.memory_space<vmem>>) target_semaphore(%run_scoped3A_317 : memref<!tpu.dma_semaphore, #tpu.memory_space<semaphore_mem>>)
        %dma_wait3A_322 = arith.constant 0 : i32
        %dma_wait3A_323 = tpu.memref_slice %arg4[%add3A_79, %dma_wait3A_322] : memref<5120x64xi32, #tpu.memory_space<hbm>> -> memref<16x64xi32, #tpu.memory_space<hbm>>
        %dma_wait3A_324 = arith.constant 0 : i32
        %dma_wait3A_325 = tpu.memref_slice %arg4[%add3A_79, %dma_wait3A_324] : memref<5120x64xi32, #tpu.memory_space<hbm>> -> memref<16x64xi32, #tpu.memory_space<hbm>>
        tpu.wait_dma2 semaphore(%run_scoped3A_317 : memref<!tpu.dma_semaphore, #tpu.memory_space<semaphore_mem>>) src(%dma_wait3A_325 : memref<16x64xi32, #tpu.memory_space<hbm>>) dst(%arg8 : memref<16x64xi32, #tpu.memory_space<vmem>>)
        tpu.yield
      }) : () -> ()
      %dma_start3A = arith.constant 0 : i32
      %dma_start3A_80 = arith.constant 0 : i32
      %dma_start3A_81 = tpu.memref_slice %arg7[%dma_start3A, %dma_start3A_80] : memref<16x64xi32, #tpu.memory_space<vmem>> -> memref<1x64xi32, #tpu.memory_space<vmem>>
      %dma_start3A_82 = tpu.memref_squeeze %dma_start3A_81 : memref<1x64xi32, #tpu.memory_space<vmem>> -> memref<64xi32, #tpu.memory_space<vmem>>
      %dma_start3A_83 = arith.constant 0 : i32
      %dma_start3A_84 = arith.constant 0 : i32
      %dma_start3A_85 = tpu.memref_slice %arg2[%dma_start3A_83, %dma_start3A_84] : memref<10240x128xf32, #tpu.memory_space<hbm>> -> memref<10240x128xf32, #tpu.memory_space<hbm>>
      tpu.enqueue_indirect_dma source(%dma_start3A_85 : memref<10240x128xf32, #tpu.memory_space<hbm>>) target(%arg9 : memref<64x128xf32, #tpu.memory_space<vmem>>) offsets(%dma_start3A_82 : memref<64xi32, #tpu.memory_space<vmem>>) semaphore(%arg13 : memref<!tpu.dma_semaphore, #tpu.memory_space<semaphore_mem>>)
      %dma_start3A_86 = arith.constant 1 : i32
      %dma_start3A_87 = arith.constant 0 : i32
      %dma_start3A_88 = tpu.memref_slice %arg7[%dma_start3A_86, %dma_start3A_87] : memref<16x64xi32, #tpu.memory_space<vmem>> -> memref<1x64xi32, #tpu.memory_space<vmem>>
      %dma_start3A_89 = tpu.memref_squeeze %dma_start3A_88 : memref<1x64xi32, #tpu.memory_space<vmem>> -> memref<64xi32, #tpu.memory_space<vmem>>
      %dma_start3A_90 = arith.constant 0 : i32
      %dma_start3A_91 = arith.constant 0 : i32
      %dma_start3A_92 = tpu.memref_slice %arg2[%dma_start3A_90, %dma_start3A_91] : memref<10240x128xf32, #tpu.memory_space<hbm>> -> memref<10240x128xf32, #tpu.memory_space<hbm>>
      tpu.enqueue_indirect_dma source(%dma_start3A_92 : memref<10240x128xf32, #tpu.memory_space<hbm>>) target(%arg10 : memref<64x128xf32, #tpu.memory_space<vmem>>) offsets(%dma_start3A_89 : memref<64xi32, #tpu.memory_space<vmem>>) semaphore(%arg14 : memref<!tpu.dma_semaphore, #tpu.memory_space<semaphore_mem>>)
      %dma_start3A_93 = arith.constant 2 : i32
      %dma_start3A_94 = arith.constant 0 : i32
      %dma_start3A_95 = tpu.memref_slice %arg7[%dma_start3A_93, %dma_start3A_94] : memref<16x64xi32, #tpu.memory_space<vmem>> -> memref<1x64xi32, #tpu.memory_space<vmem>>
      %dma_start3A_96 = tpu.memref_squeeze %dma_start3A_95 : memref<1x64xi32, #tpu.memory_space<vmem>> -> memref<64xi32, #tpu.memory_space<vmem>>
      %dma_start3A_97 = arith.constant 0 : i32
      %dma_start3A_98 = arith.constant 0 : i32
      %dma_start3A_99 = tpu.memref_slice %arg2[%dma_start3A_97, %dma_start3A_98] : memref<10240x128xf32, #tpu.memory_space<hbm>> -> memref<10240x128xf32, #tpu.memory_space<hbm>>
      tpu.enqueue_indirect_dma source(%dma_start3A_99 : memref<10240x128xf32, #tpu.memory_space<hbm>>) target(%arg11 : memref<64x128xf32, #tpu.memory_space<vmem>>) offsets(%dma_start3A_96 : memref<64xi32, #tpu.memory_space<vmem>>) semaphore(%arg15 : memref<!tpu.dma_semaphore, #tpu.memory_space<semaphore_mem>>)
      %dma_wait3A = arith.constant 0 : i32
      %dma_wait3A_100 = arith.constant 0 : i32
      %dma_wait3A_101 = tpu.memref_slice %arg7[%dma_wait3A, %dma_wait3A_100] : memref<16x64xi32, #tpu.memory_space<vmem>> -> memref<1x64xi32, #tpu.memory_space<vmem>>
      %dma_wait3A_102 = tpu.memref_squeeze %dma_wait3A_101 : memref<1x64xi32, #tpu.memory_space<vmem>> -> memref<64xi32, #tpu.memory_space<vmem>>
      %dma_wait3A_103 = arith.constant 0 : i32
      %dma_wait3A_104 = arith.constant 0 : i32
      %dma_wait3A_105 = tpu.memref_slice %arg2[%dma_wait3A_103, %dma_wait3A_104] : memref<10240x128xf32, #tpu.memory_space<hbm>> -> memref<10240x128xf32, #tpu.memory_space<hbm>>
      tpu.wait_indirect_dma semaphore(%arg13 : memref<!tpu.dma_semaphore, #tpu.memory_space<semaphore_mem>>) src(%dma_wait3A_105 : memref<10240x128xf32, #tpu.memory_space<hbm>>) dst(%arg9 : memref<64x128xf32, #tpu.memory_space<vmem>>)
      %dma_start3A_106 = arith.constant 3 : i32
      %dma_start3A_107 = arith.constant 0 : i32
      %dma_start3A_108 = tpu.memref_slice %arg7[%dma_start3A_106, %dma_start3A_107] : memref<16x64xi32, #tpu.memory_space<vmem>> -> memref<1x64xi32, #tpu.memory_space<vmem>>
      %dma_start3A_109 = tpu.memref_squeeze %dma_start3A_108 : memref<1x64xi32, #tpu.memory_space<vmem>> -> memref<64xi32, #tpu.memory_space<vmem>>
      %dma_start3A_110 = arith.constant 0 : i32
      %dma_start3A_111 = arith.constant 0 : i32
      %dma_start3A_112 = tpu.memref_slice %arg2[%dma_start3A_110, %dma_start3A_111] : memref<10240x128xf32, #tpu.memory_space<hbm>> -> memref<10240x128xf32, #tpu.memory_space<hbm>>
      tpu.enqueue_indirect_dma source(%dma_start3A_112 : memref<10240x128xf32, #tpu.memory_space<hbm>>) target(%arg12 : memref<64x128xf32, #tpu.memory_space<vmem>>) offsets(%dma_start3A_109 : memref<64xi32, #tpu.memory_space<vmem>>) semaphore(%arg16 : memref<!tpu.dma_semaphore, #tpu.memory_space<semaphore_mem>>)
      %run_scoped3A = arith.constant 0 : i32
      "tpu.region"() ({
        %run_scoped3A_317 = tpu.sem_alloc : memref<!tpu.dma_semaphore, #tpu.memory_space<semaphore_mem>>
        %dma_start3A_318 = arith.constant 0 : i32
        %dma_start3A_319 = tpu.memref_slice %arg8[%run_scoped3A, %dma_start3A_318] : memref<16x64xi32, #tpu.memory_space<vmem>> -> memref<1x64xi32, #tpu.memory_space<vmem>>
        %dma_start3A_320 = tpu.memref_squeeze %dma_start3A_319 : memref<1x64xi32, #tpu.memory_space<vmem>> -> memref<64xi32, #tpu.memory_space<vmem>>
        %dma_start3A_321 = arith.constant 0 : i32
        %dma_start3A_322 = arith.constant 0 : i32
        %dma_start3A_323 = tpu.memref_slice %arg6[%dma_start3A_321, %dma_start3A_322] : memref<10240x128xf32, #tpu.memory_space<vmem_shared>> -> memref<10240x128xf32, #tpu.memory_space<vmem_shared>>
        tpu.enqueue_indirect_dma source(%arg9 : memref<64x128xf32, #tpu.memory_space<vmem>>) target(%dma_start3A_323 : memref<10240x128xf32, #tpu.memory_space<vmem_shared>>) offsets(%dma_start3A_320 : memref<64xi32, #tpu.memory_space<vmem>>) semaphore(%run_scoped3A_317 : memref<!tpu.dma_semaphore, #tpu.memory_space<semaphore_mem>>) {add = true}
        %dma_wait3A_324 = arith.constant 0 : i32
        %dma_wait3A_325 = tpu.memref_slice %arg8[%run_scoped3A, %dma_wait3A_324] : memref<16x64xi32, #tpu.memory_space<vmem>> -> memref<1x64xi32, #tpu.memory_space<vmem>>
        %dma_wait3A_326 = tpu.memref_squeeze %dma_wait3A_325 : memref<1x64xi32, #tpu.memory_space<vmem>> -> memref<64xi32, #tpu.memory_space<vmem>>
        %dma_wait3A_327 = arith.constant 0 : i32
        %dma_wait3A_328 = arith.constant 0 : i32
        %dma_wait3A_329 = tpu.memref_slice %arg6[%dma_wait3A_327, %dma_wait3A_328] : memref<10240x128xf32, #tpu.memory_space<vmem_shared>> -> memref<10240x128xf32, #tpu.memory_space<vmem_shared>>
        tpu.wait_indirect_dma semaphore(%run_scoped3A_317 : memref<!tpu.dma_semaphore, #tpu.memory_space<semaphore_mem>>) src(%arg9 : memref<64x128xf32, #tpu.memory_space<vmem>>) dst(%dma_wait3A_329 : memref<10240x128xf32, #tpu.memory_space<vmem_shared>>)
        tpu.yield
      }) : () -> ()
      %dma_wait3A_113 = arith.constant 1 : i32
      %dma_wait3A_114 = arith.constant 0 : i32
      %dma_wait3A_115 = tpu.memref_slice %arg7[%dma_wait3A_113, %dma_wait3A_114] : memref<16x64xi32, #tpu.memory_space<vmem>> -> memref<1x64xi32, #tpu.memory_space<vmem>>
      %dma_wait3A_116 = tpu.memref_squeeze %dma_wait3A_115 : memref<1x64xi32, #tpu.memory_space<vmem>> -> memref<64xi32, #tpu.memory_space<vmem>>
      %dma_wait3A_117 = arith.constant 0 : i32
      %dma_wait3A_118 = arith.constant 0 : i32
      %dma_wait3A_119 = tpu.memref_slice %arg2[%dma_wait3A_117, %dma_wait3A_118] : memref<10240x128xf32, #tpu.memory_space<hbm>> -> memref<10240x128xf32, #tpu.memory_space<hbm>>
      tpu.wait_indirect_dma semaphore(%arg14 : memref<!tpu.dma_semaphore, #tpu.memory_space<semaphore_mem>>) src(%dma_wait3A_119 : memref<10240x128xf32, #tpu.memory_space<hbm>>) dst(%arg10 : memref<64x128xf32, #tpu.memory_space<vmem>>)
      %dma_start3A_120 = arith.constant 4 : i32
      %dma_start3A_121 = arith.constant 0 : i32
      %dma_start3A_122 = tpu.memref_slice %arg7[%dma_start3A_120, %dma_start3A_121] : memref<16x64xi32, #tpu.memory_space<vmem>> -> memref<1x64xi32, #tpu.memory_space<vmem>>
      %dma_start3A_123 = tpu.memref_squeeze %dma_start3A_122 : memref<1x64xi32, #tpu.memory_space<vmem>> -> memref<64xi32, #tpu.memory_space<vmem>>
      %dma_start3A_124 = arith.constant 0 : i32
      %dma_start3A_125 = arith.constant 0 : i32
      %dma_start3A_126 = tpu.memref_slice %arg2[%dma_start3A_124, %dma_start3A_125] : memref<10240x128xf32, #tpu.memory_space<hbm>> -> memref<10240x128xf32, #tpu.memory_space<hbm>>
      tpu.enqueue_indirect_dma source(%dma_start3A_126 : memref<10240x128xf32, #tpu.memory_space<hbm>>) target(%arg9 : memref<64x128xf32, #tpu.memory_space<vmem>>) offsets(%dma_start3A_123 : memref<64xi32, #tpu.memory_space<vmem>>) semaphore(%arg13 : memref<!tpu.dma_semaphore, #tpu.memory_space<semaphore_mem>>)
      %run_scoped3A_127 = arith.constant 1 : i32
      "tpu.region"() ({
        %run_scoped3A_317 = tpu.sem_alloc : memref<!tpu.dma_semaphore, #tpu.memory_space<semaphore_mem>>
        %dma_start3A_318 = arith.constant 0 : i32
        %dma_start3A_319 = tpu.memref_slice %arg8[%run_scoped3A_127, %dma_start3A_318] : memref<16x64xi32, #tpu.memory_space<vmem>> -> memref<1x64xi32, #tpu.memory_space<vmem>>
        %dma_start3A_320 = tpu.memref_squeeze %dma_start3A_319 : memref<1x64xi32, #tpu.memory_space<vmem>> -> memref<64xi32, #tpu.memory_space<vmem>>
        %dma_start3A_321 = arith.constant 0 : i32
        %dma_start3A_322 = arith.constant 0 : i32
        %dma_start3A_323 = tpu.memref_slice %arg6[%dma_start3A_321, %dma_start3A_322] : memref<10240x128xf32, #tpu.memory_space<vmem_shared>> -> memref<10240x128xf32, #tpu.memory_space<vmem_shared>>
        tpu.enqueue_indirect_dma source(%arg10 : memref<64x128xf32, #tpu.memory_space<vmem>>) target(%dma_start3A_323 : memref<10240x128xf32, #tpu.memory_space<vmem_shared>>) offsets(%dma_start3A_320 : memref<64xi32, #tpu.memory_space<vmem>>) semaphore(%run_scoped3A_317 : memref<!tpu.dma_semaphore, #tpu.memory_space<semaphore_mem>>) {add = true}
        %dma_wait3A_324 = arith.constant 0 : i32
        %dma_wait3A_325 = tpu.memref_slice %arg8[%run_scoped3A_127, %dma_wait3A_324] : memref<16x64xi32, #tpu.memory_space<vmem>> -> memref<1x64xi32, #tpu.memory_space<vmem>>
        %dma_wait3A_326 = tpu.memref_squeeze %dma_wait3A_325 : memref<1x64xi32, #tpu.memory_space<vmem>> -> memref<64xi32, #tpu.memory_space<vmem>>
        %dma_wait3A_327 = arith.constant 0 : i32
        %dma_wait3A_328 = arith.constant 0 : i32
        %dma_wait3A_329 = tpu.memref_slice %arg6[%dma_wait3A_327, %dma_wait3A_328] : memref<10240x128xf32, #tpu.memory_space<vmem_shared>> -> memref<10240x128xf32, #tpu.memory_space<vmem_shared>>
        tpu.wait_indirect_dma semaphore(%run_scoped3A_317 : memref<!tpu.dma_semaphore, #tpu.memory_space<semaphore_mem>>) src(%arg10 : memref<64x128xf32, #tpu.memory_space<vmem>>) dst(%dma_wait3A_329 : memref<10240x128xf32, #tpu.memory_space<vmem_shared>>)
        tpu.yield
      }) : () -> ()
      %dma_wait3A_128 = arith.constant 2 : i32
      %dma_wait3A_129 = arith.constant 0 : i32
      %dma_wait3A_130 = tpu.memref_slice %arg7[%dma_wait3A_128, %dma_wait3A_129] : memref<16x64xi32, #tpu.memory_space<vmem>> -> memref<1x64xi32, #tpu.memory_space<vmem>>
      %dma_wait3A_131 = tpu.memref_squeeze %dma_wait3A_130 : memref<1x64xi32, #tpu.memory_space<vmem>> -> memref<64xi32, #tpu.memory_space<vmem>>
      %dma_wait3A_132 = arith.constant 0 : i32
      %dma_wait3A_133 = arith.constant 0 : i32
      %dma_wait3A_134 = tpu.memref_slice %arg2[%dma_wait3A_132, %dma_wait3A_133] : memref<10240x128xf32, #tpu.memory_space<hbm>> -> memref<10240x128xf32, #tpu.memory_space<hbm>>
      tpu.wait_indirect_dma semaphore(%arg15 : memref<!tpu.dma_semaphore, #tpu.memory_space<semaphore_mem>>) src(%dma_wait3A_134 : memref<10240x128xf32, #tpu.memory_space<hbm>>) dst(%arg11 : memref<64x128xf32, #tpu.memory_space<vmem>>)
      %dma_start3A_135 = arith.constant 5 : i32
      %dma_start3A_136 = arith.constant 0 : i32
      %dma_start3A_137 = tpu.memref_slice %arg7[%dma_start3A_135, %dma_start3A_136] : memref<16x64xi32, #tpu.memory_space<vmem>> -> memref<1x64xi32, #tpu.memory_space<vmem>>
      %dma_start3A_138 = tpu.memref_squeeze %dma_start3A_137 : memref<1x64xi32, #tpu.memory_space<vmem>> -> memref<64xi32, #tpu.memory_space<vmem>>
      %dma_start3A_139 = arith.constant 0 : i32
      %dma_start3A_140 = arith.constant 0 : i32
      %dma_start3A_141 = tpu.memref_slice %arg2[%dma_start3A_139, %dma_start3A_140] : memref<10240x128xf32, #tpu.memory_space<hbm>> -> memref<10240x128xf32, #tpu.memory_space<hbm>>
      tpu.enqueue_indirect_dma source(%dma_start3A_141 : memref<10240x128xf32, #tpu.memory_space<hbm>>) target(%arg10 : memref<64x128xf32, #tpu.memory_space<vmem>>) offsets(%dma_start3A_138 : memref<64xi32, #tpu.memory_space<vmem>>) semaphore(%arg14 : memref<!tpu.dma_semaphore, #tpu.memory_space<semaphore_mem>>)
      %run_scoped3A_142 = arith.constant 2 : i32
      "tpu.region"() ({
        %run_scoped3A_317 = tpu.sem_alloc : memref<!tpu.dma_semaphore, #tpu.memory_space<semaphore_mem>>
        %dma_start3A_318 = arith.constant 0 : i32
        %dma_start3A_319 = tpu.memref_slice %arg8[%run_scoped3A_142, %dma_start3A_318] : memref<16x64xi32, #tpu.memory_space<vmem>> -> memref<1x64xi32, #tpu.memory_space<vmem>>
        %dma_start3A_320 = tpu.memref_squeeze %dma_start3A_319 : memref<1x64xi32, #tpu.memory_space<vmem>> -> memref<64xi32, #tpu.memory_space<vmem>>
        %dma_start3A_321 = arith.constant 0 : i32
        %dma_start3A_322 = arith.constant 0 : i32
        %dma_start3A_323 = tpu.memref_slice %arg6[%dma_start3A_321, %dma_start3A_322] : memref<10240x128xf32, #tpu.memory_space<vmem_shared>> -> memref<10240x128xf32, #tpu.memory_space<vmem_shared>>
        tpu.enqueue_indirect_dma source(%arg11 : memref<64x128xf32, #tpu.memory_space<vmem>>) target(%dma_start3A_323 : memref<10240x128xf32, #tpu.memory_space<vmem_shared>>) offsets(%dma_start3A_320 : memref<64xi32, #tpu.memory_space<vmem>>) semaphore(%run_scoped3A_317 : memref<!tpu.dma_semaphore, #tpu.memory_space<semaphore_mem>>) {add = true}
        %dma_wait3A_324 = arith.constant 0 : i32
        %dma_wait3A_325 = tpu.memref_slice %arg8[%run_scoped3A_142, %dma_wait3A_324] : memref<16x64xi32, #tpu.memory_space<vmem>> -> memref<1x64xi32, #tpu.memory_space<vmem>>
        %dma_wait3A_326 = tpu.memref_squeeze %dma_wait3A_325 : memref<1x64xi32, #tpu.memory_space<vmem>> -> memref<64xi32, #tpu.memory_space<vmem>>
        %dma_wait3A_327 = arith.constant 0 : i32
        %dma_wait3A_328 = arith.constant 0 : i32
        %dma_wait3A_329 = tpu.memref_slice %arg6[%dma_wait3A_327, %dma_wait3A_328] : memref<10240x128xf32, #tpu.memory_space<vmem_shared>> -> memref<10240x128xf32, #tpu.memory_space<vmem_shared>>
        tpu.wait_indirect_dma semaphore(%run_scoped3A_317 : memref<!tpu.dma_semaphore, #tpu.memory_space<semaphore_mem>>) src(%arg11 : memref<64x128xf32, #tpu.memory_space<vmem>>) dst(%dma_wait3A_329 : memref<10240x128xf32, #tpu.memory_space<vmem_shared>>)
        tpu.yield
      }) : () -> ()
      %dma_wait3A_143 = arith.constant 3 : i32
      %dma_wait3A_144 = arith.constant 0 : i32
      %dma_wait3A_145 = tpu.memref_slice %arg7[%dma_wait3A_143, %dma_wait3A_144] : memref<16x64xi32, #tpu.memory_space<vmem>> -> memref<1x64xi32, #tpu.memory_space<vmem>>
      %dma_wait3A_146 = tpu.memref_squeeze %dma_wait3A_145 : memref<1x64xi32, #tpu.memory_space<vmem>> -> memref<64xi32, #tpu.memory_space<vmem>>
      %dma_wait3A_147 = arith.constant 0 : i32
      %dma_wait3A_148 = arith.constant 0 : i32
      %dma_wait3A_149 = tpu.memref_slice %arg2[%dma_wait3A_147, %dma_wait3A_148] : memref<10240x128xf32, #tpu.memory_space<hbm>> -> memref<10240x128xf32, #tpu.memory_space<hbm>>
      tpu.wait_indirect_dma semaphore(%arg16 : memref<!tpu.dma_semaphore, #tpu.memory_space<semaphore_mem>>) src(%dma_wait3A_149 : memref<10240x128xf32, #tpu.memory_space<hbm>>) dst(%arg12 : memref<64x128xf32, #tpu.memory_space<vmem>>)
      %dma_start3A_150 = arith.constant 6 : i32
      %dma_start3A_151 = arith.constant 0 : i32
      %dma_start3A_152 = tpu.memref_slice %arg7[%dma_start3A_150, %dma_start3A_151] : memref<16x64xi32, #tpu.memory_space<vmem>> -> memref<1x64xi32, #tpu.memory_space<vmem>>
      %dma_start3A_153 = tpu.memref_squeeze %dma_start3A_152 : memref<1x64xi32, #tpu.memory_space<vmem>> -> memref<64xi32, #tpu.memory_space<vmem>>
      %dma_start3A_154 = arith.constant 0 : i32
      %dma_start3A_155 = arith.constant 0 : i32
      %dma_start3A_156 = tpu.memref_slice %arg2[%dma_start3A_154, %dma_start3A_155] : memref<10240x128xf32, #tpu.memory_space<hbm>> -> memref<10240x128xf32, #tpu.memory_space<hbm>>
      tpu.enqueue_indirect_dma source(%dma_start3A_156 : memref<10240x128xf32, #tpu.memory_space<hbm>>) target(%arg11 : memref<64x128xf32, #tpu.memory_space<vmem>>) offsets(%dma_start3A_153 : memref<64xi32, #tpu.memory_space<vmem>>) semaphore(%arg15 : memref<!tpu.dma_semaphore, #tpu.memory_space<semaphore_mem>>)
      %run_scoped3A_157 = arith.constant 3 : i32
      "tpu.region"() ({
        %run_scoped3A_317 = tpu.sem_alloc : memref<!tpu.dma_semaphore, #tpu.memory_space<semaphore_mem>>
        %dma_start3A_318 = arith.constant 0 : i32
        %dma_start3A_319 = tpu.memref_slice %arg8[%run_scoped3A_157, %dma_start3A_318] : memref<16x64xi32, #tpu.memory_space<vmem>> -> memref<1x64xi32, #tpu.memory_space<vmem>>
        %dma_start3A_320 = tpu.memref_squeeze %dma_start3A_319 : memref<1x64xi32, #tpu.memory_space<vmem>> -> memref<64xi32, #tpu.memory_space<vmem>>
        %dma_start3A_321 = arith.constant 0 : i32
        %dma_start3A_322 = arith.constant 0 : i32
        %dma_start3A_323 = tpu.memref_slice %arg6[%dma_start3A_321, %dma_start3A_322] : memref<10240x128xf32, #tpu.memory_space<vmem_shared>> -> memref<10240x128xf32, #tpu.memory_space<vmem_shared>>
        tpu.enqueue_indirect_dma source(%arg12 : memref<64x128xf32, #tpu.memory_space<vmem>>) target(%dma_start3A_323 : memref<10240x128xf32, #tpu.memory_space<vmem_shared>>) offsets(%dma_start3A_320 : memref<64xi32, #tpu.memory_space<vmem>>) semaphore(%run_scoped3A_317 : memref<!tpu.dma_semaphore, #tpu.memory_space<semaphore_mem>>) {add = true}
        %dma_wait3A_324 = arith.constant 0 : i32
        %dma_wait3A_325 = tpu.memref_slice %arg8[%run_scoped3A_157, %dma_wait3A_324] : memref<16x64xi32, #tpu.memory_space<vmem>> -> memref<1x64xi32, #tpu.memory_space<vmem>>
        %dma_wait3A_326 = tpu.memref_squeeze %dma_wait3A_325 : memref<1x64xi32, #tpu.memory_space<vmem>> -> memref<64xi32, #tpu.memory_space<vmem>>
        %dma_wait3A_327 = arith.constant 0 : i32
        %dma_wait3A_328 = arith.constant 0 : i32
        %dma_wait3A_329 = tpu.memref_slice %arg6[%dma_wait3A_327, %dma_wait3A_328] : memref<10240x128xf32, #tpu.memory_space<vmem_shared>> -> memref<10240x128xf32, #tpu.memory_space<vmem_shared>>
        tpu.wait_indirect_dma semaphore(%run_scoped3A_317 : memref<!tpu.dma_semaphore, #tpu.memory_space<semaphore_mem>>) src(%arg12 : memref<64x128xf32, #tpu.memory_space<vmem>>) dst(%dma_wait3A_329 : memref<10240x128xf32, #tpu.memory_space<vmem_shared>>)
        tpu.yield
      }) : () -> ()
      %dma_wait3A_158 = arith.constant 4 : i32
      %dma_wait3A_159 = arith.constant 0 : i32
      %dma_wait3A_160 = tpu.memref_slice %arg7[%dma_wait3A_158, %dma_wait3A_159] : memref<16x64xi32, #tpu.memory_space<vmem>> -> memref<1x64xi32, #tpu.memory_space<vmem>>
      %dma_wait3A_161 = tpu.memref_squeeze %dma_wait3A_160 : memref<1x64xi32, #tpu.memory_space<vmem>> -> memref<64xi32, #tpu.memory_space<vmem>>
      %dma_wait3A_162 = arith.constant 0 : i32
      %dma_wait3A_163 = arith.constant 0 : i32
      %dma_wait3A_164 = tpu.memref_slice %arg2[%dma_wait3A_162, %dma_wait3A_163] : memref<10240x128xf32, #tpu.memory_space<hbm>> -> memref<10240x128xf32, #tpu.memory_space<hbm>>
      tpu.wait_indirect_dma semaphore(%arg13 : memref<!tpu.dma_semaphore, #tpu.memory_space<semaphore_mem>>) src(%dma_wait3A_164 : memref<10240x128xf32, #tpu.memory_space<hbm>>) dst(%arg9 : memref<64x128xf32, #tpu.memory_space<vmem>>)
      %dma_start3A_165 = arith.constant 7 : i32
      %dma_start3A_166 = arith.constant 0 : i32
      %dma_start3A_167 = tpu.memref_slice %arg7[%dma_start3A_165, %dma_start3A_166] : memref<16x64xi32, #tpu.memory_space<vmem>> -> memref<1x64xi32, #tpu.memory_space<vmem>>
      %dma_start3A_168 = tpu.memref_squeeze %dma_start3A_167 : memref<1x64xi32, #tpu.memory_space<vmem>> -> memref<64xi32, #tpu.memory_space<vmem>>
      %dma_start3A_169 = arith.constant 0 : i32
      %dma_start3A_170 = arith.constant 0 : i32
      %dma_start3A_171 = tpu.memref_slice %arg2[%dma_start3A_169, %dma_start3A_170] : memref<10240x128xf32, #tpu.memory_space<hbm>> -> memref<10240x128xf32, #tpu.memory_space<hbm>>
      tpu.enqueue_indirect_dma source(%dma_start3A_171 : memref<10240x128xf32, #tpu.memory_space<hbm>>) target(%arg12 : memref<64x128xf32, #tpu.memory_space<vmem>>) offsets(%dma_start3A_168 : memref<64xi32, #tpu.memory_space<vmem>>) semaphore(%arg16 : memref<!tpu.dma_semaphore, #tpu.memory_space<semaphore_mem>>)
      %run_scoped3A_172 = arith.constant 4 : i32
      "tpu.region"() ({
        %run_scoped3A_317 = tpu.sem_alloc : memref<!tpu.dma_semaphore, #tpu.memory_space<semaphore_mem>>
        %dma_start3A_318 = arith.constant 0 : i32
        %dma_start3A_319 = tpu.memref_slice %arg8[%run_scoped3A_172, %dma_start3A_318] : memref<16x64xi32, #tpu.memory_space<vmem>> -> memref<1x64xi32, #tpu.memory_space<vmem>>
        %dma_start3A_320 = tpu.memref_squeeze %dma_start3A_319 : memref<1x64xi32, #tpu.memory_space<vmem>> -> memref<64xi32, #tpu.memory_space<vmem>>
        %dma_start3A_321 = arith.constant 0 : i32
        %dma_start3A_322 = arith.constant 0 : i32
        %dma_start3A_323 = tpu.memref_slice %arg6[%dma_start3A_321, %dma_start3A_322] : memref<10240x128xf32, #tpu.memory_space<vmem_shared>> -> memref<10240x128xf32, #tpu.memory_space<vmem_shared>>
        tpu.enqueue_indirect_dma source(%arg9 : memref<64x128xf32, #tpu.memory_space<vmem>>) target(%dma_start3A_323 : memref<10240x128xf32, #tpu.memory_space<vmem_shared>>) offsets(%dma_start3A_320 : memref<64xi32, #tpu.memory_space<vmem>>) semaphore(%run_scoped3A_317 : memref<!tpu.dma_semaphore, #tpu.memory_space<semaphore_mem>>) {add = true}
        %dma_wait3A_324 = arith.constant 0 : i32
        %dma_wait3A_325 = tpu.memref_slice %arg8[%run_scoped3A_172, %dma_wait3A_324] : memref<16x64xi32, #tpu.memory_space<vmem>> -> memref<1x64xi32, #tpu.memory_space<vmem>>
        %dma_wait3A_326 = tpu.memref_squeeze %dma_wait3A_325 : memref<1x64xi32, #tpu.memory_space<vmem>> -> memref<64xi32, #tpu.memory_space<vmem>>
        %dma_wait3A_327 = arith.constant 0 : i32
        %dma_wait3A_328 = arith.constant 0 : i32
        %dma_wait3A_329 = tpu.memref_slice %arg6[%dma_wait3A_327, %dma_wait3A_328] : memref<10240x128xf32, #tpu.memory_space<vmem_shared>> -> memref<10240x128xf32, #tpu.memory_space<vmem_shared>>
        tpu.wait_indirect_dma semaphore(%run_scoped3A_317 : memref<!tpu.dma_semaphore, #tpu.memory_space<semaphore_mem>>) src(%arg9 : memref<64x128xf32, #tpu.memory_space<vmem>>) dst(%dma_wait3A_329 : memref<10240x128xf32, #tpu.memory_space<vmem_shared>>)
        tpu.yield
      }) : () -> ()
      %dma_wait3A_173 = arith.constant 5 : i32
      %dma_wait3A_174 = arith.constant 0 : i32
      %dma_wait3A_175 = tpu.memref_slice %arg7[%dma_wait3A_173, %dma_wait3A_174] : memref<16x64xi32, #tpu.memory_space<vmem>> -> memref<1x64xi32, #tpu.memory_space<vmem>>
      %dma_wait3A_176 = tpu.memref_squeeze %dma_wait3A_175 : memref<1x64xi32, #tpu.memory_space<vmem>> -> memref<64xi32, #tpu.memory_space<vmem>>
      %dma_wait3A_177 = arith.constant 0 : i32
      %dma_wait3A_178 = arith.constant 0 : i32
      %dma_wait3A_179 = tpu.memref_slice %arg2[%dma_wait3A_177, %dma_wait3A_178] : memref<10240x128xf32, #tpu.memory_space<hbm>> -> memref<10240x128xf32, #tpu.memory_space<hbm>>
      tpu.wait_indirect_dma semaphore(%arg14 : memref<!tpu.dma_semaphore, #tpu.memory_space<semaphore_mem>>) src(%dma_wait3A_179 : memref<10240x128xf32, #tpu.memory_space<hbm>>) dst(%arg10 : memref<64x128xf32, #tpu.memory_space<vmem>>)
      %dma_start3A_180 = arith.constant 8 : i32
      %dma_start3A_181 = arith.constant 0 : i32
      %dma_start3A_182 = tpu.memref_slice %arg7[%dma_start3A_180, %dma_start3A_181] : memref<16x64xi32, #tpu.memory_space<vmem>> -> memref<1x64xi32, #tpu.memory_space<vmem>>
      %dma_start3A_183 = tpu.memref_squeeze %dma_start3A_182 : memref<1x64xi32, #tpu.memory_space<vmem>> -> memref<64xi32, #tpu.memory_space<vmem>>
      %dma_start3A_184 = arith.constant 0 : i32
      %dma_start3A_185 = arith.constant 0 : i32
      %dma_start3A_186 = tpu.memref_slice %arg2[%dma_start3A_184, %dma_start3A_185] : memref<10240x128xf32, #tpu.memory_space<hbm>> -> memref<10240x128xf32, #tpu.memory_space<hbm>>
      tpu.enqueue_indirect_dma source(%dma_start3A_186 : memref<10240x128xf32, #tpu.memory_space<hbm>>) target(%arg9 : memref<64x128xf32, #tpu.memory_space<vmem>>) offsets(%dma_start3A_183 : memref<64xi32, #tpu.memory_space<vmem>>) semaphore(%arg13 : memref<!tpu.dma_semaphore, #tpu.memory_space<semaphore_mem>>)
      %run_scoped3A_187 = arith.constant 5 : i32
      "tpu.region"() ({
        %run_scoped3A_317 = tpu.sem_alloc : memref<!tpu.dma_semaphore, #tpu.memory_space<semaphore_mem>>
        %dma_start3A_318 = arith.constant 0 : i32
        %dma_start3A_319 = tpu.memref_slice %arg8[%run_scoped3A_187, %dma_start3A_318] : memref<16x64xi32, #tpu.memory_space<vmem>> -> memref<1x64xi32, #tpu.memory_space<vmem>>
        %dma_start3A_320 = tpu.memref_squeeze %dma_start3A_319 : memref<1x64xi32, #tpu.memory_space<vmem>> -> memref<64xi32, #tpu.memory_space<vmem>>
        %dma_start3A_321 = arith.constant 0 : i32
        %dma_start3A_322 = arith.constant 0 : i32
        %dma_start3A_323 = tpu.memref_slice %arg6[%dma_start3A_321, %dma_start3A_322] : memref<10240x128xf32, #tpu.memory_space<vmem_shared>> -> memref<10240x128xf32, #tpu.memory_space<vmem_shared>>
        tpu.enqueue_indirect_dma source(%arg10 : memref<64x128xf32, #tpu.memory_space<vmem>>) target(%dma_start3A_323 : memref<10240x128xf32, #tpu.memory_space<vmem_shared>>) offsets(%dma_start3A_320 : memref<64xi32, #tpu.memory_space<vmem>>) semaphore(%run_scoped3A_317 : memref<!tpu.dma_semaphore, #tpu.memory_space<semaphore_mem>>) {add = true}
        %dma_wait3A_324 = arith.constant 0 : i32
        %dma_wait3A_325 = tpu.memref_slice %arg8[%run_scoped3A_187, %dma_wait3A_324] : memref<16x64xi32, #tpu.memory_space<vmem>> -> memref<1x64xi32, #tpu.memory_space<vmem>>
        %dma_wait3A_326 = tpu.memref_squeeze %dma_wait3A_325 : memref<1x64xi32, #tpu.memory_space<vmem>> -> memref<64xi32, #tpu.memory_space<vmem>>
        %dma_wait3A_327 = arith.constant 0 : i32
        %dma_wait3A_328 = arith.constant 0 : i32
        %dma_wait3A_329 = tpu.memref_slice %arg6[%dma_wait3A_327, %dma_wait3A_328] : memref<10240x128xf32, #tpu.memory_space<vmem_shared>> -> memref<10240x128xf32, #tpu.memory_space<vmem_shared>>
        tpu.wait_indirect_dma semaphore(%run_scoped3A_317 : memref<!tpu.dma_semaphore, #tpu.memory_space<semaphore_mem>>) src(%arg10 : memref<64x128xf32, #tpu.memory_space<vmem>>) dst(%dma_wait3A_329 : memref<10240x128xf32, #tpu.memory_space<vmem_shared>>)
        tpu.yield
      }) : () -> ()
      %dma_wait3A_188 = arith.constant 6 : i32
      %dma_wait3A_189 = arith.constant 0 : i32
      %dma_wait3A_190 = tpu.memref_slice %arg7[%dma_wait3A_188, %dma_wait3A_189] : memref<16x64xi32, #tpu.memory_space<vmem>> -> memref<1x64xi32, #tpu.memory_space<vmem>>
      %dma_wait3A_191 = tpu.memref_squeeze %dma_wait3A_190 : memref<1x64xi32, #tpu.memory_space<vmem>> -> memref<64xi32, #tpu.memory_space<vmem>>
      %dma_wait3A_192 = arith.constant 0 : i32
      %dma_wait3A_193 = arith.constant 0 : i32
      %dma_wait3A_194 = tpu.memref_slice %arg2[%dma_wait3A_192, %dma_wait3A_193] : memref<10240x128xf32, #tpu.memory_space<hbm>> -> memref<10240x128xf32, #tpu.memory_space<hbm>>
      tpu.wait_indirect_dma semaphore(%arg15 : memref<!tpu.dma_semaphore, #tpu.memory_space<semaphore_mem>>) src(%dma_wait3A_194 : memref<10240x128xf32, #tpu.memory_space<hbm>>) dst(%arg11 : memref<64x128xf32, #tpu.memory_space<vmem>>)
      %dma_start3A_195 = arith.constant 9 : i32
      %dma_start3A_196 = arith.constant 0 : i32
      %dma_start3A_197 = tpu.memref_slice %arg7[%dma_start3A_195, %dma_start3A_196] : memref<16x64xi32, #tpu.memory_space<vmem>> -> memref<1x64xi32, #tpu.memory_space<vmem>>
      %dma_start3A_198 = tpu.memref_squeeze %dma_start3A_197 : memref<1x64xi32, #tpu.memory_space<vmem>> -> memref<64xi32, #tpu.memory_space<vmem>>
      %dma_start3A_199 = arith.constant 0 : i32
      %dma_start3A_200 = arith.constant 0 : i32
      %dma_start3A_201 = tpu.memref_slice %arg2[%dma_start3A_199, %dma_start3A_200] : memref<10240x128xf32, #tpu.memory_space<hbm>> -> memref<10240x128xf32, #tpu.memory_space<hbm>>
      tpu.enqueue_indirect_dma source(%dma_start3A_201 : memref<10240x128xf32, #tpu.memory_space<hbm>>) target(%arg10 : memref<64x128xf32, #tpu.memory_space<vmem>>) offsets(%dma_start3A_198 : memref<64xi32, #tpu.memory_space<vmem>>) semaphore(%arg14 : memref<!tpu.dma_semaphore, #tpu.memory_space<semaphore_mem>>)
      %run_scoped3A_202 = arith.constant 6 : i32
      "tpu.region"() ({
        %run_scoped3A_317 = tpu.sem_alloc : memref<!tpu.dma_semaphore, #tpu.memory_space<semaphore_mem>>
        %dma_start3A_318 = arith.constant 0 : i32
        %dma_start3A_319 = tpu.memref_slice %arg8[%run_scoped3A_202, %dma_start3A_318] : memref<16x64xi32, #tpu.memory_space<vmem>> -> memref<1x64xi32, #tpu.memory_space<vmem>>
        %dma_start3A_320 = tpu.memref_squeeze %dma_start3A_319 : memref<1x64xi32, #tpu.memory_space<vmem>> -> memref<64xi32, #tpu.memory_space<vmem>>
        %dma_start3A_321 = arith.constant 0 : i32
        %dma_start3A_322 = arith.constant 0 : i32
        %dma_start3A_323 = tpu.memref_slice %arg6[%dma_start3A_321, %dma_start3A_322] : memref<10240x128xf32, #tpu.memory_space<vmem_shared>> -> memref<10240x128xf32, #tpu.memory_space<vmem_shared>>
        tpu.enqueue_indirect_dma source(%arg11 : memref<64x128xf32, #tpu.memory_space<vmem>>) target(%dma_start3A_323 : memref<10240x128xf32, #tpu.memory_space<vmem_shared>>) offsets(%dma_start3A_320 : memref<64xi32, #tpu.memory_space<vmem>>) semaphore(%run_scoped3A_317 : memref<!tpu.dma_semaphore, #tpu.memory_space<semaphore_mem>>) {add = true}
        %dma_wait3A_324 = arith.constant 0 : i32
        %dma_wait3A_325 = tpu.memref_slice %arg8[%run_scoped3A_202, %dma_wait3A_324] : memref<16x64xi32, #tpu.memory_space<vmem>> -> memref<1x64xi32, #tpu.memory_space<vmem>>
        %dma_wait3A_326 = tpu.memref_squeeze %dma_wait3A_325 : memref<1x64xi32, #tpu.memory_space<vmem>> -> memref<64xi32, #tpu.memory_space<vmem>>
        %dma_wait3A_327 = arith.constant 0 : i32
        %dma_wait3A_328 = arith.constant 0 : i32
        %dma_wait3A_329 = tpu.memref_slice %arg6[%dma_wait3A_327, %dma_wait3A_328] : memref<10240x128xf32, #tpu.memory_space<vmem_shared>> -> memref<10240x128xf32, #tpu.memory_space<vmem_shared>>
        tpu.wait_indirect_dma semaphore(%run_scoped3A_317 : memref<!tpu.dma_semaphore, #tpu.memory_space<semaphore_mem>>) src(%arg11 : memref<64x128xf32, #tpu.memory_space<vmem>>) dst(%dma_wait3A_329 : memref<10240x128xf32, #tpu.memory_space<vmem_shared>>)
        tpu.yield
      }) : () -> ()
      %dma_wait3A_203 = arith.constant 7 : i32
      %dma_wait3A_204 = arith.constant 0 : i32
      %dma_wait3A_205 = tpu.memref_slice %arg7[%dma_wait3A_203, %dma_wait3A_204] : memref<16x64xi32, #tpu.memory_space<vmem>> -> memref<1x64xi32, #tpu.memory_space<vmem>>
      %dma_wait3A_206 = tpu.memref_squeeze %dma_wait3A_205 : memref<1x64xi32, #tpu.memory_space<vmem>> -> memref<64xi32, #tpu.memory_space<vmem>>
      %dma_wait3A_207 = arith.constant 0 : i32
      %dma_wait3A_208 = arith.constant 0 : i32
      %dma_wait3A_209 = tpu.memref_slice %arg2[%dma_wait3A_207, %dma_wait3A_208] : memref<10240x128xf32, #tpu.memory_space<hbm>> -> memref<10240x128xf32, #tpu.memory_space<hbm>>
      tpu.wait_indirect_dma semaphore(%arg16 : memref<!tpu.dma_semaphore, #tpu.memory_space<semaphore_mem>>) src(%dma_wait3A_209 : memref<10240x128xf32, #tpu.memory_space<hbm>>) dst(%arg12 : memref<64x128xf32, #tpu.memory_space<vmem>>)
      %dma_start3A_210 = arith.constant 10 : i32
      %dma_start3A_211 = arith.constant 0 : i32
      %dma_start3A_212 = tpu.memref_slice %arg7[%dma_start3A_210, %dma_start3A_211] : memref<16x64xi32, #tpu.memory_space<vmem>> -> memref<1x64xi32, #tpu.memory_space<vmem>>
      %dma_start3A_213 = tpu.memref_squeeze %dma_start3A_212 : memref<1x64xi32, #tpu.memory_space<vmem>> -> memref<64xi32, #tpu.memory_space<vmem>>
      %dma_start3A_214 = arith.constant 0 : i32
      %dma_start3A_215 = arith.constant 0 : i32
      %dma_start3A_216 = tpu.memref_slice %arg2[%dma_start3A_214, %dma_start3A_215] : memref<10240x128xf32, #tpu.memory_space<hbm>> -> memref<10240x128xf32, #tpu.memory_space<hbm>>
      tpu.enqueue_indirect_dma source(%dma_start3A_216 : memref<10240x128xf32, #tpu.memory_space<hbm>>) target(%arg11 : memref<64x128xf32, #tpu.memory_space<vmem>>) offsets(%dma_start3A_213 : memref<64xi32, #tpu.memory_space<vmem>>) semaphore(%arg15 : memref<!tpu.dma_semaphore, #tpu.memory_space<semaphore_mem>>)
      %run_scoped3A_217 = arith.constant 7 : i32
      "tpu.region"() ({
        %run_scoped3A_317 = tpu.sem_alloc : memref<!tpu.dma_semaphore, #tpu.memory_space<semaphore_mem>>
        %dma_start3A_318 = arith.constant 0 : i32
        %dma_start3A_319 = tpu.memref_slice %arg8[%run_scoped3A_217, %dma_start3A_318] : memref<16x64xi32, #tpu.memory_space<vmem>> -> memref<1x64xi32, #tpu.memory_space<vmem>>
        %dma_start3A_320 = tpu.memref_squeeze %dma_start3A_319 : memref<1x64xi32, #tpu.memory_space<vmem>> -> memref<64xi32, #tpu.memory_space<vmem>>
        %dma_start3A_321 = arith.constant 0 : i32
        %dma_start3A_322 = arith.constant 0 : i32
        %dma_start3A_323 = tpu.memref_slice %arg6[%dma_start3A_321, %dma_start3A_322] : memref<10240x128xf32, #tpu.memory_space<vmem_shared>> -> memref<10240x128xf32, #tpu.memory_space<vmem_shared>>
        tpu.enqueue_indirect_dma source(%arg12 : memref<64x128xf32, #tpu.memory_space<vmem>>) target(%dma_start3A_323 : memref<10240x128xf32, #tpu.memory_space<vmem_shared>>) offsets(%dma_start3A_320 : memref<64xi32, #tpu.memory_space<vmem>>) semaphore(%run_scoped3A_317 : memref<!tpu.dma_semaphore, #tpu.memory_space<semaphore_mem>>) {add = true}
        %dma_wait3A_324 = arith.constant 0 : i32
        %dma_wait3A_325 = tpu.memref_slice %arg8[%run_scoped3A_217, %dma_wait3A_324] : memref<16x64xi32, #tpu.memory_space<vmem>> -> memref<1x64xi32, #tpu.memory_space<vmem>>
        %dma_wait3A_326 = tpu.memref_squeeze %dma_wait3A_325 : memref<1x64xi32, #tpu.memory_space<vmem>> -> memref<64xi32, #tpu.memory_space<vmem>>
        %dma_wait3A_327 = arith.constant 0 : i32
        %dma_wait3A_328 = arith.constant 0 : i32
        %dma_wait3A_329 = tpu.memref_slice %arg6[%dma_wait3A_327, %dma_wait3A_328] : memref<10240x128xf32, #tpu.memory_space<vmem_shared>> -> memref<10240x128xf32, #tpu.memory_space<vmem_shared>>
        tpu.wait_indirect_dma semaphore(%run_scoped3A_317 : memref<!tpu.dma_semaphore, #tpu.memory_space<semaphore_mem>>) src(%arg12 : memref<64x128xf32, #tpu.memory_space<vmem>>) dst(%dma_wait3A_329 : memref<10240x128xf32, #tpu.memory_space<vmem_shared>>)
        tpu.yield
      }) : () -> ()
      %dma_wait3A_218 = arith.constant 8 : i32
      %dma_wait3A_219 = arith.constant 0 : i32
      %dma_wait3A_220 = tpu.memref_slice %arg7[%dma_wait3A_218, %dma_wait3A_219] : memref<16x64xi32, #tpu.memory_space<vmem>> -> memref<1x64xi32, #tpu.memory_space<vmem>>
      %dma_wait3A_221 = tpu.memref_squeeze %dma_wait3A_220 : memref<1x64xi32, #tpu.memory_space<vmem>> -> memref<64xi32, #tpu.memory_space<vmem>>
      %dma_wait3A_222 = arith.constant 0 : i32
      %dma_wait3A_223 = arith.constant 0 : i32
      %dma_wait3A_224 = tpu.memref_slice %arg2[%dma_wait3A_222, %dma_wait3A_223] : memref<10240x128xf32, #tpu.memory_space<hbm>> -> memref<10240x128xf32, #tpu.memory_space<hbm>>
      tpu.wait_indirect_dma semaphore(%arg13 : memref<!tpu.dma_semaphore, #tpu.memory_space<semaphore_mem>>) src(%dma_wait3A_224 : memref<10240x128xf32, #tpu.memory_space<hbm>>) dst(%arg9 : memref<64x128xf32, #tpu.memory_space<vmem>>)
      %dma_start3A_225 = arith.constant 11 : i32
      %dma_start3A_226 = arith.constant 0 : i32
      %dma_start3A_227 = tpu.memref_slice %arg7[%dma_start3A_225, %dma_start3A_226] : memref<16x64xi32, #tpu.memory_space<vmem>> -> memref<1x64xi32, #tpu.memory_space<vmem>>
      %dma_start3A_228 = tpu.memref_squeeze %dma_start3A_227 : memref<1x64xi32, #tpu.memory_space<vmem>> -> memref<64xi32, #tpu.memory_space<vmem>>
      %dma_start3A_229 = arith.constant 0 : i32
      %dma_start3A_230 = arith.constant 0 : i32
      %dma_start3A_231 = tpu.memref_slice %arg2[%dma_start3A_229, %dma_start3A_230] : memref<10240x128xf32, #tpu.memory_space<hbm>> -> memref<10240x128xf32, #tpu.memory_space<hbm>>
      tpu.enqueue_indirect_dma source(%dma_start3A_231 : memref<10240x128xf32, #tpu.memory_space<hbm>>) target(%arg12 : memref<64x128xf32, #tpu.memory_space<vmem>>) offsets(%dma_start3A_228 : memref<64xi32, #tpu.memory_space<vmem>>) semaphore(%arg16 : memref<!tpu.dma_semaphore, #tpu.memory_space<semaphore_mem>>)
      %run_scoped3A_232 = arith.constant 8 : i32
      "tpu.region"() ({
        %run_scoped3A_317 = tpu.sem_alloc : memref<!tpu.dma_semaphore, #tpu.memory_space<semaphore_mem>>
        %dma_start3A_318 = arith.constant 0 : i32
        %dma_start3A_319 = tpu.memref_slice %arg8[%run_scoped3A_232, %dma_start3A_318] : memref<16x64xi32, #tpu.memory_space<vmem>> -> memref<1x64xi32, #tpu.memory_space<vmem>>
        %dma_start3A_320 = tpu.memref_squeeze %dma_start3A_319 : memref<1x64xi32, #tpu.memory_space<vmem>> -> memref<64xi32, #tpu.memory_space<vmem>>
        %dma_start3A_321 = arith.constant 0 : i32
        %dma_start3A_322 = arith.constant 0 : i32
        %dma_start3A_323 = tpu.memref_slice %arg6[%dma_start3A_321, %dma_start3A_322] : memref<10240x128xf32, #tpu.memory_space<vmem_shared>> -> memref<10240x128xf32, #tpu.memory_space<vmem_shared>>
        tpu.enqueue_indirect_dma source(%arg9 : memref<64x128xf32, #tpu.memory_space<vmem>>) target(%dma_start3A_323 : memref<10240x128xf32, #tpu.memory_space<vmem_shared>>) offsets(%dma_start3A_320 : memref<64xi32, #tpu.memory_space<vmem>>) semaphore(%run_scoped3A_317 : memref<!tpu.dma_semaphore, #tpu.memory_space<semaphore_mem>>) {add = true}
        %dma_wait3A_324 = arith.constant 0 : i32
        %dma_wait3A_325 = tpu.memref_slice %arg8[%run_scoped3A_232, %dma_wait3A_324] : memref<16x64xi32, #tpu.memory_space<vmem>> -> memref<1x64xi32, #tpu.memory_space<vmem>>
        %dma_wait3A_326 = tpu.memref_squeeze %dma_wait3A_325 : memref<1x64xi32, #tpu.memory_space<vmem>> -> memref<64xi32, #tpu.memory_space<vmem>>
        %dma_wait3A_327 = arith.constant 0 : i32
        %dma_wait3A_328 = arith.constant 0 : i32
        %dma_wait3A_329 = tpu.memref_slice %arg6[%dma_wait3A_327, %dma_wait3A_328] : memref<10240x128xf32, #tpu.memory_space<vmem_shared>> -> memref<10240x128xf32, #tpu.memory_space<vmem_shared>>
        tpu.wait_indirect_dma semaphore(%run_scoped3A_317 : memref<!tpu.dma_semaphore, #tpu.memory_space<semaphore_mem>>) src(%arg9 : memref<64x128xf32, #tpu.memory_space<vmem>>) dst(%dma_wait3A_329 : memref<10240x128xf32, #tpu.memory_space<vmem_shared>>)
        tpu.yield
      }) : () -> ()
      %dma_wait3A_233 = arith.constant 9 : i32
      %dma_wait3A_234 = arith.constant 0 : i32
      %dma_wait3A_235 = tpu.memref_slice %arg7[%dma_wait3A_233, %dma_wait3A_234] : memref<16x64xi32, #tpu.memory_space<vmem>> -> memref<1x64xi32, #tpu.memory_space<vmem>>
      %dma_wait3A_236 = tpu.memref_squeeze %dma_wait3A_235 : memref<1x64xi32, #tpu.memory_space<vmem>> -> memref<64xi32, #tpu.memory_space<vmem>>
      %dma_wait3A_237 = arith.constant 0 : i32
      %dma_wait3A_238 = arith.constant 0 : i32
      %dma_wait3A_239 = tpu.memref_slice %arg2[%dma_wait3A_237, %dma_wait3A_238] : memref<10240x128xf32, #tpu.memory_space<hbm>> -> memref<10240x128xf32, #tpu.memory_space<hbm>>
      tpu.wait_indirect_dma semaphore(%arg14 : memref<!tpu.dma_semaphore, #tpu.memory_space<semaphore_mem>>) src(%dma_wait3A_239 : memref<10240x128xf32, #tpu.memory_space<hbm>>) dst(%arg10 : memref<64x128xf32, #tpu.memory_space<vmem>>)
      %dma_start3A_240 = arith.constant 12 : i32
      %dma_start3A_241 = arith.constant 0 : i32
      %dma_start3A_242 = tpu.memref_slice %arg7[%dma_start3A_240, %dma_start3A_241] : memref<16x64xi32, #tpu.memory_space<vmem>> -> memref<1x64xi32, #tpu.memory_space<vmem>>
      %dma_start3A_243 = tpu.memref_squeeze %dma_start3A_242 : memref<1x64xi32, #tpu.memory_space<vmem>> -> memref<64xi32, #tpu.memory_space<vmem>>
      %dma_start3A_244 = arith.constant 0 : i32
      %dma_start3A_245 = arith.constant 0 : i32
      %dma_start3A_246 = tpu.memref_slice %arg2[%dma_start3A_244, %dma_start3A_245] : memref<10240x128xf32, #tpu.memory_space<hbm>> -> memref<10240x128xf32, #tpu.memory_space<hbm>>
      tpu.enqueue_indirect_dma source(%dma_start3A_246 : memref<10240x128xf32, #tpu.memory_space<hbm>>) target(%arg9 : memref<64x128xf32, #tpu.memory_space<vmem>>) offsets(%dma_start3A_243 : memref<64xi32, #tpu.memory_space<vmem>>) semaphore(%arg13 : memref<!tpu.dma_semaphore, #tpu.memory_space<semaphore_mem>>)
      %run_scoped3A_247 = arith.constant 9 : i32
      "tpu.region"() ({
        %run_scoped3A_317 = tpu.sem_alloc : memref<!tpu.dma_semaphore, #tpu.memory_space<semaphore_mem>>
        %dma_start3A_318 = arith.constant 0 : i32
        %dma_start3A_319 = tpu.memref_slice %arg8[%run_scoped3A_247, %dma_start3A_318] : memref<16x64xi32, #tpu.memory_space<vmem>> -> memref<1x64xi32, #tpu.memory_space<vmem>>
        %dma_start3A_320 = tpu.memref_squeeze %dma_start3A_319 : memref<1x64xi32, #tpu.memory_space<vmem>> -> memref<64xi32, #tpu.memory_space<vmem>>
        %dma_start3A_321 = arith.constant 0 : i32
        %dma_start3A_322 = arith.constant 0 : i32
        %dma_start3A_323 = tpu.memref_slice %arg6[%dma_start3A_321, %dma_start3A_322] : memref<10240x128xf32, #tpu.memory_space<vmem_shared>> -> memref<10240x128xf32, #tpu.memory_space<vmem_shared>>
        tpu.enqueue_indirect_dma source(%arg10 : memref<64x128xf32, #tpu.memory_space<vmem>>) target(%dma_start3A_323 : memref<10240x128xf32, #tpu.memory_space<vmem_shared>>) offsets(%dma_start3A_320 : memref<64xi32, #tpu.memory_space<vmem>>) semaphore(%run_scoped3A_317 : memref<!tpu.dma_semaphore, #tpu.memory_space<semaphore_mem>>) {add = true}
        %dma_wait3A_324 = arith.constant 0 : i32
        %dma_wait3A_325 = tpu.memref_slice %arg8[%run_scoped3A_247, %dma_wait3A_324] : memref<16x64xi32, #tpu.memory_space<vmem>> -> memref<1x64xi32, #tpu.memory_space<vmem>>
        %dma_wait3A_326 = tpu.memref_squeeze %dma_wait3A_325 : memref<1x64xi32, #tpu.memory_space<vmem>> -> memref<64xi32, #tpu.memory_space<vmem>>
        %dma_wait3A_327 = arith.constant 0 : i32
        %dma_wait3A_328 = arith.constant 0 : i32
        %dma_wait3A_329 = tpu.memref_slice %arg6[%dma_wait3A_327, %dma_wait3A_328] : memref<10240x128xf32, #tpu.memory_space<vmem_shared>> -> memref<10240x128xf32, #tpu.memory_space<vmem_shared>>
        tpu.wait_indirect_dma semaphore(%run_scoped3A_317 : memref<!tpu.dma_semaphore, #tpu.memory_space<semaphore_mem>>) src(%arg10 : memref<64x128xf32, #tpu.memory_space<vmem>>) dst(%dma_wait3A_329 : memref<10240x128xf32, #tpu.memory_space<vmem_shared>>)
        tpu.yield
      }) : () -> ()
      %dma_wait3A_248 = arith.constant 10 : i32
      %dma_wait3A_249 = arith.constant 0 : i32
      %dma_wait3A_250 = tpu.memref_slice %arg7[%dma_wait3A_248, %dma_wait3A_249] : memref<16x64xi32, #tpu.memory_space<vmem>> -> memref<1x64xi32, #tpu.memory_space<vmem>>
      %dma_wait3A_251 = tpu.memref_squeeze %dma_wait3A_250 : memref<1x64xi32, #tpu.memory_space<vmem>> -> memref<64xi32, #tpu.memory_space<vmem>>
      %dma_wait3A_252 = arith.constant 0 : i32
      %dma_wait3A_253 = arith.constant 0 : i32
      %dma_wait3A_254 = tpu.memref_slice %arg2[%dma_wait3A_252, %dma_wait3A_253] : memref<10240x128xf32, #tpu.memory_space<hbm>> -> memref<10240x128xf32, #tpu.memory_space<hbm>>
      tpu.wait_indirect_dma semaphore(%arg15 : memref<!tpu.dma_semaphore, #tpu.memory_space<semaphore_mem>>) src(%dma_wait3A_254 : memref<10240x128xf32, #tpu.memory_space<hbm>>) dst(%arg11 : memref<64x128xf32, #tpu.memory_space<vmem>>)
      %dma_start3A_255 = arith.constant 13 : i32
      %dma_start3A_256 = arith.constant 0 : i32
      %dma_start3A_257 = tpu.memref_slice %arg7[%dma_start3A_255, %dma_start3A_256] : memref<16x64xi32, #tpu.memory_space<vmem>> -> memref<1x64xi32, #tpu.memory_space<vmem>>
      %dma_start3A_258 = tpu.memref_squeeze %dma_start3A_257 : memref<1x64xi32, #tpu.memory_space<vmem>> -> memref<64xi32, #tpu.memory_space<vmem>>
      %dma_start3A_259 = arith.constant 0 : i32
      %dma_start3A_260 = arith.constant 0 : i32
      %dma_start3A_261 = tpu.memref_slice %arg2[%dma_start3A_259, %dma_start3A_260] : memref<10240x128xf32, #tpu.memory_space<hbm>> -> memref<10240x128xf32, #tpu.memory_space<hbm>>
      tpu.enqueue_indirect_dma source(%dma_start3A_261 : memref<10240x128xf32, #tpu.memory_space<hbm>>) target(%arg10 : memref<64x128xf32, #tpu.memory_space<vmem>>) offsets(%dma_start3A_258 : memref<64xi32, #tpu.memory_space<vmem>>) semaphore(%arg14 : memref<!tpu.dma_semaphore, #tpu.memory_space<semaphore_mem>>)
      %run_scoped3A_262 = arith.constant 10 : i32
      "tpu.region"() ({
        %run_scoped3A_317 = tpu.sem_alloc : memref<!tpu.dma_semaphore, #tpu.memory_space<semaphore_mem>>
        %dma_start3A_318 = arith.constant 0 : i32
        %dma_start3A_319 = tpu.memref_slice %arg8[%run_scoped3A_262, %dma_start3A_318] : memref<16x64xi32, #tpu.memory_space<vmem>> -> memref<1x64xi32, #tpu.memory_space<vmem>>
        %dma_start3A_320 = tpu.memref_squeeze %dma_start3A_319 : memref<1x64xi32, #tpu.memory_space<vmem>> -> memref<64xi32, #tpu.memory_space<vmem>>
        %dma_start3A_321 = arith.constant 0 : i32
        %dma_start3A_322 = arith.constant 0 : i32
        %dma_start3A_323 = tpu.memref_slice %arg6[%dma_start3A_321, %dma_start3A_322] : memref<10240x128xf32, #tpu.memory_space<vmem_shared>> -> memref<10240x128xf32, #tpu.memory_space<vmem_shared>>
        tpu.enqueue_indirect_dma source(%arg11 : memref<64x128xf32, #tpu.memory_space<vmem>>) target(%dma_start3A_323 : memref<10240x128xf32, #tpu.memory_space<vmem_shared>>) offsets(%dma_start3A_320 : memref<64xi32, #tpu.memory_space<vmem>>) semaphore(%run_scoped3A_317 : memref<!tpu.dma_semaphore, #tpu.memory_space<semaphore_mem>>) {add = true}
        %dma_wait3A_324 = arith.constant 0 : i32
        %dma_wait3A_325 = tpu.memref_slice %arg8[%run_scoped3A_262, %dma_wait3A_324] : memref<16x64xi32, #tpu.memory_space<vmem>> -> memref<1x64xi32, #tpu.memory_space<vmem>>
        %dma_wait3A_326 = tpu.memref_squeeze %dma_wait3A_325 : memref<1x64xi32, #tpu.memory_space<vmem>> -> memref<64xi32, #tpu.memory_space<vmem>>
        %dma_wait3A_327 = arith.constant 0 : i32
        %dma_wait3A_328 = arith.constant 0 : i32
        %dma_wait3A_329 = tpu.memref_slice %arg6[%dma_wait3A_327, %dma_wait3A_328] : memref<10240x128xf32, #tpu.memory_space<vmem_shared>> -> memref<10240x128xf32, #tpu.memory_space<vmem_shared>>
        tpu.wait_indirect_dma semaphore(%run_scoped3A_317 : memref<!tpu.dma_semaphore, #tpu.memory_space<semaphore_mem>>) src(%arg11 : memref<64x128xf32, #tpu.memory_space<vmem>>) dst(%dma_wait3A_329 : memref<10240x128xf32, #tpu.memory_space<vmem_shared>>)
        tpu.yield
      }) : () -> ()
      %dma_wait3A_263 = arith.constant 11 : i32
      %dma_wait3A_264 = arith.constant 0 : i32
      %dma_wait3A_265 = tpu.memref_slice %arg7[%dma_wait3A_263, %dma_wait3A_264] : memref<16x64xi32, #tpu.memory_space<vmem>> -> memref<1x64xi32, #tpu.memory_space<vmem>>
      %dma_wait3A_266 = tpu.memref_squeeze %dma_wait3A_265 : memref<1x64xi32, #tpu.memory_space<vmem>> -> memref<64xi32, #tpu.memory_space<vmem>>
      %dma_wait3A_267 = arith.constant 0 : i32
      %dma_wait3A_268 = arith.constant 0 : i32
      %dma_wait3A_269 = tpu.memref_slice %arg2[%dma_wait3A_267, %dma_wait3A_268] : memref<10240x128xf32, #tpu.memory_space<hbm>> -> memref<10240x128xf32, #tpu.memory_space<hbm>>
      tpu.wait_indirect_dma semaphore(%arg16 : memref<!tpu.dma_semaphore, #tpu.memory_space<semaphore_mem>>) src(%dma_wait3A_269 : memref<10240x128xf32, #tpu.memory_space<hbm>>) dst(%arg12 : memref<64x128xf32, #tpu.memory_space<vmem>>)
      %dma_start3A_270 = arith.constant 14 : i32
      %dma_start3A_271 = arith.constant 0 : i32
      %dma_start3A_272 = tpu.memref_slice %arg7[%dma_start3A_270, %dma_start3A_271] : memref<16x64xi32, #tpu.memory_space<vmem>> -> memref<1x64xi32, #tpu.memory_space<vmem>>
      %dma_start3A_273 = tpu.memref_squeeze %dma_start3A_272 : memref<1x64xi32, #tpu.memory_space<vmem>> -> memref<64xi32, #tpu.memory_space<vmem>>
      %dma_start3A_274 = arith.constant 0 : i32
      %dma_start3A_275 = arith.constant 0 : i32
      %dma_start3A_276 = tpu.memref_slice %arg2[%dma_start3A_274, %dma_start3A_275] : memref<10240x128xf32, #tpu.memory_space<hbm>> -> memref<10240x128xf32, #tpu.memory_space<hbm>>
      tpu.enqueue_indirect_dma source(%dma_start3A_276 : memref<10240x128xf32, #tpu.memory_space<hbm>>) target(%arg11 : memref<64x128xf32, #tpu.memory_space<vmem>>) offsets(%dma_start3A_273 : memref<64xi32, #tpu.memory_space<vmem>>) semaphore(%arg15 : memref<!tpu.dma_semaphore, #tpu.memory_space<semaphore_mem>>)
      %run_scoped3A_277 = arith.constant 11 : i32
      "tpu.region"() ({
        %run_scoped3A_317 = tpu.sem_alloc : memref<!tpu.dma_semaphore, #tpu.memory_space<semaphore_mem>>
        %dma_start3A_318 = arith.constant 0 : i32
        %dma_start3A_319 = tpu.memref_slice %arg8[%run_scoped3A_277, %dma_start3A_318] : memref<16x64xi32, #tpu.memory_space<vmem>> -> memref<1x64xi32, #tpu.memory_space<vmem>>
        %dma_start3A_320 = tpu.memref_squeeze %dma_start3A_319 : memref<1x64xi32, #tpu.memory_space<vmem>> -> memref<64xi32, #tpu.memory_space<vmem>>
        %dma_start3A_321 = arith.constant 0 : i32
        %dma_start3A_322 = arith.constant 0 : i32
        %dma_start3A_323 = tpu.memref_slice %arg6[%dma_start3A_321, %dma_start3A_322] : memref<10240x128xf32, #tpu.memory_space<vmem_shared>> -> memref<10240x128xf32, #tpu.memory_space<vmem_shared>>
        tpu.enqueue_indirect_dma source(%arg12 : memref<64x128xf32, #tpu.memory_space<vmem>>) target(%dma_start3A_323 : memref<10240x128xf32, #tpu.memory_space<vmem_shared>>) offsets(%dma_start3A_320 : memref<64xi32, #tpu.memory_space<vmem>>) semaphore(%run_scoped3A_317 : memref<!tpu.dma_semaphore, #tpu.memory_space<semaphore_mem>>) {add = true}
        %dma_wait3A_324 = arith.constant 0 : i32
        %dma_wait3A_325 = tpu.memref_slice %arg8[%run_scoped3A_277, %dma_wait3A_324] : memref<16x64xi32, #tpu.memory_space<vmem>> -> memref<1x64xi32, #tpu.memory_space<vmem>>
        %dma_wait3A_326 = tpu.memref_squeeze %dma_wait3A_325 : memref<1x64xi32, #tpu.memory_space<vmem>> -> memref<64xi32, #tpu.memory_space<vmem>>
        %dma_wait3A_327 = arith.constant 0 : i32
        %dma_wait3A_328 = arith.constant 0 : i32
        %dma_wait3A_329 = tpu.memref_slice %arg6[%dma_wait3A_327, %dma_wait3A_328] : memref<10240x128xf32, #tpu.memory_space<vmem_shared>> -> memref<10240x128xf32, #tpu.memory_space<vmem_shared>>
        tpu.wait_indirect_dma semaphore(%run_scoped3A_317 : memref<!tpu.dma_semaphore, #tpu.memory_space<semaphore_mem>>) src(%arg12 : memref<64x128xf32, #tpu.memory_space<vmem>>) dst(%dma_wait3A_329 : memref<10240x128xf32, #tpu.memory_space<vmem_shared>>)
        tpu.yield
      }) : () -> ()
      %dma_wait3A_278 = arith.constant 12 : i32
      %dma_wait3A_279 = arith.constant 0 : i32
      %dma_wait3A_280 = tpu.memref_slice %arg7[%dma_wait3A_278, %dma_wait3A_279] : memref<16x64xi32, #tpu.memory_space<vmem>> -> memref<1x64xi32, #tpu.memory_space<vmem>>
      %dma_wait3A_281 = tpu.memref_squeeze %dma_wait3A_280 : memref<1x64xi32, #tpu.memory_space<vmem>> -> memref<64xi32, #tpu.memory_space<vmem>>
      %dma_wait3A_282 = arith.constant 0 : i32
      %dma_wait3A_283 = arith.constant 0 : i32
      %dma_wait3A_284 = tpu.memref_slice %arg2[%dma_wait3A_282, %dma_wait3A_283] : memref<10240x128xf32, #tpu.memory_space<hbm>> -> memref<10240x128xf32, #tpu.memory_space<hbm>>
      tpu.wait_indirect_dma semaphore(%arg13 : memref<!tpu.dma_semaphore, #tpu.memory_space<semaphore_mem>>) src(%dma_wait3A_284 : memref<10240x128xf32, #tpu.memory_space<hbm>>) dst(%arg9 : memref<64x128xf32, #tpu.memory_space<vmem>>)
      %dma_start3A_285 = arith.constant 15 : i32
      %dma_start3A_286 = arith.constant 0 : i32
      %dma_start3A_287 = tpu.memref_slice %arg7[%dma_start3A_285, %dma_start3A_286] : memref<16x64xi32, #tpu.memory_space<vmem>> -> memref<1x64xi32, #tpu.memory_space<vmem>>
      %dma_start3A_288 = tpu.memref_squeeze %dma_start3A_287 : memref<1x64xi32, #tpu.memory_space<vmem>> -> memref<64xi32, #tpu.memory_space<vmem>>
      %dma_start3A_289 = arith.constant 0 : i32
      %dma_start3A_290 = arith.constant 0 : i32
      %dma_start3A_291 = tpu.memref_slice %arg2[%dma_start3A_289, %dma_start3A_290] : memref<10240x128xf32, #tpu.memory_space<hbm>> -> memref<10240x128xf32, #tpu.memory_space<hbm>>
      tpu.enqueue_indirect_dma source(%dma_start3A_291 : memref<10240x128xf32, #tpu.memory_space<hbm>>) target(%arg12 : memref<64x128xf32, #tpu.memory_space<vmem>>) offsets(%dma_start3A_288 : memref<64xi32, #tpu.memory_space<vmem>>) semaphore(%arg16 : memref<!tpu.dma_semaphore, #tpu.memory_space<semaphore_mem>>)
      %run_scoped3A_292 = arith.constant 12 : i32
      "tpu.region"() ({
        %run_scoped3A_317 = tpu.sem_alloc : memref<!tpu.dma_semaphore, #tpu.memory_space<semaphore_mem>>
        %dma_start3A_318 = arith.constant 0 : i32
        %dma_start3A_319 = tpu.memref_slice %arg8[%run_scoped3A_292, %dma_start3A_318] : memref<16x64xi32, #tpu.memory_space<vmem>> -> memref<1x64xi32, #tpu.memory_space<vmem>>
        %dma_start3A_320 = tpu.memref_squeeze %dma_start3A_319 : memref<1x64xi32, #tpu.memory_space<vmem>> -> memref<64xi32, #tpu.memory_space<vmem>>
        %dma_start3A_321 = arith.constant 0 : i32
        %dma_start3A_322 = arith.constant 0 : i32
        %dma_start3A_323 = tpu.memref_slice %arg6[%dma_start3A_321, %dma_start3A_322] : memref<10240x128xf32, #tpu.memory_space<vmem_shared>> -> memref<10240x128xf32, #tpu.memory_space<vmem_shared>>
        tpu.enqueue_indirect_dma source(%arg9 : memref<64x128xf32, #tpu.memory_space<vmem>>) target(%dma_start3A_323 : memref<10240x128xf32, #tpu.memory_space<vmem_shared>>) offsets(%dma_start3A_320 : memref<64xi32, #tpu.memory_space<vmem>>) semaphore(%run_scoped3A_317 : memref<!tpu.dma_semaphore, #tpu.memory_space<semaphore_mem>>) {add = true}
        %dma_wait3A_324 = arith.constant 0 : i32
        %dma_wait3A_325 = tpu.memref_slice %arg8[%run_scoped3A_292, %dma_wait3A_324] : memref<16x64xi32, #tpu.memory_space<vmem>> -> memref<1x64xi32, #tpu.memory_space<vmem>>
        %dma_wait3A_326 = tpu.memref_squeeze %dma_wait3A_325 : memref<1x64xi32, #tpu.memory_space<vmem>> -> memref<64xi32, #tpu.memory_space<vmem>>
        %dma_wait3A_327 = arith.constant 0 : i32
        %dma_wait3A_328 = arith.constant 0 : i32
        %dma_wait3A_329 = tpu.memref_slice %arg6[%dma_wait3A_327, %dma_wait3A_328] : memref<10240x128xf32, #tpu.memory_space<vmem_shared>> -> memref<10240x128xf32, #tpu.memory_space<vmem_shared>>
        tpu.wait_indirect_dma semaphore(%run_scoped3A_317 : memref<!tpu.dma_semaphore, #tpu.memory_space<semaphore_mem>>) src(%arg9 : memref<64x128xf32, #tpu.memory_space<vmem>>) dst(%dma_wait3A_329 : memref<10240x128xf32, #tpu.memory_space<vmem_shared>>)
        tpu.yield
      }) : () -> ()
      %dma_wait3A_293 = arith.constant 13 : i32
      %dma_wait3A_294 = arith.constant 0 : i32
      %dma_wait3A_295 = tpu.memref_slice %arg7[%dma_wait3A_293, %dma_wait3A_294] : memref<16x64xi32, #tpu.memory_space<vmem>> -> memref<1x64xi32, #tpu.memory_space<vmem>>
      %dma_wait3A_296 = tpu.memref_squeeze %dma_wait3A_295 : memref<1x64xi32, #tpu.memory_space<vmem>> -> memref<64xi32, #tpu.memory_space<vmem>>
      %dma_wait3A_297 = arith.constant 0 : i32
      %dma_wait3A_298 = arith.constant 0 : i32
      %dma_wait3A_299 = tpu.memref_slice %arg2[%dma_wait3A_297, %dma_wait3A_298] : memref<10240x128xf32, #tpu.memory_space<hbm>> -> memref<10240x128xf32, #tpu.memory_space<hbm>>
      tpu.wait_indirect_dma semaphore(%arg14 : memref<!tpu.dma_semaphore, #tpu.memory_space<semaphore_mem>>) src(%dma_wait3A_299 : memref<10240x128xf32, #tpu.memory_space<hbm>>) dst(%arg10 : memref<64x128xf32, #tpu.memory_space<vmem>>)
      %run_scoped3A_300 = arith.constant 13 : i32
      "tpu.region"() ({
        %run_scoped3A_317 = tpu.sem_alloc : memref<!tpu.dma_semaphore, #tpu.memory_space<semaphore_mem>>
        %dma_start3A_318 = arith.constant 0 : i32
        %dma_start3A_319 = tpu.memref_slice %arg8[%run_scoped3A_300, %dma_start3A_318] : memref<16x64xi32, #tpu.memory_space<vmem>> -> memref<1x64xi32, #tpu.memory_space<vmem>>
        %dma_start3A_320 = tpu.memref_squeeze %dma_start3A_319 : memref<1x64xi32, #tpu.memory_space<vmem>> -> memref<64xi32, #tpu.memory_space<vmem>>
        %dma_start3A_321 = arith.constant 0 : i32
        %dma_start3A_322 = arith.constant 0 : i32
        %dma_start3A_323 = tpu.memref_slice %arg6[%dma_start3A_321, %dma_start3A_322] : memref<10240x128xf32, #tpu.memory_space<vmem_shared>> -> memref<10240x128xf32, #tpu.memory_space<vmem_shared>>
        tpu.enqueue_indirect_dma source(%arg10 : memref<64x128xf32, #tpu.memory_space<vmem>>) target(%dma_start3A_323 : memref<10240x128xf32, #tpu.memory_space<vmem_shared>>) offsets(%dma_start3A_320 : memref<64xi32, #tpu.memory_space<vmem>>) semaphore(%run_scoped3A_317 : memref<!tpu.dma_semaphore, #tpu.memory_space<semaphore_mem>>) {add = true}
        %dma_wait3A_324 = arith.constant 0 : i32
        %dma_wait3A_325 = tpu.memref_slice %arg8[%run_scoped3A_300, %dma_wait3A_324] : memref<16x64xi32, #tpu.memory_space<vmem>> -> memref<1x64xi32, #tpu.memory_space<vmem>>
        %dma_wait3A_326 = tpu.memref_squeeze %dma_wait3A_325 : memref<1x64xi32, #tpu.memory_space<vmem>> -> memref<64xi32, #tpu.memory_space<vmem>>
        %dma_wait3A_327 = arith.constant 0 : i32
        %dma_wait3A_328 = arith.constant 0 : i32
        %dma_wait3A_329 = tpu.memref_slice %arg6[%dma_wait3A_327, %dma_wait3A_328] : memref<10240x128xf32, #tpu.memory_space<vmem_shared>> -> memref<10240x128xf32, #tpu.memory_space<vmem_shared>>
        tpu.wait_indirect_dma semaphore(%run_scoped3A_317 : memref<!tpu.dma_semaphore, #tpu.memory_space<semaphore_mem>>) src(%arg10 : memref<64x128xf32, #tpu.memory_space<vmem>>) dst(%dma_wait3A_329 : memref<10240x128xf32, #tpu.memory_space<vmem_shared>>)
        tpu.yield
      }) : () -> ()
      %dma_wait3A_301 = arith.constant 14 : i32
      %dma_wait3A_302 = arith.constant 0 : i32
      %dma_wait3A_303 = tpu.memref_slice %arg7[%dma_wait3A_301, %dma_wait3A_302] : memref<16x64xi32, #tpu.memory_space<vmem>> -> memref<1x64xi32, #tpu.memory_space<vmem>>
      %dma_wait3A_304 = tpu.memref_squeeze %dma_wait3A_303 : memref<1x64xi32, #tpu.memory_space<vmem>> -> memref<64xi32, #tpu.memory_space<vmem>>
      %dma_wait3A_305 = arith.constant 0 : i32
      %dma_wait3A_306 = arith.constant 0 : i32
      %dma_wait3A_307 = tpu.memref_slice %arg2[%dma_wait3A_305, %dma_wait3A_306] : memref<10240x128xf32, #tpu.memory_space<hbm>> -> memref<10240x128xf32, #tpu.memory_space<hbm>>
      tpu.wait_indirect_dma semaphore(%arg15 : memref<!tpu.dma_semaphore, #tpu.memory_space<semaphore_mem>>) src(%dma_wait3A_307 : memref<10240x128xf32, #tpu.memory_space<hbm>>) dst(%arg11 : memref<64x128xf32, #tpu.memory_space<vmem>>)
      %run_scoped3A_308 = arith.constant 14 : i32
      "tpu.region"() ({
        %run_scoped3A_317 = tpu.sem_alloc : memref<!tpu.dma_semaphore, #tpu.memory_space<semaphore_mem>>
        %dma_start3A_318 = arith.constant 0 : i32
        %dma_start3A_319 = tpu.memref_slice %arg8[%run_scoped3A_308, %dma_start3A_318] : memref<16x64xi32, #tpu.memory_space<vmem>> -> memref<1x64xi32, #tpu.memory_space<vmem>>
        %dma_start3A_320 = tpu.memref_squeeze %dma_start3A_319 : memref<1x64xi32, #tpu.memory_space<vmem>> -> memref<64xi32, #tpu.memory_space<vmem>>
        %dma_start3A_321 = arith.constant 0 : i32
        %dma_start3A_322 = arith.constant 0 : i32
        %dma_start3A_323 = tpu.memref_slice %arg6[%dma_start3A_321, %dma_start3A_322] : memref<10240x128xf32, #tpu.memory_space<vmem_shared>> -> memref<10240x128xf32, #tpu.memory_space<vmem_shared>>
        tpu.enqueue_indirect_dma source(%arg11 : memref<64x128xf32, #tpu.memory_space<vmem>>) target(%dma_start3A_323 : memref<10240x128xf32, #tpu.memory_space<vmem_shared>>) offsets(%dma_start3A_320 : memref<64xi32, #tpu.memory_space<vmem>>) semaphore(%run_scoped3A_317 : memref<!tpu.dma_semaphore, #tpu.memory_space<semaphore_mem>>) {add = true}
        %dma_wait3A_324 = arith.constant 0 : i32
        %dma_wait3A_325 = tpu.memref_slice %arg8[%run_scoped3A_308, %dma_wait3A_324] : memref<16x64xi32, #tpu.memory_space<vmem>> -> memref<1x64xi32, #tpu.memory_space<vmem>>
        %dma_wait3A_326 = tpu.memref_squeeze %dma_wait3A_325 : memref<1x64xi32, #tpu.memory_space<vmem>> -> memref<64xi32, #tpu.memory_space<vmem>>
        %dma_wait3A_327 = arith.constant 0 : i32
        %dma_wait3A_328 = arith.constant 0 : i32
        %dma_wait3A_329 = tpu.memref_slice %arg6[%dma_wait3A_327, %dma_wait3A_328] : memref<10240x128xf32, #tpu.memory_space<vmem_shared>> -> memref<10240x128xf32, #tpu.memory_space<vmem_shared>>
        tpu.wait_indirect_dma semaphore(%run_scoped3A_317 : memref<!tpu.dma_semaphore, #tpu.memory_space<semaphore_mem>>) src(%arg11 : memref<64x128xf32, #tpu.memory_space<vmem>>) dst(%dma_wait3A_329 : memref<10240x128xf32, #tpu.memory_space<vmem_shared>>)
        tpu.yield
      }) : () -> ()
      %dma_wait3A_309 = arith.constant 15 : i32
      %dma_wait3A_310 = arith.constant 0 : i32
      %dma_wait3A_311 = tpu.memref_slice %arg7[%dma_wait3A_309, %dma_wait3A_310] : memref<16x64xi32, #tpu.memory_space<vmem>> -> memref<1x64xi32, #tpu.memory_space<vmem>>
      %dma_wait3A_312 = tpu.memref_squeeze %dma_wait3A_311 : memref<1x64xi32, #tpu.memory_space<vmem>> -> memref<64xi32, #tpu.memory_space<vmem>>
      %dma_wait3A_313 = arith.constant 0 : i32
      %dma_wait3A_314 = arith.constant 0 : i32
      %dma_wait3A_315 = tpu.memref_slice %arg2[%dma_wait3A_313, %dma_wait3A_314] : memref<10240x128xf32, #tpu.memory_space<hbm>> -> memref<10240x128xf32, #tpu.memory_space<hbm>>
      tpu.wait_indirect_dma semaphore(%arg16 : memref<!tpu.dma_semaphore, #tpu.memory_space<semaphore_mem>>) src(%dma_wait3A_315 : memref<10240x128xf32, #tpu.memory_space<hbm>>) dst(%arg12 : memref<64x128xf32, #tpu.memory_space<vmem>>)
      %run_scoped3A_316 = arith.constant 15 : i32
      "tpu.region"() ({
        %run_scoped3A_317 = tpu.sem_alloc : memref<!tpu.dma_semaphore, #tpu.memory_space<semaphore_mem>>
        %dma_start3A_318 = arith.constant 0 : i32
        %dma_start3A_319 = tpu.memref_slice %arg8[%run_scoped3A_316, %dma_start3A_318] : memref<16x64xi32, #tpu.memory_space<vmem>> -> memref<1x64xi32, #tpu.memory_space<vmem>>
        %dma_start3A_320 = tpu.memref_squeeze %dma_start3A_319 : memref<1x64xi32, #tpu.memory_space<vmem>> -> memref<64xi32, #tpu.memory_space<vmem>>
        %dma_start3A_321 = arith.constant 0 : i32
        %dma_start3A_322 = arith.constant 0 : i32
        %dma_start3A_323 = tpu.memref_slice %arg6[%dma_start3A_321, %dma_start3A_322] : memref<10240x128xf32, #tpu.memory_space<vmem_shared>> -> memref<10240x128xf32, #tpu.memory_space<vmem_shared>>
        tpu.enqueue_indirect_dma source(%arg12 : memref<64x128xf32, #tpu.memory_space<vmem>>) target(%dma_start3A_323 : memref<10240x128xf32, #tpu.memory_space<vmem_shared>>) offsets(%dma_start3A_320 : memref<64xi32, #tpu.memory_space<vmem>>) semaphore(%run_scoped3A_317 : memref<!tpu.dma_semaphore, #tpu.memory_space<semaphore_mem>>) {add = true}
        %dma_wait3A_324 = arith.constant 0 : i32
        %dma_wait3A_325 = tpu.memref_slice %arg8[%run_scoped3A_316, %dma_wait3A_324] : memref<16x64xi32, #tpu.memory_space<vmem>> -> memref<1x64xi32, #tpu.memory_space<vmem>>
        %dma_wait3A_326 = tpu.memref_squeeze %dma_wait3A_325 : memref<1x64xi32, #tpu.memory_space<vmem>> -> memref<64xi32, #tpu.memory_space<vmem>>
        %dma_wait3A_327 = arith.constant 0 : i32
        %dma_wait3A_328 = arith.constant 0 : i32
        %dma_wait3A_329 = tpu.memref_slice %arg6[%dma_wait3A_327, %dma_wait3A_328] : memref<10240x128xf32, #tpu.memory_space<vmem_shared>> -> memref<10240x128xf32, #tpu.memory_space<vmem_shared>>
        tpu.wait_indirect_dma semaphore(%run_scoped3A_317 : memref<!tpu.dma_semaphore, #tpu.memory_space<semaphore_mem>>) src(%arg12 : memref<64x128xf32, #tpu.memory_space<vmem>>) dst(%dma_wait3A_329 : memref<10240x128xf32, #tpu.memory_space<vmem_shared>>)
        tpu.yield
      }) : () -> ()
    }
    %scan3A_52 = arith.constant 10 : i32
    %barrier3A_53 = arith.constant 0 : index
    tpu.barrier barrier_id(%barrier3A_53)
    %mul3A_54 = arith.constant 640 : i32
    %mul3A_55 = arith.muli %arg1, %mul3A_54 : i32
    %add3A_56 = arith.constant 0 : i32
    %add3A_57 = arith.addi %mul3A_55, %add3A_56 : i32
    "tpu.region"() ({
      %run_scoped3A = tpu.sem_alloc : memref<!tpu.dma_semaphore, #tpu.memory_space<semaphore_mem>>
      %dma_start3A = arith.constant 0 : i32
      %dma_start3A_74 = arith.constant 0 : i32
      %dma_start3A_75 = tpu.memref_slice %arg5[%arg0, %dma_start3A, %dma_start3A_74] : memref<2x10240x128xf32, #tpu.memory_space<hbm>> -> memref<1x10240x128xf32, #tpu.memory_space<hbm>>
      %dma_start3A_76 = tpu.memref_squeeze %dma_start3A_75 : memref<1x10240x128xf32, #tpu.memory_space<hbm>> -> memref<10240x128xf32, #tpu.memory_space<hbm>>
      %dma_start3A_77 = arith.constant 0 : i32
      %dma_start3A_78 = tpu.memref_slice %dma_start3A_76[%add3A_57, %dma_start3A_77] : memref<10240x128xf32, #tpu.memory_space<hbm>> -> memref<128x128xf32, #tpu.memory_space<hbm>>
      %dma_start3A_79 = arith.constant 0 : i32
      %dma_start3A_80 = tpu.memref_slice %arg6[%add3A_57, %dma_start3A_79] : memref<10240x128xf32, #tpu.memory_space<vmem_shared>> -> memref<128x128xf32, #tpu.memory_space<vmem_shared>>
      tpu.enqueue_dma source(%dma_start3A_80 : memref<128x128xf32, #tpu.memory_space<vmem_shared>>) target(%dma_start3A_78 : memref<128x128xf32, #tpu.memory_space<hbm>>) target_semaphore(%run_scoped3A : memref<!tpu.dma_semaphore, #tpu.memory_space<semaphore_mem>>)
      %dma_wait3A = arith.constant 0 : i32
      %dma_wait3A_81 = arith.constant 0 : i32
      %dma_wait3A_82 = tpu.memref_slice %arg5[%arg0, %dma_wait3A, %dma_wait3A_81] : memref<2x10240x128xf32, #tpu.memory_space<hbm>> -> memref<1x10240x128xf32, #tpu.memory_space<hbm>>
      %dma_wait3A_83 = tpu.memref_squeeze %dma_wait3A_82 : memref<1x10240x128xf32, #tpu.memory_space<hbm>> -> memref<10240x128xf32, #tpu.memory_space<hbm>>
      %dma_wait3A_84 = arith.constant 0 : i32
      %dma_wait3A_85 = tpu.memref_slice %dma_wait3A_83[%add3A_57, %dma_wait3A_84] : memref<10240x128xf32, #tpu.memory_space<hbm>> -> memref<128x128xf32, #tpu.memory_space<hbm>>
      %dma_wait3A_86 = arith.constant 0 : i32
      %dma_wait3A_87 = tpu.memref_slice %arg6[%add3A_57, %dma_wait3A_86] : memref<10240x128xf32, #tpu.memory_space<vmem_shared>> -> memref<128x128xf32, #tpu.memory_space<vmem_shared>>
      tpu.wait_dma2 semaphore(%run_scoped3A : memref<!tpu.dma_semaphore, #tpu.memory_space<semaphore_mem>>) src(%dma_wait3A_87 : memref<128x128xf32, #tpu.memory_space<vmem_shared>>) dst(%dma_wait3A_85 : memref<128x128xf32, #tpu.memory_space<hbm>>)
      tpu.yield
    }) : () -> ()
    %mul3A_58 = arith.constant 640 : i32
    %mul3A_59 = arith.muli %arg1, %mul3A_58 : i32
    %add3A_60 = arith.constant 128 : i32
    %add3A_61 = arith.addi %mul3A_59, %add3A_60 : i32
    "tpu.region"() ({
      %run_scoped3A = tpu.sem_alloc : memref<!tpu.dma_semaphore, #tpu.memory_space<semaphore_mem>>
      %dma_start3A = arith.constant 0 : i32
      %dma_start3A_74 = arith.constant 0 : i32
      %dma_start3A_75 = tpu.memref_slice %arg5[%arg0, %dma_start3A, %dma_start3A_74] : memref<2x10240x128xf32, #tpu.memory_space<hbm>> -> memref<1x10240x128xf32, #tpu.memory_space<hbm>>
      %dma_start3A_76 = tpu.memref_squeeze %dma_start3A_75 : memref<1x10240x128xf32, #tpu.memory_space<hbm>> -> memref<10240x128xf32, #tpu.memory_space<hbm>>
      %dma_start3A_77 = arith.constant 0 : i32
      %dma_start3A_78 = tpu.memref_slice %dma_start3A_76[%add3A_61, %dma_start3A_77] : memref<10240x128xf32, #tpu.memory_space<hbm>> -> memref<128x128xf32, #tpu.memory_space<hbm>>
      %dma_start3A_79 = arith.constant 0 : i32
      %dma_start3A_80 = tpu.memref_slice %arg6[%add3A_61, %dma_start3A_79] : memref<10240x128xf32, #tpu.memory_space<vmem_shared>> -> memref<128x128xf32, #tpu.memory_space<vmem_shared>>
      tpu.enqueue_dma source(%dma_start3A_80 : memref<128x128xf32, #tpu.memory_space<vmem_shared>>) target(%dma_start3A_78 : memref<128x128xf32, #tpu.memory_space<hbm>>) target_semaphore(%run_scoped3A : memref<!tpu.dma_semaphore, #tpu.memory_space<semaphore_mem>>)
      %dma_wait3A = arith.constant 0 : i32
      %dma_wait3A_81 = arith.constant 0 : i32
      %dma_wait3A_82 = tpu.memref_slice %arg5[%arg0, %dma_wait3A, %dma_wait3A_81] : memref<2x10240x128xf32, #tpu.memory_space<hbm>> -> memref<1x10240x128xf32, #tpu.memory_space<hbm>>
      %dma_wait3A_83 = tpu.memref_squeeze %dma_wait3A_82 : memref<1x10240x128xf32, #tpu.memory_space<hbm>> -> memref<10240x128xf32, #tpu.memory_space<hbm>>
      %dma_wait3A_84 = arith.constant 0 : i32
      %dma_wait3A_85 = tpu.memref_slice %dma_wait3A_83[%add3A_61, %dma_wait3A_84] : memref<10240x128xf32, #tpu.memory_space<hbm>> -> memref<128x128xf32, #tpu.memory_space<hbm>>
      %dma_wait3A_86 = arith.constant 0 : i32
      %dma_wait3A_87 = tpu.memref_slice %arg6[%add3A_61, %dma_wait3A_86] : memref<10240x128xf32, #tpu.memory_space<vmem_shared>> -> memref<128x128xf32, #tpu.memory_space<vmem_shared>>
      tpu.wait_dma2 semaphore(%run_scoped3A : memref<!tpu.dma_semaphore, #tpu.memory_space<semaphore_mem>>) src(%dma_wait3A_87 : memref<128x128xf32, #tpu.memory_space<vmem_shared>>) dst(%dma_wait3A_85 : memref<128x128xf32, #tpu.memory_space<hbm>>)
      tpu.yield
    }) : () -> ()
    %mul3A_62 = arith.constant 640 : i32
    %mul3A_63 = arith.muli %arg1, %mul3A_62 : i32
    %add3A_64 = arith.constant 256 : i32
    %add3A_65 = arith.addi %mul3A_63, %add3A_64 : i32
    "tpu.region"() ({
      %run_scoped3A = tpu.sem_alloc : memref<!tpu.dma_semaphore, #tpu.memory_space<semaphore_mem>>
      %dma_start3A = arith.constant 0 : i32
      %dma_start3A_74 = arith.constant 0 : i32
      %dma_start3A_75 = tpu.memref_slice %arg5[%arg0, %dma_start3A, %dma_start3A_74] : memref<2x10240x128xf32, #tpu.memory_space<hbm>> -> memref<1x10240x128xf32, #tpu.memory_space<hbm>>
      %dma_start3A_76 = tpu.memref_squeeze %dma_start3A_75 : memref<1x10240x128xf32, #tpu.memory_space<hbm>> -> memref<10240x128xf32, #tpu.memory_space<hbm>>
      %dma_start3A_77 = arith.constant 0 : i32
      %dma_start3A_78 = tpu.memref_slice %dma_start3A_76[%add3A_65, %dma_start3A_77] : memref<10240x128xf32, #tpu.memory_space<hbm>> -> memref<128x128xf32, #tpu.memory_space<hbm>>
      %dma_start3A_79 = arith.constant 0 : i32
      %dma_start3A_80 = tpu.memref_slice %arg6[%add3A_65, %dma_start3A_79] : memref<10240x128xf32, #tpu.memory_space<vmem_shared>> -> memref<128x128xf32, #tpu.memory_space<vmem_shared>>
      tpu.enqueue_dma source(%dma_start3A_80 : memref<128x128xf32, #tpu.memory_space<vmem_shared>>) target(%dma_start3A_78 : memref<128x128xf32, #tpu.memory_space<hbm>>) target_semaphore(%run_scoped3A : memref<!tpu.dma_semaphore, #tpu.memory_space<semaphore_mem>>)
      %dma_wait3A = arith.constant 0 : i32
      %dma_wait3A_81 = arith.constant 0 : i32
      %dma_wait3A_82 = tpu.memref_slice %arg5[%arg0, %dma_wait3A, %dma_wait3A_81] : memref<2x10240x128xf32, #tpu.memory_space<hbm>> -> memref<1x10240x128xf32, #tpu.memory_space<hbm>>
      %dma_wait3A_83 = tpu.memref_squeeze %dma_wait3A_82 : memref<1x10240x128xf32, #tpu.memory_space<hbm>> -> memref<10240x128xf32, #tpu.memory_space<hbm>>
      %dma_wait3A_84 = arith.constant 0 : i32
      %dma_wait3A_85 = tpu.memref_slice %dma_wait3A_83[%add3A_65, %dma_wait3A_84] : memref<10240x128xf32, #tpu.memory_space<hbm>> -> memref<128x128xf32, #tpu.memory_space<hbm>>
      %dma_wait3A_86 = arith.constant 0 : i32
      %dma_wait3A_87 = tpu.memref_slice %arg6[%add3A_65, %dma_wait3A_86] : memref<10240x128xf32, #tpu.memory_space<vmem_shared>> -> memref<128x128xf32, #tpu.memory_space<vmem_shared>>
      tpu.wait_dma2 semaphore(%run_scoped3A : memref<!tpu.dma_semaphore, #tpu.memory_space<semaphore_mem>>) src(%dma_wait3A_87 : memref<128x128xf32, #tpu.memory_space<vmem_shared>>) dst(%dma_wait3A_85 : memref<128x128xf32, #tpu.memory_space<hbm>>)
      tpu.yield
    }) : () -> ()
    %mul3A_66 = arith.constant 640 : i32
    %mul3A_67 = arith.muli %arg1, %mul3A_66 : i32
    %add3A_68 = arith.constant 384 : i32
    %add3A_69 = arith.addi %mul3A_67, %add3A_68 : i32
    "tpu.region"() ({
      %run_scoped3A = tpu.sem_alloc : memref<!tpu.dma_semaphore, #tpu.memory_space<semaphore_mem>>
      %dma_start3A = arith.constant 0 : i32
      %dma_start3A_74 = arith.constant 0 : i32
      %dma_start3A_75 = tpu.memref_slice %arg5[%arg0, %dma_start3A, %dma_start3A_74] : memref<2x10240x128xf32, #tpu.memory_space<hbm>> -> memref<1x10240x128xf32, #tpu.memory_space<hbm>>
      %dma_start3A_76 = tpu.memref_squeeze %dma_start3A_75 : memref<1x10240x128xf32, #tpu.memory_space<hbm>> -> memref<10240x128xf32, #tpu.memory_space<hbm>>
      %dma_start3A_77 = arith.constant 0 : i32
      %dma_start3A_78 = tpu.memref_slice %dma_start3A_76[%add3A_69, %dma_start3A_77] : memref<10240x128xf32, #tpu.memory_space<hbm>> -> memref<128x128xf32, #tpu.memory_space<hbm>>
      %dma_start3A_79 = arith.constant 0 : i32
      %dma_start3A_80 = tpu.memref_slice %arg6[%add3A_69, %dma_start3A_79] : memref<10240x128xf32, #tpu.memory_space<vmem_shared>> -> memref<128x128xf32, #tpu.memory_space<vmem_shared>>
      tpu.enqueue_dma source(%dma_start3A_80 : memref<128x128xf32, #tpu.memory_space<vmem_shared>>) target(%dma_start3A_78 : memref<128x128xf32, #tpu.memory_space<hbm>>) target_semaphore(%run_scoped3A : memref<!tpu.dma_semaphore, #tpu.memory_space<semaphore_mem>>)
      %dma_wait3A = arith.constant 0 : i32
      %dma_wait3A_81 = arith.constant 0 : i32
      %dma_wait3A_82 = tpu.memref_slice %arg5[%arg0, %dma_wait3A, %dma_wait3A_81] : memref<2x10240x128xf32, #tpu.memory_space<hbm>> -> memref<1x10240x128xf32, #tpu.memory_space<hbm>>
      %dma_wait3A_83 = tpu.memref_squeeze %dma_wait3A_82 : memref<1x10240x128xf32, #tpu.memory_space<hbm>> -> memref<10240x128xf32, #tpu.memory_space<hbm>>
      %dma_wait3A_84 = arith.constant 0 : i32
      %dma_wait3A_85 = tpu.memref_slice %dma_wait3A_83[%add3A_69, %dma_wait3A_84] : memref<10240x128xf32, #tpu.memory_space<hbm>> -> memref<128x128xf32, #tpu.memory_space<hbm>>
      %dma_wait3A_86 = arith.constant 0 : i32
      %dma_wait3A_87 = tpu.memref_slice %arg6[%add3A_69, %dma_wait3A_86] : memref<10240x128xf32, #tpu.memory_space<vmem_shared>> -> memref<128x128xf32, #tpu.memory_space<vmem_shared>>
      tpu.wait_dma2 semaphore(%run_scoped3A : memref<!tpu.dma_semaphore, #tpu.memory_space<semaphore_mem>>) src(%dma_wait3A_87 : memref<128x128xf32, #tpu.memory_space<vmem_shared>>) dst(%dma_wait3A_85 : memref<128x128xf32, #tpu.memory_space<hbm>>)
      tpu.yield
    }) : () -> ()
    %mul3A_70 = arith.constant 640 : i32
    %mul3A_71 = arith.muli %arg1, %mul3A_70 : i32
    %add3A_72 = arith.constant 512 : i32
    %add3A_73 = arith.addi %mul3A_71, %add3A_72 : i32
    "tpu.region"() ({
      %run_scoped3A = tpu.sem_alloc : memref<!tpu.dma_semaphore, #tpu.memory_space<semaphore_mem>>
      %dma_start3A = arith.constant 0 : i32
      %dma_start3A_74 = arith.constant 0 : i32
      %dma_start3A_75 = tpu.memref_slice %arg5[%arg0, %dma_start3A, %dma_start3A_74] : memref<2x10240x128xf32, #tpu.memory_space<hbm>> -> memref<1x10240x128xf32, #tpu.memory_space<hbm>>
      %dma_start3A_76 = tpu.memref_squeeze %dma_start3A_75 : memref<1x10240x128xf32, #tpu.memory_space<hbm>> -> memref<10240x128xf32, #tpu.memory_space<hbm>>
      %dma_start3A_77 = arith.constant 0 : i32
      %dma_start3A_78 = tpu.memref_slice %dma_start3A_76[%add3A_73, %dma_start3A_77] : memref<10240x128xf32, #tpu.memory_space<hbm>> -> memref<128x128xf32, #tpu.memory_space<hbm>>
      %dma_start3A_79 = arith.constant 0 : i32
      %dma_start3A_80 = tpu.memref_slice %arg6[%add3A_73, %dma_start3A_79] : memref<10240x128xf32, #tpu.memory_space<vmem_shared>> -> memref<128x128xf32, #tpu.memory_space<vmem_shared>>
      tpu.enqueue_dma source(%dma_start3A_80 : memref<128x128xf32, #tpu.memory_space<vmem_shared>>) target(%dma_start3A_78 : memref<128x128xf32, #tpu.memory_space<hbm>>) target_semaphore(%run_scoped3A : memref<!tpu.dma_semaphore, #tpu.memory_space<semaphore_mem>>)
      %dma_wait3A = arith.constant 0 : i32
      %dma_wait3A_81 = arith.constant 0 : i32
      %dma_wait3A_82 = tpu.memref_slice %arg5[%arg0, %dma_wait3A, %dma_wait3A_81] : memref<2x10240x128xf32, #tpu.memory_space<hbm>> -> memref<1x10240x128xf32, #tpu.memory_space<hbm>>
      %dma_wait3A_83 = tpu.memref_squeeze %dma_wait3A_82 : memref<1x10240x128xf32, #tpu.memory_space<hbm>> -> memref<10240x128xf32, #tpu.memory_space<hbm>>
      %dma_wait3A_84 = arith.constant 0 : i32
      %dma_wait3A_85 = tpu.memref_slice %dma_wait3A_83[%add3A_73, %dma_wait3A_84] : memref<10240x128xf32, #tpu.memory_space<hbm>> -> memref<128x128xf32, #tpu.memory_space<hbm>>
      %dma_wait3A_86 = arith.constant 0 : i32
      %dma_wait3A_87 = tpu.memref_slice %arg6[%add3A_73, %dma_wait3A_86] : memref<10240x128xf32, #tpu.memory_space<vmem_shared>> -> memref<128x128xf32, #tpu.memory_space<vmem_shared>>
      tpu.wait_dma2 semaphore(%run_scoped3A : memref<!tpu.dma_semaphore, #tpu.memory_space<semaphore_mem>>) src(%dma_wait3A_87 : memref<128x128xf32, #tpu.memory_space<vmem_shared>>) dst(%dma_wait3A_85 : memref<128x128xf32, #tpu.memory_space<hbm>>)
      tpu.yield
    }) : () -> ()
    return
  }
}

module attributes {stable_mosaic.version = 14 : i64} {
  func.func @_tc_mm_body(%arg0: i32, %arg1: memref<512x128xf32, #tpu.memory_space<vmem>>, %arg2: memref<128x128xf32, #tpu.memory_space<vmem>>, %arg3: memref<512x128xf32, #tpu.memory_space<vmem>>) attributes {dimension_semantics = [#tpu.dimension_semantics<arbitrary>], iteration_bounds = array<i64: 20>, scalar_prefetch = 0 : i64, scratch_operands = 0 : i64, tpu.core_type = #tpu.core_type<tc>, window_params = [{transform_indices = @transform_0, window_bounds = array<i64: 512, 128>}, {pipeline_mode = #tpu.pipeline_mode<synchronous>, transform_indices = @transform_1, window_bounds = array<i64: 128, 128>}, {transform_indices = @transform_2, window_bounds = array<i64: 512, 128>}]} {
    %get3A = arith.constant 0 : index
    %get3A_0 = arith.constant 0 : index
    %get3A_1 = vector.load %arg1[%get3A, %get3A_0] : memref<512x128xf32, #tpu.memory_space<vmem>>, vector<512x128xf32>
    %get3A_2 = arith.constant 0 : index
    %get3A_3 = arith.constant 0 : index
    %get3A_4 = vector.load %arg2[%get3A_2, %get3A_3] : memref<128x128xf32, #tpu.memory_space<vmem>>, vector<128x128xf32>
    %dot_general3A = arith.constant dense<0.000000e+00> : vector<512x128xf32>
    %dot_general3A_5 = tpu.matmul %get3A_1, %get3A_4, %dot_general3A {dimension_numbers = #tpu.dot_dimension_numbers<[1], [0], [0], [1], [0, 0, 1, 1], [], []>, transpose_lhs_hint = false} : vector<512x128xf32>, vector<128x128xf32>, vector<512x128xf32> -> vector<512x128xf32>
    %swap3A = arith.constant 0 : index
    %swap3A_6 = arith.constant 0 : index
    %swap3A_7 = vector.load %arg3[%swap3A, %swap3A_6] : memref<512x128xf32, #tpu.memory_space<vmem>>, vector<512x128xf32>
    tpu.vector_store %arg3[%swap3A, %swap3A_6], %dot_general3A_5 {strides = array<i32>} : memref<512x128xf32, #tpu.memory_space<vmem>>, vector<512x128xf32>,
    return
  }
  func.func @transform_0(%arg0: i32) -> (i32, i32) {
    %c0_i32 = arith.constant 0 : i32
    %c0_i32_0 = arith.constant 0 : i32
    return %arg0, %c0_i32 : i32, i32
  }
  func.func @transform_1(%arg0: i32) -> (i32, i32) {
    %c0_i32 = arith.constant 0 : i32
    %c0_i32_0 = arith.constant 0 : i32
    %c0_i32_1 = arith.constant 0 : i32
    return %c0_i32, %c0_i32_0 : i32, i32
  }
  func.func @transform_2(%arg0: i32) -> (i32, i32) {
    %c0_i32 = arith.constant 0 : i32
    %c0_i32_0 = arith.constant 0 : i32
    return %arg0, %c0_i32 : i32, i32
  }
}

module attributes {stable_mosaic.version = 14 : i64} {
  func.func @_tc_scale_body(%arg0: i32, %arg1: memref<512x128xf32, #tpu.memory_space<vmem>>, %arg2: memref<2x512x128xf32, #tpu.memory_space<vmem>>, %arg3: memref<512x128xf32, #tpu.memory_space<vmem>>) attributes {dimension_semantics = [#tpu.dimension_semantics<arbitrary>], iteration_bounds = array<i64: 20>, scalar_prefetch = 0 : i64, scratch_operands = 0 : i64, tpu.core_type = #tpu.core_type<tc>, window_params = [{transform_indices = @transform_0, window_bounds = array<i64: 512, 128>}, {transform_indices = @transform_1, window_bounds = array<i64: 2, 512, 128>}, {transform_indices = @transform_2, window_bounds = array<i64: 512, 128>}]} {
    %get3A = arith.constant 0 : index
    %get3A_0 = arith.constant 0 : index
    %get3A_1 = vector.load %arg1[%get3A, %get3A_0] : memref<512x128xf32, #tpu.memory_space<vmem>>, vector<512x128xf32>
    %get3A_2 = arith.constant 0 : index
    %get3A_3 = arith.constant 0 : index
    %get3A_4 = arith.constant 0 : index
    %get3A_5 = vector.load %arg2[%get3A_2, %get3A_3, %get3A_4] : memref<2x512x128xf32, #tpu.memory_space<vmem>>, vector<1x512x1xf32>
    %get3A_6 = vector.shape_cast %get3A_5 : vector<1x512x1xf32> to vector<512x1xf32>
    %get3A_7 = arith.constant 1 : index
    %get3A_8 = arith.constant 0 : index
    %get3A_9 = arith.constant 0 : index
    %get3A_10 = vector.load %arg2[%get3A_7, %get3A_8, %get3A_9] : memref<2x512x128xf32, #tpu.memory_space<vmem>>, vector<1x512x1xf32>
    %get3A_11 = vector.shape_cast %get3A_10 : vector<1x512x1xf32> to vector<512x1xf32>
    %add3A = arith.addf %get3A_6, %get3A_11 : vector<512x1xf32>
    %add3A_12 = arith.constant 1.000000e+00 : f32
    %add3A_13 = vector.broadcast %add3A_12 : f32 to vector<512x1xf32>
    %add3A_14 = arith.addf %add3A, %add3A_13 : vector<512x1xf32>
    %rsqrt3A = math.rsqrt %add3A_14 : vector<512x1xf32>
    %mul3A = vector.broadcast %rsqrt3A : vector<512x1xf32> to vector<512x128xf32>
    %mul3A_15 = arith.mulf %get3A_1, %mul3A : vector<512x128xf32>
    %swap3A = arith.constant 0 : index
    %swap3A_16 = arith.constant 0 : index
    %swap3A_17 = vector.load %arg3[%swap3A, %swap3A_16] : memref<512x128xf32, #tpu.memory_space<vmem>>, vector<512x128xf32>
    tpu.vector_store %arg3[%swap3A, %swap3A_16], %mul3A_15 {strides = array<i32>} : memref<512x128xf32, #tpu.memory_space<vmem>>, vector<512x128xf32>,
    return
  }
  func.func @transform_0(%arg0: i32) -> (i32, i32) {
    %c0_i32 = arith.constant 0 : i32
    %c0_i32_0 = arith.constant 0 : i32
    return %arg0, %c0_i32 : i32, i32
  }
  func.func @transform_1(%arg0: i32) -> (i32, i32, i32) {
    %c0_i32 = arith.constant 0 : i32
    %c0_i32_0 = arith.constant 0 : i32
    %c0_i32_1 = arith.constant 0 : i32
    return %c0_i32, %arg0, %c0_i32_0 : i32, i32, i32
  }
  func.func @transform_2(%arg0: i32) -> (i32, i32) {
    %c0_i32 = arith.constant 0 : i32
    %c0_i32_0 = arith.constant 0 : i32
    return %arg0, %c0_i32 : i32, i32
  }
}

module attributes {stable_mosaic.version = 14 : i64} {
  func.func @_tc2_body(%arg0: i32, %arg1: memref<2x512x128xf32, #tpu.memory_space<vmem>>, %arg2: memref<512x128xf32, #tpu.memory_space<vmem>>, %arg3: memref<2x512x128xf32, #tpu.memory_space<vmem>>, %arg4: memref<128x128xf32, #tpu.memory_space<vmem>>, %arg5: memref<1x128xf32, #tpu.memory_space<vmem>>, %arg6: memref<512x128xf32, #tpu.memory_space<vmem>>) attributes {dimension_semantics = [#tpu.dimension_semantics<arbitrary>], iteration_bounds = array<i64: 20>, scalar_prefetch = 0 : i64, scratch_operands = 0 : i64, tpu.core_type = #tpu.core_type<tc>, window_params = [{transform_indices = @transform_0, window_bounds = array<i64: 2, 512, 128>}, {transform_indices = @transform_1, window_bounds = array<i64: 512, 128>}, {transform_indices = @transform_2, window_bounds = array<i64: 2, 512, 128>}, {pipeline_mode = #tpu.pipeline_mode<synchronous>, transform_indices = @transform_3, window_bounds = array<i64: 128, 128>}, {pipeline_mode = #tpu.pipeline_mode<synchronous>, transform_indices = @transform_4, window_bounds = array<i64: 1, 128>}, {transform_indices = @transform_5, window_bounds = array<i64: 512, 128>}]} {
    %get3A = arith.constant 0 : index
    %get3A_0 = arith.constant 0 : index
    %get3A_1 = arith.constant 0 : index
    %get3A_2 = vector.load %arg3[%get3A, %get3A_0, %get3A_1] : memref<2x512x128xf32, #tpu.memory_space<vmem>>, vector<1x512x1xf32>
    %get3A_3 = vector.shape_cast %get3A_2 : vector<1x512x1xf32> to vector<512x1xf32>
    %get3A_4 = arith.constant 1 : index
    %get3A_5 = arith.constant 0 : index
    %get3A_6 = arith.constant 0 : index
    %get3A_7 = vector.load %arg3[%get3A_4, %get3A_5, %get3A_6] : memref<2x512x128xf32, #tpu.memory_space<vmem>>, vector<1x512x1xf32>
    %get3A_8 = vector.shape_cast %get3A_7 : vector<1x512x1xf32> to vector<512x1xf32>
    %add3A = arith.addf %get3A_3, %get3A_8 : vector<512x1xf32>
    %add3A_9 = arith.constant 1.000000e+00 : f32
    %add3A_10 = vector.broadcast %add3A_9 : f32 to vector<512x1xf32>
    %add3A_11 = arith.addf %add3A, %add3A_10 : vector<512x1xf32>
    %rsqrt3A = math.rsqrt %add3A_11 : vector<512x1xf32>
    %get3A_12 = arith.constant 0 : index
    %get3A_13 = arith.constant 0 : index
    %get3A_14 = arith.constant 0 : index
    %get3A_15 = vector.load %arg1[%get3A_12, %get3A_13, %get3A_14] : memref<2x512x128xf32, #tpu.memory_space<vmem>>, vector<1x512x128xf32>
    %get3A_16 = vector.shape_cast %get3A_15 : vector<1x512x128xf32> to vector<512x128xf32>
    %get3A_17 = arith.constant 1 : index
    %get3A_18 = arith.constant 0 : index
    %get3A_19 = arith.constant 0 : index
    %get3A_20 = vector.load %arg1[%get3A_17, %get3A_18, %get3A_19] : memref<2x512x128xf32, #tpu.memory_space<vmem>>, vector<1x512x128xf32>
    %get3A_21 = vector.shape_cast %get3A_20 : vector<1x512x128xf32> to vector<512x128xf32>
    %add3A_22 = arith.addf %get3A_16, %get3A_21 : vector<512x128xf32>
    %get3A_23 = arith.constant 0 : index
    %get3A_24 = arith.constant 0 : index
    %get3A_25 = vector.load %arg2[%get3A_23, %get3A_24] : memref<512x128xf32, #tpu.memory_space<vmem>>, vector<512x128xf32>
    %add3A_26 = arith.addf %add3A_22, %get3A_25 : vector<512x128xf32>
    %mul3A = vector.broadcast %rsqrt3A : vector<512x1xf32> to vector<512x128xf32>
    %mul3A_27 = arith.mulf %add3A_26, %mul3A : vector<512x128xf32>
    %get3A_28 = arith.constant 0 : index
    %get3A_29 = arith.constant 0 : index
    %get3A_30 = vector.load %arg5[%get3A_28, %get3A_29] : memref<1x128xf32, #tpu.memory_space<vmem>>, vector<1x128xf32>
    %add3A_31 = vector.broadcast %get3A_30 : vector<1x128xf32> to vector<512x128xf32>
    %add3A_32 = arith.addf %mul3A_27, %add3A_31 : vector<512x128xf32>
    %max3A = arith.constant 0.000000e+00 : f32
    %max3A_33 = vector.broadcast %max3A : f32 to vector<512x128xf32>
    %max3A_34 = arith.maximumf %add3A_32, %max3A_33 : vector<512x128xf32>
    %get3A_35 = arith.constant 0 : index
    %get3A_36 = arith.constant 0 : index
    %get3A_37 = vector.load %arg4[%get3A_35, %get3A_36] : memref<128x128xf32, #tpu.memory_space<vmem>>, vector<128x128xf32>
    %dot_general3A = arith.constant dense<0.000000e+00> : vector<512x128xf32>
    %dot_general3A_38 = tpu.matmul %max3A_34, %get3A_37, %dot_general3A {dimension_numbers = #tpu.dot_dimension_numbers<[1], [0], [0], [1], [0, 0, 1, 1], [], []>, transpose_lhs_hint = false} : vector<512x128xf32>, vector<128x128xf32>, vector<512x128xf32> -> vector<512x128xf32>
    %mul3A_39 = vector.broadcast %rsqrt3A : vector<512x1xf32> to vector<512x128xf32>
    %mul3A_40 = arith.mulf %dot_general3A_38, %mul3A_39 : vector<512x128xf32>
    %swap3A = arith.constant 0 : index
    %swap3A_41 = arith.constant 0 : index
    %swap3A_42 = vector.load %arg6[%swap3A, %swap3A_41] : memref<512x128xf32, #tpu.memory_space<vmem>>, vector<512x128xf32>
    tpu.vector_store %arg6[%swap3A, %swap3A_41], %mul3A_40 {strides = array<i32>} : memref<512x128xf32, #tpu.memory_space<vmem>>, vector<512x128xf32>,
    return
  }
  func.func @transform_0(%arg0: i32) -> (i32, i32, i32) {
    %c0_i32 = arith.constant 0 : i32
    %c0_i32_0 = arith.constant 0 : i32
    %c0_i32_1 = arith.constant 0 : i32
    return %c0_i32, %arg0, %c0_i32_0 : i32, i32, i32
  }
  func.func @transform_1(%arg0: i32) -> (i32, i32) {
    %c0_i32 = arith.constant 0 : i32
    %c0_i32_0 = arith.constant 0 : i32
    return %arg0, %c0_i32 : i32, i32
  }
  func.func @transform_2(%arg0: i32) -> (i32, i32, i32) {
    %c0_i32 = arith.constant 0 : i32
    %c0_i32_0 = arith.constant 0 : i32
    %c0_i32_1 = arith.constant 0 : i32
    return %c0_i32, %arg0, %c0_i32_0 : i32, i32, i32
  }
  func.func @transform_3(%arg0: i32) -> (i32, i32) {
    %c0_i32 = arith.constant 0 : i32
    %c0_i32_0 = arith.constant 0 : i32
    %c0_i32_1 = arith.constant 0 : i32
    return %c0_i32, %c0_i32_0 : i32, i32
  }
  func.func @transform_4(%arg0: i32) -> (i32, i32) {
    %c0_i32 = arith.constant 0 : i32
    %c0_i32_0 = arith.constant 0 : i32
    %c0_i32_1 = arith.constant 0 : i32
    return %c0_i32, %c0_i32_0 : i32, i32
  }
  func.func @transform_5(%arg0: i32) -> (i32, i32) {
    %c0_i32 = arith.constant 0 : i32
    %c0_i32_0 = arith.constant 0 : i32
    return %arg0, %c0_i32 : i32, i32
  }
}

module attributes {stable_mosaic.version = 14 : i64} {
  func.func @_tc3_body(%arg0: i32, %arg1: memref<2x512x128xf32, #tpu.memory_space<vmem>>, %arg2: memref<512x128xf32, #tpu.memory_space<vmem>>, %arg3: memref<2x512x128xf32, #tpu.memory_space<vmem>>, %arg4: memref<1x128xf32, #tpu.memory_space<vmem>>, %arg5: memref<128x64xf32, #tpu.memory_space<vmem>>, %arg6: memref<1x64xf32, #tpu.memory_space<vmem>>, %arg7: memref<512x40xf32, #tpu.memory_space<vmem>>) attributes {dimension_semantics = [#tpu.dimension_semantics<arbitrary>], iteration_bounds = array<i64: 20>, scalar_prefetch = 0 : i64, scratch_operands = 0 : i64, tpu.core_type = #tpu.core_type<tc>, window_params = [{transform_indices = @transform_0, window_bounds = array<i64: 2, 512, 128>}, {transform_indices = @transform_1, window_bounds = array<i64: 512, 128>}, {transform_indices = @transform_2, window_bounds = array<i64: 2, 512, 128>}, {pipeline_mode = #tpu.pipeline_mode<synchronous>, transform_indices = @transform_3, window_bounds = array<i64: 1, 128>}, {pipeline_mode = #tpu.pipeline_mode<synchronous>, transform_indices = @transform_4, window_bounds = array<i64: 128, 64>}, {pipeline_mode = #tpu.pipeline_mode<synchronous>, transform_indices = @transform_5, window_bounds = array<i64: 1, 64>}, {transform_indices = @transform_6, window_bounds = array<i64: 512, 40>}]} {
    %get3A = arith.constant 0 : index
    %get3A_0 = arith.constant 0 : index
    %get3A_1 = arith.constant 0 : index
    %get3A_2 = vector.load %arg3[%get3A, %get3A_0, %get3A_1] : memref<2x512x128xf32, #tpu.memory_space<vmem>>, vector<1x512x1xf32>
    %get3A_3 = vector.shape_cast %get3A_2 : vector<1x512x1xf32> to vector<512x1xf32>
    %get3A_4 = arith.constant 1 : index
    %get3A_5 = arith.constant 0 : index
    %get3A_6 = arith.constant 0 : index
    %get3A_7 = vector.load %arg3[%get3A_4, %get3A_5, %get3A_6] : memref<2x512x128xf32, #tpu.memory_space<vmem>>, vector<1x512x1xf32>
    %get3A_8 = vector.shape_cast %get3A_7 : vector<1x512x1xf32> to vector<512x1xf32>
    %add3A = arith.addf %get3A_3, %get3A_8 : vector<512x1xf32>
    %add3A_9 = arith.constant 1.000000e+00 : f32
    %add3A_10 = vector.broadcast %add3A_9 : f32 to vector<512x1xf32>
    %add3A_11 = arith.addf %add3A, %add3A_10 : vector<512x1xf32>
    %rsqrt3A = math.rsqrt %add3A_11 : vector<512x1xf32>
    %get3A_12 = arith.constant 0 : index
    %get3A_13 = arith.constant 0 : index
    %get3A_14 = arith.constant 0 : index
    %get3A_15 = vector.load %arg1[%get3A_12, %get3A_13, %get3A_14] : memref<2x512x128xf32, #tpu.memory_space<vmem>>, vector<1x512x128xf32>
    %get3A_16 = vector.shape_cast %get3A_15 : vector<1x512x128xf32> to vector<512x128xf32>
    %get3A_17 = arith.constant 1 : index
    %get3A_18 = arith.constant 0 : index
    %get3A_19 = arith.constant 0 : index
    %get3A_20 = vector.load %arg1[%get3A_17, %get3A_18, %get3A_19] : memref<2x512x128xf32, #tpu.memory_space<vmem>>, vector<1x512x128xf32>
    %get3A_21 = vector.shape_cast %get3A_20 : vector<1x512x128xf32> to vector<512x128xf32>
    %add3A_22 = arith.addf %get3A_16, %get3A_21 : vector<512x128xf32>
    %get3A_23 = arith.constant 0 : index
    %get3A_24 = arith.constant 0 : index
    %get3A_25 = vector.load %arg2[%get3A_23, %get3A_24] : memref<512x128xf32, #tpu.memory_space<vmem>>, vector<512x128xf32>
    %add3A_26 = arith.addf %add3A_22, %get3A_25 : vector<512x128xf32>
    %mul3A = vector.broadcast %rsqrt3A : vector<512x1xf32> to vector<512x128xf32>
    %mul3A_27 = arith.mulf %add3A_26, %mul3A : vector<512x128xf32>
    %get3A_28 = arith.constant 0 : index
    %get3A_29 = arith.constant 0 : index
    %get3A_30 = vector.load %arg4[%get3A_28, %get3A_29] : memref<1x128xf32, #tpu.memory_space<vmem>>, vector<1x128xf32>
    %add3A_31 = vector.broadcast %get3A_30 : vector<1x128xf32> to vector<512x128xf32>
    %add3A_32 = arith.addf %mul3A_27, %add3A_31 : vector<512x128xf32>
    %max3A = arith.constant 0.000000e+00 : f32
    %max3A_33 = vector.broadcast %max3A : f32 to vector<512x128xf32>
    %max3A_34 = arith.maximumf %add3A_32, %max3A_33 : vector<512x128xf32>
    %get3A_35 = arith.constant 0 : index
    %get3A_36 = arith.constant 0 : index
    %get3A_37 = vector.load %arg5[%get3A_35, %get3A_36] : memref<128x64xf32, #tpu.memory_space<vmem>>, vector<128x64xf32>
    %dot_general3A = arith.constant dense<0.000000e+00> : vector<512x64xf32>
    %dot_general3A_38 = tpu.matmul %max3A_34, %get3A_37, %dot_general3A {dimension_numbers = #tpu.dot_dimension_numbers<[1], [0], [0], [1], [0, 0, 1, 1], [], []>, transpose_lhs_hint = false} : vector<512x128xf32>, vector<128x64xf32>, vector<512x64xf32> -> vector<512x64xf32>
    %get3A_39 = arith.constant 0 : index
    %get3A_40 = arith.constant 0 : index
    %get3A_41 = vector.load %arg6[%get3A_39, %get3A_40] : memref<1x64xf32, #tpu.memory_space<vmem>>, vector<1x64xf32>
    %add3A_42 = vector.broadcast %get3A_41 : vector<1x64xf32> to vector<512x64xf32>
    %add3A_43 = arith.addf %dot_general3A_38, %add3A_42 : vector<512x64xf32>
    %reduce_max3A = arith.constant dense<0xFF800000> : vector<512xf32>
    %reduce_max3A_44 = vector.multi_reduction <maximumf>, %add3A_43, %reduce_max3A [1] : vector<512x64xf32> to vector<512xf32>
    %broadcast_in_dim3A = vector.shape_cast %reduce_max3A_44 : vector<512xf32> to vector<512x1xf32>
    %sub3A = vector.broadcast %broadcast_in_dim3A : vector<512x1xf32> to vector<512x64xf32>
    %sub3A_45 = arith.subf %add3A_43, %sub3A : vector<512x64xf32>
    %exp3A = math.exp %sub3A_45 : vector<512x64xf32>
    %reduce_sum3A = arith.constant dense<0.000000e+00> : vector<512xf32>
    %reduce_sum3A_46 = vector.multi_reduction <add>, %exp3A, %reduce_sum3A [1] : vector<512x64xf32> to vector<512xf32>
    %broadcast_in_dim3A_47 = vector.shape_cast %reduce_sum3A_46 : vector<512xf32> to vector<512x1xf32>
    %log3A = math.log %broadcast_in_dim3A_47 : vector<512x1xf32>
    %add3A_48 = arith.addf %log3A, %broadcast_in_dim3A : vector<512x1xf32>
    %sub3A_49 = vector.broadcast %add3A_48 : vector<512x1xf32> to vector<512x64xf32>
    %sub3A_50 = arith.subf %add3A_43, %sub3A_49 : vector<512x64xf32>
    %slice3A = vector.extract_strided_slice %sub3A_50 {offsets = [0, 0], sizes = [512, 40], strides = [1, 1]} : vector<512x64xf32> to vector<512x40xf32>
    %swap3A = arith.constant 0 : index
    %swap3A_51 = arith.constant 0 : index
    %swap3A_52 = vector.load %arg7[%swap3A, %swap3A_51] : memref<512x40xf32, #tpu.memory_space<vmem>>, vector<512x40xf32>
    tpu.vector_store %arg7[%swap3A, %swap3A_51], %slice3A {strides = array<i32>} : memref<512x40xf32, #tpu.memory_space<vmem>>, vector<512x40xf32>,
    return
  }
  func.func @transform_0(%arg0: i32) -> (i32, i32, i32) {
    %c0_i32 = arith.constant 0 : i32
    %c0_i32_0 = arith.constant 0 : i32
    %c0_i32_1 = arith.constant 0 : i32
    return %c0_i32, %arg0, %c0_i32_0 : i32, i32, i32
  }
  func.func @transform_1(%arg0: i32) -> (i32, i32) {
    %c0_i32 = arith.constant 0 : i32
    %c0_i32_0 = arith.constant 0 : i32
    return %arg0, %c0_i32 : i32, i32
  }
  func.func @transform_2(%arg0: i32) -> (i32, i32, i32) {
    %c0_i32 = arith.constant 0 : i32
    %c0_i32_0 = arith.constant 0 : i32
    %c0_i32_1 = arith.constant 0 : i32
    return %c0_i32, %arg0, %c0_i32_0 : i32, i32, i32
  }
  func.func @transform_3(%arg0: i32) -> (i32, i32) {
    %c0_i32 = arith.constant 0 : i32
    %c0_i32_0 = arith.constant 0 : i32
    %c0_i32_1 = arith.constant 0 : i32
    return %c0_i32, %c0_i32_0 : i32, i32
  }
  func.func @transform_4(%arg0: i32) -> (i32, i32) {
    %c0_i32 = arith.constant 0 : i32
    %c0_i32_0 = arith.constant 0 : i32
    %c0_i32_1 = arith.constant 0 : i32
    return %c0_i32, %c0_i32_0 : i32, i32
  }
  func.func @transform_5(%arg0: i32) -> (i32, i32) {
    %c0_i32 = arith.constant 0 : i32
    %c0_i32_0 = arith.constant 0 : i32
    %c0_i32_1 = arith.constant 0 : i32
    return %c0_i32, %c0_i32_0 : i32, i32
  }
  func.func @transform_6(%arg0: i32) -> (i32, i32) {
    %c0_i32 = arith.constant 0 : i32
    %c0_i32_0 = arith.constant 0 : i32
    return %arg0, %c0_i32 : i32, i32
  }
}

</mosaic_0001>

<sc_bundles>
// kernel: kernel.12.cloned.1.call-start
scs
__scs_entry_jumppad:
0x0: {  	(pc) =	sbr.rel $0x88, $3  }
0x1: {  	(tag) =	ssettag $0x0;
	lr =	simm.s32 $0x1  }
0x2: {  	[smem:$0x3F99] =	sst lr;
	_ =	strace $0xD0000000  }
0x3: {  	_ = 	snop  }
0x4: {  	_ = 	snop  }
0x5: {  	_ = 	snop  }
0x6: {  	_ = 	snop  }
0x7: {  	_ = 	snop  }
__scs_overlays_trampoline_lowered:
0x8: {  	[smem:$0x3FA8] =	sst s0  }
0x9: {  	[smem:$0x3FA9] =	sst s1  }
0xa: {  	[smem:$0x3FAA] =	sst s2  }
0xb: {  	[smem:$0x3FAB] =	sst s3  }
0xc: {  	[smem:$0x3FAC] =	sst s4  }
0xd: {  	[smem:$0x3FAD] =	sst s5  }
0xe: {  	[smem:$0x3FAE] =	sst s6  }
0xf: {  	[smem:$0x3FAF] =	sst s7  }
0x10: {  	[smem:$0x3FB0] =	sst s8  }
0x11: {  	[smem:$0x3FB1] =	sst s9;
	s0 =	simm.s32 @!p0 $0x0  }
0x12: {  	s1 =	sld [smem:$0x3F97];
	s0 =	simm.s32 @p0 $0x1  }
0x13: {  	[smem:$0x3FB2] =	sst s0;
	s0 =	simm.s32 @!p1 $0x0  }
0x14: {  	s2 =	sld [smem:$0x3F96];
	s0 =	simm.s32 @p1 $0x1  }
0x15: {  	[smem:$0x3FB3] =	sst s0;
	s0 =	simm.s32 @!p2 $0x0  }
0x16: {  	s3 =	sld [smem:$0x3FDB];
	s0 =	simm.s32 @p2 $0x1  }
0x17: {  	s4 =	simm.s32 $0x1BF5;
	[smem:$0x3FB5] =	sst s0  }
0x18: {  	s0 =	sld [smem:$0x3F98];
	_ =	swait.ge [sflag:s4], $0x0  }
0x19: {  	s7 =	sld [smem:$0x3F99]  }
0x1a: {  	s8 =	sadd.s32 $0xFFFFE003, lr  }
0x1b: {  	s9 =	sadd.s32 $0xFFFFFEF7, lr;
	s5 =	simm.s32 $0xFFFFFFFF;
	p2 =	slt.u32 s8, $0xFFFFF086  }
0x1c: {  	p1 =	slt.u32 s9, $0xF7A;
	s5 =	simm.s32 @!p2 $0x0  }
0x1d: {  	s5 =	simm.s32 @p1 $0x1;
	p0 =	seq.s32 s7, s2  }
0x1e: {  	s7 =	smul.u32 @!p0 $0xF7A, s2;
	p2 =	seq.s32 @!p0 s5, $0x0  }
0x1f: {  	s9 =	smul.u32 $0xF7A, s1;
	s8 =	simm.s32 @!p0 $0x1BF5;
	p2 =	por !p2, p0  }
0x20: {  	[sflag:s8] =	ssyncset.s32 @!p0 $0xFFFFF086;
	s6 =	sadd.s32 @!p0 s3, s7;
	s7 =	simm.s32 @!p0 $0x108  }
0x21: {  	s3 =	sadd.s32 s3, s9;
	s6 =	sadd.s32 @!p0 $0x88, s6;
	s7 =	simm.s32 @p2 $0x1082  }
0x22: {  	[simem:s7], [sflag:s8] =	dma.local @!p0 [hbm:s6], $0xF7A  }
0x23: {  	s9 =	sor.u32 $0xD0000000, s2;
	s6 =	simm.s32 $0x108;
	_ =	swait.ge @!p0 [sflag:s8], $0x0  }
0x24: {  	s3 =	sadd.s32 $0x88, s3;
	s6 =	simm.s32 @!p1 $0x1082;
	[sflag:s4] =	ssyncset.s32 $0xFFFFF086  }
0x25: {  	[simem:s6], [sflag:s4] =	dma.local [hbm:s3], $0xF7A  }
0x26: {  	[smem:$0x3F99] =	sst s1;
	(tag) =	ssettag s2;
	_ =	strace s9  }
0x27: {  	s1 =	sld [smem:$0x3FA9]  }
0x28: {  	s2 =	sld [smem:$0x3FAA]  }
0x29: {  	s4 =	sld [smem:$0x3FAC]  }
0x2a: {  	p0 =	seq.s32 s5, $0x0;
	s5 =	sld [smem:$0x3FAD]  }
0x2b: {  	s6 =	sld [smem:$0x3FAE]  }
0x2c: {  	s7 =	sld [smem:$0x3FAF]  }
0x2d: {  	s3 =	simm.s32 $0x108;
	s8 =	sld [smem:$0x3FB0]  }
0x2e: {  	s3 =	simm.s32 @!p0 $0x1082;
	s9 =	sld [smem:$0x3FB1]  }
0x2f: {  	lr =	sadd.s32 s0, s3;
	s0 =	sld [smem:$0x3FA8]  }
0x30: {  	s3 =	sld [smem:$0x3FAB]  }
0x31: {  	[smem:$0x3FB4] =	sst s10  }
0x32: {  	s10 =	sld [smem:$0x3FB2];
	_ =	sdelay $0x3  }
0x33: {  	p0 =	seq.s32 s10, $0x1;
	s10 =	sld [smem:$0x3FB4];
	_ =	sdelay $0x3  }
0x34: {  	[smem:$0x3FB4] =	sst s10  }
0x35: {  	s10 =	sld [smem:$0x3FB3];
	_ =	sdelay $0x3  }
0x36: {  	p1 =	seq.s32 s10, $0x1;
	s10 =	sld [smem:$0x3FB4];
	_ =	sdelay $0x3  }
0x37: {  	[smem:$0x3FB4] =	sst s10  }
0x38: {  	s10 =	sld [smem:$0x3FB5]  }
0x39: {  	_ = 	snop;
	(pc) =	sbr.ind lr, $3  }
0x3a: {  	_ = 	snop  }
0x3b: {  	_ = 	snop  }
0x3c: {  	p2 =	seq.s32 s10, $0x1;
	s10 =	sld [smem:$0x3FB4]  }
0x3d: {  	_ =	shalt  }
0x3e: {  	_ =	shalt  }
0x3f: {  	_ =	shalt  }
0x40: {  	_ =	shalt  }
0x41: {  	_ =	shalt  }
0x42: {  	_ =	shalt  }
0x43: {  	_ =	shalt  }
0x44: {  	_ =	shalt  }
0x45: {  	_ =	shalt  }
0x46: {  	_ =	shalt  }
0x47: {  	_ =	shalt  }
0x48: {  	_ =	shalt  }
0x49: {  	_ =	shalt  }
0x4a: {  	_ =	shalt  }
0x4b: {  	_ =	shalt  }
0x4c: {  	_ =	shalt  }
0x4d: {  	_ =	shalt  }
0x4e: {  	_ =	shalt  }
0x4f: {  	_ =	shalt  }
0x50: {  	_ =	shalt  }
0x51: {  	_ =	shalt  }
0x52: {  	_ =	shalt  }
0x53: {  	_ =	shalt  }
0x54: {  	_ =	shalt  }
0x55: {  	_ =	shalt  }
0x56: {  	_ =	shalt  }
0x57: {  	_ =	shalt  }
0x58: {  	_ =	shalt  }
0x59: {  	_ =	shalt  }
0x5a: {  	_ =	shalt  }
0x5b: {  	_ =	shalt  }
0x5c: {  	_ =	shalt  }
0x5d: {  	_ =	shalt  }
0x5e: {  	_ =	shalt  }
0x5f: {  	_ =	shalt  }
0x60: {  	_ =	shalt  }
0x61: {  	_ =	shalt  }
0x62: {  	_ =	shalt  }
0x63: {  	_ =	shalt  }
0x64: {  	_ =	shalt  }
0x65: {  	_ =	shalt  }
0x66: {  	_ =	shalt  }
0x67: {  	_ =	shalt  }
0x68: {  	_ =	shalt  }
0x69: {  	_ =	shalt  }
0x6a: {  	_ =	shalt  }
0x6b: {  	_ =	shalt  }
0x6c: {  	_ =	shalt  }
0x6d: {  	_ =	shalt  }
0x6e: {  	_ =	shalt  }
0x6f: {  	_ =	shalt  }
0x70: {  	_ =	shalt  }
0x71: {  	_ =	shalt  }
0x72: {  	_ =	shalt  }
0x73: {  	_ =	shalt  }
0x74: {  	_ =	shalt  }
0x75: {  	_ =	shalt  }
0x76: {  	_ =	shalt  }
0x77: {  	_ =	shalt  }
0x78: {  	_ =	shalt  }
0x79: {  	_ =	shalt  }
0x7a: {  	_ =	shalt  }
0x7b: {  	_ =	shalt  }
0x7c: {  	_ =	shalt  }
0x7d: {  	_ =	shalt  }
0x7e: {  	_ =	shalt  }
0x7f: {  	_ =	shalt  }
0x80: {  	_ =	shalt  }
0x81: {  	_ =	shalt  }
0x82: {  	_ =	shalt  }
0x83: {  	_ =	shalt  }
0x84: {  	_ =	shalt  }
0x85: {  	_ =	shalt  }
0x86: {  	_ =	shalt  }
0x87: {  	_ =	shalt  }
.Lfunc_end0:
.L_simem_size_0:
called_computation.1_lowered:
.L_overlay_start_0:
0x88: {  	s2 =	sld [smem:$0x3FD9]  }
0x89: {  	s3 =	sld [smem:$0x3FFE];
	_ =	sdelay $0x1  }
0x8a: {  	s1 =	srdreg.scid  }
0x8b: {  	s0 =	sand.u32 $0x1, s1  }
0x8c: {  	s16 =	sshll.u32 s0, $0xA;
	s2 =	sadd.s32 s3, s2  }
0x8d: {  	s2 =	sadd.s32 s2, s16  }
0x8e: {  	[smem:$0x3FC0] =	sst s2  }
0x8f: {  	_ = 	snop  }
0x90: {  	(tm) =	ssettm $0x1  }
0x91: {  	s17 =	sld [smem:$0x3FFB];
	_ =	sdelay $0x3  }
0x92: {  	_ =	strace s17  }
0x93: {  	s2 =	sld [smem:$0x3FFC];
	_ =	sdelay $0x3  }
0x94: {  	_ =	strace s2  }
0x95: {  	s2 =	sld [smem:$0x3FFD];
	_ =	sdelay $0x3  }
0x96: {  	_ =	strace s2  }
0x97: {  	_ =	strace $0x8FFFFFFF  }
0x98: {  	s18 =	sld [smem:$0x3FDB];
	_ =	sdelay $0x1  }
0x99: {  	s19 =	simm.s32 $_scs_section_size  }
0x9a: {  	s4 =	simm.s32 $_size__tile_overlayer_lowered;
	s5 =	simm.s32 $_tile_overlayer_lowered  }
0x9b: {  	s22 =	simm.s32 $0x1BFF;
	s21 =	sshll.u32 s5, $0x1;
	s2 =	sadd.s32 s19, s18  }
0x9c: {  	s6 =	simm.s32 $0x0;
	s20 =	sshll.u32 s4, $0x1;
	s4 =	sadd.s32 s21, s2  }
0x9d: {  	[timem:s6], [sflag:s22] =	dma.local [hbm:s4], s20  }
0x9e: {  	_ =	swait.ge [sflag:s22], s20  }
0x9f: {  	s3 =	ssub.s32 $0x0, s20;
	[sflag:s22] =	ssyncset.done $0x0  }
0xa0: {  	[sflag:s22] =	ssyncadd.s32 s3;
	_ =	sdelay $0x1  }
0xa1: {  	s23 =	simm.s32 $0x1B8B  }
0xa2: {  	_ =	swait.ge [sflag:s23], $0x1  }
0xa3: {  	[sflag:s23] =	ssyncset.done $0x0  }
0xa4: {  	s25 =	simm.s32 $0x1B8E;
	s24 =	sld [smem:$0x3FFE];
	[sflag:s23] =	ssyncadd.s32 $0xFFFFFFFF  }
0xa5: {  	s26 =	simm.s32 $execute0_lowered;
	[smem:$0x3FD2] =	sst s25  }
0xa6: {  	s4 =	sshll.u32 s26, $0x1;
	_ =	strace $0x80000049;
	[dreg:$0x1] =	wrdreg $0xFFFFFFFF  }
0xa7: {  	s28 =	simm.s32 $_size_execute0_lowered;
	s2 =	sadd.s32 s2, s4;
	[dreg:$0x0] =	wrdreg $0x0  }
0xa8: {  	s4 =	sshll.u32 s28, $0x1;
	[dreg:$0x2] =	wrdreg s2  }
0xa9: {  	[dreg:$0x3] =	wrdreg s4  }
0xaa: {  	[dreg:$0x4] =	wrdreg $0xC0  }
0xab: {  	_ =	task [dreg:s6], $0x5FFFF  }
0xac: {  	[dreg:$0x1] =	wrdreg $0xFFFFFFFF  }
0xad: {  	[dreg:$0x0] =	wrdreg $0x60  }
0xae: {  	[dreg:$0x2] =	wrdreg s24  }
0xaf: {  	[dreg:$0x3] =	wrdreg $0x0  }
0xb0: {  	[dreg:$0x4] =	wrdreg $0x9  }
0xb1: {  	_ =	task.clear_ibuf [dreg:s6], $0x5FFFF;
	_ =	strace $0x90000049  }
0xb2: {  	s29 =	simm.s32 $0x9;
	_ =	strace $0x8000004B  }
0xb3: {  	_ =	swait.ge [sflag:s29], $0x1  }
0xb4: {  	[sflag:s29] =	ssyncadd.s32 $0xFFFFFFFF  }
0xb5: {  	_ =	strace $0x9000004B  }
0xb6: {  	_ =	sfence  }
0xb7: {  	s30 =	sld [smem:$0x0];
	_ =	sdelay $0x2  }
0xb8: {  	s31 =	sshll.u32 s1, $0xD;
	s1 =	sshrl.u32 s1, $0x2  }
0xb9: {  	s3 =	sand.u32 $0x4000, s31;
	s1 =	sadd.s32 s1, s30  }
0xba: {  	s0 =	sor.u32 s3, s0;
	s1 =	sshll.u32 s1, $0x11  }
0xbb: {  	s0 =	sor.u32 s1, s0  }
0xbc: {  	s0 =	sadd.s32 $0x8F2B, s0  }
0xbd: {  	[sflag:s0] =	ssyncadd.remote.s32 $0x1  }
0xbe: {  	_ =	sfence.sel $0xFFFF  }
0xbf: {  	[dreg:$0x0] =	wrdreg $0xFFFFFFFF;
	(pc) =	sbr.abs _section_cstart, $3  }
0xc0: {  	[dreg:$0x1] =	wrdreg $0xFFFFFFFF  }
0xc1: {  	_ =	task.clear_ibuf [dreg:s6], $0x2FFFF;
	_ =	strace $0x9FFFFFFF  }
0xc2: {  	(tm) =	ssettm $0x7FFFFFFF  }
0xc3: {  	_ =	shalt  }
tec
execute0_lowered:
.L_overlay_start_1:
0x0: {  	(tag) =	ssettag $0x1  }
0x1: {  	s0 =	srdreg.scid;
	s1 =	rddreg [dreg:$0x0]  }
0x2: {  	s11 =	stileid.u32;
	s2 =	rddreg [dreg:$0x1]  }
0x3: {  	s3 =	simm.s32 $0x0;
	s13 =	simm.s32 $0x14080;
	s15 =	simm.s32 $0x14100  }
0x4: {  	s16 =	simm.s32 $0x14180;
	s18 =	simm.s32 $0x14200;
	[smem:$0x7FF] =	sst s3  }
0x5: {  	s19 =	simm.s32 $0x14880;
	_ =	strace $0x8000004A;
	[dreg:$0x5] =	wrdreg s13  }
0x6: {  	s21 =	simm.s32 $0x14280;
	s28 =	simm.s32 $0x19000;
	[dreg:$0x6] =	wrdreg s15  }
0x7: {  	s29 =	simm.s32 $0x1;
	s30 =	simm.s32 $0x1B000;
	[dreg:$0x7] =	wrdreg s16  }
0x8: {  	s31 =	simm.s32 $0x2;
	s4 =	smul.u32 $0xA000, s11;
	[dreg:$0x8] =	wrdreg s18  }
0x9: {  	s0 =	sand.u32 $0x1, s0;
	s8 =	smul.u32 $0x50000, s11;
	[dreg:$0x9] =	wrdreg s19  }
0xa: {  	s5 =	smul.u32 $0x5000, s0;
	[dreg:$0xa] =	wrdreg s21;
	s13 =	simm.s32 $0x14A00  }
0xb: {  	s6 =	smul.u32 $0x28000, s0;
	s15 =	simm.s32 $0x14400;
	[dreg:$0xf] =	wrdreg s13  }
0xc: {  	s0 =	ssub.s32 $0x2, s0;
	s16 =	simm.s32 $0x14A80;
	[dreg:$0x10] =	wrdreg s15  }
0xd: {  	s18 =	simm.s32 $0x14B00;
	s19 =	simm.s32 $0x14500;
	[dreg:$0x11] =	wrdreg s16  }
0xe: {  	s21 =	simm.s32 $0x14580;
	s22 =	sshrl.u32 s8, $0x2;
	[dreg:$0x13] =	wrdreg s18  }
0xf: {  	s9 =	sshrl.u32 s0, $0x1;
	[dreg:$0x14] =	wrdreg s19;
	s16 =	simm.s32 $0x15000  }
0x10: {  	s18 =	simm.s32 $0x14000;
	[dreg:$0x16] =	wrdreg s21;
	s19 =	simm.s32 $0x14800  }
0x11: {  	s15 =	simm.s32 $0x14700;
	s21 =	simm.s32 $0x14780;
	s4 =	sadd.s32 s5, s4  }
0x12: {  	s5 =	smul.u32 $0x280, s11;
	s12 =	sadd.s32 s22, s2;
	s22 =	simm.s32 $0x14900  }
0x13: {  	s0 =	ssub.s32 s0, s9;
	s7 =	sshrl.u32 s4, $0x3;
	[dreg:$0xb] =	wrdreg s22  }
0x14: {  	s4 =	sadd.s32 $0x7AA00, s1;
	s24 =	sadd.s32 $0x2000, s12;
	[dreg:$0x17] =	wrdreg s12  }
0x15: {  	s25 =	sadd.s32 $0x6000, s12;
	s14 =	sadd.s32 $0xA000, s12;
	[dreg:$0x18] =	wrdreg s24  }
0x16: {  	s20 =	sadd.s32 $0xE000, s12;
	s0 =	smax.u32 s0, $0x1;
	[dreg:$0x1a] =	wrdreg s25  }
0x17: {  	s7 =	sadd.s32 s7, s1;
	s1 =	sadd.s32 s6, s1;
	[dreg:$0x1c] =	wrdreg s14  }
0x18: {  	s8 =	sadd.s32 $0x80, s5;
	s9 =	sadd.s32 $0x180, s5;
	[dreg:$0x1e] =	wrdreg s20  }
0x19: {  	s24 =	simm.s32 $0x14300;
	s25 =	simm.s32 $0x14980;
	s14 =	smul.u32 $0x2800, s11  }
0x1a: {  	[smem:$0x7F8] =	sst s0;
	s20 =	simm.s32 $0x14B80;
	s0 =	simm.s32 $0x4  }
0x1b: {  	s23 =	sshll.u32 s8, $0x7;
	s26 =	sadd.s32 $0x52A00, s7;
	[dreg:$0xc] =	wrdreg s24  }
0x1c: {  	s7 =	sadd.s32 $0x66A00, s7;
	s17 =	sshll.u32 s9, $0x7;
	[dreg:$0xd] =	wrdreg s25  }
0x1d: {  	s1 =	sadd.s32 $0xA2A00, s1;
	s8 =	sshll.u32 s8, $0x4;
	[dreg:$0x15] =	wrdreg s20  }
0x1e: {  	s9 =	sshll.u32 s9, $0x4;
	s20 =	simm.s32 $0x14D80;
	[dreg:$0x3] =	wrdreg s26  }
0x1f: {  	s6 =	sadd.s32 s23, s2;
	[dreg:$0x4] =	wrdreg s7;
	s26 =	sadd.s32 $0x12000, s12  }
0x20: {  	s12 =	simm.s32 $0x14380;
	s22 =	sadd.s32 s14, s1;
	[dreg:$0x19] =	wrdreg s6  }
0x21: {  	s25 =	sadd.s32 s9, s1;
	s14 =	simm.s32 $0x14D00;
	[smem:$0x7F7] =	sst s26  }
0x22: {  	s7 =	simm.s32 $0x14F80;
	s9 =	simm.s32 $0x0;
	[dreg:$0xe] =	wrdreg s12  }
0x23: {  	s6 =	sadd.s32 $0x100, s5;
	s5 =	sadd.s32 $0x200, s5;
	[smem:$0x7F9] =	sst s22  }
0x24: {  	[smem:$0x7FC] =	sst s25;
	s25 =	simm.s32 $0x40;
	s12 =	simm.s32 $0x14680  }
0x25: {  	s22 =	simm.s32 $0x14E00;
	s10 =	sshll.u32 s6, $0x7;
	s23 =	sshll.u32 s5, $0x7  }
0x26: {  	s6 =	sshll.u32 s6, $0x4;
	s5 =	sshll.u32 s5, $0x4;
	s10 =	sadd.s32 s10, s2  }
0x27: {  	s24 =	sadd.s32 s6, s1;
	s26 =	sadd.s32 s5, s1;
	[dreg:$0x1b] =	wrdreg s10  }
0x28: {  	s6 =	simm.s32 $0x14C00;
	s10 =	sadd.s32 s17, s2;
	[smem:$0x7FB] =	sst s24  }
0x29: {  	s17 =	simm.s32 $0x14480;
	[smem:$0x7FD] =	sst s26;
	s26 =	simm.s32 $0x17000  }
0x2a: {  	s24 =	simm.s32 $0x14F00;
	[dreg:$0x1d] =	wrdreg s10;
	s10 =	sadd.s32 s23, s2  }
0x2b: {  	[dreg:$0x12] =	wrdreg s17;
	s17 =	simm.s32 $0x5;
	s23 =	sadd.s32 s8, s1  }
0x2c: {  	s1 =	simm.s32 $0x3;
	s8 =	simm.s32 $0x14600;
	[dreg:$0x1f] =	wrdreg s10  }
0x2d: {  	v0 =	vimm.f32 $0.0e+00;
	[smem:$0x7FA] =	sst s23;
	s10 =	simm.s32 $0x14C80;
	s23 =	simm.s32 $0x14E80  }
.LBB2_1:
0x2e: {  	s11 =	simm.s32 $0x0;
	s13 =	simm.s32 $0x200  }
.LBB2_2:
0x2f: {  	p0 =	sne.s32 s13, $0x7E00;
	[tilespmem:s11+$0x15070] =	vst v0  }
0x30: {  	[tilespmem:s11+$0x15000] =	vst v0  }
0x31: {  	[tilespmem:s11+$0x15010] =	vst v0  }
.Ltmp0:
0x32: {  	[tilespmem:s11+$0x15020] =	vst v0;
	(pc) =	sbr.rel @p0 .LBB2_2-.Ltmp0, $4  }
0x33: {  	[tilespmem:s11+$0x15030] =	vst v0  }
0x34: {  	[tilespmem:s11+$0x15040] =	vst v0  }
0x35: {  	[tilespmem:s11+$0x15050] =	vst v0  }
0x36: {  	[tilespmem:s11+$0x15060] =	vst v0;
	s11 =	sshra.s32 s13, $0x2;
	s13 =	sadd.s32 $0x200, s13  }
0x37: {  	[tilespmem:s11+$0x15070] =	vst v0  }
0x38: {  	[tilespmem:s11+$0x15000] =	vst v0  }
0x39: {  	[tilespmem:s11+$0x15010] =	vst v0  }
0x3a: {  	[tilespmem:s11+$0x15020] =	vst v0  }
0x3b: {  	[tilespmem:s11+$0x15030] =	vst v0  }
0x3c: {  	[tilespmem:s11+$0x15040] =	vst v0  }
0x3d: {  	[smem:$0x7F6] =	sst s9;
	[tilespmem:s11+$0x15050] =	vst v0  }
0x3e: {  	[tilespmem:s11+$0x15060] =	vst v0;
	s5 =	rddreg [dreg:$0x17]  }
0x3f: {  	[spmem:s5] =	stream.linear.scatter [tilespmem:s16], [sflag:$0x5], $0x2000, $0x38;
	[tilespmem:$0x1D000] =	vst v63  }
0x40: {  	_ =	swait.ge [sflag:s17], $0x2000  }
0x41: {  	[sflag:s17] =	ssyncset.done $0x0  }
0x42: {  	s9 =	rddreg [dreg:$0x18];
	[sflag:s17] =	ssyncadd.s32 $0xFFFFE000  }
0x43: {  	[spmem:s9] =	stream.linear.scatter [tilespmem:s16], [sflag:$0x5], $0x2000, $0x38;
	[tilespmem:$0x1D000] =	vst v63  }
0x44: {  	_ =	swait.ge [sflag:s17], $0x2000  }
0x45: {  	[sflag:s17] =	ssyncset.done $0x0  }
0x46: {  	s11 =	rddreg [dreg:$0x19];
	[sflag:s17] =	ssyncadd.s32 $0xFFFFE000  }
0x47: {  	[spmem:s11] =	stream.linear.scatter [tilespmem:s16], [sflag:$0x5], $0x2000, $0x38;
	[tilespmem:$0x1D000] =	vst v63  }
0x48: {  	_ =	swait.ge [sflag:s17], $0x2000  }
0x49: {  	[sflag:s17] =	ssyncset.done $0x0  }
0x4a: {  	s13 =	rddreg [dreg:$0x1a];
	[sflag:s17] =	ssyncadd.s32 $0xFFFFE000  }
0x4b: {  	[spmem:s13] =	stream.linear.scatter [tilespmem:s16], [sflag:$0x5], $0x2000, $0x38;
	[tilespmem:$0x1D000] =	vst v63  }
0x4c: {  	_ =	swait.ge [sflag:s17], $0x2000  }
0x4d: {  	[sflag:s17] =	ssyncset.done $0x0  }
0x4e: {  	s9 =	rddreg [dreg:$0x1b];
	[sflag:s17] =	ssyncadd.s32 $0xFFFFE000  }
0x4f: {  	[spmem:s9] =	stream.linear.scatter [tilespmem:s16], [sflag:$0x5], $0x2000, $0x38;
	[tilespmem:$0x1D000] =	vst v63  }
0x50: {  	_ =	swait.ge [sflag:s17], $0x2000  }
0x51: {  	[sflag:s17] =	ssyncset.done $0x0  }
0x52: {  	s11 =	rddreg [dreg:$0x1c];
	[sflag:s17] =	ssyncadd.s32 $0xFFFFE000  }
0x53: {  	[spmem:s11] =	stream.linear.scatter [tilespmem:s16], [sflag:$0x5], $0x2000, $0x38;
	[tilespmem:$0x1D000] =	vst v63  }
0x54: {  	_ =	swait.ge [sflag:s17], $0x2000  }
0x55: {  	[sflag:s17] =	ssyncset.done $0x0  }
0x56: {  	s13 =	rddreg [dreg:$0x1d];
	[sflag:s17] =	ssyncadd.s32 $0xFFFFE000  }
0x57: {  	[spmem:s13] =	stream.linear.scatter [tilespmem:s16], [sflag:$0x5], $0x2000, $0x38;
	[tilespmem:$0x1D000] =	vst v63  }
0x58: {  	_ =	swait.ge [sflag:s17], $0x2000  }
0x59: {  	[sflag:s17] =	ssyncset.done $0x0  }
0x5a: {  	s9 =	rddreg [dreg:$0x1e];
	[sflag:s17] =	ssyncadd.s32 $0xFFFFE000  }
0x5b: {  	[spmem:s9] =	stream.linear.scatter [tilespmem:s16], [sflag:$0x5], $0x2000, $0x38;
	[tilespmem:$0x1D000] =	vst v63  }
0x5c: {  	_ =	swait.ge [sflag:s17], $0x2000  }
0x5d: {  	[sflag:s17] =	ssyncset.done $0x0  }
0x5e: {  	s11 =	rddreg [dreg:$0x1f];
	[sflag:s17] =	ssyncadd.s32 $0xFFFFE000  }
0x5f: {  	[spmem:s11] =	stream.linear.scatter [tilespmem:s16], [sflag:$0x5], $0x2000, $0x38;
	[tilespmem:$0x1D000] =	vst v63  }
0x60: {  	_ =	swait.ge [sflag:s17], $0x2000  }
0x61: {  	s13 =	sld [smem:$0x7F7]  }
0x62: {  	[sflag:s17] =	ssyncset.done $0x0  }
0x63: {  	[sflag:s17] =	ssyncadd.s32 $0xFFFFE000  }
0x64: {  	[spmem:s13] =	stream.linear.scatter [tilespmem:s16], [sflag:$0x5], $0x2000, $0x38;
	[tilespmem:$0x1D000] =	vst v63  }
0x65: {  	_ =	swait.ge [sflag:s17], $0x2000  }
0x66: {  	[sflag:s17] =	ssyncset.done $0x0  }
0x67: {  	[sflag:s17] =	ssyncadd.s32 $0xFFFFE000  }
0x68: {  	[bflag:$0x0] =	sbarrier.arrive $0xFFFF  }
0x69: {  	s9 =	rddreg [dreg:$0x4]  }
0x6a: {  	s5 =	sadd.s32 $0x0, s9  }
0x6b: {  	[tilespmem:s18], [sflag:$0x5] =	stream.linear.gather [hbm4b:s5+s3], $0x800, $0x38;
	[tilespmem:$0x1D000] =	vst v63  }
0x6c: {  	_ =	swait.ge [sflag:s17], $0x800  }
0x6d: {  	s11 =	rddreg [dreg:$0x3];
	[sflag:s17] =	ssyncset.done $0x0  }
0x6e: {  	[sflag:s17] =	ssyncadd.s32 $0xFFFFF800;
	s5 =	sadd.s32 $0x0, s11  }
0x6f: {  	[tilespmem:s19], [sflag:$0x5] =	stream.linear.gather [hbm4b:s5+s3], $0x800, $0x38;
	[tilespmem:$0x1D000] =	vst v63  }
0x70: {  	_ =	swait.ge [sflag:s17], $0x800  }
0x71: {  	[sflag:s17] =	ssyncset.done $0x0  }
0x72: {  	[sflag:s17] =	ssyncadd.s32 $0xFFFFF800  }
0x73: {  	[tilespmem:s16], [sflag:$0x1] =	stream.indirect.gather [hbm4b:s4+s25], $0x80, s18, s25, $0xb8;
	[tilespmem:$0x1D000] =	vst v63  }
0x74: {  	s13 =	rddreg [dreg:$0x5]  }
0x75: {  	[tilespmem:s26], [sflag:$0x2] =	stream.indirect.gather [hbm4b:s4+s25], $0x80, s13, s25, $0xb8;
	[tilespmem:$0x1D000] =	vst v63  }
0x76: {  	s9 =	rddreg [dreg:$0x6]  }
0x77: {  	[tilespmem:s28], [sflag:$0x3] =	stream.indirect.gather [hbm4b:s4+s25], $0x80, s9, s25, $0xb8;
	[tilespmem:$0x1D000] =	vst v63  }
0x78: {  	_ =	swait.ge [sflag:s29], $0x2000  }
0x79: {  	[sflag:s29] =	ssyncset.done $0x0  }
0x7a: {  	s11 =	rddreg [dreg:$0x7];
	[sflag:s29] =	ssyncadd.s32 $0xFFFFE000  }
0x7b: {  	[tilespmem:s30], [sflag:$0x4] =	stream.indirect.gather [hbm4b:s4+s25], $0x80, s11, s25, $0xb8;
	[tilespmem:$0x1D000] =	vst v63  }
0x7c: {  	_ = 	snop  }
0x7d: {  	[spmem:s2] =	stream.indirect.scatter.add.f32 [tilespmem:s16], [sflag:$0x5], $0x80, s19, s25, $0xb8;
	[tilespmem:$0x1D000] =	vst v63  }
0x7e: {  	_ =	swait.ge [sflag:s17], $0x2000  }
0x7f: {  	[sflag:s17] =	ssyncset.done $0x0  }
0x80: {  	[sflag:s17] =	ssyncadd.s32 $0xFFFFE000  }
0x81: {  	_ =	swait.ge [sflag:s31], $0x2000  }
0x82: {  	[sflag:s31] =	ssyncset.done $0x0  }
0x83: {  	s13 =	rddreg [dreg:$0x8];
	[sflag:s31] =	ssyncadd.s32 $0xFFFFE000  }
0x84: {  	[tilespmem:s16], [sflag:$0x1] =	stream.indirect.gather [hbm4b:s4+s25], $0x80, s13, s25, $0xb8;
	[tilespmem:$0x1D000] =	vst v63  }
0x85: {  	s9 =	rddreg [dreg:$0x9]  }
0x86: {  	[spmem:s2] =	stream.indirect.scatter.add.f32 [tilespmem:s26], [sflag:$0x5], $0x80, s9, s25, $0xb8;
	[tilespmem:$0x1D000] =	vst v63  }
0x87: {  	_ =	swait.ge [sflag:s17], $0x2000  }
0x88: {  	[sflag:s17] =	ssyncset.done $0x0  }
0x89: {  	[sflag:s17] =	ssyncadd.s32 $0xFFFFE000  }
0x8a: {  	_ =	swait.ge [sflag:s1], $0x2000  }
0x8b: {  	[sflag:s1] =	ssyncset.done $0x0  }
0x8c: {  	s13 =	rddreg [dreg:$0xa];
	[sflag:s1] =	ssyncadd.s32 $0xFFFFE000  }
0x8d: {  	[tilespmem:s26], [sflag:$0x2] =	stream.indirect.gather [hbm4b:s4+s25], $0x80, s13, s25, $0xb8;
	[tilespmem:$0x1D000] =	vst v63  }
0x8e: {  	s9 =	rddreg [dreg:$0xb]  }
0x8f: {  	[spmem:s2] =	stream.indirect.scatter.add.f32 [tilespmem:s28], [sflag:$0x5], $0x80, s9, s25, $0xb8;
	[tilespmem:$0x1D000] =	vst v63  }
0x90: {  	_ =	swait.ge [sflag:s17], $0x2000  }
0x91: {  	[sflag:s17] =	ssyncset.done $0x0  }
0x92: {  	[sflag:s17] =	ssyncadd.s32 $0xFFFFE000  }
0x93: {  	_ =	swait.ge [sflag:s0], $0x2000  }
0x94: {  	[sflag:s0] =	ssyncset.done $0x0  }
0x95: {  	s13 =	rddreg [dreg:$0xc];
	[sflag:s0] =	ssyncadd.s32 $0xFFFFE000  }
0x96: {  	[tilespmem:s28], [sflag:$0x3] =	stream.indirect.gather [hbm4b:s4+s25], $0x80, s13, s25, $0xb8;
	[tilespmem:$0x1D000] =	vst v63  }
0x97: {  	s9 =	rddreg [dreg:$0xd]  }
0x98: {  	[spmem:s2] =	stream.indirect.scatter.add.f32 [tilespmem:s30], [sflag:$0x5], $0x80, s9, s25, $0xb8;
	[tilespmem:$0x1D000] =	vst v63  }
0x99: {  	_ =	swait.ge [sflag:s17], $0x2000  }
0x9a: {  	[sflag:s17] =	ssyncset.done $0x0  }
0x9b: {  	[sflag:s17] =	ssyncadd.s32 $0xFFFFE000  }
0x9c: {  	_ =	swait.ge [sflag:s29], $0x2000  }
0x9d: {  	[sflag:s29] =	ssyncset.done $0x0  }
0x9e: {  	s13 =	rddreg [dreg:$0xe];
	[sflag:s29] =	ssyncadd.s32 $0xFFFFE000  }
0x9f: {  	[tilespmem:s30], [sflag:$0x4] =	stream.indirect.gather [hbm4b:s4+s25], $0x80, s13, s25, $0xb8;
	[tilespmem:$0x1D000] =	vst v63  }
0xa0: {  	s9 =	rddreg [dreg:$0xf]  }
0xa1: {  	[spmem:s2] =	stream.indirect.scatter.add.f32 [tilespmem:s16], [sflag:$0x5], $0x80, s9, s25, $0xb8;
	[tilespmem:$0x1D000] =	vst v63  }
0xa2: {  	_ =	swait.ge [sflag:s17], $0x2000  }
0xa3: {  	[sflag:s17] =	ssyncset.done $0x0  }
0xa4: {  	[sflag:s17] =	ssyncadd.s32 $0xFFFFE000  }
0xa5: {  	_ =	swait.ge [sflag:s31], $0x2000  }
0xa6: {  	[sflag:s31] =	ssyncset.done $0x0  }
0xa7: {  	s13 =	rddreg [dreg:$0x10];
	[sflag:s31] =	ssyncadd.s32 $0xFFFFE000  }
0xa8: {  	[tilespmem:s16], [sflag:$0x1] =	stream.indirect.gather [hbm4b:s4+s25], $0x80, s13, s25, $0xb8;
	[tilespmem:$0x1D000] =	vst v63  }
0xa9: {  	s9 =	rddreg [dreg:$0x11]  }
0xaa: {  	[spmem:s2] =	stream.indirect.scatter.add.f32 [tilespmem:s26], [sflag:$0x5], $0x80, s9, s25, $0xb8;
	[tilespmem:$0x1D000] =	vst v63  }
0xab: {  	_ =	swait.ge [sflag:s17], $0x2000  }
0xac: {  	[sflag:s17] =	ssyncset.done $0x0  }
0xad: {  	[sflag:s17] =	ssyncadd.s32 $0xFFFFE000  }
0xae: {  	_ =	swait.ge [sflag:s1], $0x2000  }
0xaf: {  	[sflag:s1] =	ssyncset.done $0x0  }
0xb0: {  	s13 =	rddreg [dreg:$0x12];
	[sflag:s1] =	ssyncadd.s32 $0xFFFFE000  }
0xb1: {  	[tilespmem:s26], [sflag:$0x2] =	stream.indirect.gather [hbm4b:s4+s25], $0x80, s13, s25, $0xb8;
	[tilespmem:$0x1D000] =	vst v63  }
0xb2: {  	s9 =	rddreg [dreg:$0x13]  }
0xb3: {  	[spmem:s2] =	stream.indirect.scatter.add.f32 [tilespmem:s28], [sflag:$0x5], $0x80, s9, s25, $0xb8;
	[tilespmem:$0x1D000] =	vst v63  }
0xb4: {  	_ =	swait.ge [sflag:s17], $0x2000  }
0xb5: {  	[sflag:s17] =	ssyncset.done $0x0  }
0xb6: {  	[sflag:s17] =	ssyncadd.s32 $0xFFFFE000  }
0xb7: {  	_ =	swait.ge [sflag:s0], $0x2000  }
0xb8: {  	[sflag:s0] =	ssyncset.done $0x0  }
0xb9: {  	s13 =	rddreg [dreg:$0x14];
	[sflag:s0] =	ssyncadd.s32 $0xFFFFE000  }
0xba: {  	[tilespmem:s28], [sflag:$0x3] =	stream.indirect.gather [hbm4b:s4+s25], $0x80, s13, s25, $0xb8;
	[tilespmem:$0x1D000] =	vst v63  }
0xbb: {  	s9 =	rddreg [dreg:$0x15]  }
0xbc: {  	[spmem:s2] =	stream.indirect.scatter.add.f32 [tilespmem:s30], [sflag:$0x5], $0x80, s9, s25, $0xb8;
	[tilespmem:$0x1D000] =	vst v63  }
0xbd: {  	_ =	swait.ge [sflag:s17], $0x2000  }
0xbe: {  	[sflag:s17] =	ssyncset.done $0x0  }
0xbf: {  	[sflag:s17] =	ssyncadd.s32 $0xFFFFE000  }
0xc0: {  	_ =	swait.ge [sflag:s29], $0x2000  }
0xc1: {  	[sflag:s29] =	ssyncset.done $0x0  }
0xc2: {  	s13 =	rddreg [dreg:$0x16];
	[sflag:s29] =	ssyncadd.s32 $0xFFFFE000  }
0xc3: {  	[tilespmem:s30], [sflag:$0x4] =	stream.indirect.gather [hbm4b:s4+s25], $0x80, s13, s25, $0xb8;
	[tilespmem:$0x1D000] =	vst v63  }
0xc4: {  	_ = 	snop  }
0xc5: {  	[spmem:s2] =	stream.indirect.scatter.add.f32 [tilespmem:s16], [sflag:$0x5], $0x80, s6, s25, $0xb8;
	[tilespmem:$0x1D000] =	vst v63  }
0xc6: {  	_ =	swait.ge [sflag:s17], $0x2000  }
0xc7: {  	[sflag:s17] =	ssyncset.done $0x0  }
0xc8: {  	[sflag:s17] =	ssyncadd.s32 $0xFFFFE000  }
0xc9: {  	_ =	swait.ge [sflag:s31], $0x2000  }
0xca: {  	[sflag:s31] =	ssyncset.done $0x0  }
0xcb: {  	[sflag:s31] =	ssyncadd.s32 $0xFFFFE000  }
0xcc: {  	[tilespmem:s16], [sflag:$0x1] =	stream.indirect.gather [hbm4b:s4+s25], $0x80, s8, s25, $0xb8;
	[tilespmem:$0x1D000] =	vst v63  }
0xcd: {  	_ = 	snop  }
0xce: {  	[spmem:s2] =	stream.indirect.scatter.add.f32 [tilespmem:s26], [sflag:$0x5], $0x80, s10, s25, $0xb8;
	[tilespmem:$0x1D000] =	vst v63  }
0xcf: {  	_ =	swait.ge [sflag:s17], $0x2000  }
0xd0: {  	[sflag:s17] =	ssyncset.done $0x0  }
0xd1: {  	[sflag:s17] =	ssyncadd.s32 $0xFFFFE000  }
0xd2: {  	_ =	swait.ge [sflag:s1], $0x2000  }
0xd3: {  	[sflag:s1] =	ssyncset.done $0x0  }
0xd4: {  	[sflag:s1] =	ssyncadd.s32 $0xFFFFE000  }
0xd5: {  	[tilespmem:s26], [sflag:$0x2] =	stream.indirect.gather [hbm4b:s4+s25], $0x80, s12, s25, $0xb8;
	[tilespmem:$0x1D000] =	vst v63  }
0xd6: {  	_ = 	snop  }
0xd7: {  	[spmem:s2] =	stream.indirect.scatter.add.f32 [tilespmem:s28], [sflag:$0x5], $0x80, s14, s25, $0xb8;
	[tilespmem:$0x1D000] =	vst v63  }
0xd8: {  	_ =	swait.ge [sflag:s17], $0x2000  }
0xd9: {  	[sflag:s17] =	ssyncset.done $0x0  }
0xda: {  	[sflag:s17] =	ssyncadd.s32 $0xFFFFE000  }
0xdb: {  	_ =	swait.ge [sflag:s0], $0x2000  }
0xdc: {  	[sflag:s0] =	ssyncset.done $0x0  }
0xdd: {  	[sflag:s0] =	ssyncadd.s32 $0xFFFFE000  }
0xde: {  	[tilespmem:s28], [sflag:$0x3] =	stream.indirect.gather [hbm4b:s4+s25], $0x80, s15, s25, $0xb8;
	[tilespmem:$0x1D000] =	vst v63  }
0xdf: {  	_ = 	snop  }
0xe0: {  	[spmem:s2] =	stream.indirect.scatter.add.f32 [tilespmem:s30], [sflag:$0x5], $0x80, s20, s25, $0xb8;
	[tilespmem:$0x1D000] =	vst v63  }
0xe1: {  	_ =	swait.ge [sflag:s17], $0x2000  }
0xe2: {  	[sflag:s17] =	ssyncset.done $0x0  }
0xe3: {  	[sflag:s17] =	ssyncadd.s32 $0xFFFFE000  }
0xe4: {  	_ =	swait.ge [sflag:s29], $0x2000  }
0xe5: {  	[sflag:s29] =	ssyncset.done $0x0  }
0xe6: {  	[sflag:s29] =	ssyncadd.s32 $0xFFFFE000  }
0xe7: {  	[tilespmem:s30], [sflag:$0x4] =	stream.indirect.gather [hbm4b:s4+s25], $0x80, s21, s25, $0xb8;
	[tilespmem:$0x1D000] =	vst v63  }
0xe8: {  	_ = 	snop  }
0xe9: {  	[spmem:s2] =	stream.indirect.scatter.add.f32 [tilespmem:s16], [sflag:$0x5], $0x80, s22, s25, $0xb8;
	[tilespmem:$0x1D000] =	vst v63  }
0xea: {  	_ =	swait.ge [sflag:s17], $0x2000  }
0xeb: {  	[sflag:s17] =	ssyncset.done $0x0  }
0xec: {  	[sflag:s17] =	ssyncadd.s32 $0xFFFFE000  }
0xed: {  	_ =	swait.ge [sflag:s31], $0x2000  }
0xee: {  	[sflag:s31] =	ssyncset.done $0x0  }
0xef: {  	[sflag:s31] =	ssyncadd.s32 $0xFFFFE000  }
0xf0: {  	[spmem:s2] =	stream.indirect.scatter.add.f32 [tilespmem:s26], [sflag:$0x5], $0x80, s23, s25, $0xb8;
	[tilespmem:$0x1D000] =	vst v63  }
0xf1: {  	_ =	swait.ge [sflag:s17], $0x2000  }
0xf2: {  	[sflag:s17] =	ssyncset.done $0x0  }
0xf3: {  	[sflag:s17] =	ssyncadd.s32 $0xFFFFE000  }
0xf4: {  	_ =	swait.ge [sflag:s1], $0x2000  }
0xf5: {  	[sflag:s1] =	ssyncset.done $0x0  }
0xf6: {  	[sflag:s1] =	ssyncadd.s32 $0xFFFFE000  }
0xf7: {  	[spmem:s2] =	stream.indirect.scatter.add.f32 [tilespmem:s28], [sflag:$0x5], $0x80, s24, s25, $0xb8;
	[tilespmem:$0x1D000] =	vst v63  }
0xf8: {  	_ =	swait.ge [sflag:s17], $0x2000  }
0xf9: {  	[sflag:s17] =	ssyncset.done $0x0  }
0xfa: {  	[sflag:s17] =	ssyncadd.s32 $0xFFFFE000  }
0xfb: {  	_ =	swait.ge [sflag:s0], $0x2000  }
0xfc: {  	[sflag:s0] =	ssyncset.done $0x0  }
0xfd: {  	[sflag:s0] =	ssyncadd.s32 $0xFFFFE000  }
0xfe: {  	[spmem:s2] =	stream.indirect.scatter.add.f32 [tilespmem:s30], [sflag:$0x5], $0x80, s7, s25, $0xb8;
	[tilespmem:$0x1D000] =	vst v63  }
0xff: {  	s11 =	simm.s32 $0x100;
	_ =	swait.ge [sflag:s17], $0x2000  }
0x100: {  	s13 =	simm.s32 $0x200;
	s5 =	rddreg [dreg:$0x4];
	[sflag:s17] =	ssyncset.done $0x0  }
.LBB2_4:
0x101: {  	[sflag:s17] =	ssyncadd.s32 $0xFFFFE000;
	s5 =	sadd.s32 s11, s5  }
0x102: {  	[tilespmem:s18], [sflag:$0x5] =	stream.linear.gather [hbm4b:s5+s3], $0x800, $0x38;
	[tilespmem:$0x1D000] =	vst v63  }
0x103: {  	_ =	swait.ge [sflag:s17], $0x800  }
0x104: {  	s5 =	rddreg [dreg:$0x3];
	[sflag:s17] =	ssyncset.done $0x0  }
0x105: {  	[sflag:s17] =	ssyncadd.s32 $0xFFFFF800;
	s5 =	sadd.s32 s11, s5  }
0x106: {  	[tilespmem:s19], [sflag:$0x5] =	stream.linear.gather [hbm4b:s5+s3], $0x800, $0x38;
	[tilespmem:$0x1D000] =	vst v63  }
0x107: {  	_ =	swait.ge [sflag:s17], $0x800  }
0x108: {  	[sflag:s17] =	ssyncset.done $0x0  }
0x109: {  	[sflag:s17] =	ssyncadd.s32 $0xFFFFF800  }
0x10a: {  	[tilespmem:s16], [sflag:$0x1] =	stream.indirect.gather [hbm4b:s4+s25], $0x80, s18, s25, $0xb8;
	[tilespmem:$0x1D000] =	vst v63  }
0x10b: {  	s9 =	smov.u32 s13;
	s5 =	rddreg [dreg:$0x5]  }
0x10c: {  	[tilespmem:s26], [sflag:$0x2] =	stream.indirect.gather [hbm4b:s4+s25], $0x80, s5, s25, $0xb8;
	[tilespmem:$0x1D000] =	vst v63  }
0x10d: {  	s11 =	smov.u32 s9;
	s9 =	rddreg [dreg:$0x6]  }
0x10e: {  	[tilespmem:s28], [sflag:$0x3] =	stream.indirect.gather [hbm4b:s4+s25], $0x80, s9, s25, $0xb8;
	[tilespmem:$0x1D000] =	vst v63  }
0x10f: {  	_ =	swait.ge [sflag:s29], $0x2000  }
0x110: {  	[sflag:s29] =	ssyncset.done $0x0  }
0x111: {  	s9 =	rddreg [dreg:$0x7];
	[sflag:s29] =	ssyncadd.s32 $0xFFFFE000  }
0x112: {  	[tilespmem:s30], [sflag:$0x4] =	stream.indirect.gather [hbm4b:s4+s25], $0x80, s9, s25, $0xb8;
	[tilespmem:$0x1D000] =	vst v63  }
0x113: {  	_ = 	snop  }
0x114: {  	[spmem:s2] =	stream.indirect.scatter.add.f32 [tilespmem:s16], [sflag:$0x5], $0x80, s19, s25, $0xb8;
	[tilespmem:$0x1D000] =	vst v63  }
0x115: {  	_ =	swait.ge [sflag:s17], $0x2000  }
0x116: {  	[sflag:s17] =	ssyncset.done $0x0  }
0x117: {  	[sflag:s17] =	ssyncadd.s32 $0xFFFFE000  }
0x118: {  	_ =	swait.ge [sflag:s31], $0x2000  }
0x119: {  	[sflag:s31] =	ssyncset.done $0x0  }
0x11a: {  	s5 =	rddreg [dreg:$0x8];
	[sflag:s31] =	ssyncadd.s32 $0xFFFFE000  }
0x11b: {  	[tilespmem:s16], [sflag:$0x1] =	stream.indirect.gather [hbm4b:s4+s25], $0x80, s5, s25, $0xb8;
	[tilespmem:$0x1D000] =	vst v63  }
0x11c: {  	s9 =	rddreg [dreg:$0x9]  }
0x11d: {  	[spmem:s2] =	stream.indirect.scatter.add.f32 [tilespmem:s26], [sflag:$0x5], $0x80, s9, s25, $0xb8;
	[tilespmem:$0x1D000] =	vst v63  }
0x11e: {  	_ =	swait.ge [sflag:s17], $0x2000  }
0x11f: {  	[sflag:s17] =	ssyncset.done $0x0  }
0x120: {  	[sflag:s17] =	ssyncadd.s32 $0xFFFFE000  }
0x121: {  	_ =	swait.ge [sflag:s1], $0x2000  }
0x122: {  	[sflag:s1] =	ssyncset.done $0x0  }
0x123: {  	s5 =	rddreg [dreg:$0xa];
	[sflag:s1] =	ssyncadd.s32 $0xFFFFE000  }
0x124: {  	[tilespmem:s26], [sflag:$0x2] =	stream.indirect.gather [hbm4b:s4+s25], $0x80, s5, s25, $0xb8;
	[tilespmem:$0x1D000] =	vst v63  }
0x125: {  	s9 =	rddreg [dreg:$0xb]  }
0x126: {  	[spmem:s2] =	stream.indirect.scatter.add.f32 [tilespmem:s28], [sflag:$0x5], $0x80, s9, s25, $0xb8;
	[tilespmem:$0x1D000] =	vst v63  }
0x127: {  	_ =	swait.ge [sflag:s17], $0x2000  }
0x128: {  	[sflag:s17] =	ssyncset.done $0x0  }
0x129: {  	[sflag:s17] =	ssyncadd.s32 $0xFFFFE000  }
0x12a: {  	_ =	swait.ge [sflag:s0], $0x2000  }
0x12b: {  	[sflag:s0] =	ssyncset.done $0x0  }
0x12c: {  	s5 =	rddreg [dreg:$0xc];
	[sflag:s0] =	ssyncadd.s32 $0xFFFFE000  }
0x12d: {  	[tilespmem:s28], [sflag:$0x3] =	stream.indirect.gather [hbm4b:s4+s25], $0x80, s5, s25, $0xb8;
	[tilespmem:$0x1D000] =	vst v63  }
0x12e: {  	s9 =	rddreg [dreg:$0xd]  }
0x12f: {  	[spmem:s2] =	stream.indirect.scatter.add.f32 [tilespmem:s30], [sflag:$0x5], $0x80, s9, s25, $0xb8;
	[tilespmem:$0x1D000] =	vst v63  }
0x130: {  	_ =	swait.ge [sflag:s17], $0x2000  }
0x131: {  	[sflag:s17] =	ssyncset.done $0x0  }
0x132: {  	[sflag:s17] =	ssyncadd.s32 $0xFFFFE000  }
0x133: {  	_ =	swait.ge [sflag:s29], $0x2000  }
0x134: {  	[sflag:s29] =	ssyncset.done $0x0  }
0x135: {  	s5 =	rddreg [dreg:$0xe];
	[sflag:s29] =	ssyncadd.s32 $0xFFFFE000  }
0x136: {  	[tilespmem:s30], [sflag:$0x4] =	stream.indirect.gather [hbm4b:s4+s25], $0x80, s5, s25, $0xb8;
	[tilespmem:$0x1D000] =	vst v63  }
0x137: {  	s9 =	rddreg [dreg:$0xf]  }
0x138: {  	[spmem:s2] =	stream.indirect.scatter.add.f32 [tilespmem:s16], [sflag:$0x5], $0x80, s9, s25, $0xb8;
	[tilespmem:$0x1D000] =	vst v63  }
0x139: {  	_ =	swait.ge [sflag:s17], $0x2000  }
0x13a: {  	[sflag:s17] =	ssyncset.done $0x0  }
0x13b: {  	[sflag:s17] =	ssyncadd.s32 $0xFFFFE000  }
0x13c: {  	_ =	swait.ge [sflag:s31], $0x2000  }
0x13d: {  	[sflag:s31] =	ssyncset.done $0x0  }
0x13e: {  	s5 =	rddreg [dreg:$0x10];
	[sflag:s31] =	ssyncadd.s32 $0xFFFFE000  }
0x13f: {  	[tilespmem:s16], [sflag:$0x1] =	stream.indirect.gather [hbm4b:s4+s25], $0x80, s5, s25, $0xb8;
	[tilespmem:$0x1D000] =	vst v63  }
0x140: {  	s9 =	rddreg [dreg:$0x11]  }
0x141: {  	[spmem:s2] =	stream.indirect.scatter.add.f32 [tilespmem:s26], [sflag:$0x5], $0x80, s9, s25, $0xb8;
	[tilespmem:$0x1D000] =	vst v63  }
0x142: {  	_ =	swait.ge [sflag:s17], $0x2000  }
0x143: {  	[sflag:s17] =	ssyncset.done $0x0  }
0x144: {  	[sflag:s17] =	ssyncadd.s32 $0xFFFFE000  }
0x145: {  	_ =	swait.ge [sflag:s1], $0x2000  }
0x146: {  	[sflag:s1] =	ssyncset.done $0x0  }
0x147: {  	s5 =	rddreg [dreg:$0x12];
	[sflag:s1] =	ssyncadd.s32 $0xFFFFE000  }
0x148: {  	[tilespmem:s26], [sflag:$0x2] =	stream.indirect.gather [hbm4b:s4+s25], $0x80, s5, s25, $0xb8;
	[tilespmem:$0x1D000] =	vst v63  }
0x149: {  	s9 =	rddreg [dreg:$0x13]  }
0x14a: {  	[spmem:s2] =	stream.indirect.scatter.add.f32 [tilespmem:s28], [sflag:$0x5], $0x80, s9, s25, $0xb8;
	[tilespmem:$0x1D000] =	vst v63  }
0x14b: {  	_ =	swait.ge [sflag:s17], $0x2000  }
0x14c: {  	[sflag:s17] =	ssyncset.done $0x0  }
0x14d: {  	[sflag:s17] =	ssyncadd.s32 $0xFFFFE000  }
0x14e: {  	_ =	swait.ge [sflag:s0], $0x2000  }
0x14f: {  	[sflag:s0] =	ssyncset.done $0x0  }
0x150: {  	s5 =	rddreg [dreg:$0x14];
	[sflag:s0] =	ssyncadd.s32 $0xFFFFE000  }
0x151: {  	[tilespmem:s28], [sflag:$0x3] =	stream.indirect.gather [hbm4b:s4+s25], $0x80, s5, s25, $0xb8;
	[tilespmem:$0x1D000] =	vst v63  }
0x152: {  	s9 =	rddreg [dreg:$0x15]  }
0x153: {  	[spmem:s2] =	stream.indirect.scatter.add.f32 [tilespmem:s30], [sflag:$0x5], $0x80, s9, s25, $0xb8;
	[tilespmem:$0x1D000] =	vst v63  }
0x154: {  	_ =	swait.ge [sflag:s17], $0x2000  }
0x155: {  	[sflag:s17] =	ssyncset.done $0x0  }
0x156: {  	[sflag:s17] =	ssyncadd.s32 $0xFFFFE000  }
0x157: {  	_ =	swait.ge [sflag:s29], $0x2000  }
0x158: {  	[sflag:s29] =	ssyncset.done $0x0  }
0x159: {  	s9 =	rddreg [dreg:$0x16];
	[sflag:s29] =	ssyncadd.s32 $0xFFFFE000  }
0x15a: {  	[tilespmem:s30], [sflag:$0x4] =	stream.indirect.gather [hbm4b:s4+s25], $0x80, s9, s25, $0xb8;
	[tilespmem:$0x1D000] =	vst v63  }
0x15b: {  	_ = 	snop  }
0x15c: {  	[spmem:s2] =	stream.indirect.scatter.add.f32 [tilespmem:s16], [sflag:$0x5], $0x80, s6, s25, $0xb8;
	[tilespmem:$0x1D000] =	vst v63  }
0x15d: {  	_ =	swait.ge [sflag:s17], $0x2000  }
0x15e: {  	[sflag:s17] =	ssyncset.done $0x0  }
0x15f: {  	[sflag:s17] =	ssyncadd.s32 $0xFFFFE000  }
0x160: {  	_ =	swait.ge [sflag:s31], $0x2000  }
0x161: {  	[sflag:s31] =	ssyncset.done $0x0  }
0x162: {  	[sflag:s31] =	ssyncadd.s32 $0xFFFFE000  }
0x163: {  	[tilespmem:s16], [sflag:$0x1] =	stream.indirect.gather [hbm4b:s4+s25], $0x80, s8, s25, $0xb8;
	[tilespmem:$0x1D000] =	vst v63  }
0x164: {  	_ = 	snop  }
0x165: {  	[spmem:s2] =	stream.indirect.scatter.add.f32 [tilespmem:s26], [sflag:$0x5], $0x80, s10, s25, $0xb8;
	[tilespmem:$0x1D000] =	vst v63  }
0x166: {  	_ =	swait.ge [sflag:s17], $0x2000  }
0x167: {  	[sflag:s17] =	ssyncset.done $0x0  }
0x168: {  	[sflag:s17] =	ssyncadd.s32 $0xFFFFE000  }
0x169: {  	_ =	swait.ge [sflag:s1], $0x2000  }
0x16a: {  	[sflag:s1] =	ssyncset.done $0x0  }
0x16b: {  	[sflag:s1] =	ssyncadd.s32 $0xFFFFE000  }
0x16c: {  	[tilespmem:s26], [sflag:$0x2] =	stream.indirect.gather [hbm4b:s4+s25], $0x80, s12, s25, $0xb8;
	[tilespmem:$0x1D000] =	vst v63  }
0x16d: {  	_ = 	snop  }
0x16e: {  	[spmem:s2] =	stream.indirect.scatter.add.f32 [tilespmem:s28], [sflag:$0x5], $0x80, s14, s25, $0xb8;
	[tilespmem:$0x1D000] =	vst v63  }
0x16f: {  	_ =	swait.ge [sflag:s17], $0x2000  }
0x170: {  	[sflag:s17] =	ssyncset.done $0x0  }
0x171: {  	[sflag:s17] =	ssyncadd.s32 $0xFFFFE000  }
0x172: {  	_ =	swait.ge [sflag:s0], $0x2000  }
0x173: {  	[sflag:s0] =	ssyncset.done $0x0  }
0x174: {  	[sflag:s0] =	ssyncadd.s32 $0xFFFFE000  }
0x175: {  	[tilespmem:s28], [sflag:$0x3] =	stream.indirect.gather [hbm4b:s4+s25], $0x80, s15, s25, $0xb8;
	[tilespmem:$0x1D000] =	vst v63  }
0x176: {  	_ = 	snop  }
0x177: {  	[spmem:s2] =	stream.indirect.scatter.add.f32 [tilespmem:s30], [sflag:$0x5], $0x80, s20, s25, $0xb8;
	[tilespmem:$0x1D000] =	vst v63  }
0x178: {  	_ =	swait.ge [sflag:s17], $0x2000  }
0x179: {  	[sflag:s17] =	ssyncset.done $0x0  }
0x17a: {  	[sflag:s17] =	ssyncadd.s32 $0xFFFFE000  }
0x17b: {  	_ =	swait.ge [sflag:s29], $0x2000  }
0x17c: {  	[sflag:s29] =	ssyncset.done $0x0  }
0x17d: {  	[sflag:s29] =	ssyncadd.s32 $0xFFFFE000  }
0x17e: {  	[tilespmem:s30], [sflag:$0x4] =	stream.indirect.gather [hbm4b:s4+s25], $0x80, s21, s25, $0xb8;
	[tilespmem:$0x1D000] =	vst v63  }
0x17f: {  	_ = 	snop  }
0x180: {  	[spmem:s2] =	stream.indirect.scatter.add.f32 [tilespmem:s16], [sflag:$0x5], $0x80, s22, s25, $0xb8;
	[tilespmem:$0x1D000] =	vst v63  }
0x181: {  	_ =	swait.ge [sflag:s17], $0x2000  }
0x182: {  	[sflag:s17] =	ssyncset.done $0x0  }
0x183: {  	[sflag:s17] =	ssyncadd.s32 $0xFFFFE000  }
0x184: {  	_ =	swait.ge [sflag:s31], $0x2000  }
0x185: {  	[sflag:s31] =	ssyncset.done $0x0  }
0x186: {  	[sflag:s31] =	ssyncadd.s32 $0xFFFFE000  }
0x187: {  	[spmem:s2] =	stream.indirect.scatter.add.f32 [tilespmem:s26], [sflag:$0x5], $0x80, s23, s25, $0xb8;
	[tilespmem:$0x1D000] =	vst v63  }
0x188: {  	_ =	swait.ge [sflag:s17], $0x2000  }
0x189: {  	[sflag:s17] =	ssyncset.done $0x0  }
0x18a: {  	[sflag:s17] =	ssyncadd.s32 $0xFFFFE000  }
0x18b: {  	_ =	swait.ge [sflag:s1], $0x2000  }
0x18c: {  	[sflag:s1] =	ssyncset.done $0x0  }
0x18d: {  	[sflag:s1] =	ssyncadd.s32 $0xFFFFE000  }
0x18e: {  	[spmem:s2] =	stream.indirect.scatter.add.f32 [tilespmem:s28], [sflag:$0x5], $0x80, s24, s25, $0xb8;
	[tilespmem:$0x1D000] =	vst v63  }
0x18f: {  	_ =	swait.ge [sflag:s17], $0x2000  }
0x190: {  	[sflag:s17] =	ssyncset.done $0x0  }
0x191: {  	[sflag:s17] =	ssyncadd.s32 $0xFFFFE000  }
0x192: {  	p0 =	sne.s32 s13, $0x900;
	_ =	swait.ge [sflag:s0], $0x2000  }
.Ltmp1:
0x193: {  	[sflag:s0] =	ssyncset.done $0x0;
	(pc) =	sbr.rel @p0 .LBB2_4-.Ltmp1, $4  }
0x194: {  	[sflag:s0] =	ssyncadd.s32 $0xFFFFE000  }
0x195: {  	[spmem:s2] =	stream.indirect.scatter.add.f32 [tilespmem:s30], [sflag:$0x5], $0x80, s7, s25, $0xb8;
	[tilespmem:$0x1D000] =	vst v63  }
0x196: {  	_ =	swait.ge [sflag:s17], $0x2000  }
0x197: {  	s13 =	sadd.s32 $0x100, s13;
	s5 =	rddreg [dreg:$0x4];
	[sflag:s17] =	ssyncset.done $0x0  }
0x198: {  	[sflag:s17] =	ssyncadd.s32 $0xFFFFE000;
	s5 =	sadd.s32 s11, s5  }
0x199: {  	[tilespmem:s18], [sflag:$0x5] =	stream.linear.gather [hbm4b:s5+s3], $0x800, $0x38;
	[tilespmem:$0x1D000] =	vst v63  }
0x19a: {  	_ =	swait.ge [sflag:s17], $0x800  }
0x19b: {  	s9 =	rddreg [dreg:$0x3];
	[sflag:s17] =	ssyncset.done $0x0  }
0x19c: {  	[sflag:s17] =	ssyncadd.s32 $0xFFFFF800;
	s5 =	sadd.s32 s11, s9  }
0x19d: {  	[tilespmem:s19], [sflag:$0x5] =	stream.linear.gather [hbm4b:s5+s3], $0x800, $0x38;
	[tilespmem:$0x1D000] =	vst v63  }
0x19e: {  	_ =	swait.ge [sflag:s17], $0x800  }
0x19f: {  	[sflag:s17] =	ssyncset.done $0x0  }
0x1a0: {  	[sflag:s17] =	ssyncadd.s32 $0xFFFFF800  }
0x1a1: {  	[tilespmem:s16], [sflag:$0x1] =	stream.indirect.gather [hbm4b:s4+s25], $0x80, s18, s25, $0xb8;
	[tilespmem:$0x1D000] =	vst v63  }
0x1a2: {  	s13 =	rddreg [dreg:$0x5]  }
0x1a3: {  	[tilespmem:s26], [sflag:$0x2] =	stream.indirect.gather [hbm4b:s4+s25], $0x80, s13, s25, $0xb8;
	[tilespmem:$0x1D000] =	vst v63  }
0x1a4: {  	s9 =	rddreg [dreg:$0x6]  }
0x1a5: {  	[tilespmem:s28], [sflag:$0x3] =	stream.indirect.gather [hbm4b:s4+s25], $0x80, s9, s25, $0xb8;
	[tilespmem:$0x1D000] =	vst v63  }
0x1a6: {  	_ =	swait.ge [sflag:s29], $0x2000  }
0x1a7: {  	[sflag:s29] =	ssyncset.done $0x0  }
0x1a8: {  	s9 =	rddreg [dreg:$0x7];
	[sflag:s29] =	ssyncadd.s32 $0xFFFFE000  }
0x1a9: {  	[tilespmem:s30], [sflag:$0x4] =	stream.indirect.gather [hbm4b:s4+s25], $0x80, s9, s25, $0xb8;
	[tilespmem:$0x1D000] =	vst v63  }
0x1aa: {  	_ = 	snop  }
0x1ab: {  	[spmem:s2] =	stream.indirect.scatter.add.f32 [tilespmem:s16], [sflag:$0x5], $0x80, s19, s25, $0xb8;
	[tilespmem:$0x1D000] =	vst v63  }
0x1ac: {  	_ =	swait.ge [sflag:s17], $0x2000  }
0x1ad: {  	[sflag:s17] =	ssyncset.done $0x0  }
0x1ae: {  	[sflag:s17] =	ssyncadd.s32 $0xFFFFE000  }
0x1af: {  	_ =	swait.ge [sflag:s31], $0x2000  }
0x1b0: {  	[sflag:s31] =	ssyncset.done $0x0  }
0x1b1: {  	s11 =	rddreg [dreg:$0x8];
	[sflag:s31] =	ssyncadd.s32 $0xFFFFE000  }
0x1b2: {  	[tilespmem:s16], [sflag:$0x1] =	stream.indirect.gather [hbm4b:s4+s25], $0x80, s11, s25, $0xb8;
	[tilespmem:$0x1D000] =	vst v63  }
0x1b3: {  	s13 =	rddreg [dreg:$0x9]  }
0x1b4: {  	[spmem:s2] =	stream.indirect.scatter.add.f32 [tilespmem:s26], [sflag:$0x5], $0x80, s13, s25, $0xb8;
	[tilespmem:$0x1D000] =	vst v63  }
0x1b5: {  	_ =	swait.ge [sflag:s17], $0x2000  }
0x1b6: {  	[sflag:s17] =	ssyncset.done $0x0  }
0x1b7: {  	[sflag:s17] =	ssyncadd.s32 $0xFFFFE000  }
0x1b8: {  	_ =	swait.ge [sflag:s1], $0x2000  }
0x1b9: {  	[sflag:s1] =	ssyncset.done $0x0  }
0x1ba: {  	s11 =	rddreg [dreg:$0xa];
	[sflag:s1] =	ssyncadd.s32 $0xFFFFE000  }
0x1bb: {  	[tilespmem:s26], [sflag:$0x2] =	stream.indirect.gather [hbm4b:s4+s25], $0x80, s11, s25, $0xb8;
	[tilespmem:$0x1D000] =	vst v63  }
0x1bc: {  	s13 =	rddreg [dreg:$0xb]  }
0x1bd: {  	[spmem:s2] =	stream.indirect.scatter.add.f32 [tilespmem:s28], [sflag:$0x5], $0x80, s13, s25, $0xb8;
	[tilespmem:$0x1D000] =	vst v63  }
0x1be: {  	_ =	swait.ge [sflag:s17], $0x2000  }
0x1bf: {  	[sflag:s17] =	ssyncset.done $0x0  }
0x1c0: {  	[sflag:s17] =	ssyncadd.s32 $0xFFFFE000  }
0x1c1: {  	_ =	swait.ge [sflag:s0], $0x2000  }
0x1c2: {  	[sflag:s0] =	ssyncset.done $0x0  }
0x1c3: {  	s11 =	rddreg [dreg:$0xc];
	[sflag:s0] =	ssyncadd.s32 $0xFFFFE000  }
0x1c4: {  	[tilespmem:s28], [sflag:$0x3] =	stream.indirect.gather [hbm4b:s4+s25], $0x80, s11, s25, $0xb8;
	[tilespmem:$0x1D000] =	vst v63  }
0x1c5: {  	s13 =	rddreg [dreg:$0xd]  }
0x1c6: {  	[spmem:s2] =	stream.indirect.scatter.add.f32 [tilespmem:s30], [sflag:$0x5], $0x80, s13, s25, $0xb8;
	[tilespmem:$0x1D000] =	vst v63  }
0x1c7: {  	_ =	swait.ge [sflag:s17], $0x2000  }
0x1c8: {  	[sflag:s17] =	ssyncset.done $0x0  }
0x1c9: {  	[sflag:s17] =	ssyncadd.s32 $0xFFFFE000  }
0x1ca: {  	_ =	swait.ge [sflag:s29], $0x2000  }
0x1cb: {  	[sflag:s29] =	ssyncset.done $0x0  }
0x1cc: {  	s11 =	rddreg [dreg:$0xe];
	[sflag:s29] =	ssyncadd.s32 $0xFFFFE000  }
0x1cd: {  	[tilespmem:s30], [sflag:$0x4] =	stream.indirect.gather [hbm4b:s4+s25], $0x80, s11, s25, $0xb8;
	[tilespmem:$0x1D000] =	vst v63  }
0x1ce: {  	s13 =	rddreg [dreg:$0xf]  }
0x1cf: {  	[spmem:s2] =	stream.indirect.scatter.add.f32 [tilespmem:s16], [sflag:$0x5], $0x80, s13, s25, $0xb8;
	[tilespmem:$0x1D000] =	vst v63  }
0x1d0: {  	_ =	swait.ge [sflag:s17], $0x2000  }
0x1d1: {  	[sflag:s17] =	ssyncset.done $0x0  }
0x1d2: {  	[sflag:s17] =	ssyncadd.s32 $0xFFFFE000  }
0x1d3: {  	_ =	swait.ge [sflag:s31], $0x2000  }
0x1d4: {  	[sflag:s31] =	ssyncset.done $0x0  }
0x1d5: {  	s11 =	rddreg [dreg:$0x10];
	[sflag:s31] =	ssyncadd.s32 $0xFFFFE000  }
0x1d6: {  	[tilespmem:s16], [sflag:$0x1] =	stream.indirect.gather [hbm4b:s4+s25], $0x80, s11, s25, $0xb8;
	[tilespmem:$0x1D000] =	vst v63  }
0x1d7: {  	s13 =	rddreg [dreg:$0x11]  }
0x1d8: {  	[spmem:s2] =	stream.indirect.scatter.add.f32 [tilespmem:s26], [sflag:$0x5], $0x80, s13, s25, $0xb8;
	[tilespmem:$0x1D000] =	vst v63  }
0x1d9: {  	_ =	swait.ge [sflag:s17], $0x2000  }
0x1da: {  	[sflag:s17] =	ssyncset.done $0x0  }
0x1db: {  	[sflag:s17] =	ssyncadd.s32 $0xFFFFE000  }
0x1dc: {  	_ =	swait.ge [sflag:s1], $0x2000  }
0x1dd: {  	[sflag:s1] =	ssyncset.done $0x0  }
0x1de: {  	s11 =	rddreg [dreg:$0x12];
	[sflag:s1] =	ssyncadd.s32 $0xFFFFE000  }
0x1df: {  	[tilespmem:s26], [sflag:$0x2] =	stream.indirect.gather [hbm4b:s4+s25], $0x80, s11, s25, $0xb8;
	[tilespmem:$0x1D000] =	vst v63  }
0x1e0: {  	s13 =	rddreg [dreg:$0x13]  }
0x1e1: {  	[spmem:s2] =	stream.indirect.scatter.add.f32 [tilespmem:s28], [sflag:$0x5], $0x80, s13, s25, $0xb8;
	[tilespmem:$0x1D000] =	vst v63  }
0x1e2: {  	_ =	swait.ge [sflag:s17], $0x2000  }
0x1e3: {  	[sflag:s17] =	ssyncset.done $0x0  }
0x1e4: {  	[sflag:s17] =	ssyncadd.s32 $0xFFFFE000  }
0x1e5: {  	_ =	swait.ge [sflag:s0], $0x2000  }
0x1e6: {  	[sflag:s0] =	ssyncset.done $0x0  }
0x1e7: {  	s9 =	rddreg [dreg:$0x14];
	[sflag:s0] =	ssyncadd.s32 $0xFFFFE000  }
0x1e8: {  	[tilespmem:s28], [sflag:$0x3] =	stream.indirect.gather [hbm4b:s4+s25], $0x80, s9, s25, $0xb8;
	[tilespmem:$0x1D000] =	vst v63  }
0x1e9: {  	s11 =	rddreg [dreg:$0x15]  }
0x1ea: {  	[spmem:s2] =	stream.indirect.scatter.add.f32 [tilespmem:s30], [sflag:$0x5], $0x80, s11, s25, $0xb8;
	[tilespmem:$0x1D000] =	vst v63  }
0x1eb: {  	_ =	swait.ge [sflag:s17], $0x2000  }
0x1ec: {  	[sflag:s17] =	ssyncset.done $0x0  }
0x1ed: {  	[sflag:s17] =	ssyncadd.s32 $0xFFFFE000  }
0x1ee: {  	_ =	swait.ge [sflag:s29], $0x2000  }
0x1ef: {  	[sflag:s29] =	ssyncset.done $0x0  }
0x1f0: {  	s13 =	rddreg [dreg:$0x16];
	[sflag:s29] =	ssyncadd.s32 $0xFFFFE000  }
0x1f1: {  	[tilespmem:s30], [sflag:$0x4] =	stream.indirect.gather [hbm4b:s4+s25], $0x80, s13, s25, $0xb8;
	[tilespmem:$0x1D000] =	vst v63  }
0x1f2: {  	_ = 	snop  }
0x1f3: {  	[spmem:s2] =	stream.indirect.scatter.add.f32 [tilespmem:s16], [sflag:$0x5], $0x80, s6, s25, $0xb8;
	[tilespmem:$0x1D000] =	vst v63  }
0x1f4: {  	_ =	swait.ge [sflag:s17], $0x2000  }
0x1f5: {  	[sflag:s17] =	ssyncset.done $0x0  }
0x1f6: {  	[sflag:s17] =	ssyncadd.s32 $0xFFFFE000  }
0x1f7: {  	_ =	swait.ge [sflag:s31], $0x2000  }
0x1f8: {  	[sflag:s31] =	ssyncset.done $0x0  }
0x1f9: {  	[sflag:s31] =	ssyncadd.s32 $0xFFFFE000  }
0x1fa: {  	[tilespmem:s16], [sflag:$0x1] =	stream.indirect.gather [hbm4b:s4+s25], $0x80, s8, s25, $0xb8;
	[tilespmem:$0x1D000] =	vst v63  }
0x1fb: {  	_ = 	snop  }
0x1fc: {  	[spmem:s2] =	stream.indirect.scatter.add.f32 [tilespmem:s26], [sflag:$0x5], $0x80, s10, s25, $0xb8;
	[tilespmem:$0x1D000] =	vst v63  }
0x1fd: {  	_ =	swait.ge [sflag:s17], $0x2000  }
0x1fe: {  	[sflag:s17] =	ssyncset.done $0x0  }
0x1ff: {  	[sflag:s17] =	ssyncadd.s32 $0xFFFFE000  }
0x200: {  	_ =	swait.ge [sflag:s1], $0x2000  }
0x201: {  	[sflag:s1] =	ssyncset.done $0x0  }
0x202: {  	[sflag:s1] =	ssyncadd.s32 $0xFFFFE000  }
0x203: {  	[tilespmem:s26], [sflag:$0x2] =	stream.indirect.gather [hbm4b:s4+s25], $0x80, s12, s25, $0xb8;
	[tilespmem:$0x1D000] =	vst v63  }
0x204: {  	_ = 	snop  }
0x205: {  	[spmem:s2] =	stream.indirect.scatter.add.f32 [tilespmem:s28], [sflag:$0x5], $0x80, s14, s25, $0xb8;
	[tilespmem:$0x1D000] =	vst v63  }
0x206: {  	_ =	swait.ge [sflag:s17], $0x2000  }
0x207: {  	[sflag:s17] =	ssyncset.done $0x0  }
0x208: {  	[sflag:s17] =	ssyncadd.s32 $0xFFFFE000  }
0x209: {  	_ =	swait.ge [sflag:s0], $0x2000  }
0x20a: {  	[sflag:s0] =	ssyncset.done $0x0  }
0x20b: {  	[sflag:s0] =	ssyncadd.s32 $0xFFFFE000  }
0x20c: {  	[tilespmem:s28], [sflag:$0x3] =	stream.indirect.gather [hbm4b:s4+s25], $0x80, s15, s25, $0xb8;
	[tilespmem:$0x1D000] =	vst v63  }
0x20d: {  	_ = 	snop  }
0x20e: {  	[spmem:s2] =	stream.indirect.scatter.add.f32 [tilespmem:s30], [sflag:$0x5], $0x80, s20, s25, $0xb8;
	[tilespmem:$0x1D000] =	vst v63  }
0x20f: {  	_ =	swait.ge [sflag:s17], $0x2000  }
0x210: {  	[sflag:s17] =	ssyncset.done $0x0  }
0x211: {  	[sflag:s17] =	ssyncadd.s32 $0xFFFFE000  }
0x212: {  	_ =	swait.ge [sflag:s29], $0x2000  }
0x213: {  	[sflag:s29] =	ssyncset.done $0x0  }
0x214: {  	[sflag:s29] =	ssyncadd.s32 $0xFFFFE000  }
0x215: {  	[tilespmem:s30], [sflag:$0x4] =	stream.indirect.gather [hbm4b:s4+s25], $0x80, s21, s25, $0xb8;
	[tilespmem:$0x1D000] =	vst v63  }
0x216: {  	_ = 	snop  }
0x217: {  	[spmem:s2] =	stream.indirect.scatter.add.f32 [tilespmem:s16], [sflag:$0x5], $0x80, s22, s25, $0xb8;
	[tilespmem:$0x1D000] =	vst v63  }
0x218: {  	_ =	swait.ge [sflag:s17], $0x2000  }
0x219: {  	[sflag:s17] =	ssyncset.done $0x0  }
0x21a: {  	[sflag:s17] =	ssyncadd.s32 $0xFFFFE000  }
0x21b: {  	_ =	swait.ge [sflag:s31], $0x2000  }
0x21c: {  	[sflag:s31] =	ssyncset.done $0x0  }
0x21d: {  	[sflag:s31] =	ssyncadd.s32 $0xFFFFE000  }
0x21e: {  	[spmem:s2] =	stream.indirect.scatter.add.f32 [tilespmem:s26], [sflag:$0x5], $0x80, s23, s25, $0xb8;
	[tilespmem:$0x1D000] =	vst v63  }
0x21f: {  	_ =	swait.ge [sflag:s17], $0x2000  }
0x220: {  	[sflag:s17] =	ssyncset.done $0x0  }
0x221: {  	[sflag:s17] =	ssyncadd.s32 $0xFFFFE000  }
0x222: {  	_ =	swait.ge [sflag:s1], $0x2000  }
0x223: {  	[sflag:s1] =	ssyncset.done $0x0  }
0x224: {  	[sflag:s1] =	ssyncadd.s32 $0xFFFFE000  }
0x225: {  	[spmem:s2] =	stream.indirect.scatter.add.f32 [tilespmem:s28], [sflag:$0x5], $0x80, s24, s25, $0xb8;
	[tilespmem:$0x1D000] =	vst v63  }
0x226: {  	_ =	swait.ge [sflag:s17], $0x2000  }
0x227: {  	[sflag:s17] =	ssyncset.done $0x0  }
0x228: {  	[sflag:s17] =	ssyncadd.s32 $0xFFFFE000  }
0x229: {  	_ =	swait.ge [sflag:s0], $0x2000  }
0x22a: {  	[sflag:s0] =	ssyncset.done $0x0  }
0x22b: {  	[sflag:s0] =	ssyncadd.s32 $0xFFFFE000  }
0x22c: {  	[spmem:s2] =	stream.indirect.scatter.add.f32 [tilespmem:s30], [sflag:$0x5], $0x80, s7, s25, $0xb8;
	[tilespmem:$0x1D000] =	vst v63  }
0x22d: {  	_ =	swait.ge [sflag:s17], $0x2000  }
0x22e: {  	[sflag:s17] =	ssyncset.done $0x0  }
0x22f: {  	[sflag:s17] =	ssyncadd.s32 $0xFFFFE000  }
0x230: {  	[bflag:$0x0] =	sbarrier.arrive $0xFFFF  }
0x231: {  	s9 =	stileid.u32;
	s13 =	sld [smem:$0x7F9]  }
0x232: {  	s5 =	sshll.u32 s9, $0x6;
	s11 =	rddreg [dreg:$0x17]  }
0x233: {  	s5 =	sor.u32 $0x1C05, s5;
	s9 =	sshrl.u32 s11, $0x3  }
0x234: {  	[hbm:s13], [sflag:s5] =	dma.local [spmem:s9], $0x800  }
0x235: {  	_ =	swait.ge [sflag:s17], $0x800  }
0x236: {  	s13 =	sld [smem:$0x7FA]  }
0x237: {  	[sflag:s17] =	ssyncset.done $0x0;
	s11 =	rddreg [dreg:$0x19]  }
0x238: {  	[sflag:s17] =	ssyncadd.s32 $0xFFFFF800;
	s9 =	sshrl.u32 s11, $0x3  }
0x239: {  	[hbm:s13], [sflag:s5] =	dma.local [spmem:s9], $0x800  }
0x23a: {  	_ =	swait.ge [sflag:s17], $0x800  }
0x23b: {  	s13 =	sld [smem:$0x7FB]  }
0x23c: {  	[sflag:s17] =	ssyncset.done $0x0;
	s11 =	rddreg [dreg:$0x1b]  }
0x23d: {  	[sflag:s17] =	ssyncadd.s32 $0xFFFFF800;
	s9 =	sshrl.u32 s11, $0x3  }
0x23e: {  	[hbm:s13], [sflag:s5] =	dma.local [spmem:s9], $0x800  }
0x23f: {  	_ =	swait.ge [sflag:s17], $0x800  }
0x240: {  	s13 =	sld [smem:$0x7FC]  }
0x241: {  	[sflag:s17] =	ssyncset.done $0x0;
	s11 =	rddreg [dreg:$0x1d]  }
0x242: {  	[sflag:s17] =	ssyncadd.s32 $0xFFFFF800;
	s9 =	sshrl.u32 s11, $0x3  }
0x243: {  	[hbm:s13], [sflag:s5] =	dma.local [spmem:s9], $0x800  }
0x244: {  	_ =	swait.ge [sflag:s17], $0x800  }
0x245: {  	s13 =	sld [smem:$0x7FD]  }
0x246: {  	[sflag:s17] =	ssyncset.done $0x0;
	s11 =	rddreg [dreg:$0x1f]  }
0x247: {  	[sflag:s17] =	ssyncadd.s32 $0xFFFFF800;
	s9 =	sshrl.u32 s11, $0x3  }
0x248: {  	[hbm:s13], [sflag:s5] =	dma.local [spmem:s9], $0x800  }
0x249: {  	_ =	swait.ge [sflag:s17], $0x800  }
0x24a: {  	s11 =	sld [smem:$0x7F6]  }
0x24b: {  	s13 =	sld [smem:$0x7F8];
	_ =	sdelay $0x1  }
0x24c: {  	s9 =	sadd.s32 $0x1, s11  }
0x24d: {  	p0 =	sne.s32 s9, s13  }
.Ltmp2:
0x24e: {  	_ = 	snop;
	(pc) =	sbr.rel @p0 .LBB2_1-.Ltmp2, $3  }
0x24f: {  	_ =	sdelay $0x1  }
0x250: {  	[sflag:s17] =	ssyncset.done $0x0  }
0x251: {  	[sflag:s17] =	ssyncadd.s32 $0xFFFFF800  }
0x252: {  	_ =	sfence.sel $0x180000  }
0x253: {  	[bflag:$0x0] =	sbarrier.arrive $0xFFFF  }
0x254: {  	_ =	strace $0x9000004A  }
0x255: {  	s0 =	stileid.u32;
	[bflag:$0x2] =	sbarrier.arrive $0xFFFF  }
0x256: {  	p0 =	sne.s32 s0, $0x0;
	s0 =	rddreg [dreg:$0x2]  }
0x257: {  	s0 =	sadd.s32 @!p0 $0x100000, s0  }
0x258: {  	[sflag:s0] =	ssyncadd.tile.s32 @!p0 $0x1;
	_ =	shalt  }
.Lfunc_end2:
_tile_overlayer_lowered:
.L_overlay_start_2:
0x259: {  	(tag) =	ssettag $0x2  }
0x25a: {  	s0 =	rddreg [dreg:$0x0];
	s2 =	stileid.u32  }
0x25b: {  	s1 =	rddreg [dreg:$0x1];
	p0 =	sne.s32 s2, $0x0  }
0x25c: {  	s3 =	rddreg [dreg:$0x2];
	[bflag:$0x3] =	sbarrier.arrive $0xFFFF;
	s2 =	simm.s32 @!p0 $0x1C05  }
0x25d: {  	[timem:s3], [sflag:s2] =	dma.local @!p0 [hbm:s0], s1  }
0x25e: {  	s0 =	simm.s32 @!p0 $0x5  }
0x25f: {  	_ =	swait.ge @!p0 [sflag:s0], s1  }
0x260: {  	s1 =	ssub.s32 @!p0 $0x0, s1;
	[sflag:s0] =	ssyncset.done @!p0 $0x0  }
0x261: {  	[sflag:s0] =	ssyncadd.s32 @!p0 s1  }
0x262: {  	[bflag:$0x3] =	sbarrier.arrive $0xFFFF  }
0x263: {  	_ =	shalt  }

// kernel: kernel.15.cloned.1.call-start
scs
__scs_entry_jumppad:
0x0: {  	(pc) =	sbr.rel $0x88, $3  }
0x1: {  	(tag) =	ssettag $0x0;
	lr =	simm.s32 $0x1  }
0x2: {  	[smem:$0x3F99] =	sst lr;
	_ =	strace $0xD0000000  }
0x3: {  	_ = 	snop  }
0x4: {  	_ = 	snop  }
0x5: {  	_ = 	snop  }
0x6: {  	_ = 	snop  }
0x7: {  	_ = 	snop  }
__scs_overlays_trampoline_lowered:
0x8: {  	[smem:$0x3FA8] =	sst s0  }
0x9: {  	[smem:$0x3FA9] =	sst s1  }
0xa: {  	[smem:$0x3FAA] =	sst s2  }
0xb: {  	[smem:$0x3FAB] =	sst s3  }
0xc: {  	[smem:$0x3FAC] =	sst s4  }
0xd: {  	[smem:$0x3FAD] =	sst s5  }
0xe: {  	[smem:$0x3FAE] =	sst s6  }
0xf: {  	[smem:$0x3FAF] =	sst s7  }
0x10: {  	[smem:$0x3FB0] =	sst s8  }
0x11: {  	[smem:$0x3FB1] =	sst s9;
	s0 =	simm.s32 @!p0 $0x0  }
0x12: {  	s1 =	sld [smem:$0x3F97];
	s0 =	simm.s32 @p0 $0x1  }
0x13: {  	[smem:$0x3FB2] =	sst s0;
	s0 =	simm.s32 @!p1 $0x0  }
0x14: {  	s2 =	sld [smem:$0x3F96];
	s0 =	simm.s32 @p1 $0x1  }
0x15: {  	[smem:$0x3FB3] =	sst s0;
	s0 =	simm.s32 @!p2 $0x0  }
0x16: {  	s3 =	sld [smem:$0x3FDB];
	s0 =	simm.s32 @p2 $0x1  }
0x17: {  	s4 =	simm.s32 $0x1BF5;
	[smem:$0x3FB5] =	sst s0  }
0x18: {  	s0 =	sld [smem:$0x3F98];
	_ =	swait.ge [sflag:s4], $0x0  }
0x19: {  	s7 =	sld [smem:$0x3F99]  }
0x1a: {  	s8 =	sadd.s32 $0xFFFFE003, lr  }
0x1b: {  	s9 =	sadd.s32 $0xFFFFFEF7, lr;
	s5 =	simm.s32 $0xFFFFFFFF;
	p2 =	slt.u32 s8, $0xFFFFF086  }
0x1c: {  	p1 =	slt.u32 s9, $0xF7A;
	s5 =	simm.s32 @!p2 $0x0  }
0x1d: {  	s5 =	simm.s32 @p1 $0x1;
	p0 =	seq.s32 s7, s2  }
0x1e: {  	s7 =	smul.u32 @!p0 $0xF7A, s2;
	p2 =	seq.s32 @!p0 s5, $0x0  }
0x1f: {  	s9 =	smul.u32 $0xF7A, s1;
	s8 =	simm.s32 @!p0 $0x1BF5;
	p2 =	por !p2, p0  }
0x20: {  	[sflag:s8] =	ssyncset.s32 @!p0 $0xFFFFF086;
	s6 =	sadd.s32 @!p0 s3, s7;
	s7 =	simm.s32 @!p0 $0x108  }
0x21: {  	s3 =	sadd.s32 s3, s9;
	s6 =	sadd.s32 @!p0 $0x88, s6;
	s7 =	simm.s32 @p2 $0x1082  }
0x22: {  	[simem:s7], [sflag:s8] =	dma.local @!p0 [hbm:s6], $0xF7A  }
0x23: {  	s9 =	sor.u32 $0xD0000000, s2;
	s6 =	simm.s32 $0x108;
	_ =	swait.ge @!p0 [sflag:s8], $0x0  }
0x24: {  	s3 =	sadd.s32 $0x88, s3;
	s6 =	simm.s32 @!p1 $0x1082;
	[sflag:s4] =	ssyncset.s32 $0xFFFFF086  }
0x25: {  	[simem:s6], [sflag:s4] =	dma.local [hbm:s3], $0xF7A  }
0x26: {  	[smem:$0x3F99] =	sst s1;
	(tag) =	ssettag s2;
	_ =	strace s9  }
0x27: {  	s1 =	sld [smem:$0x3FA9]  }
0x28: {  	s2 =	sld [smem:$0x3FAA]  }
0x29: {  	s4 =	sld [smem:$0x3FAC]  }
0x2a: {  	p0 =	seq.s32 s5, $0x0;
	s5 =	sld [smem:$0x3FAD]  }
0x2b: {  	s6 =	sld [smem:$0x3FAE]  }
0x2c: {  	s7 =	sld [smem:$0x3FAF]  }
0x2d: {  	s3 =	simm.s32 $0x108;
	s8 =	sld [smem:$0x3FB0]  }
0x2e: {  	s3 =	simm.s32 @!p0 $0x1082;
	s9 =	sld [smem:$0x3FB1]  }
0x2f: {  	lr =	sadd.s32 s0, s3;
	s0 =	sld [smem:$0x3FA8]  }
0x30: {  	s3 =	sld [smem:$0x3FAB]  }
0x31: {  	[smem:$0x3FB4] =	sst s10  }
0x32: {  	s10 =	sld [smem:$0x3FB2];
	_ =	sdelay $0x3  }
0x33: {  	p0 =	seq.s32 s10, $0x1;
	s10 =	sld [smem:$0x3FB4];
	_ =	sdelay $0x3  }
0x34: {  	[smem:$0x3FB4] =	sst s10  }
0x35: {  	s10 =	sld [smem:$0x3FB3];
	_ =	sdelay $0x3  }
0x36: {  	p1 =	seq.s32 s10, $0x1;
	s10 =	sld [smem:$0x3FB4];
	_ =	sdelay $0x3  }
0x37: {  	[smem:$0x3FB4] =	sst s10  }
0x38: {  	s10 =	sld [smem:$0x3FB5]  }
0x39: {  	_ = 	snop;
	(pc) =	sbr.ind lr, $3  }
0x3a: {  	_ = 	snop  }
0x3b: {  	_ = 	snop  }
0x3c: {  	p2 =	seq.s32 s10, $0x1;
	s10 =	sld [smem:$0x3FB4]  }
0x3d: {  	_ =	shalt  }
0x3e: {  	_ =	shalt  }
0x3f: {  	_ =	shalt  }
0x40: {  	_ =	shalt  }
0x41: {  	_ =	shalt  }
0x42: {  	_ =	shalt  }
0x43: {  	_ =	shalt  }
0x44: {  	_ =	shalt  }
0x45: {  	_ =	shalt  }
0x46: {  	_ =	shalt  }
0x47: {  	_ =	shalt  }
0x48: {  	_ =	shalt  }
0x49: {  	_ =	shalt  }
0x4a: {  	_ =	shalt  }
0x4b: {  	_ =	shalt  }
0x4c: {  	_ =	shalt  }
0x4d: {  	_ =	shalt  }
0x4e: {  	_ =	shalt  }
0x4f: {  	_ =	shalt  }
0x50: {  	_ =	shalt  }
0x51: {  	_ =	shalt  }
0x52: {  	_ =	shalt  }
0x53: {  	_ =	shalt  }
0x54: {  	_ =	shalt  }
0x55: {  	_ =	shalt  }
0x56: {  	_ =	shalt  }
0x57: {  	_ =	shalt  }
0x58: {  	_ =	shalt  }
0x59: {  	_ =	shalt  }
0x5a: {  	_ =	shalt  }
0x5b: {  	_ =	shalt  }
0x5c: {  	_ =	shalt  }
0x5d: {  	_ =	shalt  }
0x5e: {  	_ =	shalt  }
0x5f: {  	_ =	shalt  }
0x60: {  	_ =	shalt  }
0x61: {  	_ =	shalt  }
0x62: {  	_ =	shalt  }
0x63: {  	_ =	shalt  }
0x64: {  	_ =	shalt  }
0x65: {  	_ =	shalt  }
0x66: {  	_ =	shalt  }
0x67: {  	_ =	shalt  }
0x68: {  	_ =	shalt  }
0x69: {  	_ =	shalt  }
0x6a: {  	_ =	shalt  }
0x6b: {  	_ =	shalt  }
0x6c: {  	_ =	shalt  }
0x6d: {  	_ =	shalt  }
0x6e: {  	_ =	shalt  }
0x6f: {  	_ =	shalt  }
0x70: {  	_ =	shalt  }
0x71: {  	_ =	shalt  }
0x72: {  	_ =	shalt  }
0x73: {  	_ =	shalt  }
0x74: {  	_ =	shalt  }
0x75: {  	_ =	shalt  }
0x76: {  	_ =	shalt  }
0x77: {  	_ =	shalt  }
0x78: {  	_ =	shalt  }
0x79: {  	_ =	shalt  }
0x7a: {  	_ =	shalt  }
0x7b: {  	_ =	shalt  }
0x7c: {  	_ =	shalt  }
0x7d: {  	_ =	shalt  }
0x7e: {  	_ =	shalt  }
0x7f: {  	_ =	shalt  }
0x80: {  	_ =	shalt  }
0x81: {  	_ =	shalt  }
0x82: {  	_ =	shalt  }
0x83: {  	_ =	shalt  }
0x84: {  	_ =	shalt  }
0x85: {  	_ =	shalt  }
0x86: {  	_ =	shalt  }
0x87: {  	_ =	shalt  }
.Lfunc_end0:
.L_simem_size_0:
called_computation.2_lowered:
.L_overlay_start_0:
0x88: {  	s2 =	sld [smem:$0x3FD9]  }
0x89: {  	s3 =	sld [smem:$0x3FFE];
	_ =	sdelay $0x1  }
0x8a: {  	s1 =	srdreg.scid  }
0x8b: {  	s0 =	sand.u32 $0x1, s1  }
0x8c: {  	s16 =	sshll.u32 s0, $0xA;
	s2 =	sadd.s32 s3, s2  }
0x8d: {  	s2 =	sadd.s32 s2, s16  }
0x8e: {  	[smem:$0x3FC0] =	sst s2  }
0x8f: {  	_ = 	snop  }
0x90: {  	(tm) =	ssettm $0x1  }
0x91: {  	s17 =	sld [smem:$0x3FFB];
	_ =	sdelay $0x3  }
0x92: {  	_ =	strace s17  }
0x93: {  	s2 =	sld [smem:$0x3FFC];
	_ =	sdelay $0x3  }
0x94: {  	_ =	strace s2  }
0x95: {  	s2 =	sld [smem:$0x3FFD];
	_ =	sdelay $0x3  }
0x96: {  	_ =	strace s2  }
0x97: {  	_ =	strace $0x8FFFFFFF  }
0x98: {  	s18 =	sld [smem:$0x3FDB];
	_ =	sdelay $0x1  }
0x99: {  	s19 =	simm.s32 $_scs_section_size  }
0x9a: {  	s4 =	simm.s32 $_size__tile_overlayer_lowered;
	s5 =	simm.s32 $_tile_overlayer_lowered  }
0x9b: {  	s22 =	simm.s32 $0x1BFF;
	s21 =	sshll.u32 s5, $0x1;
	s2 =	sadd.s32 s19, s18  }
0x9c: {  	s6 =	simm.s32 $0x0;
	s20 =	sshll.u32 s4, $0x1;
	s4 =	sadd.s32 s21, s2  }
0x9d: {  	[timem:s6], [sflag:s22] =	dma.local [hbm:s4], s20  }
0x9e: {  	_ =	swait.ge [sflag:s22], s20  }
0x9f: {  	s3 =	ssub.s32 $0x0, s20;
	[sflag:s22] =	ssyncset.done $0x0  }
0xa0: {  	[sflag:s22] =	ssyncadd.s32 s3;
	_ =	sdelay $0x1  }
0xa1: {  	s23 =	simm.s32 $0x1B8B  }
0xa2: {  	_ =	swait.ge [sflag:s23], $0x1  }
0xa3: {  	[sflag:s23] =	ssyncset.done $0x0  }
0xa4: {  	s25 =	simm.s32 $0x1B8E;
	s24 =	sld [smem:$0x3FFE];
	[sflag:s23] =	ssyncadd.s32 $0xFFFFFFFF  }
0xa5: {  	s26 =	simm.s32 $execute0_lowered;
	[smem:$0x3FD2] =	sst s25  }
0xa6: {  	s4 =	sshll.u32 s26, $0x1;
	_ =	strace $0x8000004C;
	[dreg:$0x1] =	wrdreg $0xFFFFFFFF  }
0xa7: {  	s28 =	simm.s32 $_size_execute0_lowered;
	s2 =	sadd.s32 s2, s4;
	[dreg:$0x0] =	wrdreg $0x0  }
0xa8: {  	s4 =	sshll.u32 s28, $0x1;
	[dreg:$0x2] =	wrdreg s2  }
0xa9: {  	[dreg:$0x3] =	wrdreg s4  }
0xaa: {  	[dreg:$0x4] =	wrdreg $0xC0  }
0xab: {  	_ =	task [dreg:s6], $0x5FFFF  }
0xac: {  	[dreg:$0x1] =	wrdreg $0xFFFFFFFF  }
0xad: {  	[dreg:$0x0] =	wrdreg $0x60  }
0xae: {  	[dreg:$0x2] =	wrdreg s24  }
0xaf: {  	[dreg:$0x3] =	wrdreg $0x0  }
0xb0: {  	[dreg:$0x4] =	wrdreg $0x9  }
0xb1: {  	_ =	task.clear_ibuf [dreg:s6], $0x5FFFF;
	_ =	strace $0x9000004C  }
0xb2: {  	s29 =	simm.s32 $0x9;
	_ =	strace $0x8000004E  }
0xb3: {  	_ =	swait.ge [sflag:s29], $0x1  }
0xb4: {  	[sflag:s29] =	ssyncadd.s32 $0xFFFFFFFF  }
0xb5: {  	_ =	strace $0x9000004E  }
0xb6: {  	_ =	sfence  }
0xb7: {  	s30 =	sld [smem:$0x0];
	_ =	sdelay $0x2  }
0xb8: {  	s31 =	sshll.u32 s1, $0xD;
	s1 =	sshrl.u32 s1, $0x2  }
0xb9: {  	s3 =	sand.u32 $0x4000, s31;
	s1 =	sadd.s32 s1, s30  }
0xba: {  	s0 =	sor.u32 s3, s0;
	s1 =	sshll.u32 s1, $0x11  }
0xbb: {  	s0 =	sor.u32 s1, s0  }
0xbc: {  	s0 =	sadd.s32 $0x8F2B, s0  }
0xbd: {  	[sflag:s0] =	ssyncadd.remote.s32 $0x1  }
0xbe: {  	_ =	sfence.sel $0xFFFF  }
0xbf: {  	[dreg:$0x0] =	wrdreg $0xFFFFFFFF;
	(pc) =	sbr.abs _section_cstart, $3  }
0xc0: {  	[dreg:$0x1] =	wrdreg $0xFFFFFFFF  }
0xc1: {  	_ =	task.clear_ibuf [dreg:s6], $0x2FFFF;
	_ =	strace $0x9FFFFFFF  }
0xc2: {  	(tm) =	ssettm $0x7FFFFFFF  }
0xc3: {  	_ =	shalt  }
tec
execute0_lowered:
.L_overlay_start_1:
0x0: {  	(tag) =	ssettag $0x1  }
0x1: {  	s0 =	srdreg.scid;
	s1 =	rddreg [dreg:$0x0]  }
0x2: {  	s11 =	stileid.u32;
	s2 =	rddreg [dreg:$0x1]  }
0x3: {  	s3 =	simm.s32 $0x0;
	s13 =	simm.s32 $0x14080;
	s15 =	simm.s32 $0x14100  }
0x4: {  	s16 =	simm.s32 $0x14180;
	s18 =	simm.s32 $0x14200;
	[smem:$0x7FF] =	sst s3  }
0x5: {  	s19 =	simm.s32 $0x14880;
	_ =	strace $0x8000004D;
	[dreg:$0x5] =	wrdreg s13  }
0x6: {  	s21 =	simm.s32 $0x14280;
	s28 =	simm.s32 $0x19000;
	[dreg:$0x6] =	wrdreg s15  }
0x7: {  	s29 =	simm.s32 $0x1;
	s30 =	simm.s32 $0x1B000;
	[dreg:$0x7] =	wrdreg s16  }
0x8: {  	s31 =	simm.s32 $0x2;
	s4 =	smul.u32 $0xA000, s11;
	[dreg:$0x8] =	wrdreg s18  }
0x9: {  	s0 =	sand.u32 $0x1, s0;
	s8 =	smul.u32 $0x50000, s11;
	[dreg:$0x9] =	wrdreg s19  }
0xa: {  	s5 =	smul.u32 $0x5000, s0;
	[dreg:$0xa] =	wrdreg s21;
	s13 =	simm.s32 $0x14A00  }
0xb: {  	s6 =	smul.u32 $0x28000, s0;
	s15 =	simm.s32 $0x14400;
	[dreg:$0xf] =	wrdreg s13  }
0xc: {  	s0 =	ssub.s32 $0x2, s0;
	s16 =	simm.s32 $0x14A80;
	[dreg:$0x10] =	wrdreg s15  }
0xd: {  	s18 =	simm.s32 $0x14B00;
	s19 =	simm.s32 $0x14500;
	[dreg:$0x11] =	wrdreg s16  }
0xe: {  	s21 =	simm.s32 $0x14580;
	s22 =	sshrl.u32 s8, $0x2;
	[dreg:$0x13] =	wrdreg s18  }
0xf: {  	s9 =	sshrl.u32 s0, $0x1;
	[dreg:$0x14] =	wrdreg s19;
	s16 =	simm.s32 $0x15000  }
0x10: {  	s18 =	simm.s32 $0x14000;
	[dreg:$0x16] =	wrdreg s21;
	s19 =	simm.s32 $0x14800  }
0x11: {  	s15 =	simm.s32 $0x14700;
	s21 =	simm.s32 $0x14780;
	s4 =	sadd.s32 s5, s4  }
0x12: {  	s5 =	smul.u32 $0x280, s11;
	s12 =	sadd.s32 s22, s2;
	s22 =	simm.s32 $0x14900  }
0x13: {  	s0 =	ssub.s32 s0, s9;
	s7 =	sshrl.u32 s4, $0x3;
	[dreg:$0xb] =	wrdreg s22  }
0x14: {  	s4 =	sadd.s32 $0x7AA00, s1;
	s24 =	sadd.s32 $0x2000, s12;
	[dreg:$0x17] =	wrdreg s12  }
0x15: {  	s25 =	sadd.s32 $0x6000, s12;
	s14 =	sadd.s32 $0xA000, s12;
	[dreg:$0x18] =	wrdreg s24  }
0x16: {  	s20 =	sadd.s32 $0xE000, s12;
	s0 =	smax.u32 s0, $0x1;
	[dreg:$0x1a] =	wrdreg s25  }
0x17: {  	s7 =	sadd.s32 s7, s1;
	s1 =	sadd.s32 s6, s1;
	[dreg:$0x1c] =	wrdreg s14  }
0x18: {  	s8 =	sadd.s32 $0x80, s5;
	s9 =	sadd.s32 $0x180, s5;
	[dreg:$0x1e] =	wrdreg s20  }
0x19: {  	s24 =	simm.s32 $0x14300;
	s25 =	simm.s32 $0x14980;
	s14 =	smul.u32 $0x2800, s11  }
0x1a: {  	[smem:$0x7F8] =	sst s0;
	s20 =	simm.s32 $0x14B80;
	s0 =	simm.s32 $0x4  }
0x1b: {  	s23 =	sshll.u32 s8, $0x7;
	s26 =	sadd.s32 $0x52A00, s7;
	[dreg:$0xc] =	wrdreg s24  }
0x1c: {  	s7 =	sadd.s32 $0x66A00, s7;
	s17 =	sshll.u32 s9, $0x7;
	[dreg:$0xd] =	wrdreg s25  }
0x1d: {  	s1 =	sadd.s32 $0xA2A00, s1;
	s8 =	sshll.u32 s8, $0x4;
	[dreg:$0x15] =	wrdreg s20  }
0x1e: {  	s9 =	sshll.u32 s9, $0x4;
	s20 =	simm.s32 $0x14D80;
	[dreg:$0x3] =	wrdreg s26  }
0x1f: {  	s6 =	sadd.s32 s23, s2;
	[dreg:$0x4] =	wrdreg s7;
	s26 =	sadd.s32 $0x12000, s12  }
0x20: {  	s12 =	simm.s32 $0x14380;
	s22 =	sadd.s32 s14, s1;
	[dreg:$0x19] =	wrdreg s6  }
0x21: {  	s25 =	sadd.s32 s9, s1;
	s14 =	simm.s32 $0x14D00;
	[smem:$0x7F7] =	sst s26  }
0x22: {  	s7 =	simm.s32 $0x14F80;
	s9 =	simm.s32 $0x0;
	[dreg:$0xe] =	wrdreg s12  }
0x23: {  	s6 =	sadd.s32 $0x100, s5;
	s5 =	sadd.s32 $0x200, s5;
	[smem:$0x7F9] =	sst s22  }
0x24: {  	[smem:$0x7FC] =	sst s25;
	s25 =	simm.s32 $0x40;
	s12 =	simm.s32 $0x14680  }
0x25: {  	s22 =	simm.s32 $0x14E00;
	s10 =	sshll.u32 s6, $0x7;
	s23 =	sshll.u32 s5, $0x7  }
0x26: {  	s6 =	sshll.u32 s6, $0x4;
	s5 =	sshll.u32 s5, $0x4;
	s10 =	sadd.s32 s10, s2  }
0x27: {  	s24 =	sadd.s32 s6, s1;
	s26 =	sadd.s32 s5, s1;
	[dreg:$0x1b] =	wrdreg s10  }
0x28: {  	s6 =	simm.s32 $0x14C00;
	s10 =	sadd.s32 s17, s2;
	[smem:$0x7FB] =	sst s24  }
0x29: {  	s17 =	simm.s32 $0x14480;
	[smem:$0x7FD] =	sst s26;
	s26 =	simm.s32 $0x17000  }
0x2a: {  	s24 =	simm.s32 $0x14F00;
	[dreg:$0x1d] =	wrdreg s10;
	s10 =	sadd.s32 s23, s2  }
0x2b: {  	[dreg:$0x12] =	wrdreg s17;
	s17 =	simm.s32 $0x5;
	s23 =	sadd.s32 s8, s1  }
0x2c: {  	s1 =	simm.s32 $0x3;
	s8 =	simm.s32 $0x14600;
	[dreg:$0x1f] =	wrdreg s10  }
0x2d: {  	v0 =	vimm.f32 $0.0e+00;
	[smem:$0x7FA] =	sst s23;
	s10 =	simm.s32 $0x14C80;
	s23 =	simm.s32 $0x14E80  }
.LBB2_1:
0x2e: {  	s11 =	simm.s32 $0x0;
	s13 =	simm.s32 $0x200  }
.LBB2_2:
0x2f: {  	p0 =	sne.s32 s13, $0x7E00;
	[tilespmem:s11+$0x15070] =	vst v0  }
0x30: {  	[tilespmem:s11+$0x15000] =	vst v0  }
0x31: {  	[tilespmem:s11+$0x15010] =	vst v0  }
.Ltmp0:
0x32: {  	[tilespmem:s11+$0x15020] =	vst v0;
	(pc) =	sbr.rel @p0 .LBB2_2-.Ltmp0, $4  }
0x33: {  	[tilespmem:s11+$0x15030] =	vst v0  }
0x34: {  	[tilespmem:s11+$0x15040] =	vst v0  }
0x35: {  	[tilespmem:s11+$0x15050] =	vst v0  }
0x36: {  	[tilespmem:s11+$0x15060] =	vst v0;
	s11 =	sshra.s32 s13, $0x2;
	s13 =	sadd.s32 $0x200, s13  }
0x37: {  	[tilespmem:s11+$0x15070] =	vst v0  }
0x38: {  	[tilespmem:s11+$0x15000] =	vst v0  }
0x39: {  	[tilespmem:s11+$0x15010] =	vst v0  }
0x3a: {  	[tilespmem:s11+$0x15020] =	vst v0  }
0x3b: {  	[tilespmem:s11+$0x15030] =	vst v0  }
0x3c: {  	[tilespmem:s11+$0x15040] =	vst v0  }
0x3d: {  	[smem:$0x7F6] =	sst s9;
	[tilespmem:s11+$0x15050] =	vst v0  }
0x3e: {  	[tilespmem:s11+$0x15060] =	vst v0;
	s5 =	rddreg [dreg:$0x17]  }
0x3f: {  	[spmem:s5] =	stream.linear.scatter [tilespmem:s16], [sflag:$0x5], $0x2000, $0x38;
	[tilespmem:$0x1D000] =	vst v63  }
0x40: {  	_ =	swait.ge [sflag:s17], $0x2000  }
0x41: {  	[sflag:s17] =	ssyncset.done $0x0  }
0x42: {  	s9 =	rddreg [dreg:$0x18];
	[sflag:s17] =	ssyncadd.s32 $0xFFFFE000  }
0x43: {  	[spmem:s9] =	stream.linear.scatter [tilespmem:s16], [sflag:$0x5], $0x2000, $0x38;
	[tilespmem:$0x1D000] =	vst v63  }
0x44: {  	_ =	swait.ge [sflag:s17], $0x2000  }
0x45: {  	[sflag:s17] =	ssyncset.done $0x0  }
0x46: {  	s11 =	rddreg [dreg:$0x19];
	[sflag:s17] =	ssyncadd.s32 $0xFFFFE000  }
0x47: {  	[spmem:s11] =	stream.linear.scatter [tilespmem:s16], [sflag:$0x5], $0x2000, $0x38;
	[tilespmem:$0x1D000] =	vst v63  }
0x48: {  	_ =	swait.ge [sflag:s17], $0x2000  }
0x49: {  	[sflag:s17] =	ssyncset.done $0x0  }
0x4a: {  	s13 =	rddreg [dreg:$0x1a];
	[sflag:s17] =	ssyncadd.s32 $0xFFFFE000  }
0x4b: {  	[spmem:s13] =	stream.linear.scatter [tilespmem:s16], [sflag:$0x5], $0x2000, $0x38;
	[tilespmem:$0x1D000] =	vst v63  }
0x4c: {  	_ =	swait.ge [sflag:s17], $0x2000  }
0x4d: {  	[sflag:s17] =	ssyncset.done $0x0  }
0x4e: {  	s9 =	rddreg [dreg:$0x1b];
	[sflag:s17] =	ssyncadd.s32 $0xFFFFE000  }
0x4f: {  	[spmem:s9] =	stream.linear.scatter [tilespmem:s16], [sflag:$0x5], $0x2000, $0x38;
	[tilespmem:$0x1D000] =	vst v63  }
0x50: {  	_ =	swait.ge [sflag:s17], $0x2000  }
0x51: {  	[sflag:s17] =	ssyncset.done $0x0  }
0x52: {  	s11 =	rddreg [dreg:$0x1c];
	[sflag:s17] =	ssyncadd.s32 $0xFFFFE000  }
0x53: {  	[spmem:s11] =	stream.linear.scatter [tilespmem:s16], [sflag:$0x5], $0x2000, $0x38;
	[tilespmem:$0x1D000] =	vst v63  }
0x54: {  	_ =	swait.ge [sflag:s17], $0x2000  }
0x55: {  	[sflag:s17] =	ssyncset.done $0x0  }
0x56: {  	s13 =	rddreg [dreg:$0x1d];
	[sflag:s17] =	ssyncadd.s32 $0xFFFFE000  }
0x57: {  	[spmem:s13] =	stream.linear.scatter [tilespmem:s16], [sflag:$0x5], $0x2000, $0x38;
	[tilespmem:$0x1D000] =	vst v63  }
0x58: {  	_ =	swait.ge [sflag:s17], $0x2000  }
0x59: {  	[sflag:s17] =	ssyncset.done $0x0  }
0x5a: {  	s9 =	rddreg [dreg:$0x1e];
	[sflag:s17] =	ssyncadd.s32 $0xFFFFE000  }
0x5b: {  	[spmem:s9] =	stream.linear.scatter [tilespmem:s16], [sflag:$0x5], $0x2000, $0x38;
	[tilespmem:$0x1D000] =	vst v63  }
0x5c: {  	_ =	swait.ge [sflag:s17], $0x2000  }
0x5d: {  	[sflag:s17] =	ssyncset.done $0x0  }
0x5e: {  	s11 =	rddreg [dreg:$0x1f];
	[sflag:s17] =	ssyncadd.s32 $0xFFFFE000  }
0x5f: {  	[spmem:s11] =	stream.linear.scatter [tilespmem:s16], [sflag:$0x5], $0x2000, $0x38;
	[tilespmem:$0x1D000] =	vst v63  }
0x60: {  	_ =	swait.ge [sflag:s17], $0x2000  }
0x61: {  	s13 =	sld [smem:$0x7F7]  }
0x62: {  	[sflag:s17] =	ssyncset.done $0x0  }
0x63: {  	[sflag:s17] =	ssyncadd.s32 $0xFFFFE000  }
0x64: {  	[spmem:s13] =	stream.linear.scatter [tilespmem:s16], [sflag:$0x5], $0x2000, $0x38;
	[tilespmem:$0x1D000] =	vst v63  }
0x65: {  	_ =	swait.ge [sflag:s17], $0x2000  }
0x66: {  	[sflag:s17] =	ssyncset.done $0x0  }
0x67: {  	[sflag:s17] =	ssyncadd.s32 $0xFFFFE000  }
0x68: {  	[bflag:$0x0] =	sbarrier.arrive $0xFFFF  }
0x69: {  	s9 =	rddreg [dreg:$0x4]  }
0x6a: {  	s5 =	sadd.s32 $0x0, s9  }
0x6b: {  	[tilespmem:s18], [sflag:$0x5] =	stream.linear.gather [hbm4b:s5+s3], $0x800, $0x38;
	[tilespmem:$0x1D000] =	vst v63  }
0x6c: {  	_ =	swait.ge [sflag:s17], $0x800  }
0x6d: {  	s11 =	rddreg [dreg:$0x3];
	[sflag:s17] =	ssyncset.done $0x0  }
0x6e: {  	[sflag:s17] =	ssyncadd.s32 $0xFFFFF800;
	s5 =	sadd.s32 $0x0, s11  }
0x6f: {  	[tilespmem:s19], [sflag:$0x5] =	stream.linear.gather [hbm4b:s5+s3], $0x800, $0x38;
	[tilespmem:$0x1D000] =	vst v63  }
0x70: {  	_ =	swait.ge [sflag:s17], $0x800  }
0x71: {  	[sflag:s17] =	ssyncset.done $0x0  }
0x72: {  	[sflag:s17] =	ssyncadd.s32 $0xFFFFF800  }
0x73: {  	[tilespmem:s16], [sflag:$0x1] =	stream.indirect.gather [hbm4b:s4+s25], $0x80, s18, s25, $0xb8;
	[tilespmem:$0x1D000] =	vst v63  }
0x74: {  	s13 =	rddreg [dreg:$0x5]  }
0x75: {  	[tilespmem:s26], [sflag:$0x2] =	stream.indirect.gather [hbm4b:s4+s25], $0x80, s13, s25, $0xb8;
	[tilespmem:$0x1D000] =	vst v63  }
0x76: {  	s9 =	rddreg [dreg:$0x6]  }
0x77: {  	[tilespmem:s28], [sflag:$0x3] =	stream.indirect.gather [hbm4b:s4+s25], $0x80, s9, s25, $0xb8;
	[tilespmem:$0x1D000] =	vst v63  }
0x78: {  	_ =	swait.ge [sflag:s29], $0x2000  }
0x79: {  	[sflag:s29] =	ssyncset.done $0x0  }
0x7a: {  	s11 =	rddreg [dreg:$0x7];
	[sflag:s29] =	ssyncadd.s32 $0xFFFFE000  }
0x7b: {  	[tilespmem:s30], [sflag:$0x4] =	stream.indirect.gather [hbm4b:s4+s25], $0x80, s11, s25, $0xb8;
	[tilespmem:$0x1D000] =	vst v63  }
0x7c: {  	_ = 	snop  }
0x7d: {  	[spmem:s2] =	stream.indirect.scatter.add.f32 [tilespmem:s16], [sflag:$0x5], $0x80, s19, s25, $0xb8;
	[tilespmem:$0x1D000] =	vst v63  }
0x7e: {  	_ =	swait.ge [sflag:s17], $0x2000  }
0x7f: {  	[sflag:s17] =	ssyncset.done $0x0  }
0x80: {  	[sflag:s17] =	ssyncadd.s32 $0xFFFFE000  }
0x81: {  	_ =	swait.ge [sflag:s31], $0x2000  }
0x82: {  	[sflag:s31] =	ssyncset.done $0x0  }
0x83: {  	s13 =	rddreg [dreg:$0x8];
	[sflag:s31] =	ssyncadd.s32 $0xFFFFE000  }
0x84: {  	[tilespmem:s16], [sflag:$0x1] =	stream.indirect.gather [hbm4b:s4+s25], $0x80, s13, s25, $0xb8;
	[tilespmem:$0x1D000] =	vst v63  }
0x85: {  	s9 =	rddreg [dreg:$0x9]  }
0x86: {  	[spmem:s2] =	stream.indirect.scatter.add.f32 [tilespmem:s26], [sflag:$0x5], $0x80, s9, s25, $0xb8;
	[tilespmem:$0x1D000] =	vst v63  }
0x87: {  	_ =	swait.ge [sflag:s17], $0x2000  }
0x88: {  	[sflag:s17] =	ssyncset.done $0x0  }
0x89: {  	[sflag:s17] =	ssyncadd.s32 $0xFFFFE000  }
0x8a: {  	_ =	swait.ge [sflag:s1], $0x2000  }
0x8b: {  	[sflag:s1] =	ssyncset.done $0x0  }
0x8c: {  	s13 =	rddreg [dreg:$0xa];
	[sflag:s1] =	ssyncadd.s32 $0xFFFFE000  }
0x8d: {  	[tilespmem:s26], [sflag:$0x2] =	stream.indirect.gather [hbm4b:s4+s25], $0x80, s13, s25, $0xb8;
	[tilespmem:$0x1D000] =	vst v63  }
0x8e: {  	s9 =	rddreg [dreg:$0xb]  }
0x8f: {  	[spmem:s2] =	stream.indirect.scatter.add.f32 [tilespmem:s28], [sflag:$0x5], $0x80, s9, s25, $0xb8;
	[tilespmem:$0x1D000] =	vst v63  }
0x90: {  	_ =	swait.ge [sflag:s17], $0x2000  }
0x91: {  	[sflag:s17] =	ssyncset.done $0x0  }
0x92: {  	[sflag:s17] =	ssyncadd.s32 $0xFFFFE000  }
0x93: {  	_ =	swait.ge [sflag:s0], $0x2000  }
0x94: {  	[sflag:s0] =	ssyncset.done $0x0  }
0x95: {  	s13 =	rddreg [dreg:$0xc];
	[sflag:s0] =	ssyncadd.s32 $0xFFFFE000  }
0x96: {  	[tilespmem:s28], [sflag:$0x3] =	stream.indirect.gather [hbm4b:s4+s25], $0x80, s13, s25, $0xb8;
	[tilespmem:$0x1D000] =	vst v63  }
0x97: {  	s9 =	rddreg [dreg:$0xd]  }
0x98: {  	[spmem:s2] =	stream.indirect.scatter.add.f32 [tilespmem:s30], [sflag:$0x5], $0x80, s9, s25, $0xb8;
	[tilespmem:$0x1D000] =	vst v63  }
0x99: {  	_ =	swait.ge [sflag:s17], $0x2000  }
0x9a: {  	[sflag:s17] =	ssyncset.done $0x0  }
0x9b: {  	[sflag:s17] =	ssyncadd.s32 $0xFFFFE000  }
0x9c: {  	_ =	swait.ge [sflag:s29], $0x2000  }
0x9d: {  	[sflag:s29] =	ssyncset.done $0x0  }
0x9e: {  	s13 =	rddreg [dreg:$0xe];
	[sflag:s29] =	ssyncadd.s32 $0xFFFFE000  }
0x9f: {  	[tilespmem:s30], [sflag:$0x4] =	stream.indirect.gather [hbm4b:s4+s25], $0x80, s13, s25, $0xb8;
	[tilespmem:$0x1D000] =	vst v63  }
0xa0: {  	s9 =	rddreg [dreg:$0xf]  }
0xa1: {  	[spmem:s2] =	stream.indirect.scatter.add.f32 [tilespmem:s16], [sflag:$0x5], $0x80, s9, s25, $0xb8;
	[tilespmem:$0x1D000] =	vst v63  }
0xa2: {  	_ =	swait.ge [sflag:s17], $0x2000  }
0xa3: {  	[sflag:s17] =	ssyncset.done $0x0  }
0xa4: {  	[sflag:s17] =	ssyncadd.s32 $0xFFFFE000  }
0xa5: {  	_ =	swait.ge [sflag:s31], $0x2000  }
0xa6: {  	[sflag:s31] =	ssyncset.done $0x0  }
0xa7: {  	s13 =	rddreg [dreg:$0x10];
	[sflag:s31] =	ssyncadd.s32 $0xFFFFE000  }
0xa8: {  	[tilespmem:s16], [sflag:$0x1] =	stream.indirect.gather [hbm4b:s4+s25], $0x80, s13, s25, $0xb8;
	[tilespmem:$0x1D000] =	vst v63  }
0xa9: {  	s9 =	rddreg [dreg:$0x11]  }
0xaa: {  	[spmem:s2] =	stream.indirect.scatter.add.f32 [tilespmem:s26], [sflag:$0x5], $0x80, s9, s25, $0xb8;
	[tilespmem:$0x1D000] =	vst v63  }
0xab: {  	_ =	swait.ge [sflag:s17], $0x2000  }
0xac: {  	[sflag:s17] =	ssyncset.done $0x0  }
0xad: {  	[sflag:s17] =	ssyncadd.s32 $0xFFFFE000  }
0xae: {  	_ =	swait.ge [sflag:s1], $0x2000  }
0xaf: {  	[sflag:s1] =	ssyncset.done $0x0  }
0xb0: {  	s13 =	rddreg [dreg:$0x12];
	[sflag:s1] =	ssyncadd.s32 $0xFFFFE000  }
0xb1: {  	[tilespmem:s26], [sflag:$0x2] =	stream.indirect.gather [hbm4b:s4+s25], $0x80, s13, s25, $0xb8;
	[tilespmem:$0x1D000] =	vst v63  }
0xb2: {  	s9 =	rddreg [dreg:$0x13]  }
0xb3: {  	[spmem:s2] =	stream.indirect.scatter.add.f32 [tilespmem:s28], [sflag:$0x5], $0x80, s9, s25, $0xb8;
	[tilespmem:$0x1D000] =	vst v63  }
0xb4: {  	_ =	swait.ge [sflag:s17], $0x2000  }
0xb5: {  	[sflag:s17] =	ssyncset.done $0x0  }
0xb6: {  	[sflag:s17] =	ssyncadd.s32 $0xFFFFE000  }
0xb7: {  	_ =	swait.ge [sflag:s0], $0x2000  }
0xb8: {  	[sflag:s0] =	ssyncset.done $0x0  }
0xb9: {  	s13 =	rddreg [dreg:$0x14];
	[sflag:s0] =	ssyncadd.s32 $0xFFFFE000  }
0xba: {  	[tilespmem:s28], [sflag:$0x3] =	stream.indirect.gather [hbm4b:s4+s25], $0x80, s13, s25, $0xb8;
	[tilespmem:$0x1D000] =	vst v63  }
0xbb: {  	s9 =	rddreg [dreg:$0x15]  }
0xbc: {  	[spmem:s2] =	stream.indirect.scatter.add.f32 [tilespmem:s30], [sflag:$0x5], $0x80, s9, s25, $0xb8;
	[tilespmem:$0x1D000] =	vst v63  }
0xbd: {  	_ =	swait.ge [sflag:s17], $0x2000  }
0xbe: {  	[sflag:s17] =	ssyncset.done $0x0  }
0xbf: {  	[sflag:s17] =	ssyncadd.s32 $0xFFFFE000  }
0xc0: {  	_ =	swait.ge [sflag:s29], $0x2000  }
0xc1: {  	[sflag:s29] =	ssyncset.done $0x0  }
0xc2: {  	s13 =	rddreg [dreg:$0x16];
	[sflag:s29] =	ssyncadd.s32 $0xFFFFE000  }
0xc3: {  	[tilespmem:s30], [sflag:$0x4] =	stream.indirect.gather [hbm4b:s4+s25], $0x80, s13, s25, $0xb8;
	[tilespmem:$0x1D000] =	vst v63  }
0xc4: {  	_ = 	snop  }
0xc5: {  	[spmem:s2] =	stream.indirect.scatter.add.f32 [tilespmem:s16], [sflag:$0x5], $0x80, s6, s25, $0xb8;
	[tilespmem:$0x1D000] =	vst v63  }
0xc6: {  	_ =	swait.ge [sflag:s17], $0x2000  }
0xc7: {  	[sflag:s17] =	ssyncset.done $0x0  }
0xc8: {  	[sflag:s17] =	ssyncadd.s32 $0xFFFFE000  }
0xc9: {  	_ =	swait.ge [sflag:s31], $0x2000  }
0xca: {  	[sflag:s31] =	ssyncset.done $0x0  }
0xcb: {  	[sflag:s31] =	ssyncadd.s32 $0xFFFFE000  }
0xcc: {  	[tilespmem:s16], [sflag:$0x1] =	stream.indirect.gather [hbm4b:s4+s25], $0x80, s8, s25, $0xb8;
	[tilespmem:$0x1D000] =	vst v63  }
0xcd: {  	_ = 	snop  }
0xce: {  	[spmem:s2] =	stream.indirect.scatter.add.f32 [tilespmem:s26], [sflag:$0x5], $0x80, s10, s25, $0xb8;
	[tilespmem:$0x1D000] =	vst v63  }
0xcf: {  	_ =	swait.ge [sflag:s17], $0x2000  }
0xd0: {  	[sflag:s17] =	ssyncset.done $0x0  }
0xd1: {  	[sflag:s17] =	ssyncadd.s32 $0xFFFFE000  }
0xd2: {  	_ =	swait.ge [sflag:s1], $0x2000  }
0xd3: {  	[sflag:s1] =	ssyncset.done $0x0  }
0xd4: {  	[sflag:s1] =	ssyncadd.s32 $0xFFFFE000  }
0xd5: {  	[tilespmem:s26], [sflag:$0x2] =	stream.indirect.gather [hbm4b:s4+s25], $0x80, s12, s25, $0xb8;
	[tilespmem:$0x1D000] =	vst v63  }
0xd6: {  	_ = 	snop  }
0xd7: {  	[spmem:s2] =	stream.indirect.scatter.add.f32 [tilespmem:s28], [sflag:$0x5], $0x80, s14, s25, $0xb8;
	[tilespmem:$0x1D000] =	vst v63  }
0xd8: {  	_ =	swait.ge [sflag:s17], $0x2000  }
0xd9: {  	[sflag:s17] =	ssyncset.done $0x0  }
0xda: {  	[sflag:s17] =	ssyncadd.s32 $0xFFFFE000  }
0xdb: {  	_ =	swait.ge [sflag:s0], $0x2000  }
0xdc: {  	[sflag:s0] =	ssyncset.done $0x0  }
0xdd: {  	[sflag:s0] =	ssyncadd.s32 $0xFFFFE000  }
0xde: {  	[tilespmem:s28], [sflag:$0x3] =	stream.indirect.gather [hbm4b:s4+s25], $0x80, s15, s25, $0xb8;
	[tilespmem:$0x1D000] =	vst v63  }
0xdf: {  	_ = 	snop  }
0xe0: {  	[spmem:s2] =	stream.indirect.scatter.add.f32 [tilespmem:s30], [sflag:$0x5], $0x80, s20, s25, $0xb8;
	[tilespmem:$0x1D000] =	vst v63  }
0xe1: {  	_ =	swait.ge [sflag:s17], $0x2000  }
0xe2: {  	[sflag:s17] =	ssyncset.done $0x0  }
0xe3: {  	[sflag:s17] =	ssyncadd.s32 $0xFFFFE000  }
0xe4: {  	_ =	swait.ge [sflag:s29], $0x2000  }
0xe5: {  	[sflag:s29] =	ssyncset.done $0x0  }
0xe6: {  	[sflag:s29] =	ssyncadd.s32 $0xFFFFE000  }
0xe7: {  	[tilespmem:s30], [sflag:$0x4] =	stream.indirect.gather [hbm4b:s4+s25], $0x80, s21, s25, $0xb8;
	[tilespmem:$0x1D000] =	vst v63  }
0xe8: {  	_ = 	snop  }
0xe9: {  	[spmem:s2] =	stream.indirect.scatter.add.f32 [tilespmem:s16], [sflag:$0x5], $0x80, s22, s25, $0xb8;
	[tilespmem:$0x1D000] =	vst v63  }
0xea: {  	_ =	swait.ge [sflag:s17], $0x2000  }
0xeb: {  	[sflag:s17] =	ssyncset.done $0x0  }
0xec: {  	[sflag:s17] =	ssyncadd.s32 $0xFFFFE000  }
0xed: {  	_ =	swait.ge [sflag:s31], $0x2000  }
0xee: {  	[sflag:s31] =	ssyncset.done $0x0  }
0xef: {  	[sflag:s31] =	ssyncadd.s32 $0xFFFFE000  }
0xf0: {  	[spmem:s2] =	stream.indirect.scatter.add.f32 [tilespmem:s26], [sflag:$0x5], $0x80, s23, s25, $0xb8;
	[tilespmem:$0x1D000] =	vst v63  }
0xf1: {  	_ =	swait.ge [sflag:s17], $0x2000  }
0xf2: {  	[sflag:s17] =	ssyncset.done $0x0  }
0xf3: {  	[sflag:s17] =	ssyncadd.s32 $0xFFFFE000  }
0xf4: {  	_ =	swait.ge [sflag:s1], $0x2000  }
0xf5: {  	[sflag:s1] =	ssyncset.done $0x0  }
0xf6: {  	[sflag:s1] =	ssyncadd.s32 $0xFFFFE000  }
0xf7: {  	[spmem:s2] =	stream.indirect.scatter.add.f32 [tilespmem:s28], [sflag:$0x5], $0x80, s24, s25, $0xb8;
	[tilespmem:$0x1D000] =	vst v63  }
0xf8: {  	_ =	swait.ge [sflag:s17], $0x2000  }
0xf9: {  	[sflag:s17] =	ssyncset.done $0x0  }
0xfa: {  	[sflag:s17] =	ssyncadd.s32 $0xFFFFE000  }
0xfb: {  	_ =	swait.ge [sflag:s0], $0x2000  }
0xfc: {  	[sflag:s0] =	ssyncset.done $0x0  }
0xfd: {  	[sflag:s0] =	ssyncadd.s32 $0xFFFFE000  }
0xfe: {  	[spmem:s2] =	stream.indirect.scatter.add.f32 [tilespmem:s30], [sflag:$0x5], $0x80, s7, s25, $0xb8;
	[tilespmem:$0x1D000] =	vst v63  }
0xff: {  	s11 =	simm.s32 $0x100;
	_ =	swait.ge [sflag:s17], $0x2000  }
0x100: {  	s13 =	simm.s32 $0x200;
	s5 =	rddreg [dreg:$0x4];
	[sflag:s17] =	ssyncset.done $0x0  }
.LBB2_4:
0x101: {  	[sflag:s17] =	ssyncadd.s32 $0xFFFFE000;
	s5 =	sadd.s32 s11, s5  }
0x102: {  	[tilespmem:s18], [sflag:$0x5] =	stream.linear.gather [hbm4b:s5+s3], $0x800, $0x38;
	[tilespmem:$0x1D000] =	vst v63  }
0x103: {  	_ =	swait.ge [sflag:s17], $0x800  }
0x104: {  	s5 =	rddreg [dreg:$0x3];
	[sflag:s17] =	ssyncset.done $0x0  }
0x105: {  	[sflag:s17] =	ssyncadd.s32 $0xFFFFF800;
	s5 =	sadd.s32 s11, s5  }
0x106: {  	[tilespmem:s19], [sflag:$0x5] =	stream.linear.gather [hbm4b:s5+s3], $0x800, $0x38;
	[tilespmem:$0x1D000] =	vst v63  }
0x107: {  	_ =	swait.ge [sflag:s17], $0x800  }
0x108: {  	[sflag:s17] =	ssyncset.done $0x0  }
0x109: {  	[sflag:s17] =	ssyncadd.s32 $0xFFFFF800  }
0x10a: {  	[tilespmem:s16], [sflag:$0x1] =	stream.indirect.gather [hbm4b:s4+s25], $0x80, s18, s25, $0xb8;
	[tilespmem:$0x1D000] =	vst v63  }
0x10b: {  	s9 =	smov.u32 s13;
	s5 =	rddreg [dreg:$0x5]  }
0x10c: {  	[tilespmem:s26], [sflag:$0x2] =	stream.indirect.gather [hbm4b:s4+s25], $0x80, s5, s25, $0xb8;
	[tilespmem:$0x1D000] =	vst v63  }
0x10d: {  	s11 =	smov.u32 s9;
	s9 =	rddreg [dreg:$0x6]  }
0x10e: {  	[tilespmem:s28], [sflag:$0x3] =	stream.indirect.gather [hbm4b:s4+s25], $0x80, s9, s25, $0xb8;
	[tilespmem:$0x1D000] =	vst v63  }
0x10f: {  	_ =	swait.ge [sflag:s29], $0x2000  }
0x110: {  	[sflag:s29] =	ssyncset.done $0x0  }
0x111: {  	s9 =	rddreg [dreg:$0x7];
	[sflag:s29] =	ssyncadd.s32 $0xFFFFE000  }
0x112: {  	[tilespmem:s30], [sflag:$0x4] =	stream.indirect.gather [hbm4b:s4+s25], $0x80, s9, s25, $0xb8;
	[tilespmem:$0x1D000] =	vst v63  }
0x113: {  	_ = 	snop  }
0x114: {  	[spmem:s2] =	stream.indirect.scatter.add.f32 [tilespmem:s16], [sflag:$0x5], $0x80, s19, s25, $0xb8;
	[tilespmem:$0x1D000] =	vst v63  }
0x115: {  	_ =	swait.ge [sflag:s17], $0x2000  }
0x116: {  	[sflag:s17] =	ssyncset.done $0x0  }
0x117: {  	[sflag:s17] =	ssyncadd.s32 $0xFFFFE000  }
0x118: {  	_ =	swait.ge [sflag:s31], $0x2000  }
0x119: {  	[sflag:s31] =	ssyncset.done $0x0  }
0x11a: {  	s5 =	rddreg [dreg:$0x8];
	[sflag:s31] =	ssyncadd.s32 $0xFFFFE000  }
0x11b: {  	[tilespmem:s16], [sflag:$0x1] =	stream.indirect.gather [hbm4b:s4+s25], $0x80, s5, s25, $0xb8;
	[tilespmem:$0x1D000] =	vst v63  }
0x11c: {  	s9 =	rddreg [dreg:$0x9]  }
0x11d: {  	[spmem:s2] =	stream.indirect.scatter.add.f32 [tilespmem:s26], [sflag:$0x5], $0x80, s9, s25, $0xb8;
	[tilespmem:$0x1D000] =	vst v63  }
0x11e: {  	_ =	swait.ge [sflag:s17], $0x2000  }
0x11f: {  	[sflag:s17] =	ssyncset.done $0x0  }
0x120: {  	[sflag:s17] =	ssyncadd.s32 $0xFFFFE000  }
0x121: {  	_ =	swait.ge [sflag:s1], $0x2000  }
0x122: {  	[sflag:s1] =	ssyncset.done $0x0  }
0x123: {  	s5 =	rddreg [dreg:$0xa];
	[sflag:s1] =	ssyncadd.s32 $0xFFFFE000  }
0x124: {  	[tilespmem:s26], [sflag:$0x2] =	stream.indirect.gather [hbm4b:s4+s25], $0x80, s5, s25, $0xb8;
	[tilespmem:$0x1D000] =	vst v63  }
0x125: {  	s9 =	rddreg [dreg:$0xb]  }
0x126: {  	[spmem:s2] =	stream.indirect.scatter.add.f32 [tilespmem:s28], [sflag:$0x5], $0x80, s9, s25, $0xb8;
	[tilespmem:$0x1D000] =	vst v63  }
0x127: {  	_ =	swait.ge [sflag:s17], $0x2000  }
0x128: {  	[sflag:s17] =	ssyncset.done $0x0  }
0x129: {  	[sflag:s17] =	ssyncadd.s32 $0xFFFFE000  }
0x12a: {  	_ =	swait.ge [sflag:s0], $0x2000  }
0x12b: {  	[sflag:s0] =	ssyncset.done $0x0  }
0x12c: {  	s5 =	rddreg [dreg:$0xc];
	[sflag:s0] =	ssyncadd.s32 $0xFFFFE000  }
0x12d: {  	[tilespmem:s28], [sflag:$0x3] =	stream.indirect.gather [hbm4b:s4+s25], $0x80, s5, s25, $0xb8;
	[tilespmem:$0x1D000] =	vst v63  }
0x12e: {  	s9 =	rddreg [dreg:$0xd]  }
0x12f: {  	[spmem:s2] =	stream.indirect.scatter.add.f32 [tilespmem:s30], [sflag:$0x5], $0x80, s9, s25, $0xb8;
	[tilespmem:$0x1D000] =	vst v63  }
0x130: {  	_ =	swait.ge [sflag:s17], $0x2000  }
0x131: {  	[sflag:s17] =	ssyncset.done $0x0  }
0x132: {  	[sflag:s17] =	ssyncadd.s32 $0xFFFFE000  }
0x133: {  	_ =	swait.ge [sflag:s29], $0x2000  }
0x134: {  	[sflag:s29] =	ssyncset.done $0x0  }
0x135: {  	s5 =	rddreg [dreg:$0xe];
	[sflag:s29] =	ssyncadd.s32 $0xFFFFE000  }
0x136: {  	[tilespmem:s30], [sflag:$0x4] =	stream.indirect.gather [hbm4b:s4+s25], $0x80, s5, s25, $0xb8;
	[tilespmem:$0x1D000] =	vst v63  }
0x137: {  	s9 =	rddreg [dreg:$0xf]  }
0x138: {  	[spmem:s2] =	stream.indirect.scatter.add.f32 [tilespmem:s16], [sflag:$0x5], $0x80, s9, s25, $0xb8;
	[tilespmem:$0x1D000] =	vst v63  }
0x139: {  	_ =	swait.ge [sflag:s17], $0x2000  }
0x13a: {  	[sflag:s17] =	ssyncset.done $0x0  }
0x13b: {  	[sflag:s17] =	ssyncadd.s32 $0xFFFFE000  }
0x13c: {  	_ =	swait.ge [sflag:s31], $0x2000  }
0x13d: {  	[sflag:s31] =	ssyncset.done $0x0  }
0x13e: {  	s5 =	rddreg [dreg:$0x10];
	[sflag:s31] =	ssyncadd.s32 $0xFFFFE000  }
0x13f: {  	[tilespmem:s16], [sflag:$0x1] =	stream.indirect.gather [hbm4b:s4+s25], $0x80, s5, s25, $0xb8;
	[tilespmem:$0x1D000] =	vst v63  }
0x140: {  	s9 =	rddreg [dreg:$0x11]  }
0x141: {  	[spmem:s2] =	stream.indirect.scatter.add.f32 [tilespmem:s26], [sflag:$0x5], $0x80, s9, s25, $0xb8;
	[tilespmem:$0x1D000] =	vst v63  }
0x142: {  	_ =	swait.ge [sflag:s17], $0x2000  }
0x143: {  	[sflag:s17] =	ssyncset.done $0x0  }
0x144: {  	[sflag:s17] =	ssyncadd.s32 $0xFFFFE000  }
0x145: {  	_ =	swait.ge [sflag:s1], $0x2000  }
0x146: {  	[sflag:s1] =	ssyncset.done $0x0  }
0x147: {  	s5 =	rddreg [dreg:$0x12];
	[sflag:s1] =	ssyncadd.s32 $0xFFFFE000  }
0x148: {  	[tilespmem:s26], [sflag:$0x2] =	stream.indirect.gather [hbm4b:s4+s25], $0x80, s5, s25, $0xb8;
	[tilespmem:$0x1D000] =	vst v63  }
0x149: {  	s9 =	rddreg [dreg:$0x13]  }
0x14a: {  	[spmem:s2] =	stream.indirect.scatter.add.f32 [tilespmem:s28], [sflag:$0x5], $0x80, s9, s25, $0xb8;
	[tilespmem:$0x1D000] =	vst v63  }
0x14b: {  	_ =	swait.ge [sflag:s17], $0x2000  }
0x14c: {  	[sflag:s17] =	ssyncset.done $0x0  }
0x14d: {  	[sflag:s17] =	ssyncadd.s32 $0xFFFFE000  }
0x14e: {  	_ =	swait.ge [sflag:s0], $0x2000  }
0x14f: {  	[sflag:s0] =	ssyncset.done $0x0  }
0x150: {  	s5 =	rddreg [dreg:$0x14];
	[sflag:s0] =	ssyncadd.s32 $0xFFFFE000  }
0x151: {  	[tilespmem:s28], [sflag:$0x3] =	stream.indirect.gather [hbm4b:s4+s25], $0x80, s5, s25, $0xb8;
	[tilespmem:$0x1D000] =	vst v63  }
0x152: {  	s9 =	rddreg [dreg:$0x15]  }
0x153: {  	[spmem:s2] =	stream.indirect.scatter.add.f32 [tilespmem:s30], [sflag:$0x5], $0x80, s9, s25, $0xb8;
	[tilespmem:$0x1D000] =	vst v63  }
0x154: {  	_ =	swait.ge [sflag:s17], $0x2000  }
0x155: {  	[sflag:s17] =	ssyncset.done $0x0  }
0x156: {  	[sflag:s17] =	ssyncadd.s32 $0xFFFFE000  }
0x157: {  	_ =	swait.ge [sflag:s29], $0x2000  }
0x158: {  	[sflag:s29] =	ssyncset.done $0x0  }
0x159: {  	s9 =	rddreg [dreg:$0x16];
	[sflag:s29] =	ssyncadd.s32 $0xFFFFE000  }
0x15a: {  	[tilespmem:s30], [sflag:$0x4] =	stream.indirect.gather [hbm4b:s4+s25], $0x80, s9, s25, $0xb8;
	[tilespmem:$0x1D000] =	vst v63  }
0x15b: {  	_ = 	snop  }
0x15c: {  	[spmem:s2] =	stream.indirect.scatter.add.f32 [tilespmem:s16], [sflag:$0x5], $0x80, s6, s25, $0xb8;
	[tilespmem:$0x1D000] =	vst v63  }
0x15d: {  	_ =	swait.ge [sflag:s17], $0x2000  }
0x15e: {  	[sflag:s17] =	ssyncset.done $0x0  }
0x15f: {  	[sflag:s17] =	ssyncadd.s32 $0xFFFFE000  }
0x160: {  	_ =	swait.ge [sflag:s31], $0x2000  }
0x161: {  	[sflag:s31] =	ssyncset.done $0x0  }
0x162: {  	[sflag:s31] =	ssyncadd.s32 $0xFFFFE000  }
0x163: {  	[tilespmem:s16], [sflag:$0x1] =	stream.indirect.gather [hbm4b:s4+s25], $0x80, s8, s25, $0xb8;
	[tilespmem:$0x1D000] =	vst v63  }
0x164: {  	_ = 	snop  }
0x165: {  	[spmem:s2] =	stream.indirect.scatter.add.f32 [tilespmem:s26], [sflag:$0x5], $0x80, s10, s25, $0xb8;
	[tilespmem:$0x1D000] =	vst v63  }
0x166: {  	_ =	swait.ge [sflag:s17], $0x2000  }
0x167: {  	[sflag:s17] =	ssyncset.done $0x0  }
0x168: {  	[sflag:s17] =	ssyncadd.s32 $0xFFFFE000  }
0x169: {  	_ =	swait.ge [sflag:s1], $0x2000  }
0x16a: {  	[sflag:s1] =	ssyncset.done $0x0  }
0x16b: {  	[sflag:s1] =	ssyncadd.s32 $0xFFFFE000  }
0x16c: {  	[tilespmem:s26], [sflag:$0x2] =	stream.indirect.gather [hbm4b:s4+s25], $0x80, s12, s25, $0xb8;
	[tilespmem:$0x1D000] =	vst v63  }
0x16d: {  	_ = 	snop  }
0x16e: {  	[spmem:s2] =	stream.indirect.scatter.add.f32 [tilespmem:s28], [sflag:$0x5], $0x80, s14, s25, $0xb8;
	[tilespmem:$0x1D000] =	vst v63  }
0x16f: {  	_ =	swait.ge [sflag:s17], $0x2000  }
0x170: {  	[sflag:s17] =	ssyncset.done $0x0  }
0x171: {  	[sflag:s17] =	ssyncadd.s32 $0xFFFFE000  }
0x172: {  	_ =	swait.ge [sflag:s0], $0x2000  }
0x173: {  	[sflag:s0] =	ssyncset.done $0x0  }
0x174: {  	[sflag:s0] =	ssyncadd.s32 $0xFFFFE000  }
0x175: {  	[tilespmem:s28], [sflag:$0x3] =	stream.indirect.gather [hbm4b:s4+s25], $0x80, s15, s25, $0xb8;
	[tilespmem:$0x1D000] =	vst v63  }
0x176: {  	_ = 	snop  }
0x177: {  	[spmem:s2] =	stream.indirect.scatter.add.f32 [tilespmem:s30], [sflag:$0x5], $0x80, s20, s25, $0xb8;
	[tilespmem:$0x1D000] =	vst v63  }
0x178: {  	_ =	swait.ge [sflag:s17], $0x2000  }
0x179: {  	[sflag:s17] =	ssyncset.done $0x0  }
0x17a: {  	[sflag:s17] =	ssyncadd.s32 $0xFFFFE000  }
0x17b: {  	_ =	swait.ge [sflag:s29], $0x2000  }
0x17c: {  	[sflag:s29] =	ssyncset.done $0x0  }
0x17d: {  	[sflag:s29] =	ssyncadd.s32 $0xFFFFE000  }
0x17e: {  	[tilespmem:s30], [sflag:$0x4] =	stream.indirect.gather [hbm4b:s4+s25], $0x80, s21, s25, $0xb8;
	[tilespmem:$0x1D000] =	vst v63  }
0x17f: {  	_ = 	snop  }
0x180: {  	[spmem:s2] =	stream.indirect.scatter.add.f32 [tilespmem:s16], [sflag:$0x5], $0x80, s22, s25, $0xb8;
	[tilespmem:$0x1D000] =	vst v63  }
0x181: {  	_ =	swait.ge [sflag:s17], $0x2000  }
0x182: {  	[sflag:s17] =	ssyncset.done $0x0  }
0x183: {  	[sflag:s17] =	ssyncadd.s32 $0xFFFFE000  }
0x184: {  	_ =	swait.ge [sflag:s31], $0x2000  }
0x185: {  	[sflag:s31] =	ssyncset.done $0x0  }
0x186: {  	[sflag:s31] =	ssyncadd.s32 $0xFFFFE000  }
0x187: {  	[spmem:s2] =	stream.indirect.scatter.add.f32 [tilespmem:s26], [sflag:$0x5], $0x80, s23, s25, $0xb8;
	[tilespmem:$0x1D000] =	vst v63  }
0x188: {  	_ =	swait.ge [sflag:s17], $0x2000  }
0x189: {  	[sflag:s17] =	ssyncset.done $0x0  }
0x18a: {  	[sflag:s17] =	ssyncadd.s32 $0xFFFFE000  }
0x18b: {  	_ =	swait.ge [sflag:s1], $0x2000  }
0x18c: {  	[sflag:s1] =	ssyncset.done $0x0  }
0x18d: {  	[sflag:s1] =	ssyncadd.s32 $0xFFFFE000  }
0x18e: {  	[spmem:s2] =	stream.indirect.scatter.add.f32 [tilespmem:s28], [sflag:$0x5], $0x80, s24, s25, $0xb8;
	[tilespmem:$0x1D000] =	vst v63  }
0x18f: {  	_ =	swait.ge [sflag:s17], $0x2000  }
0x190: {  	[sflag:s17] =	ssyncset.done $0x0  }
0x191: {  	[sflag:s17] =	ssyncadd.s32 $0xFFFFE000  }
0x192: {  	p0 =	sne.s32 s13, $0x900;
	_ =	swait.ge [sflag:s0], $0x2000  }
.Ltmp1:
0x193: {  	[sflag:s0] =	ssyncset.done $0x0;
	(pc) =	sbr.rel @p0 .LBB2_4-.Ltmp1, $4  }
0x194: {  	[sflag:s0] =	ssyncadd.s32 $0xFFFFE000  }
0x195: {  	[spmem:s2] =	stream.indirect.scatter.add.f32 [tilespmem:s30], [sflag:$0x5], $0x80, s7, s25, $0xb8;
	[tilespmem:$0x1D000] =	vst v63  }
0x196: {  	_ =	swait.ge [sflag:s17], $0x2000  }
0x197: {  	s13 =	sadd.s32 $0x100, s13;
	s5 =	rddreg [dreg:$0x4];
	[sflag:s17] =	ssyncset.done $0x0  }
0x198: {  	[sflag:s17] =	ssyncadd.s32 $0xFFFFE000;
	s5 =	sadd.s32 s11, s5  }
0x199: {  	[tilespmem:s18], [sflag:$0x5] =	stream.linear.gather [hbm4b:s5+s3], $0x800, $0x38;
	[tilespmem:$0x1D000] =	vst v63  }
0x19a: {  	_ =	swait.ge [sflag:s17], $0x800  }
0x19b: {  	s9 =	rddreg [dreg:$0x3];
	[sflag:s17] =	ssyncset.done $0x0  }
0x19c: {  	[sflag:s17] =	ssyncadd.s32 $0xFFFFF800;
	s5 =	sadd.s32 s11, s9  }
0x19d: {  	[tilespmem:s19], [sflag:$0x5] =	stream.linear.gather [hbm4b:s5+s3], $0x800, $0x38;
	[tilespmem:$0x1D000] =	vst v63  }
0x19e: {  	_ =	swait.ge [sflag:s17], $0x800  }
0x19f: {  	[sflag:s17] =	ssyncset.done $0x0  }
0x1a0: {  	[sflag:s17] =	ssyncadd.s32 $0xFFFFF800  }
0x1a1: {  	[tilespmem:s16], [sflag:$0x1] =	stream.indirect.gather [hbm4b:s4+s25], $0x80, s18, s25, $0xb8;
	[tilespmem:$0x1D000] =	vst v63  }
0x1a2: {  	s13 =	rddreg [dreg:$0x5]  }
0x1a3: {  	[tilespmem:s26], [sflag:$0x2] =	stream.indirect.gather [hbm4b:s4+s25], $0x80, s13, s25, $0xb8;
	[tilespmem:$0x1D000] =	vst v63  }
0x1a4: {  	s9 =	rddreg [dreg:$0x6]  }
0x1a5: {  	[tilespmem:s28], [sflag:$0x3] =	stream.indirect.gather [hbm4b:s4+s25], $0x80, s9, s25, $0xb8;
	[tilespmem:$0x1D000] =	vst v63  }
0x1a6: {  	_ =	swait.ge [sflag:s29], $0x2000  }
0x1a7: {  	[sflag:s29] =	ssyncset.done $0x0  }
0x1a8: {  	s9 =	rddreg [dreg:$0x7];
	[sflag:s29] =	ssyncadd.s32 $0xFFFFE000  }
0x1a9: {  	[tilespmem:s30], [sflag:$0x4] =	stream.indirect.gather [hbm4b:s4+s25], $0x80, s9, s25, $0xb8;
	[tilespmem:$0x1D000] =	vst v63  }
0x1aa: {  	_ = 	snop  }
0x1ab: {  	[spmem:s2] =	stream.indirect.scatter.add.f32 [tilespmem:s16], [sflag:$0x5], $0x80, s19, s25, $0xb8;
	[tilespmem:$0x1D000] =	vst v63  }
0x1ac: {  	_ =	swait.ge [sflag:s17], $0x2000  }
0x1ad: {  	[sflag:s17] =	ssyncset.done $0x0  }
0x1ae: {  	[sflag:s17] =	ssyncadd.s32 $0xFFFFE000  }
0x1af: {  	_ =	swait.ge [sflag:s31], $0x2000  }
0x1b0: {  	[sflag:s31] =	ssyncset.done $0x0  }
0x1b1: {  	s11 =	rddreg [dreg:$0x8];
	[sflag:s31] =	ssyncadd.s32 $0xFFFFE000  }
0x1b2: {  	[tilespmem:s16], [sflag:$0x1] =	stream.indirect.gather [hbm4b:s4+s25], $0x80, s11, s25, $0xb8;
	[tilespmem:$0x1D000] =	vst v63  }
0x1b3: {  	s13 =	rddreg [dreg:$0x9]  }
0x1b4: {  	[spmem:s2] =	stream.indirect.scatter.add.f32 [tilespmem:s26], [sflag:$0x5], $0x80, s13, s25, $0xb8;
	[tilespmem:$0x1D000] =	vst v63  }
0x1b5: {  	_ =	swait.ge [sflag:s17], $0x2000  }
0x1b6: {  	[sflag:s17] =	ssyncset.done $0x0  }
0x1b7: {  	[sflag:s17] =	ssyncadd.s32 $0xFFFFE000  }
0x1b8: {  	_ =	swait.ge [sflag:s1], $0x2000  }
0x1b9: {  	[sflag:s1] =	ssyncset.done $0x0  }
0x1ba: {  	s11 =	rddreg [dreg:$0xa];
	[sflag:s1] =	ssyncadd.s32 $0xFFFFE000  }
0x1bb: {  	[tilespmem:s26], [sflag:$0x2] =	stream.indirect.gather [hbm4b:s4+s25], $0x80, s11, s25, $0xb8;
	[tilespmem:$0x1D000] =	vst v63  }
0x1bc: {  	s13 =	rddreg [dreg:$0xb]  }
0x1bd: {  	[spmem:s2] =	stream.indirect.scatter.add.f32 [tilespmem:s28], [sflag:$0x5], $0x80, s13, s25, $0xb8;
	[tilespmem:$0x1D000] =	vst v63  }
0x1be: {  	_ =	swait.ge [sflag:s17], $0x2000  }
0x1bf: {  	[sflag:s17] =	ssyncset.done $0x0  }
0x1c0: {  	[sflag:s17] =	ssyncadd.s32 $0xFFFFE000  }
0x1c1: {  	_ =	swait.ge [sflag:s0], $0x2000  }
0x1c2: {  	[sflag:s0] =	ssyncset.done $0x0  }
0x1c3: {  	s11 =	rddreg [dreg:$0xc];
	[sflag:s0] =	ssyncadd.s32 $0xFFFFE000  }
0x1c4: {  	[tilespmem:s28], [sflag:$0x3] =	stream.indirect.gather [hbm4b:s4+s25], $0x80, s11, s25, $0xb8;
	[tilespmem:$0x1D000] =	vst v63  }
0x1c5: {  	s13 =	rddreg [dreg:$0xd]  }
0x1c6: {  	[spmem:s2] =	stream.indirect.scatter.add.f32 [tilespmem:s30], [sflag:$0x5], $0x80, s13, s25, $0xb8;
	[tilespmem:$0x1D000] =	vst v63  }
0x1c7: {  	_ =	swait.ge [sflag:s17], $0x2000  }
0x1c8: {  	[sflag:s17] =	ssyncset.done $0x0  }
0x1c9: {  	[sflag:s17] =	ssyncadd.s32 $0xFFFFE000  }
0x1ca: {  	_ =	swait.ge [sflag:s29], $0x2000  }
0x1cb: {  	[sflag:s29] =	ssyncset.done $0x0  }
0x1cc: {  	s11 =	rddreg [dreg:$0xe];
	[sflag:s29] =	ssyncadd.s32 $0xFFFFE000  }
0x1cd: {  	[tilespmem:s30], [sflag:$0x4] =	stream.indirect.gather [hbm4b:s4+s25], $0x80, s11, s25, $0xb8;
	[tilespmem:$0x1D000] =	vst v63  }
0x1ce: {  	s13 =	rddreg [dreg:$0xf]  }
0x1cf: {  	[spmem:s2] =	stream.indirect.scatter.add.f32 [tilespmem:s16], [sflag:$0x5], $0x80, s13, s25, $0xb8;
	[tilespmem:$0x1D000] =	vst v63  }
0x1d0: {  	_ =	swait.ge [sflag:s17], $0x2000  }
0x1d1: {  	[sflag:s17] =	ssyncset.done $0x0  }
0x1d2: {  	[sflag:s17] =	ssyncadd.s32 $0xFFFFE000  }
0x1d3: {  	_ =	swait.ge [sflag:s31], $0x2000  }
0x1d4: {  	[sflag:s31] =	ssyncset.done $0x0  }
0x1d5: {  	s11 =	rddreg [dreg:$0x10];
	[sflag:s31] =	ssyncadd.s32 $0xFFFFE000  }
0x1d6: {  	[tilespmem:s16], [sflag:$0x1] =	stream.indirect.gather [hbm4b:s4+s25], $0x80, s11, s25, $0xb8;
	[tilespmem:$0x1D000] =	vst v63  }
0x1d7: {  	s13 =	rddreg [dreg:$0x11]  }
0x1d8: {  	[spmem:s2] =	stream.indirect.scatter.add.f32 [tilespmem:s26], [sflag:$0x5], $0x80, s13, s25, $0xb8;
	[tilespmem:$0x1D000] =	vst v63  }
0x1d9: {  	_ =	swait.ge [sflag:s17], $0x2000  }
0x1da: {  	[sflag:s17] =	ssyncset.done $0x0  }
0x1db: {  	[sflag:s17] =	ssyncadd.s32 $0xFFFFE000  }
0x1dc: {  	_ =	swait.ge [sflag:s1], $0x2000  }
0x1dd: {  	[sflag:s1] =	ssyncset.done $0x0  }
0x1de: {  	s11 =	rddreg [dreg:$0x12];
	[sflag:s1] =	ssyncadd.s32 $0xFFFFE000  }
0x1df: {  	[tilespmem:s26], [sflag:$0x2] =	stream.indirect.gather [hbm4b:s4+s25], $0x80, s11, s25, $0xb8;
	[tilespmem:$0x1D000] =	vst v63  }
0x1e0: {  	s13 =	rddreg [dreg:$0x13]  }
0x1e1: {  	[spmem:s2] =	stream.indirect.scatter.add.f32 [tilespmem:s28], [sflag:$0x5], $0x80, s13, s25, $0xb8;
	[tilespmem:$0x1D000] =	vst v63  }
0x1e2: {  	_ =	swait.ge [sflag:s17], $0x2000  }
0x1e3: {  	[sflag:s17] =	ssyncset.done $0x0  }
0x1e4: {  	[sflag:s17] =	ssyncadd.s32 $0xFFFFE000  }
0x1e5: {  	_ =	swait.ge [sflag:s0], $0x2000  }
0x1e6: {  	[sflag:s0] =	ssyncset.done $0x0  }
0x1e7: {  	s9 =	rddreg [dreg:$0x14];
	[sflag:s0] =	ssyncadd.s32 $0xFFFFE000  }
0x1e8: {  	[tilespmem:s28], [sflag:$0x3] =	stream.indirect.gather [hbm4b:s4+s25], $0x80, s9, s25, $0xb8;
	[tilespmem:$0x1D000] =	vst v63  }
0x1e9: {  	s11 =	rddreg [dreg:$0x15]  }
0x1ea: {  	[spmem:s2] =	stream.indirect.scatter.add.f32 [tilespmem:s30], [sflag:$0x5], $0x80, s11, s25, $0xb8;
	[tilespmem:$0x1D000] =	vst v63  }
0x1eb: {  	_ =	swait.ge [sflag:s17], $0x2000  }
0x1ec: {  	[sflag:s17] =	ssyncset.done $0x0  }
0x1ed: {  	[sflag:s17] =	ssyncadd.s32 $0xFFFFE000  }
0x1ee: {  	_ =	swait.ge [sflag:s29], $0x2000  }
0x1ef: {  	[sflag:s29] =	ssyncset.done $0x0  }
0x1f0: {  	s13 =	rddreg [dreg:$0x16];
	[sflag:s29] =	ssyncadd.s32 $0xFFFFE000  }
0x1f1: {  	[tilespmem:s30], [sflag:$0x4] =	stream.indirect.gather [hbm4b:s4+s25], $0x80, s13, s25, $0xb8;
	[tilespmem:$0x1D000] =	vst v63  }
0x1f2: {  	_ = 	snop  }
0x1f3: {  	[spmem:s2] =	stream.indirect.scatter.add.f32 [tilespmem:s16], [sflag:$0x5], $0x80, s6, s25, $0xb8;
	[tilespmem:$0x1D000] =	vst v63  }
0x1f4: {  	_ =	swait.ge [sflag:s17], $0x2000  }
0x1f5: {  	[sflag:s17] =	ssyncset.done $0x0  }
0x1f6: {  	[sflag:s17] =	ssyncadd.s32 $0xFFFFE000  }
0x1f7: {  	_ =	swait.ge [sflag:s31], $0x2000  }
0x1f8: {  	[sflag:s31] =	ssyncset.done $0x0  }
0x1f9: {  	[sflag:s31] =	ssyncadd.s32 $0xFFFFE000  }
0x1fa: {  	[tilespmem:s16], [sflag:$0x1] =	stream.indirect.gather [hbm4b:s4+s25], $0x80, s8, s25, $0xb8;
	[tilespmem:$0x1D000] =	vst v63  }
0x1fb: {  	_ = 	snop  }
0x1fc: {  	[spmem:s2] =	stream.indirect.scatter.add.f32 [tilespmem:s26], [sflag:$0x5], $0x80, s10, s25, $0xb8;
	[tilespmem:$0x1D000] =	vst v63  }
0x1fd: {  	_ =	swait.ge [sflag:s17], $0x2000  }
0x1fe: {  	[sflag:s17] =	ssyncset.done $0x0  }
0x1ff: {  	[sflag:s17] =	ssyncadd.s32 $0xFFFFE000  }
0x200: {  	_ =	swait.ge [sflag:s1], $0x2000  }
0x201: {  	[sflag:s1] =	ssyncset.done $0x0  }
0x202: {  	[sflag:s1] =	ssyncadd.s32 $0xFFFFE000  }
0x203: {  	[tilespmem:s26], [sflag:$0x2] =	stream.indirect.gather [hbm4b:s4+s25], $0x80, s12, s25, $0xb8;
	[tilespmem:$0x1D000] =	vst v63  }
0x204: {  	_ = 	snop  }
0x205: {  	[spmem:s2] =	stream.indirect.scatter.add.f32 [tilespmem:s28], [sflag:$0x5], $0x80, s14, s25, $0xb8;
	[tilespmem:$0x1D000] =	vst v63  }
0x206: {  	_ =	swait.ge [sflag:s17], $0x2000  }
0x207: {  	[sflag:s17] =	ssyncset.done $0x0  }
0x208: {  	[sflag:s17] =	ssyncadd.s32 $0xFFFFE000  }
0x209: {  	_ =	swait.ge [sflag:s0], $0x2000  }
0x20a: {  	[sflag:s0] =	ssyncset.done $0x0  }
0x20b: {  	[sflag:s0] =	ssyncadd.s32 $0xFFFFE000  }
0x20c: {  	[tilespmem:s28], [sflag:$0x3] =	stream.indirect.gather [hbm4b:s4+s25], $0x80, s15, s25, $0xb8;
	[tilespmem:$0x1D000] =	vst v63  }
0x20d: {  	_ = 	snop  }
0x20e: {  	[spmem:s2] =	stream.indirect.scatter.add.f32 [tilespmem:s30], [sflag:$0x5], $0x80, s20, s25, $0xb8;
	[tilespmem:$0x1D000] =	vst v63  }
0x20f: {  	_ =	swait.ge [sflag:s17], $0x2000  }
0x210: {  	[sflag:s17] =	ssyncset.done $0x0  }
0x211: {  	[sflag:s17] =	ssyncadd.s32 $0xFFFFE000  }
0x212: {  	_ =	swait.ge [sflag:s29], $0x2000  }
0x213: {  	[sflag:s29] =	ssyncset.done $0x0  }
0x214: {  	[sflag:s29] =	ssyncadd.s32 $0xFFFFE000  }
0x215: {  	[tilespmem:s30], [sflag:$0x4] =	stream.indirect.gather [hbm4b:s4+s25], $0x80, s21, s25, $0xb8;
	[tilespmem:$0x1D000] =	vst v63  }
0x216: {  	_ = 	snop  }
0x217: {  	[spmem:s2] =	stream.indirect.scatter.add.f32 [tilespmem:s16], [sflag:$0x5], $0x80, s22, s25, $0xb8;
	[tilespmem:$0x1D000] =	vst v63  }
0x218: {  	_ =	swait.ge [sflag:s17], $0x2000  }
0x219: {  	[sflag:s17] =	ssyncset.done $0x0  }
0x21a: {  	[sflag:s17] =	ssyncadd.s32 $0xFFFFE000  }
0x21b: {  	_ =	swait.ge [sflag:s31], $0x2000  }
0x21c: {  	[sflag:s31] =	ssyncset.done $0x0  }
0x21d: {  	[sflag:s31] =	ssyncadd.s32 $0xFFFFE000  }
0x21e: {  	[spmem:s2] =	stream.indirect.scatter.add.f32 [tilespmem:s26], [sflag:$0x5], $0x80, s23, s25, $0xb8;
	[tilespmem:$0x1D000] =	vst v63  }
0x21f: {  	_ =	swait.ge [sflag:s17], $0x2000  }
0x220: {  	[sflag:s17] =	ssyncset.done $0x0  }
0x221: {  	[sflag:s17] =	ssyncadd.s32 $0xFFFFE000  }
0x222: {  	_ =	swait.ge [sflag:s1], $0x2000  }
0x223: {  	[sflag:s1] =	ssyncset.done $0x0  }
0x224: {  	[sflag:s1] =	ssyncadd.s32 $0xFFFFE000  }
0x225: {  	[spmem:s2] =	stream.indirect.scatter.add.f32 [tilespmem:s28], [sflag:$0x5], $0x80, s24, s25, $0xb8;
	[tilespmem:$0x1D000] =	vst v63  }
0x226: {  	_ =	swait.ge [sflag:s17], $0x2000  }
0x227: {  	[sflag:s17] =	ssyncset.done $0x0  }
0x228: {  	[sflag:s17] =	ssyncadd.s32 $0xFFFFE000  }
0x229: {  	_ =	swait.ge [sflag:s0], $0x2000  }
0x22a: {  	[sflag:s0] =	ssyncset.done $0x0  }
0x22b: {  	[sflag:s0] =	ssyncadd.s32 $0xFFFFE000  }
0x22c: {  	[spmem:s2] =	stream.indirect.scatter.add.f32 [tilespmem:s30], [sflag:$0x5], $0x80, s7, s25, $0xb8;
	[tilespmem:$0x1D000] =	vst v63  }
0x22d: {  	_ =	swait.ge [sflag:s17], $0x2000  }
0x22e: {  	[sflag:s17] =	ssyncset.done $0x0  }
0x22f: {  	[sflag:s17] =	ssyncadd.s32 $0xFFFFE000  }
0x230: {  	[bflag:$0x0] =	sbarrier.arrive $0xFFFF  }
0x231: {  	s9 =	stileid.u32;
	s13 =	sld [smem:$0x7F9]  }
0x232: {  	s5 =	sshll.u32 s9, $0x6;
	s11 =	rddreg [dreg:$0x17]  }
0x233: {  	s5 =	sor.u32 $0x1C05, s5;
	s9 =	sshrl.u32 s11, $0x3  }
0x234: {  	[hbm:s13], [sflag:s5] =	dma.local [spmem:s9], $0x800  }
0x235: {  	_ =	swait.ge [sflag:s17], $0x800  }
0x236: {  	s13 =	sld [smem:$0x7FA]  }
0x237: {  	[sflag:s17] =	ssyncset.done $0x0;
	s11 =	rddreg [dreg:$0x19]  }
0x238: {  	[sflag:s17] =	ssyncadd.s32 $0xFFFFF800;
	s9 =	sshrl.u32 s11, $0x3  }
0x239: {  	[hbm:s13], [sflag:s5] =	dma.local [spmem:s9], $0x800  }
0x23a: {  	_ =	swait.ge [sflag:s17], $0x800  }
0x23b: {  	s13 =	sld [smem:$0x7FB]  }
0x23c: {  	[sflag:s17] =	ssyncset.done $0x0;
	s11 =	rddreg [dreg:$0x1b]  }
0x23d: {  	[sflag:s17] =	ssyncadd.s32 $0xFFFFF800;
	s9 =	sshrl.u32 s11, $0x3  }
0x23e: {  	[hbm:s13], [sflag:s5] =	dma.local [spmem:s9], $0x800  }
0x23f: {  	_ =	swait.ge [sflag:s17], $0x800  }
0x240: {  	s13 =	sld [smem:$0x7FC]  }
0x241: {  	[sflag:s17] =	ssyncset.done $0x0;
	s11 =	rddreg [dreg:$0x1d]  }
0x242: {  	[sflag:s17] =	ssyncadd.s32 $0xFFFFF800;
	s9 =	sshrl.u32 s11, $0x3  }
0x243: {  	[hbm:s13], [sflag:s5] =	dma.local [spmem:s9], $0x800  }
0x244: {  	_ =	swait.ge [sflag:s17], $0x800  }
0x245: {  	s13 =	sld [smem:$0x7FD]  }
0x246: {  	[sflag:s17] =	ssyncset.done $0x0;
	s11 =	rddreg [dreg:$0x1f]  }
0x247: {  	[sflag:s17] =	ssyncadd.s32 $0xFFFFF800;
	s9 =	sshrl.u32 s11, $0x3  }
0x248: {  	[hbm:s13], [sflag:s5] =	dma.local [spmem:s9], $0x800  }
0x249: {  	_ =	swait.ge [sflag:s17], $0x800  }
0x24a: {  	s11 =	sld [smem:$0x7F6]  }
0x24b: {  	s13 =	sld [smem:$0x7F8];
	_ =	sdelay $0x1  }
0x24c: {  	s9 =	sadd.s32 $0x1, s11  }
0x24d: {  	p0 =	sne.s32 s9, s13  }
.Ltmp2:
0x24e: {  	_ = 	snop;
	(pc) =	sbr.rel @p0 .LBB2_1-.Ltmp2, $3  }
0x24f: {  	_ =	sdelay $0x1  }
0x250: {  	[sflag:s17] =	ssyncset.done $0x0  }
0x251: {  	[sflag:s17] =	ssyncadd.s32 $0xFFFFF800  }
0x252: {  	_ =	sfence.sel $0x180000  }
0x253: {  	[bflag:$0x0] =	sbarrier.arrive $0xFFFF  }
0x254: {  	_ =	strace $0x9000004D  }
0x255: {  	s0 =	stileid.u32;
	[bflag:$0x2] =	sbarrier.arrive $0xFFFF  }
0x256: {  	p0 =	sne.s32 s0, $0x0;
	s0 =	rddreg [dreg:$0x2]  }
0x257: {  	s0 =	sadd.s32 @!p0 $0x100000, s0  }
0x258: {  	[sflag:s0] =	ssyncadd.tile.s32 @!p0 $0x1;
	_ =	shalt  }
.Lfunc_end2:
_tile_overlayer_lowered:
.L_overlay_start_2:
0x259: {  	(tag) =	ssettag $0x2  }
0x25a: {  	s0 =	rddreg [dreg:$0x0];
	s2 =	stileid.u32  }
0x25b: {  	s1 =	rddreg [dreg:$0x1];
	p0 =	sne.s32 s2, $0x0  }
0x25c: {  	s3 =	rddreg [dreg:$0x2];
	[bflag:$0x3] =	sbarrier.arrive $0xFFFF;
	s2 =	simm.s32 @!p0 $0x1C05  }
0x25d: {  	[timem:s3], [sflag:s2] =	dma.local @!p0 [hbm:s0], s1  }
0x25e: {  	s0 =	simm.s32 @!p0 $0x5  }
0x25f: {  	_ =	swait.ge @!p0 [sflag:s0], s1  }
0x260: {  	s1 =	ssub.s32 @!p0 $0x0, s1;
	[sflag:s0] =	ssyncset.done @!p0 $0x0  }
0x261: {  	[sflag:s0] =	ssyncadd.s32 @!p0 s1  }
0x262: {  	[bflag:$0x3] =	sbarrier.arrive $0xFFFF  }
0x263: {  	_ =	shalt  }

// kernel: kernel.9.cloned.1.call-start
scs
__scs_entry_jumppad:
0x0: {  	(pc) =	sbr.rel $0x88, $3  }
0x1: {  	(tag) =	ssettag $0x0;
	lr =	simm.s32 $0x1  }
0x2: {  	[smem:$0x3F99] =	sst lr;
	_ =	strace $0xD0000000  }
0x3: {  	_ = 	snop  }
0x4: {  	_ = 	snop  }
0x5: {  	_ = 	snop  }
0x6: {  	_ = 	snop  }
0x7: {  	_ = 	snop  }
__scs_overlays_trampoline_lowered:
0x8: {  	[smem:$0x3FA8] =	sst s0  }
0x9: {  	[smem:$0x3FA9] =	sst s1  }
0xa: {  	[smem:$0x3FAA] =	sst s2  }
0xb: {  	[smem:$0x3FAB] =	sst s3  }
0xc: {  	[smem:$0x3FAC] =	sst s4  }
0xd: {  	[smem:$0x3FAD] =	sst s5  }
0xe: {  	[smem:$0x3FAE] =	sst s6  }
0xf: {  	[smem:$0x3FAF] =	sst s7  }
0x10: {  	[smem:$0x3FB0] =	sst s8  }
0x11: {  	[smem:$0x3FB1] =	sst s9;
	s0 =	simm.s32 @!p0 $0x0  }
0x12: {  	s1 =	sld [smem:$0x3F97];
	s0 =	simm.s32 @p0 $0x1  }
0x13: {  	[smem:$0x3FB2] =	sst s0;
	s0 =	simm.s32 @!p1 $0x0  }
0x14: {  	s2 =	sld [smem:$0x3F96];
	s0 =	simm.s32 @p1 $0x1  }
0x15: {  	[smem:$0x3FB3] =	sst s0;
	s0 =	simm.s32 @!p2 $0x0  }
0x16: {  	s3 =	sld [smem:$0x3FDB];
	s0 =	simm.s32 @p2 $0x1  }
0x17: {  	s4 =	simm.s32 $0x1BF5;
	[smem:$0x3FB5] =	sst s0  }
0x18: {  	s0 =	sld [smem:$0x3F98];
	_ =	swait.ge [sflag:s4], $0x0  }
0x19: {  	s7 =	sld [smem:$0x3F99]  }
0x1a: {  	s8 =	sadd.s32 $0xFFFFE003, lr  }
0x1b: {  	s9 =	sadd.s32 $0xFFFFFEF7, lr;
	s5 =	simm.s32 $0xFFFFFFFF;
	p2 =	slt.u32 s8, $0xFFFFF086  }
0x1c: {  	p1 =	slt.u32 s9, $0xF7A;
	s5 =	simm.s32 @!p2 $0x0  }
0x1d: {  	s5 =	simm.s32 @p1 $0x1;
	p0 =	seq.s32 s7, s2  }
0x1e: {  	s7 =	smul.u32 @!p0 $0xF7A, s2;
	p2 =	seq.s32 @!p0 s5, $0x0  }
0x1f: {  	s9 =	smul.u32 $0xF7A, s1;
	s8 =	simm.s32 @!p0 $0x1BF5;
	p2 =	por !p2, p0  }
0x20: {  	[sflag:s8] =	ssyncset.s32 @!p0 $0xFFFFF086;
	s6 =	sadd.s32 @!p0 s3, s7;
	s7 =	simm.s32 @!p0 $0x108  }
0x21: {  	s3 =	sadd.s32 s3, s9;
	s6 =	sadd.s32 @!p0 $0x88, s6;
	s7 =	simm.s32 @p2 $0x1082  }
0x22: {  	[simem:s7], [sflag:s8] =	dma.local @!p0 [hbm:s6], $0xF7A  }
0x23: {  	s9 =	sor.u32 $0xD0000000, s2;
	s6 =	simm.s32 $0x108;
	_ =	swait.ge @!p0 [sflag:s8], $0x0  }
0x24: {  	s3 =	sadd.s32 $0x88, s3;
	s6 =	simm.s32 @!p1 $0x1082;
	[sflag:s4] =	ssyncset.s32 $0xFFFFF086  }
0x25: {  	[simem:s6], [sflag:s4] =	dma.local [hbm:s3], $0xF7A  }
0x26: {  	[smem:$0x3F99] =	sst s1;
	(tag) =	ssettag s2;
	_ =	strace s9  }
0x27: {  	s1 =	sld [smem:$0x3FA9]  }
0x28: {  	s2 =	sld [smem:$0x3FAA]  }
0x29: {  	s4 =	sld [smem:$0x3FAC]  }
0x2a: {  	p0 =	seq.s32 s5, $0x0;
	s5 =	sld [smem:$0x3FAD]  }
0x2b: {  	s6 =	sld [smem:$0x3FAE]  }
0x2c: {  	s7 =	sld [smem:$0x3FAF]  }
0x2d: {  	s3 =	simm.s32 $0x108;
	s8 =	sld [smem:$0x3FB0]  }
0x2e: {  	s3 =	simm.s32 @!p0 $0x1082;
	s9 =	sld [smem:$0x3FB1]  }
0x2f: {  	lr =	sadd.s32 s0, s3;
	s0 =	sld [smem:$0x3FA8]  }
0x30: {  	s3 =	sld [smem:$0x3FAB]  }
0x31: {  	[smem:$0x3FB4] =	sst s10  }
0x32: {  	s10 =	sld [smem:$0x3FB2];
	_ =	sdelay $0x3  }
0x33: {  	p0 =	seq.s32 s10, $0x1;
	s10 =	sld [smem:$0x3FB4];
	_ =	sdelay $0x3  }
0x34: {  	[smem:$0x3FB4] =	sst s10  }
0x35: {  	s10 =	sld [smem:$0x3FB3];
	_ =	sdelay $0x3  }
0x36: {  	p1 =	seq.s32 s10, $0x1;
	s10 =	sld [smem:$0x3FB4];
	_ =	sdelay $0x3  }
0x37: {  	[smem:$0x3FB4] =	sst s10  }
0x38: {  	s10 =	sld [smem:$0x3FB5]  }
0x39: {  	_ = 	snop;
	(pc) =	sbr.ind lr, $3  }
0x3a: {  	_ = 	snop  }
0x3b: {  	_ = 	snop  }
0x3c: {  	p2 =	seq.s32 s10, $0x1;
	s10 =	sld [smem:$0x3FB4]  }
0x3d: {  	_ =	shalt  }
0x3e: {  	_ =	shalt  }
0x3f: {  	_ =	shalt  }
0x40: {  	_ =	shalt  }
0x41: {  	_ =	shalt  }
0x42: {  	_ =	shalt  }
0x43: {  	_ =	shalt  }
0x44: {  	_ =	shalt  }
0x45: {  	_ =	shalt  }
0x46: {  	_ =	shalt  }
0x47: {  	_ =	shalt  }
0x48: {  	_ =	shalt  }
0x49: {  	_ =	shalt  }
0x4a: {  	_ =	shalt  }
0x4b: {  	_ =	shalt  }
0x4c: {  	_ =	shalt  }
0x4d: {  	_ =	shalt  }
0x4e: {  	_ =	shalt  }
0x4f: {  	_ =	shalt  }
0x50: {  	_ =	shalt  }
0x51: {  	_ =	shalt  }
0x52: {  	_ =	shalt  }
0x53: {  	_ =	shalt  }
0x54: {  	_ =	shalt  }
0x55: {  	_ =	shalt  }
0x56: {  	_ =	shalt  }
0x57: {  	_ =	shalt  }
0x58: {  	_ =	shalt  }
0x59: {  	_ =	shalt  }
0x5a: {  	_ =	shalt  }
0x5b: {  	_ =	shalt  }
0x5c: {  	_ =	shalt  }
0x5d: {  	_ =	shalt  }
0x5e: {  	_ =	shalt  }
0x5f: {  	_ =	shalt  }
0x60: {  	_ =	shalt  }
0x61: {  	_ =	shalt  }
0x62: {  	_ =	shalt  }
0x63: {  	_ =	shalt  }
0x64: {  	_ =	shalt  }
0x65: {  	_ =	shalt  }
0x66: {  	_ =	shalt  }
0x67: {  	_ =	shalt  }
0x68: {  	_ =	shalt  }
0x69: {  	_ =	shalt  }
0x6a: {  	_ =	shalt  }
0x6b: {  	_ =	shalt  }
0x6c: {  	_ =	shalt  }
0x6d: {  	_ =	shalt  }
0x6e: {  	_ =	shalt  }
0x6f: {  	_ =	shalt  }
0x70: {  	_ =	shalt  }
0x71: {  	_ =	shalt  }
0x72: {  	_ =	shalt  }
0x73: {  	_ =	shalt  }
0x74: {  	_ =	shalt  }
0x75: {  	_ =	shalt  }
0x76: {  	_ =	shalt  }
0x77: {  	_ =	shalt  }
0x78: {  	_ =	shalt  }
0x79: {  	_ =	shalt  }
0x7a: {  	_ =	shalt  }
0x7b: {  	_ =	shalt  }
0x7c: {  	_ =	shalt  }
0x7d: {  	_ =	shalt  }
0x7e: {  	_ =	shalt  }
0x7f: {  	_ =	shalt  }
0x80: {  	_ =	shalt  }
0x81: {  	_ =	shalt  }
0x82: {  	_ =	shalt  }
0x83: {  	_ =	shalt  }
0x84: {  	_ =	shalt  }
0x85: {  	_ =	shalt  }
0x86: {  	_ =	shalt  }
0x87: {  	_ =	shalt  }
.Lfunc_end0:
.L_simem_size_0:
called_computation_lowered:
.L_overlay_start_0:
0x88: {  	s2 =	sld [smem:$0x3FD9]  }
0x89: {  	s3 =	sld [smem:$0x3FFE];
	_ =	sdelay $0x1  }
0x8a: {  	s1 =	srdreg.scid  }
0x8b: {  	s0 =	sand.u32 $0x1, s1  }
0x8c: {  	s17 =	sshll.u32 s0, $0xA;
	s2 =	sadd.s32 s3, s2  }
0x8d: {  	s2 =	sadd.s32 s2, s17  }
0x8e: {  	[smem:$0x3FC0] =	sst s2  }
0x8f: {  	_ = 	snop  }
0x90: {  	s2 =	sld [smem:$0x3FD0];
	(tm) =	ssettm $0x1  }
0x91: {  	s18 =	sld [smem:$0x3FFB];
	_ =	sdelay $0x3  }
0x92: {  	_ =	strace s18  }
0x93: {  	s3 =	sld [smem:$0x3FFC];
	_ =	sdelay $0x3  }
0x94: {  	_ =	strace s3  }
0x95: {  	s3 =	sld [smem:$0x3FFD];
	_ =	sdelay $0x3  }
0x96: {  	_ =	strace s3  }
0x97: {  	_ =	strace $0x8FFFFFFF  }
0x98: {  	s19 =	sld [smem:$0x3FDB];
	_ =	sdelay $0x1  }
0x99: {  	s4 =	simm.s32 $_scs_section_size  }
0x9a: {  	s5 =	simm.s32 $_size__tile_overlayer_lowered;
	s6 =	simm.s32 $_tile_overlayer_lowered  }
0x9b: {  	s22 =	simm.s32 $0x1BFF;
	s21 =	sshll.u32 s6, $0x1;
	s3 =	sadd.s32 s4, s19  }
0x9c: {  	s7 =	simm.s32 $0x0;
	s20 =	sshll.u32 s5, $0x1;
	s5 =	sadd.s32 s21, s3  }
0x9d: {  	[timem:s7], [sflag:s22] =	dma.local [hbm:s5], s20  }
0x9e: {  	_ =	swait.ge [sflag:s22], s20  }
0x9f: {  	s4 =	ssub.s32 $0x0, s20;
	[sflag:s22] =	ssyncset.done $0x0  }
0xa0: {  	[sflag:s22] =	ssyncadd.s32 s4;
	_ =	sdelay $0x1  }
0xa1: {  	s23 =	simm.s32 $0x1B8B  }
0xa2: {  	_ =	swait.ge [sflag:s23], $0x1  }
0xa3: {  	[sflag:s23] =	ssyncset.done $0x0  }
0xa4: {  	s25 =	simm.s32 $0x1B8E;
	s24 =	sld [smem:$0x3FFE];
	[sflag:s23] =	ssyncadd.s32 $0xFFFFFFFF  }
0xa5: {  	s26 =	simm.s32 $execute0_lowered;
	[smem:$0x3FD2] =	sst s25  }
0xa6: {  	s5 =	sshll.u32 s26, $0x1;
	_ =	strace $0x80000046;
	[dreg:$0x1] =	wrdreg $0xFFFFFFFF  }
0xa7: {  	s28 =	simm.s32 $_size_execute0_lowered;
	s3 =	sadd.s32 s3, s5;
	[dreg:$0x0] =	wrdreg $0x0  }
0xa8: {  	s5 =	sshll.u32 s28, $0x1;
	[dreg:$0x2] =	wrdreg s3  }
0xa9: {  	[dreg:$0x3] =	wrdreg s5  }
0xaa: {  	[dreg:$0x4] =	wrdreg $0xC0  }
0xab: {  	_ =	task [dreg:s7], $0x5FFFF  }
0xac: {  	[dreg:$0x1] =	wrdreg $0xFFFFFFFF  }
0xad: {  	[dreg:$0x0] =	wrdreg $0x60  }
0xae: {  	[dreg:$0x2] =	wrdreg s2  }
0xaf: {  	[dreg:$0x3] =	wrdreg s24  }
0xb0: {  	[dreg:$0x4] =	wrdreg $0x0  }
0xb1: {  	[dreg:$0x5] =	wrdreg $0x9  }
0xb2: {  	_ =	task.clear_ibuf [dreg:s7], $0x6FFFF;
	_ =	strace $0x90000046  }
0xb3: {  	s29 =	simm.s32 $0x9;
	_ =	strace $0x80000048  }
0xb4: {  	_ =	swait.ge [sflag:s29], $0x1  }
0xb5: {  	[sflag:s29] =	ssyncadd.s32 $0xFFFFFFFF  }
0xb6: {  	_ =	strace $0x90000048  }
0xb7: {  	_ =	sfence  }
0xb8: {  	s30 =	sld [smem:$0x0];
	_ =	sdelay $0x2  }
0xb9: {  	s31 =	sshll.u32 s1, $0xD;
	s1 =	sshrl.u32 s1, $0x2  }
0xba: {  	s3 =	sand.u32 $0x4000, s31;
	s1 =	sadd.s32 s1, s30  }
0xbb: {  	s0 =	sor.u32 s3, s0;
	s1 =	sshll.u32 s1, $0x11  }
0xbc: {  	s0 =	sor.u32 s1, s0  }
0xbd: {  	s0 =	sadd.s32 $0x8F2B, s0  }
0xbe: {  	[sflag:s0] =	ssyncadd.remote.s32 $0x1  }
0xbf: {  	_ =	sfence.sel $0xFFFF  }
0xc0: {  	[dreg:$0x0] =	wrdreg $0xFFFFFFFF;
	(pc) =	sbr.abs _section_cstart, $3  }
0xc1: {  	[dreg:$0x1] =	wrdreg $0xFFFFFFFF  }
0xc2: {  	_ =	task.clear_ibuf [dreg:s7], $0x2FFFF;
	_ =	strace $0x9FFFFFFF  }
0xc3: {  	(tm) =	ssettm $0x7FFFFFFF  }
tec
execute0_lowered:
.L_overlay_start_1:
0x0: {  	(tag) =	ssettag $0x1  }
0x1: {  	s4 =	rddreg [dreg:$0x0]  }
0x2: {  	s5 =	rddreg [dreg:$0x1];
	s3 =	srdreg.scid  }
0x3: {  	s1 =	rddreg [dreg:$0x2];
	s6 =	sand.u32 $0x1, s3  }
0x4: {  	s2 =	simm.s32 $0x0;
	s3 =	stileid.u32;
	s7 =	smul.u32 $0x28000, s6  }
0x5: {  	[smem:$0x7FF] =	sst s2;
	s9 =	smul.u32 $0x280, s3  }
0x6: {  	s0 =	rddreg [dreg:$0x3];
	_ =	strace $0x80000047;
	s25 =	smul.u32 $0x50000, s3  }
0x7: {  	s8 =	sshll.u32 s3, $0x1;
	s10 =	ssub.s32 $0x2, s6;
	s16 =	smul.u32 $0x2800, s3  }
0x8: {  	s6 =	sor.u32 s6, s8;
	s26 =	sshrl.u32 s10, $0x1;
	s11 =	sadd.s32 s7, s5  }
0x9: {  	s6 =	smul.u32 $0x500, s6;
	s10 =	ssub.s32 s10, s26;
	s28 =	sshrl.u32 s25, $0x2  }
0xa: {  	s12 =	sadd.s32 $0x80, s9;
	s13 =	sadd.s32 $0x100, s9;
	s14 =	sadd.s32 $0x180, s9  }
0xb: {  	s15 =	sadd.s32 $0x200, s9;
	s5 =	sadd.s32 s28, s1;
	s29 =	sshll.u32 s12, $0x7  }
0xc: {  	s30 =	sshll.u32 s13, $0x7;
	s31 =	sshll.u32 s14, $0x7;
	s9 =	sshll.u32 s15, $0x7  }
0xd: {  	s19 =	sadd.s32 $0x2A00, s11;
	s17 =	sshll.u32 s12, $0x4;
	s18 =	sshll.u32 s13, $0x4  }
0xe: {  	s20 =	sshll.u32 s14, $0x4;
	s21 =	sshll.u32 s15, $0x4;
	s10 =	smax.u32 s10, $0x1  }
0xf: {  	s11 =	simm.s32 $0x14000;
	s12 =	simm.s32 $0x1;
	s13 =	simm.s32 $0x16800  }
0x10: {  	s14 =	simm.s32 $0x80;
	s4 =	sadd.s32 s4, s6;
	s6 =	sadd.s32 s29, s1  }
0x11: {  	s7 =	sadd.s32 s30, s1;
	s8 =	sadd.s32 s31, s1;
	s9 =	sadd.s32 s9, s1  }
0x12: {  	s15 =	sadd.s32 s16, s19;
	s16 =	sadd.s32 s17, s19;
	s17 =	sadd.s32 s18, s19  }
0x13: {  	v0 =	vimm.f32 $0.0e+00;
	v1 =	vimm.f32 $1.000000000e+00;
	s18 =	sadd.s32 s20, s19;
	s19 =	sadd.s32 s21, s19;
	s20 =	simm.s32 $0x0  }
.LBB2_1:
0x14: {  	[tilespmem:s11], [sflag:$0x1] =	stream.linear.gather [hbm4b:s4+s2], $0x2800, $0x38;
	[tilespmem:$0x1A800] =	vst v63  }
0x15: {  	_ =	swait.ge [sflag:s12], $0x2800  }
0x16: {  	[sflag:s12] =	ssyncset.done $0x0  }
0x17: {  	s21 =	simm.s32 $0x0;
	s22 =	simm.s32 $0x200;
	[sflag:s12] =	ssyncadd.s32 $0xFFFFD800  }
.LBB2_2:
0x18: {  	p0 =	sne.s32 s22, $0xFE00;
	[tilespmem:s21+$0x16870] =	vst v0  }
0x19: {  	[tilespmem:s21+$0x16800] =	vst v0  }
0x1a: {  	[tilespmem:s21+$0x16810] =	vst v0  }
.Ltmp0:
0x1b: {  	[tilespmem:s21+$0x16820] =	vst v0;
	(pc) =	sbr.rel @p0 .LBB2_2-.Ltmp0, $4  }
0x1c: {  	[tilespmem:s21+$0x16830] =	vst v0  }
0x1d: {  	[tilespmem:s21+$0x16840] =	vst v0  }
0x1e: {  	[tilespmem:s21+$0x16850] =	vst v0  }
0x1f: {  	[tilespmem:s21+$0x16860] =	vst v0;
	s21 =	sshra.s32 s22, $0x2;
	s22 =	sadd.s32 $0x200, s22  }
0x20: {  	[tilespmem:s21+$0x16870] =	vst v0  }
0x21: {  	[tilespmem:s21+$0x16800] =	vst v0  }
0x22: {  	[tilespmem:s21+$0x16810] =	vst v0  }
0x23: {  	[tilespmem:s21+$0x16820] =	vst v0  }
0x24: {  	[tilespmem:s21+$0x16830] =	vst v0  }
0x25: {  	[tilespmem:s21+$0x16840] =	vst v0  }
0x26: {  	[tilespmem:s21+$0x16850] =	vst v0  }
0x27: {  	[tilespmem:s21+$0x16860] =	vst v0  }
0x28: {  	[spmem:s5] =	stream.linear.scatter [tilespmem:s13], [sflag:$0x1], $0x4000, $0x38;
	[tilespmem:$0x1A800] =	vst v63  }
0x29: {  	_ =	swait.ge [sflag:s12], $0x4000  }
0x2a: {  	[sflag:s12] =	ssyncset.done $0x0  }
0x2b: {  	[sflag:s12] =	ssyncadd.s32 $0xFFFFC000  }
0x2c: {  	[spmem:s6] =	stream.linear.scatter [tilespmem:s13], [sflag:$0x1], $0x4000, $0x38;
	[tilespmem:$0x1A800] =	vst v63  }
0x2d: {  	_ =	swait.ge [sflag:s12], $0x4000  }
0x2e: {  	[sflag:s12] =	ssyncset.done $0x0  }
0x2f: {  	[sflag:s12] =	ssyncadd.s32 $0xFFFFC000  }
0x30: {  	[spmem:s7] =	stream.linear.scatter [tilespmem:s13], [sflag:$0x1], $0x4000, $0x38;
	[tilespmem:$0x1A800] =	vst v63  }
0x31: {  	_ =	swait.ge [sflag:s12], $0x4000  }
0x32: {  	[sflag:s12] =	ssyncset.done $0x0  }
0x33: {  	[sflag:s12] =	ssyncadd.s32 $0xFFFFC000  }
0x34: {  	[spmem:s8] =	stream.linear.scatter [tilespmem:s13], [sflag:$0x1], $0x4000, $0x38;
	[tilespmem:$0x1A800] =	vst v63  }
0x35: {  	_ =	swait.ge [sflag:s12], $0x4000  }
0x36: {  	[sflag:s12] =	ssyncset.done $0x0  }
0x37: {  	[sflag:s12] =	ssyncadd.s32 $0xFFFFC000  }
0x38: {  	[spmem:s9] =	stream.linear.scatter [tilespmem:s13], [sflag:$0x1], $0x4000, $0x38;
	[tilespmem:$0x1A800] =	vst v63  }
0x39: {  	_ =	swait.ge [sflag:s12], $0x4000  }
0x3a: {  	[sflag:s12] =	ssyncset.done $0x0  }
0x3b: {  	s21 =	simm.s32 $0x0;
	s22 =	simm.s32 $0x200;
	[sflag:s12] =	ssyncadd.s32 $0xFFFFC000  }
.LBB2_4:
0x3c: {  	p0 =	sne.s32 s22, $0xFE00;
	[tilespmem:s21+$0x16870] =	vst v1  }
0x3d: {  	[tilespmem:s21+$0x16800] =	vst v1  }
0x3e: {  	[tilespmem:s21+$0x16810] =	vst v1  }
.Ltmp1:
0x3f: {  	[tilespmem:s21+$0x16820] =	vst v1;
	(pc) =	sbr.rel @p0 .LBB2_4-.Ltmp1, $4  }
0x40: {  	[tilespmem:s21+$0x16830] =	vst v1  }
0x41: {  	[tilespmem:s21+$0x16840] =	vst v1  }
0x42: {  	[tilespmem:s21+$0x16850] =	vst v1  }
0x43: {  	[tilespmem:s21+$0x16860] =	vst v1;
	s21 =	sshra.s32 s22, $0x2;
	s22 =	sadd.s32 $0x200, s22  }
0x44: {  	[tilespmem:s21+$0x16870] =	vst v1  }
0x45: {  	[tilespmem:s21+$0x16800] =	vst v1  }
0x46: {  	[tilespmem:s21+$0x16810] =	vst v1  }
0x47: {  	[tilespmem:s21+$0x16820] =	vst v1  }
0x48: {  	[tilespmem:s21+$0x16830] =	vst v1  }
0x49: {  	[tilespmem:s21+$0x16840] =	vst v1  }
0x4a: {  	[tilespmem:s21+$0x16850] =	vst v1  }
0x4b: {  	[tilespmem:s21+$0x16860] =	vst v1  }
0x4c: {  	s31 =	simm.s32 $0x14000;
	[bflag:$0x0] =	sbarrier.arrive $0xFFFF  }
0x4d: {  	[spmem:s1] =	stream.indirect.scatter.add.f32 [tilespmem:s13], [sflag:$0x1], $0x80, s31, s14, $0xb8;
	[tilespmem:$0x1A800] =	vst v63  }
0x4e: {  	s21 =	simm.s32 $0x200;
	_ =	swait.ge [sflag:s12], $0x4000  }
.LBB2_6:
0x4f: {  	s22 =	sshra.s32 s21, $0x2;
	[sflag:s12] =	ssyncset.done $0x0;
	p0 =	sne.s32 s21, $0x9E00  }
.Ltmp2:
0x50: {  	s22 =	sadd.s32 $0x14000, s22;
	[sflag:s12] =	ssyncadd.s32 $0xFFFFC000;
	(pc) =	sbr.rel @p0 .LBB2_6-.Ltmp2, $3  }
0x51: {  	[spmem:s1] =	stream.indirect.scatter.add.f32 [tilespmem:s13], [sflag:$0x1], $0x80, s22, s14, $0xb8;
	[tilespmem:$0x1A800] =	vst v63  }
0x52: {  	s21 =	sadd.s32 $0x200, s21;
	_ =	sdelay $0x1  }
0x53: {  	_ =	swait.ge [sflag:s12], $0x4000  }
0x54: {  	[sflag:s12] =	ssyncset.done $0x0  }
0x55: {  	s21 =	sshll.u32 s3, $0x6;
	[sflag:s12] =	ssyncadd.s32 $0xFFFFC000  }
0x56: {  	s22 =	sshrl.u32 s5, $0x3;
	s21 =	sor.u32 $0x1C01, s21;
	[bflag:$0x0] =	sbarrier.arrive $0xFFFF  }
0x57: {  	[hbm:s15], [sflag:s21] =	dma.local [spmem:s22], $0x800  }
0x58: {  	_ =	swait.ge [sflag:s12], $0x800  }
0x59: {  	[sflag:s12] =	ssyncset.done $0x0  }
0x5a: {  	s28 =	sshrl.u32 s6, $0x3;
	[sflag:s12] =	ssyncadd.s32 $0xFFFFF800  }
0x5b: {  	[hbm:s16], [sflag:s21] =	dma.local [spmem:s28], $0x800  }
0x5c: {  	_ =	swait.ge [sflag:s12], $0x800  }
0x5d: {  	[sflag:s12] =	ssyncset.done $0x0  }
0x5e: {  	s29 =	sshrl.u32 s7, $0x3;
	[sflag:s12] =	ssyncadd.s32 $0xFFFFF800  }
0x5f: {  	[hbm:s17], [sflag:s21] =	dma.local [spmem:s29], $0x800  }
0x60: {  	_ =	swait.ge [sflag:s12], $0x800  }
0x61: {  	[sflag:s12] =	ssyncset.done $0x0  }
0x62: {  	s30 =	sshrl.u32 s8, $0x3;
	[sflag:s12] =	ssyncadd.s32 $0xFFFFF800  }
0x63: {  	[hbm:s18], [sflag:s21] =	dma.local [spmem:s30], $0x800  }
0x64: {  	s20 =	sadd.s32 $0x1, s20;
	_ =	swait.ge [sflag:s12], $0x800  }
0x65: {  	p0 =	sne.s32 s20, s10;
	[sflag:s12] =	ssyncset.done $0x0  }
.Ltmp3:
0x66: {  	s31 =	sshrl.u32 s9, $0x3;
	[sflag:s12] =	ssyncadd.s32 $0xFFFFF800;
	(pc) =	sbr.rel @p0 .LBB2_1-.Ltmp3, $4  }
0x67: {  	[hbm:s19], [sflag:s21] =	dma.local [spmem:s31], $0x800  }
0x68: {  	_ =	swait.ge [sflag:s12], $0x800  }
0x69: {  	[sflag:s12] =	ssyncset.done $0x0  }
0x6a: {  	[sflag:s12] =	ssyncadd.s32 $0xFFFFF800  }
0x6b: {  	_ =	sfence.sel $0x180000  }
0x6c: {  	[bflag:$0x0] =	sbarrier.arrive $0xFFFF  }
0x6d: {  	p0 =	sne.s32 s3, $0x0;
	_ =	strace $0x90000047  }
0x6e: {  	s0 =	sadd.s32 @!p0 $0x100000, s0;
	[bflag:$0x2] =	sbarrier.arrive $0xFFFF  }
0x6f: {  	[sflag:s0] =	ssyncadd.tile.s32 @!p0 $0x1;
	_ =	shalt  }
.Lfunc_end2:
_tile_overlayer_lowered:
.L_overlay_start_2:
0x70: {  	(tag) =	ssettag $0x2  }
0x71: {  	s0 =	rddreg [dreg:$0x0];
	s2 =	stileid.u32  }
0x72: {  	s1 =	rddreg [dreg:$0x1];
	p0 =	sne.s32 s2, $0x0  }
0x73: {  	s3 =	rddreg [dreg:$0x2];
	[bflag:$0x3] =	sbarrier.arrive $0xFFFF;
	s2 =	simm.s32 @!p0 $0x1C01  }
0x74: {  	[timem:s3], [sflag:s2] =	dma.local @!p0 [hbm:s0], s1  }
0x75: {  	s0 =	simm.s32 @!p0 $0x1  }
0x76: {  	_ =	swait.ge @!p0 [sflag:s0], s1  }
0x77: {  	s1 =	ssub.s32 @!p0 $0x0, s1;
	[sflag:s0] =	ssyncset.done @!p0 $0x0  }
0x78: {  	[sflag:s0] =	ssyncadd.s32 @!p0 s1  }
0x79: {  	[bflag:$0x3] =	sbarrier.arrive $0xFFFF  }
0x7a: {  	_ =	shalt  }

</sc_bundles>
